<compile_context>
chip_gen: v7x
topology: tpu7x:2x2x1
jax: 0.10.2.dev20260603
libtpu: 0.0.44.dev20260713+nightly
codegen_flags: <defaults>
</compile_context>

<pallas_src>
import functools

import jax
import jax.numpy as jnp
from jax import lax
from jax.experimental import pallas as pl
from jax.experimental.pallas import tpu as pltpu
from jax.experimental.pallas import tpu_sc as plsc

BK = 512
T_CAP = 512
CH = 128
SC_NC, SC_NS = 2, 16
NW = SC_NC * SC_NS

def _mesh():
    return plsc.VectorSubcoreMesh(core_axis_name="c", subcore_axis_name="s")


def _ru(x: int, m: int) -> int:
    return (x + m - 1) // m * m



def _sc_row_gather(table, idx):
    B = idx.shape[0]
    D = table.shape[1]
    b_per_w = B // NW
    nch = b_per_w // CH
    ng, tail = nch // 4, nch % 4

    @functools.partial(
        pl.kernel,
        mesh=_mesh(),
        out_type=jax.ShapeDtypeStruct((B, D), jnp.float32),
        scratch_types=[
            pltpu.VMEM((nch, CH), jnp.int32),
            pltpu.VMEM((4, CH, D), jnp.float32),
            pltpu.SemaphoreType.DMA,
            pltpu.SemaphoreType.DMA,
        ],
    )
    def k(table_hbm, idx_hbm, out_hbm, idx_a, rows_v, gsem, osem):
        wid = lax.axis_index("s") * SC_NC + lax.axis_index("c")
        base = wid * b_per_w
        pltpu.sync_copy(idx_hbm.at[pl.ds(wid * nch, nch)], idx_a)

        def group(g, carry):
            j0 = g * 4
            gs = [pltpu.async_copy(table_hbm.at[idx_a.at[j0 + u]],
                                   rows_v.at[u], gsem) for u in range(4)]
            for h in gs:
                h.wait()
            os = [pltpu.async_copy(
                rows_v.at[u],
                out_hbm.at[pl.ds(base + (j0 + u) * CH, CH)], osem)
                for u in range(4)]
            for h in os:
                h.wait()
            return carry

        lax.fori_loop(0, ng, group, 0)
        for j in range(4 * ng, nch):
            pltpu.async_copy(table_hbm.at[idx_a.at[j]],
                             rows_v.at[0], gsem).wait()
            pltpu.async_copy(rows_v.at[0],
                             out_hbm.at[pl.ds(base + j * CH, CH)], osem).wait()

    return k(table, idx.reshape(B // CH, CH))


def _gather_rows(table, idx, n_out):
    B = _ru(idx.shape[0], CH * NW * 8)
    idx_p = jnp.zeros((B,), jnp.int32).at[: idx.shape[0]].set(idx)
    return _sc_row_gather(table, idx_p)[:n_out]


def _sc_hist(seg2t, hn, sub):

    @functools.partial(
        pl.kernel,
        mesh=_mesh(),
        compiler_params=pltpu.CompilerParams(needs_layout_passes=False),
        out_type=jax.ShapeDtypeStruct((2, NW, hn * 8), jnp.int32),
        scratch_types=[
            pltpu.VMEM((sub * 16,), jnp.int32),
            pltpu.VMEM((hn * 8,), jnp.int32),
        ],
    )
    def k(seg_hbm, out_hbm, seg_v, hist_v):
        wid = lax.axis_index("s") * SC_NC + lax.axis_index("c")
        lane = lax.iota(jnp.int32, 16)
        lmask = lane < 8
        col = lane & 7

        def zero(i, c):
            hist_v[pl.ds(i * 16, 16)] = jnp.zeros((16,), jnp.int32)
            return c

        def count(i, c):
            sv = seg_v[pl.ds(i * 16, 16)]
            fi = sv * 8 + col
            p = plsc.load_gather(hist_v, [fi])
            plsc.store_scatter(hist_v, [fi], p + 1, mask=lmask)
            return c

        for d in range(2):
            lax.fori_loop(0, hn * 8 // 16, zero, 0)
            pltpu.sync_copy(seg_hbm.at[d, wid], seg_v)
            lax.fori_loop(0, sub, count, 0)
            pltpu.sync_copy(hist_v, out_hbm.at[d, wid])

    return k(seg2t)


def _sc_pack(seg2t, msgs_p, msgs_s, cur2, rank2, offs2, e_real, cap2, sub):
    hn = rank2.shape[1]
    per_w = sub * 8
    nch = per_w // CH
    out_sd = jax.ShapeDtypeStruct((cap2, 128), jnp.float32)

    ng, tail = nch // 3, nch % 3

    @functools.partial(
        pl.kernel,
        mesh=_mesh(),
        compiler_params=pltpu.CompilerParams(needs_layout_passes=False),
        out_type=(out_sd, out_sd),
        scratch_types=[
            pltpu.VMEM((nch, CH), jnp.int32),
            pltpu.SemaphoreType.DMA,
            pltpu.SemaphoreType.DMA,
        ],
    )
    def k(seg_hbm, mp_hbm, ms_hbm, cur_hbm, rank_hbm, offs_hbm,
          xp_hbm, xs_hbm, idx_a, isem, ssem):
        wid = lax.axis_index("s") * SC_NC + lax.axis_index("c")
        base = wid * per_w
        lane = lax.iota(jnp.int32, 16)
        lmask = lane < 8
        col = lane & 7

        for d, m_hbm, x_hbm in ((0, mp_hbm, xp_hbm), (1, ms_hbm, xs_hbm)):
            def phase1(seg_v, cur_v, rank_v, offs_v, d=d):
                pltpu.sync_copy(seg_hbm.at[d, wid], seg_v)
                pltpu.sync_copy(cur_hbm.at[d, wid], cur_v)
                pltpu.sync_copy(rank_hbm.at[d], rank_v)
                pltpu.sync_copy(offs_hbm.at[d], offs_v)

                def it(i, c):
                    sv = seg_v[pl.ds(i * 16, 16)]
                    fi = sv * 8 + col
                    p = plsc.load_gather(cur_v, [fi])
                    plsc.store_scatter(cur_v, [fi], p + 1, mask=lmask)
                    pc = jnp.minimum(p, T_CAP - 1)
                    ofs = plsc.load_gather(offs_v, [pc])
                    rk = plsc.load_gather(rank_v, [sv])
                    pos = col * sub + i
                    eg = base + pos
                    dmp = cap2 - CH + (pos & (CH - 1))
                    dest = jnp.where(eg < e_real, ofs + rk, dmp)
                    row = lax.shift_right_logical(pos, 7)
                    cc = pos & (CH - 1)
                    plsc.store_scatter(idx_a, [row, cc], dest, mask=lmask)
                    return c

                lax.fori_loop(0, sub, it, 0)

            pl.run_scoped(phase1,
                          pltpu.VMEM((sub * 16,), jnp.int32),
                          pltpu.VMEM((hn * 8,), jnp.int32),
                          pltpu.VMEM((hn,), jnp.int32),
                          pltpu.VMEM((T_CAP,), jnp.int32))

            def phase2(rows_v, m_hbm=m_hbm, x_hbm=x_hbm):
                def start_ins(g):
                    half = lax.rem(g, 2)
                    for u in range(3):
                        pltpu.make_async_copy(
                            m_hbm.at[pl.ds(base + (g * 3 + u) * CH, CH)],
                            rows_v.at[half, u], isem).start()

                def group(g, c):
                    half = lax.rem(g, 2)

                    @pl.when(g + 1 < ng)
                    def _():
                        start_ins(g + 1)

                    for u in range(3):
                        pltpu.make_async_copy(
                            m_hbm.at[pl.ds(base + (g * 3 + u) * CH, CH)],
                            rows_v.at[half, u], isem).wait()
                    outs = [pltpu.async_copy(
                        rows_v.at[half, u], x_hbm.at[idx_a.at[g * 3 + u]],
                        ssem) for u in range(3)]
                    for h in outs:
                        h.wait()
                    return c

                @pl.when(ng > 0)
                def _():
                    start_ins(0)

                lax.fori_loop(0, ng, group, 0)
                for j in range(3 * ng, nch):
                    pltpu.async_copy(m_hbm.at[pl.ds(base + j * CH, CH)],
                                     rows_v.at[0, 0], isem).wait()
                    pltpu.async_copy(rows_v.at[0, 0], x_hbm.at[idx_a.at[j]],
                                     ssem).wait()

            pl.run_scoped(phase2, pltpu.VMEM((2, 3, CH, 128), jnp.float32))

    return k(seg2t, msgs_p, msgs_s, cur2, rank2, offs2)



def _dense_relu(xm, w_t, b):
    M, Kd = xm.shape
    Dout = w_t.shape[1]
    BM = 2048
    M_pad = _ru(M, BM)
    if M_pad != M:
        xm = jnp.pad(xm, ((0, M_pad - M), (0, 0)))
    b2 = jnp.tile(b.reshape(1, Dout), (8, 1))

    def body(x_ref, w_ref, b_ref, o_ref):
        acc = jnp.dot(x_ref[...], w_ref[...], preferred_element_type=jnp.float32)
        o_ref[...] = jnp.maximum(acc + b_ref[0:1, :], 0.0)

    out = pl.pallas_call(
        body,
        grid=(M_pad // BM,),
        in_specs=[
            pl.BlockSpec((BM, Kd), lambda i: (i, 0)),
            pl.BlockSpec((Kd, Dout), lambda i: (0, 0)),
            pl.BlockSpec((8, Dout), lambda i: (0, 0)),
        ],
        out_specs=pl.BlockSpec((BM, Dout), lambda i: (i, 0)),
        out_shape=jax.ShapeDtypeStruct((M_pad, Dout), jnp.float32),
    )(xm, w_t, b2)
    return out[:M]


def _fused3_relu(a, b_in, c_in, wa, wb, wc, bias):
    M = a.shape[0]
    Dout = wa.shape[1]
    BM = 2048
    M_pad = _ru(M, BM)
    if M_pad != M:
        pad = ((0, M_pad - M), (0, 0))
        a = jnp.pad(a, pad)
        b_in = jnp.pad(b_in, pad)
        c_in = jnp.pad(c_in, pad)
    bias2 = jnp.tile(bias.reshape(1, Dout), (8, 1))

    def body(a_ref, b_ref, c_ref, wa_ref, wb_ref, wc_ref, bias_ref, o_ref):
        acc = jnp.dot(a_ref[...], wa_ref[...], preferred_element_type=jnp.float32)
        acc += jnp.dot(b_ref[...], wb_ref[...], preferred_element_type=jnp.float32)
        acc += jnp.dot(c_ref[...], wc_ref[...], preferred_element_type=jnp.float32)
        o_ref[...] = jnp.maximum(acc + bias_ref[0:1, :], 0.0)

    out = pl.pallas_call(
        body,
        grid=(M_pad // BM,),
        in_specs=[
            pl.BlockSpec((BM, a.shape[1]), lambda i: (i, 0)),
            pl.BlockSpec((BM, b_in.shape[1]), lambda i: (i, 0)),
            pl.BlockSpec((BM, c_in.shape[1]), lambda i: (i, 0)),
            pl.BlockSpec(wa.shape, lambda i: (0, 0)),
            pl.BlockSpec(wb.shape, lambda i: (0, 0)),
            pl.BlockSpec(wc.shape, lambda i: (0, 0)),
            pl.BlockSpec((8, Dout), lambda i: (0, 0)),
        ],
        out_specs=pl.BlockSpec((BM, Dout), lambda i: (i, 0)),
        out_shape=jax.ShapeDtypeStruct((M_pad, Dout), jnp.float32),
    )(a, b_in, c_in, wa, wb, wc, bias2)
    return out[:M]


def _lstm_chain2(xp, xs, plan_p, plan_s, wp, ws, n_pad):
    NB = n_pad // BK

    def prep(w):
        wih_t, whh_t, gbias, wr_t, br = w
        return (wih_t, whh_t, jnp.tile(gbias.reshape(1, 512), (8, 1)),
                wr_t, jnp.tile(br.reshape(1, 64), (8, 1)))

    wp = prep(wp)
    ws = prep(ws)

    def body(tbp_r, offp_r, ksp_r, tbs_r, offs_r, kss_r,
             xp_hbm, xs_hbm,
             wihp_r, whhp_r, gbp_r, wrp_r, brp_r,
             wihs_r, whhs_r, gbs_r, wrs_r, brs_r,
             op_ref, os_ref,
             xp_s, xs_s, hp_ref, cp_ref, hs_ref, cs_ref, psem, ssem):
        b = pl.program_id(0)
        tbp = tbp_r[b]
        tbs = tbs_r[b]
        hp_ref[...] = jnp.zeros((BK, 128), jnp.float32)
        cp_ref[...] = jnp.zeros((BK, 128), jnp.float32)
        hs_ref[...] = jnp.zeros((BK, 128), jnp.float32)
        cs_ref[...] = jnp.zeros((BK, 128), jnp.float32)
        rows = lax.broadcasted_iota(jnp.int32, (BK, 1), 0)

        def cpp(t, slot):
            start = pl.multiple_of(offp_r[t] + b * BK, 8)
            return pltpu.make_async_copy(xp_hbm.at[pl.ds(start, BK)],
                                         xp_s.at[slot], psem.at[slot])

        def cps(t, slot):
            start = pl.multiple_of(offs_r[t] + b * BK, 8)
            return pltpu.make_async_copy(xs_hbm.at[pl.ds(start, BK)],
                                         xs_s.at[slot], ssem.at[slot])

        @pl.when(tbp > 0)
        def _():
            cpp(0, 0).start()

        @pl.when(tbs > 0)
        def _():
            cps(0, 0).start()

        def cell(x, h, c, wih_r, whh_r, gb_r):
            g = jnp.dot(x, wih_r[...], preferred_element_type=jnp.float32)
            g += jnp.dot(h, whh_r[...], preferred_element_type=jnp.float32)
            g += gb_r[0:1, :]
            ci = jax.nn.sigmoid(g[:, 0:128])
            cf = jax.nn.sigmoid(g[:, 128:256])
            cg = jnp.tanh(g[:, 256:384])
            co = jax.nn.sigmoid(g[:, 384:512])
            c2 = cf * c + ci * cg
            return co * jnp.tanh(c2), c2

        def step(t, carry):
            slot = lax.rem(t, 2)

            @pl.when(t + 1 < tbp)
            def _():
                cpp(t + 1, 1 - slot).start()

            @pl.when(t + 1 < tbs)
            def _():
                cps(t + 1, 1 - slot).start()

            @pl.when(t < tbp)
            def _():
                cpp(t, slot).wait()
                h = hp_ref[...]
                c = cp_ref[...]
                h2, c2 = cell(xp_s[slot], h, c, wihp_r, whhp_r, gbp_r)
                act = rows < (ksp_r[t] - b * BK)
                hp_ref[...] = jnp.where(act, h2, h)
                cp_ref[...] = jnp.where(act, c2, c)

            @pl.when(t < tbs)
            def _():
                cps(t, slot).wait()
                h = hs_ref[...]
                c = cs_ref[...]
                h2, c2 = cell(xs_s[slot], h, c, wihs_r, whhs_r, gbs_r)
                act = rows < (kss_r[t] - b * BK)
                hs_ref[...] = jnp.where(act, h2, h)
                cs_ref[...] = jnp.where(act, c2, c)

            return carry

        lax.fori_loop(0, jnp.maximum(tbp, tbs), step, 0)
        hp = jnp.maximum(hp_ref[...], 0.0)
        op_ref[...] = jnp.maximum(
            jnp.dot(hp, wrp_r[...], preferred_element_type=jnp.float32)
            + brp_r[0:1, :], 0.0)
        hs = jnp.maximum(hs_ref[...], 0.0)
        os_ref[...] = jnp.maximum(
            jnp.dot(hs, wrs_r[...], preferred_element_type=jnp.float32)
            + brs_r[0:1, :], 0.0)

    wspec = [
        pl.BlockSpec((128, 512), lambda b, *_: (0, 0)),
        pl.BlockSpec((128, 512), lambda b, *_: (0, 0)),
        pl.BlockSpec((8, 512), lambda b, *_: (0, 0)),
        pl.BlockSpec((128, 64), lambda b, *_: (0, 0)),
        pl.BlockSpec((8, 64), lambda b, *_: (0, 0)),
    ]
    grid_spec = pltpu.PrefetchScalarGridSpec(
        num_scalar_prefetch=6,
        grid=(NB,),
        in_specs=[pl.BlockSpec(memory_space=pl.ANY),
                  pl.BlockSpec(memory_space=pl.ANY)] + wspec + wspec,
        out_specs=[pl.BlockSpec((BK, 64), lambda b, *_: (b, 0)),
                   pl.BlockSpec((BK, 64), lambda b, *_: (b, 0))],
        scratch_shapes=[
            pltpu.VMEM((2, BK, 128), jnp.float32),
            pltpu.VMEM((2, BK, 128), jnp.float32),
            pltpu.VMEM((BK, 128), jnp.float32),
            pltpu.VMEM((BK, 128), jnp.float32),
            pltpu.VMEM((BK, 128), jnp.float32),
            pltpu.VMEM((BK, 128), jnp.float32),
            pltpu.SemaphoreType.DMA((2,)),
            pltpu.SemaphoreType.DMA((2,)),
        ],
    )
    sd = jax.ShapeDtypeStruct((n_pad, 64), jnp.float32)
    return pl.pallas_call(
        body,
        grid_spec=grid_spec,
        out_shape=[sd, sd],
    )(plan_p[0], plan_p[1], plan_p[2], plan_s[0], plan_s[1], plan_s[2],
      xp, xs, *wp, *ws)


def _lstm_chain(x_pack, tb, offs, ks, wih_t, whh_t, gbias, wr_t, br, n_pad):
    NB = n_pad // BK
    gb2 = jnp.tile(gbias.reshape(1, 512), (8, 1))
    br2 = jnp.tile(br.reshape(1, 64), (8, 1))

    def body(tb_ref, off_ref, k_ref, x_hbm, wih_ref, whh_ref, gb_ref, wr_ref,
             br_ref, o_ref, x_s, h_ref, c_ref, sem):
        b = pl.program_id(0)
        tb = tb_ref[b]
        h_ref[...] = jnp.zeros((BK, 128), jnp.float32)
        c_ref[...] = jnp.zeros((BK, 128), jnp.float32)
        rows = lax.broadcasted_iota(jnp.int32, (BK, 1), 0)

        def cp(t, slot):
            start = pl.multiple_of(off_ref[t] + b * BK, 8)
            return pltpu.make_async_copy(x_hbm.at[pl.ds(start, BK)],
                                         x_s.at[slot], sem.at[slot])

        @pl.when(tb > 0)
        def _():
            cp(0, 0).start()

        def step(t, carry):
            slot = lax.rem(t, 2)

            @pl.when(t + 1 < tb)
            def _():
                cp(t + 1, 1 - slot).start()

            cp(t, slot).wait()
            h = h_ref[...]
            c = c_ref[...]
            g = jnp.dot(x_s[slot], wih_ref[...], preferred_element_type=jnp.float32)
            g += jnp.dot(h, whh_ref[...], preferred_element_type=jnp.float32)
            g += gb_ref[0:1, :]
            ci = jax.nn.sigmoid(g[:, 0:128])
            cf = jax.nn.sigmoid(g[:, 128:256])
            cg = jnp.tanh(g[:, 256:384])
            co = jax.nn.sigmoid(g[:, 384:512])
            c2 = cf * c + ci * cg
            h2 = co * jnp.tanh(c2)
            act = rows < (k_ref[t] - b * BK)
            h_ref[...] = jnp.where(act, h2, h)
            c_ref[...] = jnp.where(act, c2, c)
            return carry

        lax.fori_loop(0, tb, step, 0)
        hfin = jnp.maximum(h_ref[...], 0.0)
        acc = jnp.dot(hfin, wr_ref[...], preferred_element_type=jnp.float32)
        o_ref[...] = jnp.maximum(acc + br_ref[0:1, :], 0.0)

    grid_spec = pltpu.PrefetchScalarGridSpec(
        num_scalar_prefetch=3,
        grid=(NB,),
        in_specs=[
            pl.BlockSpec(memory_space=pl.ANY),
            pl.BlockSpec((128, 512), lambda b, *_: (0, 0)),
            pl.BlockSpec((128, 512), lambda b, *_: (0, 0)),
            pl.BlockSpec((8, 512), lambda b, *_: (0, 0)),
            pl.BlockSpec((128, 64), lambda b, *_: (0, 0)),
            pl.BlockSpec((8, 64), lambda b, *_: (0, 0)),
        ],
        out_specs=pl.BlockSpec((BK, 64), lambda b, *_: (b, 0)),
        scratch_shapes=[
            pltpu.VMEM((2, BK, 128), jnp.float32),
            pltpu.VMEM((BK, 128), jnp.float32),
            pltpu.VMEM((BK, 128), jnp.float32),
            pltpu.SemaphoreType.DMA((2,)),
        ],
    )
    return pl.pallas_call(
        body,
        grid_spec=grid_spec,
        out_shape=jax.ShapeDtypeStruct((n_pad, 64), jnp.float32),
    )(tb, offs, ks, x_pack, wih_t, whh_t, gb2, wr_t, br2)



def _plan_dir(counts, n_nodes, hn):
    order_n = jnp.argsort(-counts, stable=True).astype(jnp.int32)
    counts_sorted = counts[order_n]
    rank = jnp.zeros((hn,), jnp.int32).at[order_n].set(
        jnp.arange(n_nodes, dtype=jnp.int32))
    hist = jnp.zeros((T_CAP + 1,), jnp.int32).at[
        jnp.clip(counts, 0, T_CAP)].add(1)
    ks = (n_nodes - jnp.cumsum(hist)[:T_CAP]).astype(jnp.int32)
    region = (ks + 7) // 8 * 8
    offs = (jnp.cumsum(region) - region).astype(jnp.int32)
    n_pad = _ru(n_nodes, BK)
    cs_pad = jnp.zeros((n_pad,), jnp.int32).at[:n_nodes].set(counts_sorted)
    tb = jnp.minimum(cs_pad[::BK], T_CAP).astype(jnp.int32)
    return rank, offs, ks, tb



def kernel(x, edge_index, edge_attr, node_W, node_b, edge_W, edge_b,
           p_Wih, p_Whh, p_bih, p_bhh, p_Wr, p_br,
           s_Wih, s_Whh, s_bih, s_bhh, s_Wr, s_br,
           nt_W, nt_b, et_W, et_b):
    n_nodes = x.shape[0]
    e = edge_attr.shape[0]
    src = edge_index[0]
    dst = edge_index[1]
    sub = _ru(-(-e // (NW * 8)), 16)
    per_w = 8 * sub
    ew = NW * per_w
    hn = _ru(n_nodes + 1, 16)
    cap2 = _ru(e + 8 * T_CAP + BK + 8, CH * NW) + CH
    n_pad = _ru(n_nodes, BK)

    node_pre = _dense_relu(x, node_W.T, node_b)
    edge_pre = _dense_relu(edge_attr, edge_W.T, edge_b)

    seg2 = jnp.full((2, ew), n_nodes, jnp.int32)
    seg2 = seg2.at[0, :e].set(dst).at[1, :e].set(src)
    seg2t = seg2.reshape(2, NW, 8, sub).transpose(0, 1, 3, 2)
    seg2t = jnp.pad(seg2t, ((0, 0), (0, 0), (0, 0), (0, 8)),
                    constant_values=n_nodes).reshape(2, NW, sub * 16)
    hists = _sc_hist(seg2t, hn, sub)
    ha = hists.reshape(2, NW, hn, 8)
    hs = ha.sum(axis=3)
    excl_w = jnp.cumsum(hs, axis=1) - hs
    excl_l = jnp.cumsum(ha, axis=3) - ha
    cur2 = (excl_w[..., None] + excl_l).reshape(2, NW, hn * 8)
    counts2 = hs.sum(axis=1)[:, :n_nodes]

    rank_p, offs_p, ks_p, tb_p = _plan_dir(counts2[0], n_nodes, hn)
    rank_s, offs_s, ks_s, tb_s = _plan_dir(counts2[1], n_nodes, hn)
    rank2 = jnp.stack([rank_p, rank_s])
    offs2 = jnp.stack([offs_p, offs_s])

    node_pre_w = jnp.pad(node_pre, ((0, 0), (0, 64)))
    sd_idx = jnp.zeros((2 * ew,), jnp.int32)
    sd_idx = sd_idx.at[:e].set(src).at[ew:ew + e].set(dst)
    sd = _sc_row_gather(node_pre_w, sd_idx)
    src_g = sd[:e, :64]
    dst_g = sd[ew:ew + e, :64]

    epad = jnp.pad(edge_pre, ((0, ew - e), (0, 0)))
    msgs_p = jnp.concatenate([sd[:ew, :64], epad], axis=1)
    msgs_s = jnp.concatenate([sd[ew:, :64], epad], axis=1)

    xp, xs = _sc_pack(seg2t, msgs_p, msgs_s, cur2, rank2, offs2, e, cap2, sub)

    aggp_rank, aggs_rank = _lstm_chain2(
        xp, xs, (tb_p, offs_p, ks_p), (tb_s, offs_s, ks_s),
        (p_Wih.T, p_Whh.T, p_bih + p_bhh, p_Wr.T, p_br),
        (s_Wih.T, s_Whh.T, s_bih + s_bhh, s_Wr.T, s_br), n_pad)

    agg_tab = jnp.pad(jnp.concatenate([aggp_rank, aggs_rank], axis=0),
                      ((0, 0), (0, 64)))
    half = _ru(n_nodes, CH * NW * 4)
    ag_idx = jnp.zeros((2 * half,), jnp.int32)
    ag_idx = ag_idx.at[:n_nodes].set(rank_p[:n_nodes])
    ag_idx = ag_idx.at[half:half + n_nodes].set(rank_s[:n_nodes] + n_pad)
    ag = _sc_row_gather(agg_tab, ag_idx)
    pred_agg = ag[:n_nodes, :64]
    succ_agg = ag[half:half + n_nodes, :64]

    nt_Wt = nt_W.T
    node_out = _fused3_relu(pred_agg, node_pre, succ_agg,
                            nt_Wt[0:64], nt_Wt[64:128], nt_Wt[128:192], nt_b)
    et_Wt = et_W.T
    edge_out = _fused3_relu(src_g, edge_pre, dst_g,
                            et_Wt[0:64], et_Wt[64:128], et_Wt[128:192], et_b)
    return node_out, edge_out

# --- scband reference (transcript-rebuilt; emitter-appended) ---
"""Pipeline reference for scband-lstm-relu-graph-sage-38732015076059 (READ-ONLY COPY).

The authoritative reference and input builder live on the scoring server;
editing this copy changes nothing except your own understanding.
"""

import jax, jax.numpy as jnp
import numpy as np

N = 10000
E = 160000
D_NODE = 128
D_EDGE = 16
H = 64
H2 = 2 * H
OUT_NODE = 128
OUT_EDGE = 16


def setup_inputs(seed: int = 0):
    key = jax.random.key(seed)
    ks = jax.random.split(key, 24)
    s = 0.05
    inp = {}
    inp["x"] = jax.random.normal(ks[0], (N, D_NODE), dtype=jnp.float32)
    inp["edge_index"] = jax.random.randint(ks[1], (2, E), 0, N, dtype=jnp.int32)
    inp["edge_attr"] = jax.random.normal(ks[2], (E, D_EDGE), dtype=jnp.float32)
    inp["node_W"] = jax.random.normal(ks[3], (H, D_NODE), dtype=jnp.float32) * s
    inp["node_b"] = jax.random.normal(ks[4], (H,), dtype=jnp.float32) * s
    inp["edge_W"] = jax.random.normal(ks[5], (H, D_EDGE), dtype=jnp.float32) * s
    inp["edge_b"] = jax.random.normal(ks[6], (H,), dtype=jnp.float32) * s
    inp["p_Wih"] = jax.random.normal(ks[7], (4 * H2, H2), dtype=jnp.float32) * s
    inp["p_Whh"] = jax.random.normal(ks[8], (4 * H2, H2), dtype=jnp.float32) * s
    inp["p_bih"] = jax.random.normal(ks[9], (4 * H2,), dtype=jnp.float32) * s
    inp["p_bhh"] = jax.random.normal(ks[10], (4 * H2,), dtype=jnp.float32) * s
    inp["p_Wr"] = jax.random.normal(ks[11], (H, H2), dtype=jnp.float32) * s
    inp["p_br"] = jax.random.normal(ks[12], (H,), dtype=jnp.float32) * s
    inp["s_Wih"] = jax.random.normal(ks[13], (4 * H2, H2), dtype=jnp.float32) * s
    inp["s_Whh"] = jax.random.normal(ks[14], (4 * H2, H2), dtype=jnp.float32) * s
    inp["s_bih"] = jax.random.normal(ks[15], (4 * H2,), dtype=jnp.float32) * s
    inp["s_bhh"] = jax.random.normal(ks[16], (4 * H2,), dtype=jnp.float32) * s
    inp["s_Wr"] = jax.random.normal(ks[17], (H, H2), dtype=jnp.float32) * s
    inp["s_br"] = jax.random.normal(ks[18], (H,), dtype=jnp.float32) * s
    inp["nt_W"] = jax.random.normal(ks[19], (OUT_NODE, 3 * H), dtype=jnp.float32) * s
    inp["nt_b"] = jax.random.normal(ks[20], (OUT_NODE,), dtype=jnp.float32) * s
    inp["et_W"] = jax.random.normal(ks[21], (OUT_EDGE, 3 * H), dtype=jnp.float32) * s
    inp["et_b"] = jax.random.normal(ks[22], (OUT_EDGE,), dtype=jnp.float32) * s
    return inp


def _lstm_agg(msgs, seg, Wih, Whh, bih, bhh, Wr, br):
    counts = jnp.bincount(seg, length=N)
    order = jnp.argsort(seg)
    msgs_s = msgs[order]
    starts = jnp.cumsum(counts) - counts
    T = jnp.max(counts)

    def cond(state):
        t, h, c, last = state
        return t < T

    def body(state):
        t, h, c, last = state
        idx = jnp.clip(starts + t, 0, seg.shape[0] - 1)
        xt = jnp.where((t < counts)[:, None], msgs_s[idx], jnp.zeros((), msgs.dtype))
        g = xt @ Wih.T + bih + h @ Whh.T + bhh
        i, f, gg, o = jnp.split(g, 4, axis=-1)
        c = jax.nn.sigmoid(f) * c + jax.nn.sigmoid(i) * jnp.tanh(gg)
        h = jax.nn.sigmoid(o) * jnp.tanh(c)
        last = jnp.where((counts - 1 == t)[:, None], h, last)
        return (t + 1, h, c, last)

    init = (jnp.zeros((), counts.dtype),
            jnp.zeros((N, H2), msgs.dtype),
            jnp.zeros((N, H2), msgs.dtype),
            jnp.zeros((N, H2), msgs.dtype))
    _, _, _, last = jax.lax.while_loop(cond, body, init)
    return jax.nn.relu(jax.nn.relu(last) @ Wr.T + br)


def reference(x, edge_index, edge_attr, node_W, node_b, edge_W, edge_b,
              p_Wih, p_Whh, p_bih, p_bhh, p_Wr, p_br,
              s_Wih, s_Whh, s_bih, s_bhh, s_Wr, s_br,
              nt_W, nt_b, et_W, et_b):
    src = edge_index[0]
    dst = edge_index[1]
    node_pre = jax.nn.relu(x @ node_W.T + node_b)
    edge_pre = jax.nn.relu(edge_attr @ edge_W.T + edge_b)
    pred_msgs = jnp.concatenate([node_pre[src], edge_pre], axis=-1)
    succ_msgs = jnp.concatenate([node_pre[dst], edge_pre], axis=-1)
    pred_agg = _lstm_agg(pred_msgs, dst, p_Wih, p_Whh, p_bih, p_bhh, p_Wr, p_br)
    succ_agg = _lstm_agg(succ_msgs, src, s_Wih, s_Whh, s_bih, s_bhh, s_Wr, s_br)
    node_out = jax.nn.relu(jnp.concatenate([pred_agg, node_pre, succ_agg], axis=-1) @ nt_W.T + nt_b)
    edge_out = jax.nn.relu(jnp.concatenate([node_pre[src], edge_pre, node_pre[dst]], axis=-1) @ et_W.T + et_b)
    return node_out, edge_out

if __name__ == "__main__":
    import jax
    _d = setup_inputs()
    print(jax.jit(kernel)(*tuple(_d.values())))

</pallas_src>

<mosaic_0001>
#map = affine_map<(d0, d1) -> (0, 0)>
module attributes {stable_mosaic.version = 14 : i64} {
  func.func @k(%arg0: i32, %arg1: i32, %arg2: memref<10000x128xf32, #tpu.memory_space<hbm>>, %arg3: memref<2560x128xi32, #tpu.memory_space<hbm>>, %arg4: memref<327680x128xf32, #tpu.memory_space<hbm>>, %arg5: memref<80x128xi32, #tpu.memory_space<vmem>>, %arg6: memref<4x128x128xf32, #tpu.memory_space<vmem>>, %arg7: memref<!tpu.dma_semaphore, #tpu.memory_space<semaphore_mem>>, %arg8: memref<!tpu.dma_semaphore, #tpu.memory_space<semaphore_mem>>) attributes {dimension_semantics = [#tpu.dimension_semantics<core_parallel>, #tpu.dimension_semantics<subcore_parallel>], iteration_bounds = array<i64: 2, 16>, scalar_prefetch = 0 : i64, scratch_operands = 4 : i64, tpu.core_type = #tpu.core_type<sc_vector_subcore>, window_params = [{transform_indices = #map}, {transform_indices = #map}, {transform_indices = #map}]} {
    %mul3A = arith.constant 2 : i32
    %mul3A_0 = arith.muli %arg1, %mul3A : i32
    %add3A = arith.addi %mul3A_0, %arg0 : i32
    %mul3A_1 = arith.constant 10240 : i32
    %mul3A_2 = arith.muli %add3A, %mul3A_1 : i32
    %mul3A_3 = arith.constant 80 : i32
    %mul3A_4 = arith.muli %add3A, %mul3A_3 : i32
    "tpu.region"() ({
      %run_scoped3A = tpu.sem_alloc : memref<!tpu.dma_semaphore, #tpu.memory_space<semaphore_mem>>
      %dma_start3A = arith.constant 0 : i32
      %dma_start3A_10 = tpu.memref_slice %arg3[%mul3A_4, %dma_start3A] : memref<2560x128xi32, #tpu.memory_space<hbm>> -> memref<80x128xi32, #tpu.memory_space<hbm>>
      %dma_start3A_11 = arith.constant 0 : i32
      %dma_start3A_12 = tpu.memref_slice %arg3[%mul3A_4, %dma_start3A_11] : memref<2560x128xi32, #tpu.memory_space<hbm>> -> memref<80x128xi32, #tpu.memory_space<hbm>>
      tpu.enqueue_dma source(%dma_start3A_12 : memref<80x128xi32, #tpu.memory_space<hbm>>) target(%arg5 : memref<80x128xi32, #tpu.memory_space<vmem>>) target_semaphore(%run_scoped3A : memref<!tpu.dma_semaphore, #tpu.memory_space<semaphore_mem>>)
      %dma_wait3A = arith.constant 0 : i32
      %dma_wait3A_13 = tpu.memref_slice %arg3[%mul3A_4, %dma_wait3A] : memref<2560x128xi32, #tpu.memory_space<hbm>> -> memref<80x128xi32, #tpu.memory_space<hbm>>
      %dma_wait3A_14 = arith.constant 0 : i32
      %dma_wait3A_15 = tpu.memref_slice %arg3[%mul3A_4, %dma_wait3A_14] : memref<2560x128xi32, #tpu.memory_space<hbm>> -> memref<80x128xi32, #tpu.memory_space<hbm>>
      tpu.wait_dma2 semaphore(%run_scoped3A : memref<!tpu.dma_semaphore, #tpu.memory_space<semaphore_mem>>) src(%dma_wait3A_15 : memref<80x128xi32, #tpu.memory_space<hbm>>) dst(%arg5 : memref<80x128xi32, #tpu.memory_space<vmem>>)
      tpu.yield
    }) : () -> ()
    %scan3A = arith.constant 0 : i32
    %scan3A_5 = arith.constant 0 : i32
    %scan3A_6 = arith.constant 20 : i32
    %scan3A_7 = arith.addi %scan3A_5, %scan3A_6 : i32
    %scan3A_8 = arith.constant 1 : i32
    scf.for %scan3A_10 = %scan3A_5 to %scan3A_7 step %scan3A_8  : i32 {
      %mul3A_11 = arith.constant 4 : i32
      %mul3A_12 = arith.muli %scan3A_10, %mul3A_11 : i32
      %add3A_13 = arith.constant 0 : i32
      %add3A_14 = arith.addi %mul3A_12, %add3A_13 : i32
      %dma_start3A = arith.constant 0 : i32
      %dma_start3A_15 = arith.constant 0 : i32
      %dma_start3A_16 = arith.constant 0 : i32
      %dma_start3A_17 = tpu.memref_slice %arg6[%dma_start3A, %dma_start3A_15, %dma_start3A_16] : memref<4x128x128xf32, #tpu.memory_space<vmem>> -> memref<1x128x128xf32, #tpu.memory_space<vmem>>
      %dma_start3A_18 = tpu.memref_squeeze %dma_start3A_17 : memref<1x128x128xf32, #tpu.memory_space<vmem>> -> memref<128x128xf32, #tpu.memory_space<vmem>>
      %dma_start3A_19 = arith.constant 0 : i32
      %dma_start3A_20 = tpu.memref_slice %arg5[%add3A_14, %dma_start3A_19] : memref<80x128xi32, #tpu.memory_space<vmem>> -> memref<1x128xi32, #tpu.memory_space<vmem>>
      %dma_start3A_21 = tpu.memref_squeeze %dma_start3A_20 : memref<1x128xi32, #tpu.memory_space<vmem>> -> memref<128xi32, #tpu.memory_space<vmem>>
      %dma_start3A_22 = arith.constant 0 : i32
      %dma_start3A_23 = arith.constant 0 : i32
      %dma_start3A_24 = tpu.memref_slice %arg2[%dma_start3A_22, %dma_start3A_23] : memref<10000x128xf32, #tpu.memory_space<hbm>> -> memref<10000x128xf32, #tpu.memory_space<hbm>>
      tpu.enqueue_indirect_dma source(%dma_start3A_24 : memref<10000x128xf32, #tpu.memory_space<hbm>>) target(%dma_start3A_18 : memref<128x128xf32, #tpu.memory_space<vmem>>) offsets(%dma_start3A_21 : memref<128xi32, #tpu.memory_space<vmem>>) semaphore(%arg7 : memref<!tpu.dma_semaphore, #tpu.memory_space<semaphore_mem>>)
      %add3A_25 = arith.constant 1 : i32
      %add3A_26 = arith.addi %mul3A_12, %add3A_25 : i32
      %dma_start3A_27 = arith.constant 1 : i32
      %dma_start3A_28 = arith.constant 0 : i32
      %dma_start3A_29 = arith.constant 0 : i32
      %dma_start3A_30 = tpu.memref_slice %arg6[%dma_start3A_27, %dma_start3A_28, %dma_start3A_29] : memref<4x128x128xf32, #tpu.memory_space<vmem>> -> memref<1x128x128xf32, #tpu.memory_space<vmem>>
      %dma_start3A_31 = tpu.memref_squeeze %dma_start3A_30 : memref<1x128x128xf32, #tpu.memory_space<vmem>> -> memref<128x128xf32, #tpu.memory_space<vmem>>
      %dma_start3A_32 = arith.constant 0 : i32
      %dma_start3A_33 = tpu.memref_slice %arg5[%add3A_26, %dma_start3A_32] : memref<80x128xi32, #tpu.memory_space<vmem>> -> memref<1x128xi32, #tpu.memory_space<vmem>>
      %dma_start3A_34 = tpu.memref_squeeze %dma_start3A_33 : memref<1x128xi32, #tpu.memory_space<vmem>> -> memref<128xi32, #tpu.memory_space<vmem>>
      %dma_start3A_35 = arith.constant 0 : i32
      %dma_start3A_36 = arith.constant 0 : i32
      %dma_start3A_37 = tpu.memref_slice %arg2[%dma_start3A_35, %dma_start3A_36] : memref<10000x128xf32, #tpu.memory_space<hbm>> -> memref<10000x128xf32, #tpu.memory_space<hbm>>
      tpu.enqueue_indirect_dma source(%dma_start3A_37 : memref<10000x128xf32, #tpu.memory_space<hbm>>) target(%dma_start3A_31 : memref<128x128xf32, #tpu.memory_space<vmem>>) offsets(%dma_start3A_34 : memref<128xi32, #tpu.memory_space<vmem>>) semaphore(%arg7 : memref<!tpu.dma_semaphore, #tpu.memory_space<semaphore_mem>>)
      %add3A_38 = arith.constant 2 : i32
      %add3A_39 = arith.addi %mul3A_12, %add3A_38 : i32
      %dma_start3A_40 = arith.constant 2 : i32
      %dma_start3A_41 = arith.constant 0 : i32
      %dma_start3A_42 = arith.constant 0 : i32
      %dma_start3A_43 = tpu.memref_slice %arg6[%dma_start3A_40, %dma_start3A_41, %dma_start3A_42] : memref<4x128x128xf32, #tpu.memory_space<vmem>> -> memref<1x128x128xf32, #tpu.memory_space<vmem>>
      %dma_start3A_44 = tpu.memref_squeeze %dma_start3A_43 : memref<1x128x128xf32, #tpu.memory_space<vmem>> -> memref<128x128xf32, #tpu.memory_space<vmem>>
      %dma_start3A_45 = arith.constant 0 : i32
      %dma_start3A_46 = tpu.memref_slice %arg5[%add3A_39, %dma_start3A_45] : memref<80x128xi32, #tpu.memory_space<vmem>> -> memref<1x128xi32, #tpu.memory_space<vmem>>
      %dma_start3A_47 = tpu.memref_squeeze %dma_start3A_46 : memref<1x128xi32, #tpu.memory_space<vmem>> -> memref<128xi32, #tpu.memory_space<vmem>>
      %dma_start3A_48 = arith.constant 0 : i32
      %dma_start3A_49 = arith.constant 0 : i32
      %dma_start3A_50 = tpu.memref_slice %arg2[%dma_start3A_48, %dma_start3A_49] : memref<10000x128xf32, #tpu.memory_space<hbm>> -> memref<10000x128xf32, #tpu.memory_space<hbm>>
      tpu.enqueue_indirect_dma source(%dma_start3A_50 : memref<10000x128xf32, #tpu.memory_space<hbm>>) target(%dma_start3A_44 : memref<128x128xf32, #tpu.memory_space<vmem>>) offsets(%dma_start3A_47 : memref<128xi32, #tpu.memory_space<vmem>>) semaphore(%arg7 : memref<!tpu.dma_semaphore, #tpu.memory_space<semaphore_mem>>)
      %add3A_51 = arith.constant 3 : i32
      %add3A_52 = arith.addi %mul3A_12, %add3A_51 : i32
      %dma_start3A_53 = arith.constant 3 : i32
      %dma_start3A_54 = arith.constant 0 : i32
      %dma_start3A_55 = arith.constant 0 : i32
      %dma_start3A_56 = tpu.memref_slice %arg6[%dma_start3A_53, %dma_start3A_54, %dma_start3A_55] : memref<4x128x128xf32, #tpu.memory_space<vmem>> -> memref<1x128x128xf32, #tpu.memory_space<vmem>>
      %dma_start3A_57 = tpu.memref_squeeze %dma_start3A_56 : memref<1x128x128xf32, #tpu.memory_space<vmem>> -> memref<128x128xf32, #tpu.memory_space<vmem>>
      %dma_start3A_58 = arith.constant 0 : i32
      %dma_start3A_59 = tpu.memref_slice %arg5[%add3A_52, %dma_start3A_58] : memref<80x128xi32, #tpu.memory_space<vmem>> -> memref<1x128xi32, #tpu.memory_space<vmem>>
      %dma_start3A_60 = tpu.memref_squeeze %dma_start3A_59 : memref<1x128xi32, #tpu.memory_space<vmem>> -> memref<128xi32, #tpu.memory_space<vmem>>
      %dma_start3A_61 = arith.constant 0 : i32
      %dma_start3A_62 = arith.constant 0 : i32
      %dma_start3A_63 = tpu.memref_slice %arg2[%dma_start3A_61, %dma_start3A_62] : memref<10000x128xf32, #tpu.memory_space<hbm>> -> memref<10000x128xf32, #tpu.memory_space<hbm>>
      tpu.enqueue_indirect_dma source(%dma_start3A_63 : memref<10000x128xf32, #tpu.memory_space<hbm>>) target(%dma_start3A_57 : memref<128x128xf32, #tpu.memory_space<vmem>>) offsets(%dma_start3A_60 : memref<128xi32, #tpu.memory_space<vmem>>) semaphore(%arg7 : memref<!tpu.dma_semaphore, #tpu.memory_space<semaphore_mem>>)
      %dma_wait3A = arith.constant 0 : i32
      %dma_wait3A_64 = arith.constant 0 : i32
      %dma_wait3A_65 = arith.constant 0 : i32
      %dma_wait3A_66 = tpu.memref_slice %arg6[%dma_wait3A, %dma_wait3A_64, %dma_wait3A_65] : memref<4x128x128xf32, #tpu.memory_space<vmem>> -> memref<1x128x128xf32, #tpu.memory_space<vmem>>
      %dma_wait3A_67 = tpu.memref_squeeze %dma_wait3A_66 : memref<1x128x128xf32, #tpu.memory_space<vmem>> -> memref<128x128xf32, #tpu.memory_space<vmem>>
      %dma_wait3A_68 = arith.constant 0 : i32
      %dma_wait3A_69 = tpu.memref_slice %arg5[%add3A_14, %dma_wait3A_68] : memref<80x128xi32, #tpu.memory_space<vmem>> -> memref<1x128xi32, #tpu.memory_space<vmem>>
      %dma_wait3A_70 = tpu.memref_squeeze %dma_wait3A_69 : memref<1x128xi32, #tpu.memory_space<vmem>> -> memref<128xi32, #tpu.memory_space<vmem>>
      %dma_wait3A_71 = arith.constant 0 : i32
      %dma_wait3A_72 = arith.constant 0 : i32
      %dma_wait3A_73 = tpu.memref_slice %arg2[%dma_wait3A_71, %dma_wait3A_72] : memref<10000x128xf32, #tpu.memory_space<hbm>> -> memref<10000x128xf32, #tpu.memory_space<hbm>>
      tpu.wait_indirect_dma semaphore(%arg7 : memref<!tpu.dma_semaphore, #tpu.memory_space<semaphore_mem>>) src(%dma_wait3A_73 : memref<10000x128xf32, #tpu.memory_space<hbm>>) dst(%dma_wait3A_67 : memref<128x128xf32, #tpu.memory_space<vmem>>)
      %dma_wait3A_74 = arith.constant 1 : i32
      %dma_wait3A_75 = arith.constant 0 : i32
      %dma_wait3A_76 = arith.constant 0 : i32
      %dma_wait3A_77 = tpu.memref_slice %arg6[%dma_wait3A_74, %dma_wait3A_75, %dma_wait3A_76] : memref<4x128x128xf32, #tpu.memory_space<vmem>> -> memref<1x128x128xf32, #tpu.memory_space<vmem>>
      %dma_wait3A_78 = tpu.memref_squeeze %dma_wait3A_77 : memref<1x128x128xf32, #tpu.memory_space<vmem>> -> memref<128x128xf32, #tpu.memory_space<vmem>>
      %dma_wait3A_79 = arith.constant 0 : i32
      %dma_wait3A_80 = tpu.memref_slice %arg5[%add3A_26, %dma_wait3A_79] : memref<80x128xi32, #tpu.memory_space<vmem>> -> memref<1x128xi32, #tpu.memory_space<vmem>>
      %dma_wait3A_81 = tpu.memref_squeeze %dma_wait3A_80 : memref<1x128xi32, #tpu.memory_space<vmem>> -> memref<128xi32, #tpu.memory_space<vmem>>
      %dma_wait3A_82 = arith.constant 0 : i32
      %dma_wait3A_83 = arith.constant 0 : i32
      %dma_wait3A_84 = tpu.memref_slice %arg2[%dma_wait3A_82, %dma_wait3A_83] : memref<10000x128xf32, #tpu.memory_space<hbm>> -> memref<10000x128xf32, #tpu.memory_space<hbm>>
      tpu.wait_indirect_dma semaphore(%arg7 : memref<!tpu.dma_semaphore, #tpu.memory_space<semaphore_mem>>) src(%dma_wait3A_84 : memref<10000x128xf32, #tpu.memory_space<hbm>>) dst(%dma_wait3A_78 : memref<128x128xf32, #tpu.memory_space<vmem>>)
      %dma_wait3A_85 = arith.constant 2 : i32
      %dma_wait3A_86 = arith.constant 0 : i32
      %dma_wait3A_87 = arith.constant 0 : i32
      %dma_wait3A_88 = tpu.memref_slice %arg6[%dma_wait3A_85, %dma_wait3A_86, %dma_wait3A_87] : memref<4x128x128xf32, #tpu.memory_space<vmem>> -> memref<1x128x128xf32, #tpu.memory_space<vmem>>
      %dma_wait3A_89 = tpu.memref_squeeze %dma_wait3A_88 : memref<1x128x128xf32, #tpu.memory_space<vmem>> -> memref<128x128xf32, #tpu.memory_space<vmem>>
      %dma_wait3A_90 = arith.constant 0 : i32
      %dma_wait3A_91 = tpu.memref_slice %arg5[%add3A_39, %dma_wait3A_90] : memref<80x128xi32, #tpu.memory_space<vmem>> -> memref<1x128xi32, #tpu.memory_space<vmem>>
      %dma_wait3A_92 = tpu.memref_squeeze %dma_wait3A_91 : memref<1x128xi32, #tpu.memory_space<vmem>> -> memref<128xi32, #tpu.memory_space<vmem>>
      %dma_wait3A_93 = arith.constant 0 : i32
      %dma_wait3A_94 = arith.constant 0 : i32
      %dma_wait3A_95 = tpu.memref_slice %arg2[%dma_wait3A_93, %dma_wait3A_94] : memref<10000x128xf32, #tpu.memory_space<hbm>> -> memref<10000x128xf32, #tpu.memory_space<hbm>>
      tpu.wait_indirect_dma semaphore(%arg7 : memref<!tpu.dma_semaphore, #tpu.memory_space<semaphore_mem>>) src(%dma_wait3A_95 : memref<10000x128xf32, #tpu.memory_space<hbm>>) dst(%dma_wait3A_89 : memref<128x128xf32, #tpu.memory_space<vmem>>)
      %dma_wait3A_96 = arith.constant 3 : i32
      %dma_wait3A_97 = arith.constant 0 : i32
      %dma_wait3A_98 = arith.constant 0 : i32
      %dma_wait3A_99 = tpu.memref_slice %arg6[%dma_wait3A_96, %dma_wait3A_97, %dma_wait3A_98] : memref<4x128x128xf32, #tpu.memory_space<vmem>> -> memref<1x128x128xf32, #tpu.memory_space<vmem>>
      %dma_wait3A_100 = tpu.memref_squeeze %dma_wait3A_99 : memref<1x128x128xf32, #tpu.memory_space<vmem>> -> memref<128x128xf32, #tpu.memory_space<vmem>>
      %dma_wait3A_101 = arith.constant 0 : i32
      %dma_wait3A_102 = tpu.memref_slice %arg5[%add3A_52, %dma_wait3A_101] : memref<80x128xi32, #tpu.memory_space<vmem>> -> memref<1x128xi32, #tpu.memory_space<vmem>>
      %dma_wait3A_103 = tpu.memref_squeeze %dma_wait3A_102 : memref<1x128xi32, #tpu.memory_space<vmem>> -> memref<128xi32, #tpu.memory_space<vmem>>
      %dma_wait3A_104 = arith.constant 0 : i32
      %dma_wait3A_105 = arith.constant 0 : i32
      %dma_wait3A_106 = tpu.memref_slice %arg2[%dma_wait3A_104, %dma_wait3A_105] : memref<10000x128xf32, #tpu.memory_space<hbm>> -> memref<10000x128xf32, #tpu.memory_space<hbm>>
      tpu.wait_indirect_dma semaphore(%arg7 : memref<!tpu.dma_semaphore, #tpu.memory_space<semaphore_mem>>) src(%dma_wait3A_106 : memref<10000x128xf32, #tpu.memory_space<hbm>>) dst(%dma_wait3A_100 : memref<128x128xf32, #tpu.memory_space<vmem>>)
      %add3A_107 = arith.constant 0 : i32
      %add3A_108 = arith.addi %mul3A_12, %add3A_107 : i32
      %mul3A_109 = arith.constant 128 : i32
      %mul3A_110 = arith.muli %add3A_108, %mul3A_109 : i32
      %add3A_111 = arith.addi %mul3A_2, %mul3A_110 : i32
      %dma_start3A_112 = arith.constant 0 : i32
      %dma_start3A_113 = arith.constant 0 : i32
      %dma_start3A_114 = arith.constant 0 : i32
      %dma_start3A_115 = tpu.memref_slice %arg6[%dma_start3A_112, %dma_start3A_113, %dma_start3A_114] : memref<4x128x128xf32, #tpu.memory_space<vmem>> -> memref<1x128x128xf32, #tpu.memory_space<vmem>>
      %dma_start3A_116 = tpu.memref_squeeze %dma_start3A_115 : memref<1x128x128xf32, #tpu.memory_space<vmem>> -> memref<128x128xf32, #tpu.memory_space<vmem>>
      %dma_start3A_117 = arith.constant 0 : i32
      %dma_start3A_118 = tpu.memref_slice %arg4[%add3A_111, %dma_start3A_117] : memref<327680x128xf32, #tpu.memory_space<hbm>> -> memref<128x128xf32, #tpu.memory_space<hbm>>
      %dma_start3A_119 = arith.constant 0 : i32
      %dma_start3A_120 = tpu.memref_slice %arg4[%add3A_111, %dma_start3A_119] : memref<327680x128xf32, #tpu.memory_space<hbm>> -> memref<128x128xf32, #tpu.memory_space<hbm>>
      %dma_start3A_121 = arith.constant 0 : i32
      %dma_start3A_122 = arith.constant 0 : i32
      %dma_start3A_123 = tpu.memref_slice %arg6[%dma_start3A_112, %dma_start3A_121, %dma_start3A_122] : memref<4x128x128xf32, #tpu.memory_space<vmem>> -> memref<1x128x128xf32, #tpu.memory_space<vmem>>
      %dma_start3A_124 = tpu.memref_squeeze %dma_start3A_123 : memref<1x128x128xf32, #tpu.memory_space<vmem>> -> memref<128x128xf32, #tpu.memory_space<vmem>>
      tpu.enqueue_dma source(%dma_start3A_124 : memref<128x128xf32, #tpu.memory_space<vmem>>) target(%dma_start3A_120 : memref<128x128xf32, #tpu.memory_space<hbm>>) target_semaphore(%arg8 : memref<!tpu.dma_semaphore, #tpu.memory_space<semaphore_mem>>)
      %add3A_125 = arith.constant 1 : i32
      %add3A_126 = arith.addi %mul3A_12, %add3A_125 : i32
      %mul3A_127 = arith.constant 128 : i32
      %mul3A_128 = arith.muli %add3A_126, %mul3A_127 : i32
      %add3A_129 = arith.addi %mul3A_2, %mul3A_128 : i32
      %dma_start3A_130 = arith.constant 1 : i32
      %dma_start3A_131 = arith.constant 0 : i32
      %dma_start3A_132 = arith.constant 0 : i32
      %dma_start3A_133 = tpu.memref_slice %arg6[%dma_start3A_130, %dma_start3A_131, %dma_start3A_132] : memref<4x128x128xf32, #tpu.memory_space<vmem>> -> memref<1x128x128xf32, #tpu.memory_space<vmem>>
      %dma_start3A_134 = tpu.memref_squeeze %dma_start3A_133 : memref<1x128x128xf32, #tpu.memory_space<vmem>> -> memref<128x128xf32, #tpu.memory_space<vmem>>
      %dma_start3A_135 = arith.constant 0 : i32
      %dma_start3A_136 = tpu.memref_slice %arg4[%add3A_129, %dma_start3A_135] : memref<327680x128xf32, #tpu.memory_space<hbm>> -> memref<128x128xf32, #tpu.memory_space<hbm>>
      %dma_start3A_137 = arith.constant 0 : i32
      %dma_start3A_138 = tpu.memref_slice %arg4[%add3A_129, %dma_start3A_137] : memref<327680x128xf32, #tpu.memory_space<hbm>> -> memref<128x128xf32, #tpu.memory_space<hbm>>
      %dma_start3A_139 = arith.constant 0 : i32
      %dma_start3A_140 = arith.constant 0 : i32
      %dma_start3A_141 = tpu.memref_slice %arg6[%dma_start3A_130, %dma_start3A_139, %dma_start3A_140] : memref<4x128x128xf32, #tpu.memory_space<vmem>> -> memref<1x128x128xf32, #tpu.memory_space<vmem>>
      %dma_start3A_142 = tpu.memref_squeeze %dma_start3A_141 : memref<1x128x128xf32, #tpu.memory_space<vmem>> -> memref<128x128xf32, #tpu.memory_space<vmem>>
      tpu.enqueue_dma source(%dma_start3A_142 : memref<128x128xf32, #tpu.memory_space<vmem>>) target(%dma_start3A_138 : memref<128x128xf32, #tpu.memory_space<hbm>>) target_semaphore(%arg8 : memref<!tpu.dma_semaphore, #tpu.memory_space<semaphore_mem>>)
      %add3A_143 = arith.constant 2 : i32
      %add3A_144 = arith.addi %mul3A_12, %add3A_143 : i32
      %mul3A_145 = arith.constant 128 : i32
      %mul3A_146 = arith.muli %add3A_144, %mul3A_145 : i32
      %add3A_147 = arith.addi %mul3A_2, %mul3A_146 : i32
      %dma_start3A_148 = arith.constant 2 : i32
      %dma_start3A_149 = arith.constant 0 : i32
      %dma_start3A_150 = arith.constant 0 : i32
      %dma_start3A_151 = tpu.memref_slice %arg6[%dma_start3A_148, %dma_start3A_149, %dma_start3A_150] : memref<4x128x128xf32, #tpu.memory_space<vmem>> -> memref<1x128x128xf32, #tpu.memory_space<vmem>>
      %dma_start3A_152 = tpu.memref_squeeze %dma_start3A_151 : memref<1x128x128xf32, #tpu.memory_space<vmem>> -> memref<128x128xf32, #tpu.memory_space<vmem>>
      %dma_start3A_153 = arith.constant 0 : i32
      %dma_start3A_154 = tpu.memref_slice %arg4[%add3A_147, %dma_start3A_153] : memref<327680x128xf32, #tpu.memory_space<hbm>> -> memref<128x128xf32, #tpu.memory_space<hbm>>
      %dma_start3A_155 = arith.constant 0 : i32
      %dma_start3A_156 = tpu.memref_slice %arg4[%add3A_147, %dma_start3A_155] : memref<327680x128xf32, #tpu.memory_space<hbm>> -> memref<128x128xf32, #tpu.memory_space<hbm>>
      %dma_start3A_157 = arith.constant 0 : i32
      %dma_start3A_158 = arith.constant 0 : i32
      %dma_start3A_159 = tpu.memref_slice %arg6[%dma_start3A_148, %dma_start3A_157, %dma_start3A_158] : memref<4x128x128xf32, #tpu.memory_space<vmem>> -> memref<1x128x128xf32, #tpu.memory_space<vmem>>
      %dma_start3A_160 = tpu.memref_squeeze %dma_start3A_159 : memref<1x128x128xf32, #tpu.memory_space<vmem>> -> memref<128x128xf32, #tpu.memory_space<vmem>>
      tpu.enqueue_dma source(%dma_start3A_160 : memref<128x128xf32, #tpu.memory_space<vmem>>) target(%dma_start3A_156 : memref<128x128xf32, #tpu.memory_space<hbm>>) target_semaphore(%arg8 : memref<!tpu.dma_semaphore, #tpu.memory_space<semaphore_mem>>)
      %add3A_161 = arith.constant 3 : i32
      %add3A_162 = arith.addi %mul3A_12, %add3A_161 : i32
      %mul3A_163 = arith.constant 128 : i32
      %mul3A_164 = arith.muli %add3A_162, %mul3A_163 : i32
      %add3A_165 = arith.addi %mul3A_2, %mul3A_164 : i32
      %dma_start3A_166 = arith.constant 3 : i32
      %dma_start3A_167 = arith.constant 0 : i32
      %dma_start3A_168 = arith.constant 0 : i32
      %dma_start3A_169 = tpu.memref_slice %arg6[%dma_start3A_166, %dma_start3A_167, %dma_start3A_168] : memref<4x128x128xf32, #tpu.memory_space<vmem>> -> memref<1x128x128xf32, #tpu.memory_space<vmem>>
      %dma_start3A_170 = tpu.memref_squeeze %dma_start3A_169 : memref<1x128x128xf32, #tpu.memory_space<vmem>> -> memref<128x128xf32, #tpu.memory_space<vmem>>
      %dma_start3A_171 = arith.constant 0 : i32
      %dma_start3A_172 = tpu.memref_slice %arg4[%add3A_165, %dma_start3A_171] : memref<327680x128xf32, #tpu.memory_space<hbm>> -> memref<128x128xf32, #tpu.memory_space<hbm>>
      %dma_start3A_173 = arith.constant 0 : i32
      %dma_start3A_174 = tpu.memref_slice %arg4[%add3A_165, %dma_start3A_173] : memref<327680x128xf32, #tpu.memory_space<hbm>> -> memref<128x128xf32, #tpu.memory_space<hbm>>
      %dma_start3A_175 = arith.constant 0 : i32
      %dma_start3A_176 = arith.constant 0 : i32
      %dma_start3A_177 = tpu.memref_slice %arg6[%dma_start3A_166, %dma_start3A_175, %dma_start3A_176] : memref<4x128x128xf32, #tpu.memory_space<vmem>> -> memref<1x128x128xf32, #tpu.memory_space<vmem>>
      %dma_start3A_178 = tpu.memref_squeeze %dma_start3A_177 : memref<1x128x128xf32, #tpu.memory_space<vmem>> -> memref<128x128xf32, #tpu.memory_space<vmem>>
      tpu.enqueue_dma source(%dma_start3A_178 : memref<128x128xf32, #tpu.memory_space<vmem>>) target(%dma_start3A_174 : memref<128x128xf32, #tpu.memory_space<hbm>>) target_semaphore(%arg8 : memref<!tpu.dma_semaphore, #tpu.memory_space<semaphore_mem>>)
      %dma_wait3A_179 = arith.constant 0 : i32
      %dma_wait3A_180 = arith.constant 0 : i32
      %dma_wait3A_181 = arith.constant 0 : i32
      %dma_wait3A_182 = tpu.memref_slice %arg6[%dma_wait3A_179, %dma_wait3A_180, %dma_wait3A_181] : memref<4x128x128xf32, #tpu.memory_space<vmem>> -> memref<1x128x128xf32, #tpu.memory_space<vmem>>
      %dma_wait3A_183 = tpu.memref_squeeze %dma_wait3A_182 : memref<1x128x128xf32, #tpu.memory_space<vmem>> -> memref<128x128xf32, #tpu.memory_space<vmem>>
      %dma_wait3A_184 = arith.constant 0 : i32
      %dma_wait3A_185 = tpu.memref_slice %arg4[%add3A_111, %dma_wait3A_184] : memref<327680x128xf32, #tpu.memory_space<hbm>> -> memref<128x128xf32, #tpu.memory_space<hbm>>
      %dma_wait3A_186 = arith.constant 0 : i32
      %dma_wait3A_187 = tpu.memref_slice %arg4[%add3A_111, %dma_wait3A_186] : memref<327680x128xf32, #tpu.memory_space<hbm>> -> memref<128x128xf32, #tpu.memory_space<hbm>>
      %dma_wait3A_188 = arith.constant 0 : i32
      %dma_wait3A_189 = arith.constant 0 : i32
      %dma_wait3A_190 = tpu.memref_slice %arg6[%dma_wait3A_179, %dma_wait3A_188, %dma_wait3A_189] : memref<4x128x128xf32, #tpu.memory_space<vmem>> -> memref<1x128x128xf32, #tpu.memory_space<vmem>>
      %dma_wait3A_191 = tpu.memref_squeeze %dma_wait3A_190 : memref<1x128x128xf32, #tpu.memory_space<vmem>> -> memref<128x128xf32, #tpu.memory_space<vmem>>
      tpu.wait_dma2 semaphore(%arg8 : memref<!tpu.dma_semaphore, #tpu.memory_space<semaphore_mem>>) src(%dma_wait3A_191 : memref<128x128xf32, #tpu.memory_space<vmem>>) dst(%dma_wait3A_187 : memref<128x128xf32, #tpu.memory_space<hbm>>)
      %dma_wait3A_192 = arith.constant 1 : i32
      %dma_wait3A_193 = arith.constant 0 : i32
      %dma_wait3A_194 = arith.constant 0 : i32
      %dma_wait3A_195 = tpu.memref_slice %arg6[%dma_wait3A_192, %dma_wait3A_193, %dma_wait3A_194] : memref<4x128x128xf32, #tpu.memory_space<vmem>> -> memref<1x128x128xf32, #tpu.memory_space<vmem>>
      %dma_wait3A_196 = tpu.memref_squeeze %dma_wait3A_195 : memref<1x128x128xf32, #tpu.memory_space<vmem>> -> memref<128x128xf32, #tpu.memory_space<vmem>>
      %dma_wait3A_197 = arith.constant 0 : i32
      %dma_wait3A_198 = tpu.memref_slice %arg4[%add3A_129, %dma_wait3A_197] : memref<327680x128xf32, #tpu.memory_space<hbm>> -> memref<128x128xf32, #tpu.memory_space<hbm>>
      %dma_wait3A_199 = arith.constant 0 : i32
      %dma_wait3A_200 = tpu.memref_slice %arg4[%add3A_129, %dma_wait3A_199] : memref<327680x128xf32, #tpu.memory_space<hbm>> -> memref<128x128xf32, #tpu.memory_space<hbm>>
      %dma_wait3A_201 = arith.constant 0 : i32
      %dma_wait3A_202 = arith.constant 0 : i32
      %dma_wait3A_203 = tpu.memref_slice %arg6[%dma_wait3A_192, %dma_wait3A_201, %dma_wait3A_202] : memref<4x128x128xf32, #tpu.memory_space<vmem>> -> memref<1x128x128xf32, #tpu.memory_space<vmem>>
      %dma_wait3A_204 = tpu.memref_squeeze %dma_wait3A_203 : memref<1x128x128xf32, #tpu.memory_space<vmem>> -> memref<128x128xf32, #tpu.memory_space<vmem>>
      tpu.wait_dma2 semaphore(%arg8 : memref<!tpu.dma_semaphore, #tpu.memory_space<semaphore_mem>>) src(%dma_wait3A_204 : memref<128x128xf32, #tpu.memory_space<vmem>>) dst(%dma_wait3A_200 : memref<128x128xf32, #tpu.memory_space<hbm>>)
      %dma_wait3A_205 = arith.constant 2 : i32
      %dma_wait3A_206 = arith.constant 0 : i32
      %dma_wait3A_207 = arith.constant 0 : i32
      %dma_wait3A_208 = tpu.memref_slice %arg6[%dma_wait3A_205, %dma_wait3A_206, %dma_wait3A_207] : memref<4x128x128xf32, #tpu.memory_space<vmem>> -> memref<1x128x128xf32, #tpu.memory_space<vmem>>
      %dma_wait3A_209 = tpu.memref_squeeze %dma_wait3A_208 : memref<1x128x128xf32, #tpu.memory_space<vmem>> -> memref<128x128xf32, #tpu.memory_space<vmem>>
      %dma_wait3A_210 = arith.constant 0 : i32
      %dma_wait3A_211 = tpu.memref_slice %arg4[%add3A_147, %dma_wait3A_210] : memref<327680x128xf32, #tpu.memory_space<hbm>> -> memref<128x128xf32, #tpu.memory_space<hbm>>
      %dma_wait3A_212 = arith.constant 0 : i32
      %dma_wait3A_213 = tpu.memref_slice %arg4[%add3A_147, %dma_wait3A_212] : memref<327680x128xf32, #tpu.memory_space<hbm>> -> memref<128x128xf32, #tpu.memory_space<hbm>>
      %dma_wait3A_214 = arith.constant 0 : i32
      %dma_wait3A_215 = arith.constant 0 : i32
      %dma_wait3A_216 = tpu.memref_slice %arg6[%dma_wait3A_205, %dma_wait3A_214, %dma_wait3A_215] : memref<4x128x128xf32, #tpu.memory_space<vmem>> -> memref<1x128x128xf32, #tpu.memory_space<vmem>>
      %dma_wait3A_217 = tpu.memref_squeeze %dma_wait3A_216 : memref<1x128x128xf32, #tpu.memory_space<vmem>> -> memref<128x128xf32, #tpu.memory_space<vmem>>
      tpu.wait_dma2 semaphore(%arg8 : memref<!tpu.dma_semaphore, #tpu.memory_space<semaphore_mem>>) src(%dma_wait3A_217 : memref<128x128xf32, #tpu.memory_space<vmem>>) dst(%dma_wait3A_213 : memref<128x128xf32, #tpu.memory_space<hbm>>)
      %dma_wait3A_218 = arith.constant 3 : i32
      %dma_wait3A_219 = arith.constant 0 : i32
      %dma_wait3A_220 = arith.constant 0 : i32
      %dma_wait3A_221 = tpu.memref_slice %arg6[%dma_wait3A_218, %dma_wait3A_219, %dma_wait3A_220] : memref<4x128x128xf32, #tpu.memory_space<vmem>> -> memref<1x128x128xf32, #tpu.memory_space<vmem>>
      %dma_wait3A_222 = tpu.memref_squeeze %dma_wait3A_221 : memref<1x128x128xf32, #tpu.memory_space<vmem>> -> memref<128x128xf32, #tpu.memory_space<vmem>>
      %dma_wait3A_223 = arith.constant 0 : i32
      %dma_wait3A_224 = tpu.memref_slice %arg4[%add3A_165, %dma_wait3A_223] : memref<327680x128xf32, #tpu.memory_space<hbm>> -> memref<128x128xf32, #tpu.memory_space<hbm>>
      %dma_wait3A_225 = arith.constant 0 : i32
      %dma_wait3A_226 = tpu.memref_slice %arg4[%add3A_165, %dma_wait3A_225] : memref<327680x128xf32, #tpu.memory_space<hbm>> -> memref<128x128xf32, #tpu.memory_space<hbm>>
      %dma_wait3A_227 = arith.constant 0 : i32
      %dma_wait3A_228 = arith.constant 0 : i32
      %dma_wait3A_229 = tpu.memref_slice %arg6[%dma_wait3A_218, %dma_wait3A_227, %dma_wait3A_228] : memref<4x128x128xf32, #tpu.memory_space<vmem>> -> memref<1x128x128xf32, #tpu.memory_space<vmem>>
      %dma_wait3A_230 = tpu.memref_squeeze %dma_wait3A_229 : memref<1x128x128xf32, #tpu.memory_space<vmem>> -> memref<128x128xf32, #tpu.memory_space<vmem>>
      tpu.wait_dma2 semaphore(%arg8 : memref<!tpu.dma_semaphore, #tpu.memory_space<semaphore_mem>>) src(%dma_wait3A_230 : memref<128x128xf32, #tpu.memory_space<vmem>>) dst(%dma_wait3A_226 : memref<128x128xf32, #tpu.memory_space<hbm>>)
    }
    %scan3A_9 = arith.constant 20 : i32
    return
  }
}

#map = affine_map<(d0, d1) -> (0, 0, 0)>
module attributes {stable_mosaic.version = 14 : i64} {
  func.func @k(%arg0: i32, %arg1: i32, %arg2: memref<2x32x10240xi32, #tpu.memory_space<hbm>>, %arg3: memref<2x32x80128xi32, #tpu.memory_space<hbm>>, %arg4: memref<10240xi32, #tpu.memory_space<vmem>>, %arg5: memref<80128xi32, #tpu.memory_space<vmem>>) attributes {dimension_semantics = [#tpu.dimension_semantics<core_parallel>, #tpu.dimension_semantics<subcore_parallel>], iteration_bounds = array<i64: 2, 16>, scalar_prefetch = 0 : i64, scratch_operands = 2 : i64, tpu.core_type = #tpu.core_type<sc_vector_subcore>, window_params = [{transform_indices = #map}, {transform_indices = #map}]} {
    %mul3A = arith.constant 2 : i32
    %mul3A_0 = arith.muli %arg1, %mul3A : i32
    %add3A = arith.addi %mul3A_0, %arg0 : i32
    %iota3A = tpu.iota {dimensions = array<i32: 0>} : vector<16xi32>
    %lt3A = arith.constant 8 : i32
    %lt3A_1 = vector.broadcast %lt3A : i32 to vector<16xi32>
    %lt3A_2 = arith.cmpi slt, %iota3A, %lt3A_1 : vector<16xi32>
    %and3A = arith.constant 7 : i32
    %and3A_3 = vector.broadcast %and3A : i32 to vector<16xi32>
    %and3A_4 = arith.andi %iota3A, %and3A_3 : vector<16xi32>
    %scan3A = arith.constant 0 : i32
    %scan3A_5 = arith.constant 0 : i32
    %scan3A_6 = arith.constant 5008 : i32
    %scan3A_7 = arith.addi %scan3A_5, %scan3A_6 : i32
    %scan3A_8 = arith.constant 1 : i32
    scf.for %scan3A_31 = %scan3A_5 to %scan3A_7 step %scan3A_8  : i32 {
      %broadcast_in_dim3A = arith.constant 0 : i32
      %broadcast_in_dim3A_32 = vector.broadcast %broadcast_in_dim3A : i32 to vector<16xi32>
      %mul3A_33 = arith.constant 16 : i32
      %mul3A_34 = arith.muli %scan3A_31, %mul3A_33 : i32
      %swap3A = arith.index_cast %mul3A_34 : i32 to index
      %swap3A_35 = tpu.vector_load %arg5[%swap3A] {strides = array<i32>} : memref<80128xi32, #tpu.memory_space<vmem>>, vector<16xi32>,
      tpu.vector_store %arg5[%swap3A], %broadcast_in_dim3A_32 {strides = array<i32>} : memref<80128xi32, #tpu.memory_space<vmem>>, vector<16xi32>,
    }
    %scan3A_9 = arith.constant 5008 : i32
    %run_scoped3A = arith.constant 0 : i32
    "tpu.region"() ({
      %run_scoped3A_31 = tpu.sem_alloc : memref<!tpu.dma_semaphore, #tpu.memory_space<semaphore_mem>>
      %dma_start3A = arith.constant 0 : i32
      %dma_start3A_32 = tpu.memref_slice %arg2[%run_scoped3A, %add3A, %dma_start3A] : memref<2x32x10240xi32, #tpu.memory_space<hbm>> -> memref<1x1x10240xi32, #tpu.memory_space<hbm>>
      %dma_start3A_33 = tpu.memref_squeeze %dma_start3A_32 : memref<1x1x10240xi32, #tpu.memory_space<hbm>> -> memref<10240xi32, #tpu.memory_space<hbm>>
      %dma_start3A_34 = arith.constant 0 : i32
      %dma_start3A_35 = tpu.memref_slice %arg2[%run_scoped3A, %add3A, %dma_start3A_34] : memref<2x32x10240xi32, #tpu.memory_space<hbm>> -> memref<1x1x10240xi32, #tpu.memory_space<hbm>>
      %dma_start3A_36 = tpu.memref_squeeze %dma_start3A_35 : memref<1x1x10240xi32, #tpu.memory_space<hbm>> -> memref<10240xi32, #tpu.memory_space<hbm>>
      tpu.enqueue_dma source(%dma_start3A_36 : memref<10240xi32, #tpu.memory_space<hbm>>) target(%arg4 : memref<10240xi32, #tpu.memory_space<vmem>>) target_semaphore(%run_scoped3A_31 : memref<!tpu.dma_semaphore, #tpu.memory_space<semaphore_mem>>)
      %dma_wait3A = arith.constant 0 : i32
      %dma_wait3A_37 = tpu.memref_slice %arg2[%run_scoped3A, %add3A, %dma_wait3A] : memref<2x32x10240xi32, #tpu.memory_space<hbm>> -> memref<1x1x10240xi32, #tpu.memory_space<hbm>>
      %dma_wait3A_38 = tpu.memref_squeeze %dma_wait3A_37 : memref<1x1x10240xi32, #tpu.memory_space<hbm>> -> memref<10240xi32, #tpu.memory_space<hbm>>
      %dma_wait3A_39 = arith.constant 0 : i32
      %dma_wait3A_40 = tpu.memref_slice %arg2[%run_scoped3A, %add3A, %dma_wait3A_39] : memref<2x32x10240xi32, #tpu.memory_space<hbm>> -> memref<1x1x10240xi32, #tpu.memory_space<hbm>>
      %dma_wait3A_41 = tpu.memref_squeeze %dma_wait3A_40 : memref<1x1x10240xi32, #tpu.memory_space<hbm>> -> memref<10240xi32, #tpu.memory_space<hbm>>
      tpu.wait_dma2 semaphore(%run_scoped3A_31 : memref<!tpu.dma_semaphore, #tpu.memory_space<semaphore_mem>>) src(%dma_wait3A_41 : memref<10240xi32, #tpu.memory_space<hbm>>) dst(%arg4 : memref<10240xi32, #tpu.memory_space<vmem>>)
      tpu.yield
    }) : () -> ()
    %scan3A_10 = arith.constant 0 : i32
    %scan3A_11 = arith.constant 0 : i32
    %scan3A_12 = arith.constant 640 : i32
    %scan3A_13 = arith.addi %scan3A_11, %scan3A_12 : i32
    %scan3A_14 = arith.constant 1 : i32
    scf.for %scan3A_31 = %scan3A_11 to %scan3A_13 step %scan3A_14  : i32 {
      %mul3A_32 = arith.constant 16 : i32
      %mul3A_33 = arith.muli %scan3A_31, %mul3A_32 : i32
      %get3A = arith.index_cast %mul3A_33 : i32 to index
      %get3A_34 = tpu.vector_load %arg4[%get3A] {strides = array<i32>} : memref<10240xi32, #tpu.memory_space<vmem>>, vector<16xi32>,
      %mul3A_35 = arith.constant 8 : i32
      %mul3A_36 = vector.broadcast %mul3A_35 : i32 to vector<16xi32>
      %mul3A_37 = arith.muli %get3A_34, %mul3A_36 : vector<16xi32>
      %add3A_38 = arith.addi %mul3A_37, %and3A_4 : vector<16xi32>
      %gather3A = tpu.vector_load_idx %arg5[%add3A_38] : memref<80128xi32, #tpu.memory_space<vmem>>[vector<16xi32>], vector<16xi32>,
      %add3A_39 = arith.constant 1 : i32
      %add3A_40 = vector.broadcast %add3A_39 : i32 to vector<16xi32>
      %add3A_41 = arith.addi %gather3A, %add3A_40 : vector<16xi32>
      tpu.vector_store_idx %arg5[%add3A_38], %add3A_41 masked %lt3A_2 : memref<80128xi32, #tpu.memory_space<vmem>>[vector<16xi32>], vector<16xi32>, vector<16xi1>
    }
    %scan3A_15 = arith.constant 640 : i32
    %run_scoped3A_16 = arith.constant 0 : i32
    "tpu.region"() ({
      %run_scoped3A_31 = tpu.sem_alloc : memref<!tpu.dma_semaphore, #tpu.memory_space<semaphore_mem>>
      %dma_start3A = arith.constant 0 : i32
      %dma_start3A_32 = tpu.memref_slice %arg3[%run_scoped3A_16, %add3A, %dma_start3A] : memref<2x32x80128xi32, #tpu.memory_space<hbm>> -> memref<1x1x80128xi32, #tpu.memory_space<hbm>>
      %dma_start3A_33 = tpu.memref_squeeze %dma_start3A_32 : memref<1x1x80128xi32, #tpu.memory_space<hbm>> -> memref<80128xi32, #tpu.memory_space<hbm>>
      %dma_start3A_34 = arith.constant 0 : i32
      %dma_start3A_35 = tpu.memref_slice %arg3[%run_scoped3A_16, %add3A, %dma_start3A_34] : memref<2x32x80128xi32, #tpu.memory_space<hbm>> -> memref<1x1x80128xi32, #tpu.memory_space<hbm>>
      %dma_start3A_36 = tpu.memref_squeeze %dma_start3A_35 : memref<1x1x80128xi32, #tpu.memory_space<hbm>> -> memref<80128xi32, #tpu.memory_space<hbm>>
      tpu.enqueue_dma source(%arg5 : memref<80128xi32, #tpu.memory_space<vmem>>) target(%dma_start3A_36 : memref<80128xi32, #tpu.memory_space<hbm>>) target_semaphore(%run_scoped3A_31 : memref<!tpu.dma_semaphore, #tpu.memory_space<semaphore_mem>>)
      %dma_wait3A = arith.constant 0 : i32
      %dma_wait3A_37 = tpu.memref_slice %arg3[%run_scoped3A_16, %add3A, %dma_wait3A] : memref<2x32x80128xi32, #tpu.memory_space<hbm>> -> memref<1x1x80128xi32, #tpu.memory_space<hbm>>
      %dma_wait3A_38 = tpu.memref_squeeze %dma_wait3A_37 : memref<1x1x80128xi32, #tpu.memory_space<hbm>> -> memref<80128xi32, #tpu.memory_space<hbm>>
      %dma_wait3A_39 = arith.constant 0 : i32
      %dma_wait3A_40 = tpu.memref_slice %arg3[%run_scoped3A_16, %add3A, %dma_wait3A_39] : memref<2x32x80128xi32, #tpu.memory_space<hbm>> -> memref<1x1x80128xi32, #tpu.memory_space<hbm>>
      %dma_wait3A_41 = tpu.memref_squeeze %dma_wait3A_40 : memref<1x1x80128xi32, #tpu.memory_space<hbm>> -> memref<80128xi32, #tpu.memory_space<hbm>>
      tpu.wait_dma2 semaphore(%run_scoped3A_31 : memref<!tpu.dma_semaphore, #tpu.memory_space<semaphore_mem>>) src(%arg5 : memref<80128xi32, #tpu.memory_space<vmem>>) dst(%dma_wait3A_41 : memref<80128xi32, #tpu.memory_space<hbm>>)
      tpu.yield
    }) : () -> ()
    %scan3A_17 = arith.constant 0 : i32
    %scan3A_18 = arith.constant 0 : i32
    %scan3A_19 = arith.constant 5008 : i32
    %scan3A_20 = arith.addi %scan3A_18, %scan3A_19 : i32
    %scan3A_21 = arith.constant 1 : i32
    scf.for %scan3A_31 = %scan3A_18 to %scan3A_20 step %scan3A_21  : i32 {
      %broadcast_in_dim3A = arith.constant 0 : i32
      %broadcast_in_dim3A_32 = vector.broadcast %broadcast_in_dim3A : i32 to vector<16xi32>
      %mul3A_33 = arith.constant 16 : i32
      %mul3A_34 = arith.muli %scan3A_31, %mul3A_33 : i32
      %swap3A = arith.index_cast %mul3A_34 : i32 to index
      %swap3A_35 = tpu.vector_load %arg5[%swap3A] {strides = array<i32>} : memref<80128xi32, #tpu.memory_space<vmem>>, vector<16xi32>,
      tpu.vector_store %arg5[%swap3A], %broadcast_in_dim3A_32 {strides = array<i32>} : memref<80128xi32, #tpu.memory_space<vmem>>, vector<16xi32>,
    }
    %scan3A_22 = arith.constant 5008 : i32
    %run_scoped3A_23 = arith.constant 1 : i32
    "tpu.region"() ({
      %run_scoped3A_31 = tpu.sem_alloc : memref<!tpu.dma_semaphore, #tpu.memory_space<semaphore_mem>>
      %dma_start3A = arith.constant 0 : i32
      %dma_start3A_32 = tpu.memref_slice %arg2[%run_scoped3A_23, %add3A, %dma_start3A] : memref<2x32x10240xi32, #tpu.memory_space<hbm>> -> memref<1x1x10240xi32, #tpu.memory_space<hbm>>
      %dma_start3A_33 = tpu.memref_squeeze %dma_start3A_32 : memref<1x1x10240xi32, #tpu.memory_space<hbm>> -> memref<10240xi32, #tpu.memory_space<hbm>>
      %dma_start3A_34 = arith.constant 0 : i32
      %dma_start3A_35 = tpu.memref_slice %arg2[%run_scoped3A_23, %add3A, %dma_start3A_34] : memref<2x32x10240xi32, #tpu.memory_space<hbm>> -> memref<1x1x10240xi32, #tpu.memory_space<hbm>>
      %dma_start3A_36 = tpu.memref_squeeze %dma_start3A_35 : memref<1x1x10240xi32, #tpu.memory_space<hbm>> -> memref<10240xi32, #tpu.memory_space<hbm>>
      tpu.enqueue_dma source(%dma_start3A_36 : memref<10240xi32, #tpu.memory_space<hbm>>) target(%arg4 : memref<10240xi32, #tpu.memory_space<vmem>>) target_semaphore(%run_scoped3A_31 : memref<!tpu.dma_semaphore, #tpu.memory_space<semaphore_mem>>)
      %dma_wait3A = arith.constant 0 : i32
      %dma_wait3A_37 = tpu.memref_slice %arg2[%run_scoped3A_23, %add3A, %dma_wait3A] : memref<2x32x10240xi32, #tpu.memory_space<hbm>> -> memref<1x1x10240xi32, #tpu.memory_space<hbm>>
      %dma_wait3A_38 = tpu.memref_squeeze %dma_wait3A_37 : memref<1x1x10240xi32, #tpu.memory_space<hbm>> -> memref<10240xi32, #tpu.memory_space<hbm>>
      %dma_wait3A_39 = arith.constant 0 : i32
      %dma_wait3A_40 = tpu.memref_slice %arg2[%run_scoped3A_23, %add3A, %dma_wait3A_39] : memref<2x32x10240xi32, #tpu.memory_space<hbm>> -> memref<1x1x10240xi32, #tpu.memory_space<hbm>>
      %dma_wait3A_41 = tpu.memref_squeeze %dma_wait3A_40 : memref<1x1x10240xi32, #tpu.memory_space<hbm>> -> memref<10240xi32, #tpu.memory_space<hbm>>
      tpu.wait_dma2 semaphore(%run_scoped3A_31 : memref<!tpu.dma_semaphore, #tpu.memory_space<semaphore_mem>>) src(%dma_wait3A_41 : memref<10240xi32, #tpu.memory_space<hbm>>) dst(%arg4 : memref<10240xi32, #tpu.memory_space<vmem>>)
      tpu.yield
    }) : () -> ()
    %scan3A_24 = arith.constant 0 : i32
    %scan3A_25 = arith.constant 0 : i32
    %scan3A_26 = arith.constant 640 : i32
    %scan3A_27 = arith.addi %scan3A_25, %scan3A_26 : i32
    %scan3A_28 = arith.constant 1 : i32
    scf.for %scan3A_31 = %scan3A_25 to %scan3A_27 step %scan3A_28  : i32 {
      %mul3A_32 = arith.constant 16 : i32
      %mul3A_33 = arith.muli %scan3A_31, %mul3A_32 : i32
      %get3A = arith.index_cast %mul3A_33 : i32 to index
      %get3A_34 = tpu.vector_load %arg4[%get3A] {strides = array<i32>} : memref<10240xi32, #tpu.memory_space<vmem>>, vector<16xi32>,
      %mul3A_35 = arith.constant 8 : i32
      %mul3A_36 = vector.broadcast %mul3A_35 : i32 to vector<16xi32>
      %mul3A_37 = arith.muli %get3A_34, %mul3A_36 : vector<16xi32>
      %add3A_38 = arith.addi %mul3A_37, %and3A_4 : vector<16xi32>
      %gather3A = tpu.vector_load_idx %arg5[%add3A_38] : memref<80128xi32, #tpu.memory_space<vmem>>[vector<16xi32>], vector<16xi32>,
      %add3A_39 = arith.constant 1 : i32
      %add3A_40 = vector.broadcast %add3A_39 : i32 to vector<16xi32>
      %add3A_41 = arith.addi %gather3A, %add3A_40 : vector<16xi32>
      tpu.vector_store_idx %arg5[%add3A_38], %add3A_41 masked %lt3A_2 : memref<80128xi32, #tpu.memory_space<vmem>>[vector<16xi32>], vector<16xi32>, vector<16xi1>
    }
    %scan3A_29 = arith.constant 640 : i32
    %run_scoped3A_30 = arith.constant 1 : i32
    "tpu.region"() ({
      %run_scoped3A_31 = tpu.sem_alloc : memref<!tpu.dma_semaphore, #tpu.memory_space<semaphore_mem>>
      %dma_start3A = arith.constant 0 : i32
      %dma_start3A_32 = tpu.memref_slice %arg3[%run_scoped3A_30, %add3A, %dma_start3A] : memref<2x32x80128xi32, #tpu.memory_space<hbm>> -> memref<1x1x80128xi32, #tpu.memory_space<hbm>>
      %dma_start3A_33 = tpu.memref_squeeze %dma_start3A_32 : memref<1x1x80128xi32, #tpu.memory_space<hbm>> -> memref<80128xi32, #tpu.memory_space<hbm>>
      %dma_start3A_34 = arith.constant 0 : i32
      %dma_start3A_35 = tpu.memref_slice %arg3[%run_scoped3A_30, %add3A, %dma_start3A_34] : memref<2x32x80128xi32, #tpu.memory_space<hbm>> -> memref<1x1x80128xi32, #tpu.memory_space<hbm>>
      %dma_start3A_36 = tpu.memref_squeeze %dma_start3A_35 : memref<1x1x80128xi32, #tpu.memory_space<hbm>> -> memref<80128xi32, #tpu.memory_space<hbm>>
      tpu.enqueue_dma source(%arg5 : memref<80128xi32, #tpu.memory_space<vmem>>) target(%dma_start3A_36 : memref<80128xi32, #tpu.memory_space<hbm>>) target_semaphore(%run_scoped3A_31 : memref<!tpu.dma_semaphore, #tpu.memory_space<semaphore_mem>>)
      %dma_wait3A = arith.constant 0 : i32
      %dma_wait3A_37 = tpu.memref_slice %arg3[%run_scoped3A_30, %add3A, %dma_wait3A] : memref<2x32x80128xi32, #tpu.memory_space<hbm>> -> memref<1x1x80128xi32, #tpu.memory_space<hbm>>
      %dma_wait3A_38 = tpu.memref_squeeze %dma_wait3A_37 : memref<1x1x80128xi32, #tpu.memory_space<hbm>> -> memref<80128xi32, #tpu.memory_space<hbm>>
      %dma_wait3A_39 = arith.constant 0 : i32
      %dma_wait3A_40 = tpu.memref_slice %arg3[%run_scoped3A_30, %add3A, %dma_wait3A_39] : memref<2x32x80128xi32, #tpu.memory_space<hbm>> -> memref<1x1x80128xi32, #tpu.memory_space<hbm>>
      %dma_wait3A_41 = tpu.memref_squeeze %dma_wait3A_40 : memref<1x1x80128xi32, #tpu.memory_space<hbm>> -> memref<80128xi32, #tpu.memory_space<hbm>>
      tpu.wait_dma2 semaphore(%run_scoped3A_31 : memref<!tpu.dma_semaphore, #tpu.memory_space<semaphore_mem>>) src(%arg5 : memref<80128xi32, #tpu.memory_space<vmem>>) dst(%dma_wait3A_41 : memref<80128xi32, #tpu.memory_space<hbm>>)
      tpu.yield
    }) : () -> ()
    return
  }
}

#map = affine_map<(d0, d1) -> (0, 0, 0)>
#map1 = affine_map<(d0, d1) -> (0, 0)>
module attributes {stable_mosaic.version = 14 : i64} {
  func.func @k(%arg0: i32, %arg1: i32, %arg2: memref<2x32x10240xi32, #tpu.memory_space<hbm>>, %arg3: memref<163840x128xf32, #tpu.memory_space<hbm>>, %arg4: memref<163840x128xf32, #tpu.memory_space<hbm>>, %arg5: memref<2x32x80128xi32, #tpu.memory_space<hbm>>, %arg6: memref<2x10016xi32, #tpu.memory_space<hbm>>, %arg7: memref<2x512xi32, #tpu.memory_space<hbm>>, %arg8: memref<168064x128xf32, #tpu.memory_space<hbm>>, %arg9: memref<168064x128xf32, #tpu.memory_space<hbm>>, %arg10: memref<40x128xi32, #tpu.memory_space<vmem>>, %arg11: memref<!tpu.dma_semaphore, #tpu.memory_space<semaphore_mem>>, %arg12: memref<!tpu.dma_semaphore, #tpu.memory_space<semaphore_mem>>) attributes {dimension_semantics = [#tpu.dimension_semantics<core_parallel>, #tpu.dimension_semantics<subcore_parallel>], iteration_bounds = array<i64: 2, 16>, scalar_prefetch = 0 : i64, scratch_operands = 3 : i64, tpu.core_type = #tpu.core_type<sc_vector_subcore>, window_params = [{transform_indices = #map}, {transform_indices = #map1}, {transform_indices = #map1}, {transform_indices = #map}, {transform_indices = #map1}, {transform_indices = #map1}, {transform_indices = #map1}, {transform_indices = #map1}]} {
    %mul3A = arith.constant 2 : i32
    %mul3A_0 = arith.muli %arg1, %mul3A : i32
    %add3A = arith.addi %mul3A_0, %arg0 : i32
    %mul3A_1 = arith.constant 5120 : i32
    %mul3A_2 = arith.muli %add3A, %mul3A_1 : i32
    %iota3A = tpu.iota {dimensions = array<i32: 0>} : vector<16xi32>
    %lt3A = arith.constant 8 : i32
    %lt3A_3 = vector.broadcast %lt3A : i32 to vector<16xi32>
    %lt3A_4 = arith.cmpi slt, %iota3A, %lt3A_3 : vector<16xi32>
    %and3A = arith.constant 7 : i32
    %and3A_5 = vector.broadcast %and3A : i32 to vector<16xi32>
    %and3A_6 = arith.andi %iota3A, %and3A_5 : vector<16xi32>
    "tpu.region"() ({
      %run_scoped3A = memref.alloca() : memref<10240xi32, #tpu.memory_space<vmem>>
      %run_scoped3A_7 = memref.alloca() : memref<80128xi32, #tpu.memory_space<vmem>>
      %run_scoped3A_8 = memref.alloca() : memref<10016xi32, #tpu.memory_space<vmem>>
      %run_scoped3A_9 = memref.alloca() : memref<512xi32, #tpu.memory_space<vmem>>
      %run_scoped3A_10 = arith.constant 0 : i32
      "tpu.region"() ({
        %run_scoped3A_19 = tpu.sem_alloc : memref<!tpu.dma_semaphore, #tpu.memory_space<semaphore_mem>>
        %dma_start3A = arith.constant 0 : i32
        %dma_start3A_20 = tpu.memref_slice %arg2[%run_scoped3A_10, %add3A, %dma_start3A] : memref<2x32x10240xi32, #tpu.memory_space<hbm>> -> memref<1x1x10240xi32, #tpu.memory_space<hbm>>
        %dma_start3A_21 = tpu.memref_squeeze %dma_start3A_20 : memref<1x1x10240xi32, #tpu.memory_space<hbm>> -> memref<10240xi32, #tpu.memory_space<hbm>>
        %dma_start3A_22 = arith.constant 0 : i32
        %dma_start3A_23 = tpu.memref_slice %arg2[%run_scoped3A_10, %add3A, %dma_start3A_22] : memref<2x32x10240xi32, #tpu.memory_space<hbm>> -> memref<1x1x10240xi32, #tpu.memory_space<hbm>>
        %dma_start3A_24 = tpu.memref_squeeze %dma_start3A_23 : memref<1x1x10240xi32, #tpu.memory_space<hbm>> -> memref<10240xi32, #tpu.memory_space<hbm>>
        tpu.enqueue_dma source(%dma_start3A_24 : memref<10240xi32, #tpu.memory_space<hbm>>) target(%run_scoped3A : memref<10240xi32, #tpu.memory_space<vmem>>) target_semaphore(%run_scoped3A_19 : memref<!tpu.dma_semaphore, #tpu.memory_space<semaphore_mem>>)
        %dma_wait3A = arith.constant 0 : i32
        %dma_wait3A_25 = tpu.memref_slice %arg2[%run_scoped3A_10, %add3A, %dma_wait3A] : memref<2x32x10240xi32, #tpu.memory_space<hbm>> -> memref<1x1x10240xi32, #tpu.memory_space<hbm>>
        %dma_wait3A_26 = tpu.memref_squeeze %dma_wait3A_25 : memref<1x1x10240xi32, #tpu.memory_space<hbm>> -> memref<10240xi32, #tpu.memory_space<hbm>>
        %dma_wait3A_27 = arith.constant 0 : i32
        %dma_wait3A_28 = tpu.memref_slice %arg2[%run_scoped3A_10, %add3A, %dma_wait3A_27] : memref<2x32x10240xi32, #tpu.memory_space<hbm>> -> memref<1x1x10240xi32, #tpu.memory_space<hbm>>
        %dma_wait3A_29 = tpu.memref_squeeze %dma_wait3A_28 : memref<1x1x10240xi32, #tpu.memory_space<hbm>> -> memref<10240xi32, #tpu.memory_space<hbm>>
        tpu.wait_dma2 semaphore(%run_scoped3A_19 : memref<!tpu.dma_semaphore, #tpu.memory_space<semaphore_mem>>) src(%dma_wait3A_29 : memref<10240xi32, #tpu.memory_space<hbm>>) dst(%run_scoped3A : memref<10240xi32, #tpu.memory_space<vmem>>)
        tpu.yield
      }) : () -> ()
      %run_scoped3A_11 = arith.constant 0 : i32
      "tpu.region"() ({
        %run_scoped3A_19 = tpu.sem_alloc : memref<!tpu.dma_semaphore, #tpu.memory_space<semaphore_mem>>
        %dma_start3A = arith.constant 0 : i32
        %dma_start3A_20 = tpu.memref_slice %arg5[%run_scoped3A_11, %add3A, %dma_start3A] : memref<2x32x80128xi32, #tpu.memory_space<hbm>> -> memref<1x1x80128xi32, #tpu.memory_space<hbm>>
        %dma_start3A_21 = tpu.memref_squeeze %dma_start3A_20 : memref<1x1x80128xi32, #tpu.memory_space<hbm>> -> memref<80128xi32, #tpu.memory_space<hbm>>
        %dma_start3A_22 = arith.constant 0 : i32
        %dma_start3A_23 = tpu.memref_slice %arg5[%run_scoped3A_11, %add3A, %dma_start3A_22] : memref<2x32x80128xi32, #tpu.memory_space<hbm>> -> memref<1x1x80128xi32, #tpu.memory_space<hbm>>
        %dma_start3A_24 = tpu.memref_squeeze %dma_start3A_23 : memref<1x1x80128xi32, #tpu.memory_space<hbm>> -> memref<80128xi32, #tpu.memory_space<hbm>>
        tpu.enqueue_dma source(%dma_start3A_24 : memref<80128xi32, #tpu.memory_space<hbm>>) target(%run_scoped3A_7 : memref<80128xi32, #tpu.memory_space<vmem>>) target_semaphore(%run_scoped3A_19 : memref<!tpu.dma_semaphore, #tpu.memory_space<semaphore_mem>>)
        %dma_wait3A = arith.constant 0 : i32
        %dma_wait3A_25 = tpu.memref_slice %arg5[%run_scoped3A_11, %add3A, %dma_wait3A] : memref<2x32x80128xi32, #tpu.memory_space<hbm>> -> memref<1x1x80128xi32, #tpu.memory_space<hbm>>
        %dma_wait3A_26 = tpu.memref_squeeze %dma_wait3A_25 : memref<1x1x80128xi32, #tpu.memory_space<hbm>> -> memref<80128xi32, #tpu.memory_space<hbm>>
        %dma_wait3A_27 = arith.constant 0 : i32
        %dma_wait3A_28 = tpu.memref_slice %arg5[%run_scoped3A_11, %add3A, %dma_wait3A_27] : memref<2x32x80128xi32, #tpu.memory_space<hbm>> -> memref<1x1x80128xi32, #tpu.memory_space<hbm>>
        %dma_wait3A_29 = tpu.memref_squeeze %dma_wait3A_28 : memref<1x1x80128xi32, #tpu.memory_space<hbm>> -> memref<80128xi32, #tpu.memory_space<hbm>>
        tpu.wait_dma2 semaphore(%run_scoped3A_19 : memref<!tpu.dma_semaphore, #tpu.memory_space<semaphore_mem>>) src(%dma_wait3A_29 : memref<80128xi32, #tpu.memory_space<hbm>>) dst(%run_scoped3A_7 : memref<80128xi32, #tpu.memory_space<vmem>>)
        tpu.yield
      }) : () -> ()
      %run_scoped3A_12 = arith.constant 0 : i32
      "tpu.region"() ({
        %run_scoped3A_19 = tpu.sem_alloc : memref<!tpu.dma_semaphore, #tpu.memory_space<semaphore_mem>>
        %dma_start3A = arith.constant 0 : i32
        %dma_start3A_20 = tpu.memref_slice %arg6[%run_scoped3A_12, %dma_start3A] : memref<2x10016xi32, #tpu.memory_space<hbm>> -> memref<1x10016xi32, #tpu.memory_space<hbm>>
        %dma_start3A_21 = tpu.memref_squeeze %dma_start3A_20 : memref<1x10016xi32, #tpu.memory_space<hbm>> -> memref<10016xi32, #tpu.memory_space<hbm>>
        %dma_start3A_22 = arith.constant 0 : i32
        %dma_start3A_23 = tpu.memref_slice %arg6[%run_scoped3A_12, %dma_start3A_22] : memref<2x10016xi32, #tpu.memory_space<hbm>> -> memref<1x10016xi32, #tpu.memory_space<hbm>>
        %dma_start3A_24 = tpu.memref_squeeze %dma_start3A_23 : memref<1x10016xi32, #tpu.memory_space<hbm>> -> memref<10016xi32, #tpu.memory_space<hbm>>
        tpu.enqueue_dma source(%dma_start3A_24 : memref<10016xi32, #tpu.memory_space<hbm>>) target(%run_scoped3A_8 : memref<10016xi32, #tpu.memory_space<vmem>>) target_semaphore(%run_scoped3A_19 : memref<!tpu.dma_semaphore, #tpu.memory_space<semaphore_mem>>)
        %dma_wait3A = arith.constant 0 : i32
        %dma_wait3A_25 = tpu.memref_slice %arg6[%run_scoped3A_12, %dma_wait3A] : memref<2x10016xi32, #tpu.memory_space<hbm>> -> memref<1x10016xi32, #tpu.memory_space<hbm>>
        %dma_wait3A_26 = tpu.memref_squeeze %dma_wait3A_25 : memref<1x10016xi32, #tpu.memory_space<hbm>> -> memref<10016xi32, #tpu.memory_space<hbm>>
        %dma_wait3A_27 = arith.constant 0 : i32
        %dma_wait3A_28 = tpu.memref_slice %arg6[%run_scoped3A_12, %dma_wait3A_27] : memref<2x10016xi32, #tpu.memory_space<hbm>> -> memref<1x10016xi32, #tpu.memory_space<hbm>>
        %dma_wait3A_29 = tpu.memref_squeeze %dma_wait3A_28 : memref<1x10016xi32, #tpu.memory_space<hbm>> -> memref<10016xi32, #tpu.memory_space<hbm>>
        tpu.wait_dma2 semaphore(%run_scoped3A_19 : memref<!tpu.dma_semaphore, #tpu.memory_space<semaphore_mem>>) src(%dma_wait3A_29 : memref<10016xi32, #tpu.memory_space<hbm>>) dst(%run_scoped3A_8 : memref<10016xi32, #tpu.memory_space<vmem>>)
        tpu.yield
      }) : () -> ()
      %run_scoped3A_13 = arith.constant 0 : i32
      "tpu.region"() ({
        %run_scoped3A_19 = tpu.sem_alloc : memref<!tpu.dma_semaphore, #tpu.memory_space<semaphore_mem>>
        %dma_start3A = arith.constant 0 : i32
        %dma_start3A_20 = tpu.memref_slice %arg7[%run_scoped3A_13, %dma_start3A] : memref<2x512xi32, #tpu.memory_space<hbm>> -> memref<1x512xi32, #tpu.memory_space<hbm>>
        %dma_start3A_21 = tpu.memref_squeeze %dma_start3A_20 : memref<1x512xi32, #tpu.memory_space<hbm>> -> memref<512xi32, #tpu.memory_space<hbm>>
        %dma_start3A_22 = arith.constant 0 : i32
        %dma_start3A_23 = tpu.memref_slice %arg7[%run_scoped3A_13, %dma_start3A_22] : memref<2x512xi32, #tpu.memory_space<hbm>> -> memref<1x512xi32, #tpu.memory_space<hbm>>
        %dma_start3A_24 = tpu.memref_squeeze %dma_start3A_23 : memref<1x512xi32, #tpu.memory_space<hbm>> -> memref<512xi32, #tpu.memory_space<hbm>>
        tpu.enqueue_dma source(%dma_start3A_24 : memref<512xi32, #tpu.memory_space<hbm>>) target(%run_scoped3A_9 : memref<512xi32, #tpu.memory_space<vmem>>) target_semaphore(%run_scoped3A_19 : memref<!tpu.dma_semaphore, #tpu.memory_space<semaphore_mem>>)
        %dma_wait3A = arith.constant 0 : i32
        %dma_wait3A_25 = tpu.memref_slice %arg7[%run_scoped3A_13, %dma_wait3A] : memref<2x512xi32, #tpu.memory_space<hbm>> -> memref<1x512xi32, #tpu.memory_space<hbm>>
        %dma_wait3A_26 = tpu.memref_squeeze %dma_wait3A_25 : memref<1x512xi32, #tpu.memory_space<hbm>> -> memref<512xi32, #tpu.memory_space<hbm>>
        %dma_wait3A_27 = arith.constant 0 : i32
        %dma_wait3A_28 = tpu.memref_slice %arg7[%run_scoped3A_13, %dma_wait3A_27] : memref<2x512xi32, #tpu.memory_space<hbm>> -> memref<1x512xi32, #tpu.memory_space<hbm>>
        %dma_wait3A_29 = tpu.memref_squeeze %dma_wait3A_28 : memref<1x512xi32, #tpu.memory_space<hbm>> -> memref<512xi32, #tpu.memory_space<hbm>>
        tpu.wait_dma2 semaphore(%run_scoped3A_19 : memref<!tpu.dma_semaphore, #tpu.memory_space<semaphore_mem>>) src(%dma_wait3A_29 : memref<512xi32, #tpu.memory_space<hbm>>) dst(%run_scoped3A_9 : memref<512xi32, #tpu.memory_space<vmem>>)
        tpu.yield
      }) : () -> ()
      %scan3A = arith.constant 0 : i32
      %scan3A_14 = arith.constant 0 : i32
      %scan3A_15 = arith.constant 640 : i32
      %scan3A_16 = arith.addi %scan3A_14, %scan3A_15 : i32
      %scan3A_17 = arith.constant 1 : i32
      scf.for %scan3A_19 = %scan3A_14 to %scan3A_16 step %scan3A_17  : i32 {
        %mul3A_20 = arith.constant 16 : i32
        %mul3A_21 = arith.muli %scan3A_19, %mul3A_20 : i32
        %get3A = arith.index_cast %mul3A_21 : i32 to index
        %get3A_22 = tpu.vector_load %run_scoped3A[%get3A] {strides = array<i32>} : memref<10240xi32, #tpu.memory_space<vmem>>, vector<16xi32>,
        %mul3A_23 = arith.constant 8 : i32
        %mul3A_24 = vector.broadcast %mul3A_23 : i32 to vector<16xi32>
        %mul3A_25 = arith.muli %get3A_22, %mul3A_24 : vector<16xi32>
        %add3A_26 = arith.addi %mul3A_25, %and3A_6 : vector<16xi32>
        %gather3A = tpu.vector_load_idx %run_scoped3A_7[%add3A_26] : memref<80128xi32, #tpu.memory_space<vmem>>[vector<16xi32>], vector<16xi32>,
        %add3A_27 = arith.constant 1 : i32
        %add3A_28 = vector.broadcast %add3A_27 : i32 to vector<16xi32>
        %add3A_29 = arith.addi %gather3A, %add3A_28 : vector<16xi32>
        tpu.vector_store_idx %run_scoped3A_7[%add3A_26], %add3A_29 masked %lt3A_4 : memref<80128xi32, #tpu.memory_space<vmem>>[vector<16xi32>], vector<16xi32>, vector<16xi1>
        %min3A = arith.constant 511 : i32
        %min3A_30 = vector.broadcast %min3A : i32 to vector<16xi32>
        %min3A_31 = arith.minsi %gather3A, %min3A_30 : vector<16xi32>
        %gather3A_32 = tpu.vector_load_idx %run_scoped3A_9[%min3A_31] : memref<512xi32, #tpu.memory_space<vmem>>[vector<16xi32>], vector<16xi32>,
        %gather3A_33 = tpu.vector_load_idx %run_scoped3A_8[%get3A_22] : memref<10016xi32, #tpu.memory_space<vmem>>[vector<16xi32>], vector<16xi32>,
        %mul3A_34 = arith.constant 640 : i32
        %mul3A_35 = vector.broadcast %mul3A_34 : i32 to vector<16xi32>
        %mul3A_36 = arith.muli %and3A_6, %mul3A_35 : vector<16xi32>
        %add3A_37 = vector.broadcast %scan3A_19 : i32 to vector<16xi32>
        %add3A_38 = arith.addi %mul3A_36, %add3A_37 : vector<16xi32>
        %add3A_39 = vector.broadcast %mul3A_2 : i32 to vector<16xi32>
        %add3A_40 = arith.addi %add3A_39, %add3A_38 : vector<16xi32>
        %and3A_41 = arith.constant 127 : i32
        %and3A_42 = vector.broadcast %and3A_41 : i32 to vector<16xi32>
        %and3A_43 = arith.andi %add3A_38, %and3A_42 : vector<16xi32>
        %add3A_44 = arith.constant 167936 : i32
        %add3A_45 = vector.broadcast %add3A_44 : i32 to vector<16xi32>
        %add3A_46 = arith.addi %add3A_45, %and3A_43 : vector<16xi32>
        %lt3A_47 = arith.constant 160000 : i32
        %lt3A_48 = vector.broadcast %lt3A_47 : i32 to vector<16xi32>
        %lt3A_49 = arith.cmpi slt, %add3A_40, %lt3A_48 : vector<16xi32>
        %add3A_50 = arith.addi %gather3A_32, %gather3A_33 : vector<16xi32>
        %select_n3A = arith.select %lt3A_49, %add3A_50, %add3A_46 : vector<16xi1>, vector<16xi32>
        %shift_right_logical3A = arith.constant 7 : i32
        %shift_right_logical3A_51 = vector.broadcast %shift_right_logical3A : i32 to vector<16xi32>
        %shift_right_logical3A_52 = arith.shrui %add3A_38, %shift_right_logical3A_51 : vector<16xi32>
        %and3A_53 = arith.constant 127 : i32
        %and3A_54 = vector.broadcast %and3A_53 : i32 to vector<16xi32>
        %and3A_55 = arith.andi %add3A_38, %and3A_54 : vector<16xi32>
        tpu.vector_store_idx %arg10[%shift_right_logical3A_52, %and3A_55], %select_n3A masked %lt3A_4 : memref<40x128xi32, #tpu.memory_space<vmem>>[vector<16xi32>, vector<16xi32>], vector<16xi32>, vector<16xi1>
      }
      %scan3A_18 = arith.constant 640 : i32
      tpu.yield
    }) : () -> ()
    "tpu.region"() ({
      %run_scoped3A = memref.alloca() : memref<2x3x128x128xf32, #tpu.memory_space<vmem>>
      %rem3A = arith.constant 0 : i32
      %rem3A_7 = arith.constant 2 : i32
      %rem3A_8 = arith.remsi %rem3A, %rem3A_7 : i32
      %add3A_9 = arith.constant 0 : i32
      %add3A_10 = arith.addi %mul3A_2, %add3A_9 : i32
      %dma_start3A = arith.constant 0 : i32
      %dma_start3A_11 = arith.constant 0 : i32
      %dma_start3A_12 = arith.constant 0 : i32
      %dma_start3A_13 = tpu.memref_slice %run_scoped3A[%rem3A_8, %dma_start3A, %dma_start3A_11, %dma_start3A_12] : memref<2x3x128x128xf32, #tpu.memory_space<vmem>> -> memref<1x1x128x128xf32, #tpu.memory_space<vmem>>
      %dma_start3A_14 = tpu.memref_squeeze %dma_start3A_13 : memref<1x1x128x128xf32, #tpu.memory_space<vmem>> -> memref<128x128xf32, #tpu.memory_space<vmem>>
      %dma_start3A_15 = arith.constant 0 : i32
      %dma_start3A_16 = tpu.memref_slice %arg3[%add3A_10, %dma_start3A_15] : memref<163840x128xf32, #tpu.memory_space<hbm>> -> memref<128x128xf32, #tpu.memory_space<hbm>>
      %dma_start3A_17 = arith.constant 0 : i32
      %dma_start3A_18 = arith.constant 0 : i32
      %dma_start3A_19 = tpu.memref_slice %run_scoped3A[%rem3A_8, %dma_start3A, %dma_start3A_17, %dma_start3A_18] : memref<2x3x128x128xf32, #tpu.memory_space<vmem>> -> memref<1x1x128x128xf32, #tpu.memory_space<vmem>>
      %dma_start3A_20 = tpu.memref_squeeze %dma_start3A_19 : memref<1x1x128x128xf32, #tpu.memory_space<vmem>> -> memref<128x128xf32, #tpu.memory_space<vmem>>
      %dma_start3A_21 = arith.constant 0 : i32
      %dma_start3A_22 = tpu.memref_slice %arg3[%add3A_10, %dma_start3A_21] : memref<163840x128xf32, #tpu.memory_space<hbm>> -> memref<128x128xf32, #tpu.memory_space<hbm>>
      tpu.enqueue_dma source(%dma_start3A_22 : memref<128x128xf32, #tpu.memory_space<hbm>>) target(%dma_start3A_20 : memref<128x128xf32, #tpu.memory_space<vmem>>) target_semaphore(%arg11 : memref<!tpu.dma_semaphore, #tpu.memory_space<semaphore_mem>>)
      %add3A_23 = arith.constant 128 : i32
      %add3A_24 = arith.addi %mul3A_2, %add3A_23 : i32
      %dma_start3A_25 = arith.constant 1 : i32
      %dma_start3A_26 = arith.constant 0 : i32
      %dma_start3A_27 = arith.constant 0 : i32
      %dma_start3A_28 = tpu.memref_slice %run_scoped3A[%rem3A_8, %dma_start3A_25, %dma_start3A_26, %dma_start3A_27] : memref<2x3x128x128xf32, #tpu.memory_space<vmem>> -> memref<1x1x128x128xf32, #tpu.memory_space<vmem>>
      %dma_start3A_29 = tpu.memref_squeeze %dma_start3A_28 : memref<1x1x128x128xf32, #tpu.memory_space<vmem>> -> memref<128x128xf32, #tpu.memory_space<vmem>>
      %dma_start3A_30 = arith.constant 0 : i32
      %dma_start3A_31 = tpu.memref_slice %arg3[%add3A_24, %dma_start3A_30] : memref<163840x128xf32, #tpu.memory_space<hbm>> -> memref<128x128xf32, #tpu.memory_space<hbm>>
      %dma_start3A_32 = arith.constant 0 : i32
      %dma_start3A_33 = arith.constant 0 : i32
      %dma_start3A_34 = tpu.memref_slice %run_scoped3A[%rem3A_8, %dma_start3A_25, %dma_start3A_32, %dma_start3A_33] : memref<2x3x128x128xf32, #tpu.memory_space<vmem>> -> memref<1x1x128x128xf32, #tpu.memory_space<vmem>>
      %dma_start3A_35 = tpu.memref_squeeze %dma_start3A_34 : memref<1x1x128x128xf32, #tpu.memory_space<vmem>> -> memref<128x128xf32, #tpu.memory_space<vmem>>
      %dma_start3A_36 = arith.constant 0 : i32
      %dma_start3A_37 = tpu.memref_slice %arg3[%add3A_24, %dma_start3A_36] : memref<163840x128xf32, #tpu.memory_space<hbm>> -> memref<128x128xf32, #tpu.memory_space<hbm>>
      tpu.enqueue_dma source(%dma_start3A_37 : memref<128x128xf32, #tpu.memory_space<hbm>>) target(%dma_start3A_35 : memref<128x128xf32, #tpu.memory_space<vmem>>) target_semaphore(%arg11 : memref<!tpu.dma_semaphore, #tpu.memory_space<semaphore_mem>>)
      %add3A_38 = arith.constant 256 : i32
      %add3A_39 = arith.addi %mul3A_2, %add3A_38 : i32
      %dma_start3A_40 = arith.constant 2 : i32
      %dma_start3A_41 = arith.constant 0 : i32
      %dma_start3A_42 = arith.constant 0 : i32
      %dma_start3A_43 = tpu.memref_slice %run_scoped3A[%rem3A_8, %dma_start3A_40, %dma_start3A_41, %dma_start3A_42] : memref<2x3x128x128xf32, #tpu.memory_space<vmem>> -> memref<1x1x128x128xf32, #tpu.memory_space<vmem>>
      %dma_start3A_44 = tpu.memref_squeeze %dma_start3A_43 : memref<1x1x128x128xf32, #tpu.memory_space<vmem>> -> memref<128x128xf32, #tpu.memory_space<vmem>>
      %dma_start3A_45 = arith.constant 0 : i32
      %dma_start3A_46 = tpu.memref_slice %arg3[%add3A_39, %dma_start3A_45] : memref<163840x128xf32, #tpu.memory_space<hbm>> -> memref<128x128xf32, #tpu.memory_space<hbm>>
      %dma_start3A_47 = arith.constant 0 : i32
      %dma_start3A_48 = arith.constant 0 : i32
      %dma_start3A_49 = tpu.memref_slice %run_scoped3A[%rem3A_8, %dma_start3A_40, %dma_start3A_47, %dma_start3A_48] : memref<2x3x128x128xf32, #tpu.memory_space<vmem>> -> memref<1x1x128x128xf32, #tpu.memory_space<vmem>>
      %dma_start3A_50 = tpu.memref_squeeze %dma_start3A_49 : memref<1x1x128x128xf32, #tpu.memory_space<vmem>> -> memref<128x128xf32, #tpu.memory_space<vmem>>
      %dma_start3A_51 = arith.constant 0 : i32
      %dma_start3A_52 = tpu.memref_slice %arg3[%add3A_39, %dma_start3A_51] : memref<163840x128xf32, #tpu.memory_space<hbm>> -> memref<128x128xf32, #tpu.memory_space<hbm>>
      tpu.enqueue_dma source(%dma_start3A_52 : memref<128x128xf32, #tpu.memory_space<hbm>>) target(%dma_start3A_50 : memref<128x128xf32, #tpu.memory_space<vmem>>) target_semaphore(%arg11 : memref<!tpu.dma_semaphore, #tpu.memory_space<semaphore_mem>>)
      %scan3A = arith.constant 0 : i32
      %scan3A_53 = arith.constant 0 : i32
      %scan3A_54 = arith.constant 13 : i32
      %scan3A_55 = arith.addi %scan3A_53, %scan3A_54 : i32
      %scan3A_56 = arith.constant 1 : i32
      scf.for %scan3A_113 = %scan3A_53 to %scan3A_55 step %scan3A_56  : i32 {
        %rem3A_114 = arith.constant 2 : i32
        %rem3A_115 = arith.remsi %scan3A_113, %rem3A_114 : i32
        %add3A_116 = arith.constant 1 : i32
        %add3A_117 = arith.addi %scan3A_113, %add3A_116 : i32
        %lt3A_118 = arith.constant 13 : i32
        %lt3A_119 = arith.cmpi slt, %add3A_117, %lt3A_118 : i32
        %convert_element_type3A = arith.extui %lt3A_119 : i1 to i32
        %cond3A = arith.constant 0 : i32
        %cond3A_120 = arith.cmpi ne, %convert_element_type3A, %cond3A : i32
        scf.if %cond3A_120 {
          %add3A_259 = arith.constant 1 : i32
          %add3A_260 = arith.addi %scan3A_113, %add3A_259 : i32
          %rem3A_261 = arith.constant 2 : i32
          %rem3A_262 = arith.remsi %add3A_260, %rem3A_261 : i32
          %mul3A_263 = arith.constant 3 : i32
          %mul3A_264 = arith.muli %add3A_260, %mul3A_263 : i32
          %add3A_265 = arith.constant 0 : i32
          %add3A_266 = arith.addi %mul3A_264, %add3A_265 : i32
          %mul3A_267 = arith.constant 128 : i32
          %mul3A_268 = arith.muli %add3A_266, %mul3A_267 : i32
          %add3A_269 = arith.addi %mul3A_2, %mul3A_268 : i32
          %dma_start3A_270 = arith.constant 0 : i32
          %dma_start3A_271 = arith.constant 0 : i32
          %dma_start3A_272 = arith.constant 0 : i32
          %dma_start3A_273 = tpu.memref_slice %run_scoped3A[%rem3A_262, %dma_start3A_270, %dma_start3A_271, %dma_start3A_272] : memref<2x3x128x128xf32, #tpu.memory_space<vmem>> -> memref<1x1x128x128xf32, #tpu.memory_space<vmem>>
          %dma_start3A_274 = tpu.memref_squeeze %dma_start3A_273 : memref<1x1x128x128xf32, #tpu.memory_space<vmem>> -> memref<128x128xf32, #tpu.memory_space<vmem>>
          %dma_start3A_275 = arith.constant 0 : i32
          %dma_start3A_276 = tpu.memref_slice %arg3[%add3A_269, %dma_start3A_275] : memref<163840x128xf32, #tpu.memory_space<hbm>> -> memref<128x128xf32, #tpu.memory_space<hbm>>
          %dma_start3A_277 = arith.constant 0 : i32
          %dma_start3A_278 = arith.constant 0 : i32
          %dma_start3A_279 = tpu.memref_slice %run_scoped3A[%rem3A_262, %dma_start3A_270, %dma_start3A_277, %dma_start3A_278] : memref<2x3x128x128xf32, #tpu.memory_space<vmem>> -> memref<1x1x128x128xf32, #tpu.memory_space<vmem>>
          %dma_start3A_280 = tpu.memref_squeeze %dma_start3A_279 : memref<1x1x128x128xf32, #tpu.memory_space<vmem>> -> memref<128x128xf32, #tpu.memory_space<vmem>>
          %dma_start3A_281 = arith.constant 0 : i32
          %dma_start3A_282 = tpu.memref_slice %arg3[%add3A_269, %dma_start3A_281] : memref<163840x128xf32, #tpu.memory_space<hbm>> -> memref<128x128xf32, #tpu.memory_space<hbm>>
          tpu.enqueue_dma source(%dma_start3A_282 : memref<128x128xf32, #tpu.memory_space<hbm>>) target(%dma_start3A_280 : memref<128x128xf32, #tpu.memory_space<vmem>>) target_semaphore(%arg11 : memref<!tpu.dma_semaphore, #tpu.memory_space<semaphore_mem>>)
          %mul3A_283 = arith.constant 3 : i32
          %mul3A_284 = arith.muli %add3A_260, %mul3A_283 : i32
          %add3A_285 = arith.constant 1 : i32
          %add3A_286 = arith.addi %mul3A_284, %add3A_285 : i32
          %mul3A_287 = arith.constant 128 : i32
          %mul3A_288 = arith.muli %add3A_286, %mul3A_287 : i32
          %add3A_289 = arith.addi %mul3A_2, %mul3A_288 : i32
          %dma_start3A_290 = arith.constant 1 : i32
          %dma_start3A_291 = arith.constant 0 : i32
          %dma_start3A_292 = arith.constant 0 : i32
          %dma_start3A_293 = tpu.memref_slice %run_scoped3A[%rem3A_262, %dma_start3A_290, %dma_start3A_291, %dma_start3A_292] : memref<2x3x128x128xf32, #tpu.memory_space<vmem>> -> memref<1x1x128x128xf32, #tpu.memory_space<vmem>>
          %dma_start3A_294 = tpu.memref_squeeze %dma_start3A_293 : memref<1x1x128x128xf32, #tpu.memory_space<vmem>> -> memref<128x128xf32, #tpu.memory_space<vmem>>
          %dma_start3A_295 = arith.constant 0 : i32
          %dma_start3A_296 = tpu.memref_slice %arg3[%add3A_289, %dma_start3A_295] : memref<163840x128xf32, #tpu.memory_space<hbm>> -> memref<128x128xf32, #tpu.memory_space<hbm>>
          %dma_start3A_297 = arith.constant 0 : i32
          %dma_start3A_298 = arith.constant 0 : i32
          %dma_start3A_299 = tpu.memref_slice %run_scoped3A[%rem3A_262, %dma_start3A_290, %dma_start3A_297, %dma_start3A_298] : memref<2x3x128x128xf32, #tpu.memory_space<vmem>> -> memref<1x1x128x128xf32, #tpu.memory_space<vmem>>
          %dma_start3A_300 = tpu.memref_squeeze %dma_start3A_299 : memref<1x1x128x128xf32, #tpu.memory_space<vmem>> -> memref<128x128xf32, #tpu.memory_space<vmem>>
          %dma_start3A_301 = arith.constant 0 : i32
          %dma_start3A_302 = tpu.memref_slice %arg3[%add3A_289, %dma_start3A_301] : memref<163840x128xf32, #tpu.memory_space<hbm>> -> memref<128x128xf32, #tpu.memory_space<hbm>>
          tpu.enqueue_dma source(%dma_start3A_302 : memref<128x128xf32, #tpu.memory_space<hbm>>) target(%dma_start3A_300 : memref<128x128xf32, #tpu.memory_space<vmem>>) target_semaphore(%arg11 : memref<!tpu.dma_semaphore, #tpu.memory_space<semaphore_mem>>)
          %mul3A_303 = arith.constant 3 : i32
          %mul3A_304 = arith.muli %add3A_260, %mul3A_303 : i32
          %add3A_305 = arith.constant 2 : i32
          %add3A_306 = arith.addi %mul3A_304, %add3A_305 : i32
          %mul3A_307 = arith.constant 128 : i32
          %mul3A_308 = arith.muli %add3A_306, %mul3A_307 : i32
          %add3A_309 = arith.addi %mul3A_2, %mul3A_308 : i32
          %dma_start3A_310 = arith.constant 2 : i32
          %dma_start3A_311 = arith.constant 0 : i32
          %dma_start3A_312 = arith.constant 0 : i32
          %dma_start3A_313 = tpu.memref_slice %run_scoped3A[%rem3A_262, %dma_start3A_310, %dma_start3A_311, %dma_start3A_312] : memref<2x3x128x128xf32, #tpu.memory_space<vmem>> -> memref<1x1x128x128xf32, #tpu.memory_space<vmem>>
          %dma_start3A_314 = tpu.memref_squeeze %dma_start3A_313 : memref<1x1x128x128xf32, #tpu.memory_space<vmem>> -> memref<128x128xf32, #tpu.memory_space<vmem>>
          %dma_start3A_315 = arith.constant 0 : i32
          %dma_start3A_316 = tpu.memref_slice %arg3[%add3A_309, %dma_start3A_315] : memref<163840x128xf32, #tpu.memory_space<hbm>> -> memref<128x128xf32, #tpu.memory_space<hbm>>
          %dma_start3A_317 = arith.constant 0 : i32
          %dma_start3A_318 = arith.constant 0 : i32
          %dma_start3A_319 = tpu.memref_slice %run_scoped3A[%rem3A_262, %dma_start3A_310, %dma_start3A_317, %dma_start3A_318] : memref<2x3x128x128xf32, #tpu.memory_space<vmem>> -> memref<1x1x128x128xf32, #tpu.memory_space<vmem>>
          %dma_start3A_320 = tpu.memref_squeeze %dma_start3A_319 : memref<1x1x128x128xf32, #tpu.memory_space<vmem>> -> memref<128x128xf32, #tpu.memory_space<vmem>>
          %dma_start3A_321 = arith.constant 0 : i32
          %dma_start3A_322 = tpu.memref_slice %arg3[%add3A_309, %dma_start3A_321] : memref<163840x128xf32, #tpu.memory_space<hbm>> -> memref<128x128xf32, #tpu.memory_space<hbm>>
          tpu.enqueue_dma source(%dma_start3A_322 : memref<128x128xf32, #tpu.memory_space<hbm>>) target(%dma_start3A_320 : memref<128x128xf32, #tpu.memory_space<vmem>>) target_semaphore(%arg11 : memref<!tpu.dma_semaphore, #tpu.memory_space<semaphore_mem>>)
        } else {
        }
        %mul3A_121 = arith.constant 3 : i32
        %mul3A_122 = arith.muli %scan3A_113, %mul3A_121 : i32
        %add3A_123 = arith.constant 0 : i32
        %add3A_124 = arith.addi %mul3A_122, %add3A_123 : i32
        %mul3A_125 = arith.constant 128 : i32
        %mul3A_126 = arith.muli %add3A_124, %mul3A_125 : i32
        %add3A_127 = arith.addi %mul3A_2, %mul3A_126 : i32
        %dma_wait3A_128 = arith.constant 0 : i32
        %dma_wait3A_129 = arith.constant 0 : i32
        %dma_wait3A_130 = arith.constant 0 : i32
        %dma_wait3A_131 = tpu.memref_slice %run_scoped3A[%rem3A_115, %dma_wait3A_128, %dma_wait3A_129, %dma_wait3A_130] : memref<2x3x128x128xf32, #tpu.memory_space<vmem>> -> memref<1x1x128x128xf32, #tpu.memory_space<vmem>>
        %dma_wait3A_132 = tpu.memref_squeeze %dma_wait3A_131 : memref<1x1x128x128xf32, #tpu.memory_space<vmem>> -> memref<128x128xf32, #tpu.memory_space<vmem>>
        %dma_wait3A_133 = arith.constant 0 : i32
        %dma_wait3A_134 = tpu.memref_slice %arg3[%add3A_127, %dma_wait3A_133] : memref<163840x128xf32, #tpu.memory_space<hbm>> -> memref<128x128xf32, #tpu.memory_space<hbm>>
        %dma_wait3A_135 = arith.constant 0 : i32
        %dma_wait3A_136 = arith.constant 0 : i32
        %dma_wait3A_137 = tpu.memref_slice %run_scoped3A[%rem3A_115, %dma_wait3A_128, %dma_wait3A_135, %dma_wait3A_136] : memref<2x3x128x128xf32, #tpu.memory_space<vmem>> -> memref<1x1x128x128xf32, #tpu.memory_space<vmem>>
        %dma_wait3A_138 = tpu.memref_squeeze %dma_wait3A_137 : memref<1x1x128x128xf32, #tpu.memory_space<vmem>> -> memref<128x128xf32, #tpu.memory_space<vmem>>
        %dma_wait3A_139 = arith.constant 0 : i32
        %dma_wait3A_140 = tpu.memref_slice %arg3[%add3A_127, %dma_wait3A_139] : memref<163840x128xf32, #tpu.memory_space<hbm>> -> memref<128x128xf32, #tpu.memory_space<hbm>>
        tpu.wait_dma2 semaphore(%arg11 : memref<!tpu.dma_semaphore, #tpu.memory_space<semaphore_mem>>) src(%dma_wait3A_140 : memref<128x128xf32, #tpu.memory_space<hbm>>) dst(%dma_wait3A_138 : memref<128x128xf32, #tpu.memory_space<vmem>>)
        %mul3A_141 = arith.constant 3 : i32
        %mul3A_142 = arith.muli %scan3A_113, %mul3A_141 : i32
        %add3A_143 = arith.constant 1 : i32
        %add3A_144 = arith.addi %mul3A_142, %add3A_143 : i32
        %mul3A_145 = arith.constant 128 : i32
        %mul3A_146 = arith.muli %add3A_144, %mul3A_145 : i32
        %add3A_147 = arith.addi %mul3A_2, %mul3A_146 : i32
        %dma_wait3A_148 = arith.constant 1 : i32
        %dma_wait3A_149 = arith.constant 0 : i32
        %dma_wait3A_150 = arith.constant 0 : i32
        %dma_wait3A_151 = tpu.memref_slice %run_scoped3A[%rem3A_115, %dma_wait3A_148, %dma_wait3A_149, %dma_wait3A_150] : memref<2x3x128x128xf32, #tpu.memory_space<vmem>> -> memref<1x1x128x128xf32, #tpu.memory_space<vmem>>
        %dma_wait3A_152 = tpu.memref_squeeze %dma_wait3A_151 : memref<1x1x128x128xf32, #tpu.memory_space<vmem>> -> memref<128x128xf32, #tpu.memory_space<vmem>>
        %dma_wait3A_153 = arith.constant 0 : i32
        %dma_wait3A_154 = tpu.memref_slice %arg3[%add3A_147, %dma_wait3A_153] : memref<163840x128xf32, #tpu.memory_space<hbm>> -> memref<128x128xf32, #tpu.memory_space<hbm>>
        %dma_wait3A_155 = arith.constant 0 : i32
        %dma_wait3A_156 = arith.constant 0 : i32
        %dma_wait3A_157 = tpu.memref_slice %run_scoped3A[%rem3A_115, %dma_wait3A_148, %dma_wait3A_155, %dma_wait3A_156] : memref<2x3x128x128xf32, #tpu.memory_space<vmem>> -> memref<1x1x128x128xf32, #tpu.memory_space<vmem>>
        %dma_wait3A_158 = tpu.memref_squeeze %dma_wait3A_157 : memref<1x1x128x128xf32, #tpu.memory_space<vmem>> -> memref<128x128xf32, #tpu.memory_space<vmem>>
        %dma_wait3A_159 = arith.constant 0 : i32
        %dma_wait3A_160 = tpu.memref_slice %arg3[%add3A_147, %dma_wait3A_159] : memref<163840x128xf32, #tpu.memory_space<hbm>> -> memref<128x128xf32, #tpu.memory_space<hbm>>
        tpu.wait_dma2 semaphore(%arg11 : memref<!tpu.dma_semaphore, #tpu.memory_space<semaphore_mem>>) src(%dma_wait3A_160 : memref<128x128xf32, #tpu.memory_space<hbm>>) dst(%dma_wait3A_158 : memref<128x128xf32, #tpu.memory_space<vmem>>)
        %mul3A_161 = arith.constant 3 : i32
        %mul3A_162 = arith.muli %scan3A_113, %mul3A_161 : i32
        %add3A_163 = arith.constant 2 : i32
        %add3A_164 = arith.addi %mul3A_162, %add3A_163 : i32
        %mul3A_165 = arith.constant 128 : i32
        %mul3A_166 = arith.muli %add3A_164, %mul3A_165 : i32
        %add3A_167 = arith.addi %mul3A_2, %mul3A_166 : i32
        %dma_wait3A_168 = arith.constant 2 : i32
        %dma_wait3A_169 = arith.constant 0 : i32
        %dma_wait3A_170 = arith.constant 0 : i32
        %dma_wait3A_171 = tpu.memref_slice %run_scoped3A[%rem3A_115, %dma_wait3A_168, %dma_wait3A_169, %dma_wait3A_170] : memref<2x3x128x128xf32, #tpu.memory_space<vmem>> -> memref<1x1x128x128xf32, #tpu.memory_space<vmem>>
        %dma_wait3A_172 = tpu.memref_squeeze %dma_wait3A_171 : memref<1x1x128x128xf32, #tpu.memory_space<vmem>> -> memref<128x128xf32, #tpu.memory_space<vmem>>
        %dma_wait3A_173 = arith.constant 0 : i32
        %dma_wait3A_174 = tpu.memref_slice %arg3[%add3A_167, %dma_wait3A_173] : memref<163840x128xf32, #tpu.memory_space<hbm>> -> memref<128x128xf32, #tpu.memory_space<hbm>>
        %dma_wait3A_175 = arith.constant 0 : i32
        %dma_wait3A_176 = arith.constant 0 : i32
        %dma_wait3A_177 = tpu.memref_slice %run_scoped3A[%rem3A_115, %dma_wait3A_168, %dma_wait3A_175, %dma_wait3A_176] : memref<2x3x128x128xf32, #tpu.memory_space<vmem>> -> memref<1x1x128x128xf32, #tpu.memory_space<vmem>>
        %dma_wait3A_178 = tpu.memref_squeeze %dma_wait3A_177 : memref<1x1x128x128xf32, #tpu.memory_space<vmem>> -> memref<128x128xf32, #tpu.memory_space<vmem>>
        %dma_wait3A_179 = arith.constant 0 : i32
        %dma_wait3A_180 = tpu.memref_slice %arg3[%add3A_167, %dma_wait3A_179] : memref<163840x128xf32, #tpu.memory_space<hbm>> -> memref<128x128xf32, #tpu.memory_space<hbm>>
        tpu.wait_dma2 semaphore(%arg11 : memref<!tpu.dma_semaphore, #tpu.memory_space<semaphore_mem>>) src(%dma_wait3A_180 : memref<128x128xf32, #tpu.memory_space<hbm>>) dst(%dma_wait3A_178 : memref<128x128xf32, #tpu.memory_space<vmem>>)
        %mul3A_181 = arith.constant 3 : i32
        %mul3A_182 = arith.muli %scan3A_113, %mul3A_181 : i32
        %add3A_183 = arith.constant 0 : i32
        %add3A_184 = arith.addi %mul3A_182, %add3A_183 : i32
        %dma_start3A_185 = arith.constant 0 : i32
        %dma_start3A_186 = arith.constant 0 : i32
        %dma_start3A_187 = arith.constant 0 : i32
        %dma_start3A_188 = tpu.memref_slice %run_scoped3A[%rem3A_115, %dma_start3A_185, %dma_start3A_186, %dma_start3A_187] : memref<2x3x128x128xf32, #tpu.memory_space<vmem>> -> memref<1x1x128x128xf32, #tpu.memory_space<vmem>>
        %dma_start3A_189 = tpu.memref_squeeze %dma_start3A_188 : memref<1x1x128x128xf32, #tpu.memory_space<vmem>> -> memref<128x128xf32, #tpu.memory_space<vmem>>
        %dma_start3A_190 = arith.constant 0 : i32
        %dma_start3A_191 = tpu.memref_slice %arg10[%add3A_184, %dma_start3A_190] : memref<40x128xi32, #tpu.memory_space<vmem>> -> memref<1x128xi32, #tpu.memory_space<vmem>>
        %dma_start3A_192 = tpu.memref_squeeze %dma_start3A_191 : memref<1x128xi32, #tpu.memory_space<vmem>> -> memref<128xi32, #tpu.memory_space<vmem>>
        %dma_start3A_193 = arith.constant 0 : i32
        %dma_start3A_194 = arith.constant 0 : i32
        %dma_start3A_195 = tpu.memref_slice %arg8[%dma_start3A_193, %dma_start3A_194] : memref<168064x128xf32, #tpu.memory_space<hbm>> -> memref<168064x128xf32, #tpu.memory_space<hbm>>
        tpu.enqueue_indirect_dma source(%dma_start3A_189 : memref<128x128xf32, #tpu.memory_space<vmem>>) target(%dma_start3A_195 : memref<168064x128xf32, #tpu.memory_space<hbm>>) offsets(%dma_start3A_192 : memref<128xi32, #tpu.memory_space<vmem>>) semaphore(%arg12 : memref<!tpu.dma_semaphore, #tpu.memory_space<semaphore_mem>>)
        %mul3A_196 = arith.constant 3 : i32
        %mul3A_197 = arith.muli %scan3A_113, %mul3A_196 : i32
        %add3A_198 = arith.constant 1 : i32
        %add3A_199 = arith.addi %mul3A_197, %add3A_198 : i32
        %dma_start3A_200 = arith.constant 1 : i32
        %dma_start3A_201 = arith.constant 0 : i32
        %dma_start3A_202 = arith.constant 0 : i32
        %dma_start3A_203 = tpu.memref_slice %run_scoped3A[%rem3A_115, %dma_start3A_200, %dma_start3A_201, %dma_start3A_202] : memref<2x3x128x128xf32, #tpu.memory_space<vmem>> -> memref<1x1x128x128xf32, #tpu.memory_space<vmem>>
        %dma_start3A_204 = tpu.memref_squeeze %dma_start3A_203 : memref<1x1x128x128xf32, #tpu.memory_space<vmem>> -> memref<128x128xf32, #tpu.memory_space<vmem>>
        %dma_start3A_205 = arith.constant 0 : i32
        %dma_start3A_206 = tpu.memref_slice %arg10[%add3A_199, %dma_start3A_205] : memref<40x128xi32, #tpu.memory_space<vmem>> -> memref<1x128xi32, #tpu.memory_space<vmem>>
        %dma_start3A_207 = tpu.memref_squeeze %dma_start3A_206 : memref<1x128xi32, #tpu.memory_space<vmem>> -> memref<128xi32, #tpu.memory_space<vmem>>
        %dma_start3A_208 = arith.constant 0 : i32
        %dma_start3A_209 = arith.constant 0 : i32
        %dma_start3A_210 = tpu.memref_slice %arg8[%dma_start3A_208, %dma_start3A_209] : memref<168064x128xf32, #tpu.memory_space<hbm>> -> memref<168064x128xf32, #tpu.memory_space<hbm>>
        tpu.enqueue_indirect_dma source(%dma_start3A_204 : memref<128x128xf32, #tpu.memory_space<vmem>>) target(%dma_start3A_210 : memref<168064x128xf32, #tpu.memory_space<hbm>>) offsets(%dma_start3A_207 : memref<128xi32, #tpu.memory_space<vmem>>) semaphore(%arg12 : memref<!tpu.dma_semaphore, #tpu.memory_space<semaphore_mem>>)
        %mul3A_211 = arith.constant 3 : i32
        %mul3A_212 = arith.muli %scan3A_113, %mul3A_211 : i32
        %add3A_213 = arith.constant 2 : i32
        %add3A_214 = arith.addi %mul3A_212, %add3A_213 : i32
        %dma_start3A_215 = arith.constant 2 : i32
        %dma_start3A_216 = arith.constant 0 : i32
        %dma_start3A_217 = arith.constant 0 : i32
        %dma_start3A_218 = tpu.memref_slice %run_scoped3A[%rem3A_115, %dma_start3A_215, %dma_start3A_216, %dma_start3A_217] : memref<2x3x128x128xf32, #tpu.memory_space<vmem>> -> memref<1x1x128x128xf32, #tpu.memory_space<vmem>>
        %dma_start3A_219 = tpu.memref_squeeze %dma_start3A_218 : memref<1x1x128x128xf32, #tpu.memory_space<vmem>> -> memref<128x128xf32, #tpu.memory_space<vmem>>
        %dma_start3A_220 = arith.constant 0 : i32
        %dma_start3A_221 = tpu.memref_slice %arg10[%add3A_214, %dma_start3A_220] : memref<40x128xi32, #tpu.memory_space<vmem>> -> memref<1x128xi32, #tpu.memory_space<vmem>>
        %dma_start3A_222 = tpu.memref_squeeze %dma_start3A_221 : memref<1x128xi32, #tpu.memory_space<vmem>> -> memref<128xi32, #tpu.memory_space<vmem>>
        %dma_start3A_223 = arith.constant 0 : i32
        %dma_start3A_224 = arith.constant 0 : i32
        %dma_start3A_225 = tpu.memref_slice %arg8[%dma_start3A_223, %dma_start3A_224] : memref<168064x128xf32, #tpu.memory_space<hbm>> -> memref<168064x128xf32, #tpu.memory_space<hbm>>
        tpu.enqueue_indirect_dma source(%dma_start3A_219 : memref<128x128xf32, #tpu.memory_space<vmem>>) target(%dma_start3A_225 : memref<168064x128xf32, #tpu.memory_space<hbm>>) offsets(%dma_start3A_222 : memref<128xi32, #tpu.memory_space<vmem>>) semaphore(%arg12 : memref<!tpu.dma_semaphore, #tpu.memory_space<semaphore_mem>>)
        %dma_wait3A_226 = arith.constant 0 : i32
        %dma_wait3A_227 = arith.constant 0 : i32
        %dma_wait3A_228 = arith.constant 0 : i32
        %dma_wait3A_229 = tpu.memref_slice %run_scoped3A[%rem3A_115, %dma_wait3A_226, %dma_wait3A_227, %dma_wait3A_228] : memref<2x3x128x128xf32, #tpu.memory_space<vmem>> -> memref<1x1x128x128xf32, #tpu.memory_space<vmem>>
        %dma_wait3A_230 = tpu.memref_squeeze %dma_wait3A_229 : memref<1x1x128x128xf32, #tpu.memory_space<vmem>> -> memref<128x128xf32, #tpu.memory_space<vmem>>
        %dma_wait3A_231 = arith.constant 0 : i32
        %dma_wait3A_232 = tpu.memref_slice %arg10[%add3A_184, %dma_wait3A_231] : memref<40x128xi32, #tpu.memory_space<vmem>> -> memref<1x128xi32, #tpu.memory_space<vmem>>
        %dma_wait3A_233 = tpu.memref_squeeze %dma_wait3A_232 : memref<1x128xi32, #tpu.memory_space<vmem>> -> memref<128xi32, #tpu.memory_space<vmem>>
        %dma_wait3A_234 = arith.constant 0 : i32
        %dma_wait3A_235 = arith.constant 0 : i32
        %dma_wait3A_236 = tpu.memref_slice %arg8[%dma_wait3A_234, %dma_wait3A_235] : memref<168064x128xf32, #tpu.memory_space<hbm>> -> memref<168064x128xf32, #tpu.memory_space<hbm>>
        tpu.wait_indirect_dma semaphore(%arg12 : memref<!tpu.dma_semaphore, #tpu.memory_space<semaphore_mem>>) src(%dma_wait3A_230 : memref<128x128xf32, #tpu.memory_space<vmem>>) dst(%dma_wait3A_236 : memref<168064x128xf32, #tpu.memory_space<hbm>>)
        %dma_wait3A_237 = arith.constant 1 : i32
        %dma_wait3A_238 = arith.constant 0 : i32
        %dma_wait3A_239 = arith.constant 0 : i32
        %dma_wait3A_240 = tpu.memref_slice %run_scoped3A[%rem3A_115, %dma_wait3A_237, %dma_wait3A_238, %dma_wait3A_239] : memref<2x3x128x128xf32, #tpu.memory_space<vmem>> -> memref<1x1x128x128xf32, #tpu.memory_space<vmem>>
        %dma_wait3A_241 = tpu.memref_squeeze %dma_wait3A_240 : memref<1x1x128x128xf32, #tpu.memory_space<vmem>> -> memref<128x128xf32, #tpu.memory_space<vmem>>
        %dma_wait3A_242 = arith.constant 0 : i32
        %dma_wait3A_243 = tpu.memref_slice %arg10[%add3A_199, %dma_wait3A_242] : memref<40x128xi32, #tpu.memory_space<vmem>> -> memref<1x128xi32, #tpu.memory_space<vmem>>
        %dma_wait3A_244 = tpu.memref_squeeze %dma_wait3A_243 : memref<1x128xi32, #tpu.memory_space<vmem>> -> memref<128xi32, #tpu.memory_space<vmem>>
        %dma_wait3A_245 = arith.constant 0 : i32
        %dma_wait3A_246 = arith.constant 0 : i32
        %dma_wait3A_247 = tpu.memref_slice %arg8[%dma_wait3A_245, %dma_wait3A_246] : memref<168064x128xf32, #tpu.memory_space<hbm>> -> memref<168064x128xf32, #tpu.memory_space<hbm>>
        tpu.wait_indirect_dma semaphore(%arg12 : memref<!tpu.dma_semaphore, #tpu.memory_space<semaphore_mem>>) src(%dma_wait3A_241 : memref<128x128xf32, #tpu.memory_space<vmem>>) dst(%dma_wait3A_247 : memref<168064x128xf32, #tpu.memory_space<hbm>>)
        %dma_wait3A_248 = arith.constant 2 : i32
        %dma_wait3A_249 = arith.constant 0 : i32
        %dma_wait3A_250 = arith.constant 0 : i32
        %dma_wait3A_251 = tpu.memref_slice %run_scoped3A[%rem3A_115, %dma_wait3A_248, %dma_wait3A_249, %dma_wait3A_250] : memref<2x3x128x128xf32, #tpu.memory_space<vmem>> -> memref<1x1x128x128xf32, #tpu.memory_space<vmem>>
        %dma_wait3A_252 = tpu.memref_squeeze %dma_wait3A_251 : memref<1x1x128x128xf32, #tpu.memory_space<vmem>> -> memref<128x128xf32, #tpu.memory_space<vmem>>
        %dma_wait3A_253 = arith.constant 0 : i32
        %dma_wait3A_254 = tpu.memref_slice %arg10[%add3A_214, %dma_wait3A_253] : memref<40x128xi32, #tpu.memory_space<vmem>> -> memref<1x128xi32, #tpu.memory_space<vmem>>
        %dma_wait3A_255 = tpu.memref_squeeze %dma_wait3A_254 : memref<1x128xi32, #tpu.memory_space<vmem>> -> memref<128xi32, #tpu.memory_space<vmem>>
        %dma_wait3A_256 = arith.constant 0 : i32
        %dma_wait3A_257 = arith.constant 0 : i32
        %dma_wait3A_258 = tpu.memref_slice %arg8[%dma_wait3A_256, %dma_wait3A_257] : memref<168064x128xf32, #tpu.memory_space<hbm>> -> memref<168064x128xf32, #tpu.memory_space<hbm>>
        tpu.wait_indirect_dma semaphore(%arg12 : memref<!tpu.dma_semaphore, #tpu.memory_space<semaphore_mem>>) src(%dma_wait3A_252 : memref<128x128xf32, #tpu.memory_space<vmem>>) dst(%dma_wait3A_258 : memref<168064x128xf32, #tpu.memory_space<hbm>>)
      }
      %scan3A_57 = arith.constant 13 : i32
      %add3A_58 = arith.constant 4992 : i32
      %add3A_59 = arith.addi %mul3A_2, %add3A_58 : i32
      %dma_start3A_60 = arith.constant 0 : i32
      %dma_start3A_61 = arith.constant 0 : i32
      %dma_start3A_62 = arith.constant 0 : i32
      %dma_start3A_63 = arith.constant 0 : i32
      %dma_start3A_64 = tpu.memref_slice %run_scoped3A[%dma_start3A_60, %dma_start3A_61, %dma_start3A_62, %dma_start3A_63] : memref<2x3x128x128xf32, #tpu.memory_space<vmem>> -> memref<1x1x128x128xf32, #tpu.memory_space<vmem>>
      %dma_start3A_65 = tpu.memref_squeeze %dma_start3A_64 : memref<1x1x128x128xf32, #tpu.memory_space<vmem>> -> memref<128x128xf32, #tpu.memory_space<vmem>>
      %dma_start3A_66 = arith.constant 0 : i32
      %dma_start3A_67 = tpu.memref_slice %arg3[%add3A_59, %dma_start3A_66] : memref<163840x128xf32, #tpu.memory_space<hbm>> -> memref<128x128xf32, #tpu.memory_space<hbm>>
      %dma_start3A_68 = arith.constant 0 : i32
      %dma_start3A_69 = arith.constant 0 : i32
      %dma_start3A_70 = tpu.memref_slice %run_scoped3A[%dma_start3A_60, %dma_start3A_61, %dma_start3A_68, %dma_start3A_69] : memref<2x3x128x128xf32, #tpu.memory_space<vmem>> -> memref<1x1x128x128xf32, #tpu.memory_space<vmem>>
      %dma_start3A_71 = tpu.memref_squeeze %dma_start3A_70 : memref<1x1x128x128xf32, #tpu.memory_space<vmem>> -> memref<128x128xf32, #tpu.memory_space<vmem>>
      %dma_start3A_72 = arith.constant 0 : i32
      %dma_start3A_73 = tpu.memref_slice %arg3[%add3A_59, %dma_start3A_72] : memref<163840x128xf32, #tpu.memory_space<hbm>> -> memref<128x128xf32, #tpu.memory_space<hbm>>
      tpu.enqueue_dma source(%dma_start3A_73 : memref<128x128xf32, #tpu.memory_space<hbm>>) target(%dma_start3A_71 : memref<128x128xf32, #tpu.memory_space<vmem>>) target_semaphore(%arg11 : memref<!tpu.dma_semaphore, #tpu.memory_space<semaphore_mem>>)
      %dma_wait3A = arith.constant 0 : i32
      %dma_wait3A_74 = arith.constant 0 : i32
      %dma_wait3A_75 = arith.constant 0 : i32
      %dma_wait3A_76 = arith.constant 0 : i32
      %dma_wait3A_77 = tpu.memref_slice %run_scoped3A[%dma_wait3A, %dma_wait3A_74, %dma_wait3A_75, %dma_wait3A_76] : memref<2x3x128x128xf32, #tpu.memory_space<vmem>> -> memref<1x1x128x128xf32, #tpu.memory_space<vmem>>
      %dma_wait3A_78 = tpu.memref_squeeze %dma_wait3A_77 : memref<1x1x128x128xf32, #tpu.memory_space<vmem>> -> memref<128x128xf32, #tpu.memory_space<vmem>>
      %dma_wait3A_79 = arith.constant 0 : i32
      %dma_wait3A_80 = tpu.memref_slice %arg3[%add3A_59, %dma_wait3A_79] : memref<163840x128xf32, #tpu.memory_space<hbm>> -> memref<128x128xf32, #tpu.memory_space<hbm>>
      %dma_wait3A_81 = arith.constant 0 : i32
      %dma_wait3A_82 = arith.constant 0 : i32
      %dma_wait3A_83 = tpu.memref_slice %run_scoped3A[%dma_wait3A, %dma_wait3A_74, %dma_wait3A_81, %dma_wait3A_82] : memref<2x3x128x128xf32, #tpu.memory_space<vmem>> -> memref<1x1x128x128xf32, #tpu.memory_space<vmem>>
      %dma_wait3A_84 = tpu.memref_squeeze %dma_wait3A_83 : memref<1x1x128x128xf32, #tpu.memory_space<vmem>> -> memref<128x128xf32, #tpu.memory_space<vmem>>
      %dma_wait3A_85 = arith.constant 0 : i32
      %dma_wait3A_86 = tpu.memref_slice %arg3[%add3A_59, %dma_wait3A_85] : memref<163840x128xf32, #tpu.memory_space<hbm>> -> memref<128x128xf32, #tpu.memory_space<hbm>>
      tpu.wait_dma2 semaphore(%arg11 : memref<!tpu.dma_semaphore, #tpu.memory_space<semaphore_mem>>) src(%dma_wait3A_86 : memref<128x128xf32, #tpu.memory_space<hbm>>) dst(%dma_wait3A_84 : memref<128x128xf32, #tpu.memory_space<vmem>>)
      %dma_start3A_87 = arith.constant 0 : i32
      %dma_start3A_88 = arith.constant 0 : i32
      %dma_start3A_89 = arith.constant 39 : i32
      %dma_start3A_90 = arith.constant 0 : i32
      %dma_start3A_91 = arith.constant 0 : i32
      %dma_start3A_92 = tpu.memref_slice %run_scoped3A[%dma_start3A_87, %dma_start3A_88, %dma_start3A_90, %dma_start3A_91] : memref<2x3x128x128xf32, #tpu.memory_space<vmem>> -> memref<1x1x128x128xf32, #tpu.memory_space<vmem>>
      %dma_start3A_93 = tpu.memref_squeeze %dma_start3A_92 : memref<1x1x128x128xf32, #tpu.memory_space<vmem>> -> memref<128x128xf32, #tpu.memory_space<vmem>>
      %dma_start3A_94 = arith.constant 0 : i32
      %dma_start3A_95 = tpu.memref_slice %arg10[%dma_start3A_89, %dma_start3A_94] : memref<40x128xi32, #tpu.memory_space<vmem>> -> memref<1x128xi32, #tpu.memory_space<vmem>>
      %dma_start3A_96 = tpu.memref_squeeze %dma_start3A_95 : memref<1x128xi32, #tpu.memory_space<vmem>> -> memref<128xi32, #tpu.memory_space<vmem>>
      %dma_start3A_97 = arith.constant 0 : i32
      %dma_start3A_98 = arith.constant 0 : i32
      %dma_start3A_99 = tpu.memref_slice %arg8[%dma_start3A_97, %dma_start3A_98] : memref<168064x128xf32, #tpu.memory_space<hbm>> -> memref<168064x128xf32, #tpu.memory_space<hbm>>
      tpu.enqueue_indirect_dma source(%dma_start3A_93 : memref<128x128xf32, #tpu.memory_space<vmem>>) target(%dma_start3A_99 : memref<168064x128xf32, #tpu.memory_space<hbm>>) offsets(%dma_start3A_96 : memref<128xi32, #tpu.memory_space<vmem>>) semaphore(%arg12 : memref<!tpu.dma_semaphore, #tpu.memory_space<semaphore_mem>>)
      %dma_wait3A_100 = arith.constant 0 : i32
      %dma_wait3A_101 = arith.constant 0 : i32
      %dma_wait3A_102 = arith.constant 39 : i32
      %dma_wait3A_103 = arith.constant 0 : i32
      %dma_wait3A_104 = arith.constant 0 : i32
      %dma_wait3A_105 = tpu.memref_slice %run_scoped3A[%dma_wait3A_100, %dma_wait3A_101, %dma_wait3A_103, %dma_wait3A_104] : memref<2x3x128x128xf32, #tpu.memory_space<vmem>> -> memref<1x1x128x128xf32, #tpu.memory_space<vmem>>
      %dma_wait3A_106 = tpu.memref_squeeze %dma_wait3A_105 : memref<1x1x128x128xf32, #tpu.memory_space<vmem>> -> memref<128x128xf32, #tpu.memory_space<vmem>>
      %dma_wait3A_107 = arith.constant 0 : i32
      %dma_wait3A_108 = tpu.memref_slice %arg10[%dma_wait3A_102, %dma_wait3A_107] : memref<40x128xi32, #tpu.memory_space<vmem>> -> memref<1x128xi32, #tpu.memory_space<vmem>>
      %dma_wait3A_109 = tpu.memref_squeeze %dma_wait3A_108 : memref<1x128xi32, #tpu.memory_space<vmem>> -> memref<128xi32, #tpu.memory_space<vmem>>
      %dma_wait3A_110 = arith.constant 0 : i32
      %dma_wait3A_111 = arith.constant 0 : i32
      %dma_wait3A_112 = tpu.memref_slice %arg8[%dma_wait3A_110, %dma_wait3A_111] : memref<168064x128xf32, #tpu.memory_space<hbm>> -> memref<168064x128xf32, #tpu.memory_space<hbm>>
      tpu.wait_indirect_dma semaphore(%arg12 : memref<!tpu.dma_semaphore, #tpu.memory_space<semaphore_mem>>) src(%dma_wait3A_106 : memref<128x128xf32, #tpu.memory_space<vmem>>) dst(%dma_wait3A_112 : memref<168064x128xf32, #tpu.memory_space<hbm>>)
      tpu.yield
    }) : () -> ()
    "tpu.region"() ({
      %run_scoped3A = memref.alloca() : memref<10240xi32, #tpu.memory_space<vmem>>
      %run_scoped3A_7 = memref.alloca() : memref<80128xi32, #tpu.memory_space<vmem>>
      %run_scoped3A_8 = memref.alloca() : memref<10016xi32, #tpu.memory_space<vmem>>
      %run_scoped3A_9 = memref.alloca() : memref<512xi32, #tpu.memory_space<vmem>>
      %run_scoped3A_10 = arith.constant 1 : i32
      "tpu.region"() ({
        %run_scoped3A_19 = tpu.sem_alloc : memref<!tpu.dma_semaphore, #tpu.memory_space<semaphore_mem>>
        %dma_start3A = arith.constant 0 : i32
        %dma_start3A_20 = tpu.memref_slice %arg2[%run_scoped3A_10, %add3A, %dma_start3A] : memref<2x32x10240xi32, #tpu.memory_space<hbm>> -> memref<1x1x10240xi32, #tpu.memory_space<hbm>>
        %dma_start3A_21 = tpu.memref_squeeze %dma_start3A_20 : memref<1x1x10240xi32, #tpu.memory_space<hbm>> -> memref<10240xi32, #tpu.memory_space<hbm>>
        %dma_start3A_22 = arith.constant 0 : i32
        %dma_start3A_23 = tpu.memref_slice %arg2[%run_scoped3A_10, %add3A, %dma_start3A_22] : memref<2x32x10240xi32, #tpu.memory_space<hbm>> -> memref<1x1x10240xi32, #tpu.memory_space<hbm>>
        %dma_start3A_24 = tpu.memref_squeeze %dma_start3A_23 : memref<1x1x10240xi32, #tpu.memory_space<hbm>> -> memref<10240xi32, #tpu.memory_space<hbm>>
        tpu.enqueue_dma source(%dma_start3A_24 : memref<10240xi32, #tpu.memory_space<hbm>>) target(%run_scoped3A : memref<10240xi32, #tpu.memory_space<vmem>>) target_semaphore(%run_scoped3A_19 : memref<!tpu.dma_semaphore, #tpu.memory_space<semaphore_mem>>)
        %dma_wait3A = arith.constant 0 : i32
        %dma_wait3A_25 = tpu.memref_slice %arg2[%run_scoped3A_10, %add3A, %dma_wait3A] : memref<2x32x10240xi32, #tpu.memory_space<hbm>> -> memref<1x1x10240xi32, #tpu.memory_space<hbm>>
        %dma_wait3A_26 = tpu.memref_squeeze %dma_wait3A_25 : memref<1x1x10240xi32, #tpu.memory_space<hbm>> -> memref<10240xi32, #tpu.memory_space<hbm>>
        %dma_wait3A_27 = arith.constant 0 : i32
        %dma_wait3A_28 = tpu.memref_slice %arg2[%run_scoped3A_10, %add3A, %dma_wait3A_27] : memref<2x32x10240xi32, #tpu.memory_space<hbm>> -> memref<1x1x10240xi32, #tpu.memory_space<hbm>>
        %dma_wait3A_29 = tpu.memref_squeeze %dma_wait3A_28 : memref<1x1x10240xi32, #tpu.memory_space<hbm>> -> memref<10240xi32, #tpu.memory_space<hbm>>
        tpu.wait_dma2 semaphore(%run_scoped3A_19 : memref<!tpu.dma_semaphore, #tpu.memory_space<semaphore_mem>>) src(%dma_wait3A_29 : memref<10240xi32, #tpu.memory_space<hbm>>) dst(%run_scoped3A : memref<10240xi32, #tpu.memory_space<vmem>>)
        tpu.yield
      }) : () -> ()
      %run_scoped3A_11 = arith.constant 1 : i32
      "tpu.region"() ({
        %run_scoped3A_19 = tpu.sem_alloc : memref<!tpu.dma_semaphore, #tpu.memory_space<semaphore_mem>>
        %dma_start3A = arith.constant 0 : i32
        %dma_start3A_20 = tpu.memref_slice %arg5[%run_scoped3A_11, %add3A, %dma_start3A] : memref<2x32x80128xi32, #tpu.memory_space<hbm>> -> memref<1x1x80128xi32, #tpu.memory_space<hbm>>
        %dma_start3A_21 = tpu.memref_squeeze %dma_start3A_20 : memref<1x1x80128xi32, #tpu.memory_space<hbm>> -> memref<80128xi32, #tpu.memory_space<hbm>>
        %dma_start3A_22 = arith.constant 0 : i32
        %dma_start3A_23 = tpu.memref_slice %arg5[%run_scoped3A_11, %add3A, %dma_start3A_22] : memref<2x32x80128xi32, #tpu.memory_space<hbm>> -> memref<1x1x80128xi32, #tpu.memory_space<hbm>>
        %dma_start3A_24 = tpu.memref_squeeze %dma_start3A_23 : memref<1x1x80128xi32, #tpu.memory_space<hbm>> -> memref<80128xi32, #tpu.memory_space<hbm>>
        tpu.enqueue_dma source(%dma_start3A_24 : memref<80128xi32, #tpu.memory_space<hbm>>) target(%run_scoped3A_7 : memref<80128xi32, #tpu.memory_space<vmem>>) target_semaphore(%run_scoped3A_19 : memref<!tpu.dma_semaphore, #tpu.memory_space<semaphore_mem>>)
        %dma_wait3A = arith.constant 0 : i32
        %dma_wait3A_25 = tpu.memref_slice %arg5[%run_scoped3A_11, %add3A, %dma_wait3A] : memref<2x32x80128xi32, #tpu.memory_space<hbm>> -> memref<1x1x80128xi32, #tpu.memory_space<hbm>>
        %dma_wait3A_26 = tpu.memref_squeeze %dma_wait3A_25 : memref<1x1x80128xi32, #tpu.memory_space<hbm>> -> memref<80128xi32, #tpu.memory_space<hbm>>
        %dma_wait3A_27 = arith.constant 0 : i32
        %dma_wait3A_28 = tpu.memref_slice %arg5[%run_scoped3A_11, %add3A, %dma_wait3A_27] : memref<2x32x80128xi32, #tpu.memory_space<hbm>> -> memref<1x1x80128xi32, #tpu.memory_space<hbm>>
        %dma_wait3A_29 = tpu.memref_squeeze %dma_wait3A_28 : memref<1x1x80128xi32, #tpu.memory_space<hbm>> -> memref<80128xi32, #tpu.memory_space<hbm>>
        tpu.wait_dma2 semaphore(%run_scoped3A_19 : memref<!tpu.dma_semaphore, #tpu.memory_space<semaphore_mem>>) src(%dma_wait3A_29 : memref<80128xi32, #tpu.memory_space<hbm>>) dst(%run_scoped3A_7 : memref<80128xi32, #tpu.memory_space<vmem>>)
        tpu.yield
      }) : () -> ()
      %run_scoped3A_12 = arith.constant 1 : i32
      "tpu.region"() ({
        %run_scoped3A_19 = tpu.sem_alloc : memref<!tpu.dma_semaphore, #tpu.memory_space<semaphore_mem>>
        %dma_start3A = arith.constant 0 : i32
        %dma_start3A_20 = tpu.memref_slice %arg6[%run_scoped3A_12, %dma_start3A] : memref<2x10016xi32, #tpu.memory_space<hbm>> -> memref<1x10016xi32, #tpu.memory_space<hbm>>
        %dma_start3A_21 = tpu.memref_squeeze %dma_start3A_20 : memref<1x10016xi32, #tpu.memory_space<hbm>> -> memref<10016xi32, #tpu.memory_space<hbm>>
        %dma_start3A_22 = arith.constant 0 : i32
        %dma_start3A_23 = tpu.memref_slice %arg6[%run_scoped3A_12, %dma_start3A_22] : memref<2x10016xi32, #tpu.memory_space<hbm>> -> memref<1x10016xi32, #tpu.memory_space<hbm>>
        %dma_start3A_24 = tpu.memref_squeeze %dma_start3A_23 : memref<1x10016xi32, #tpu.memory_space<hbm>> -> memref<10016xi32, #tpu.memory_space<hbm>>
        tpu.enqueue_dma source(%dma_start3A_24 : memref<10016xi32, #tpu.memory_space<hbm>>) target(%run_scoped3A_8 : memref<10016xi32, #tpu.memory_space<vmem>>) target_semaphore(%run_scoped3A_19 : memref<!tpu.dma_semaphore, #tpu.memory_space<semaphore_mem>>)
        %dma_wait3A = arith.constant 0 : i32
        %dma_wait3A_25 = tpu.memref_slice %arg6[%run_scoped3A_12, %dma_wait3A] : memref<2x10016xi32, #tpu.memory_space<hbm>> -> memref<1x10016xi32, #tpu.memory_space<hbm>>
        %dma_wait3A_26 = tpu.memref_squeeze %dma_wait3A_25 : memref<1x10016xi32, #tpu.memory_space<hbm>> -> memref<10016xi32, #tpu.memory_space<hbm>>
        %dma_wait3A_27 = arith.constant 0 : i32
        %dma_wait3A_28 = tpu.memref_slice %arg6[%run_scoped3A_12, %dma_wait3A_27] : memref<2x10016xi32, #tpu.memory_space<hbm>> -> memref<1x10016xi32, #tpu.memory_space<hbm>>
        %dma_wait3A_29 = tpu.memref_squeeze %dma_wait3A_28 : memref<1x10016xi32, #tpu.memory_space<hbm>> -> memref<10016xi32, #tpu.memory_space<hbm>>
        tpu.wait_dma2 semaphore(%run_scoped3A_19 : memref<!tpu.dma_semaphore, #tpu.memory_space<semaphore_mem>>) src(%dma_wait3A_29 : memref<10016xi32, #tpu.memory_space<hbm>>) dst(%run_scoped3A_8 : memref<10016xi32, #tpu.memory_space<vmem>>)
        tpu.yield
      }) : () -> ()
      %run_scoped3A_13 = arith.constant 1 : i32
      "tpu.region"() ({
        %run_scoped3A_19 = tpu.sem_alloc : memref<!tpu.dma_semaphore, #tpu.memory_space<semaphore_mem>>
        %dma_start3A = arith.constant 0 : i32
        %dma_start3A_20 = tpu.memref_slice %arg7[%run_scoped3A_13, %dma_start3A] : memref<2x512xi32, #tpu.memory_space<hbm>> -> memref<1x512xi32, #tpu.memory_space<hbm>>
        %dma_start3A_21 = tpu.memref_squeeze %dma_start3A_20 : memref<1x512xi32, #tpu.memory_space<hbm>> -> memref<512xi32, #tpu.memory_space<hbm>>
        %dma_start3A_22 = arith.constant 0 : i32
        %dma_start3A_23 = tpu.memref_slice %arg7[%run_scoped3A_13, %dma_start3A_22] : memref<2x512xi32, #tpu.memory_space<hbm>> -> memref<1x512xi32, #tpu.memory_space<hbm>>
        %dma_start3A_24 = tpu.memref_squeeze %dma_start3A_23 : memref<1x512xi32, #tpu.memory_space<hbm>> -> memref<512xi32, #tpu.memory_space<hbm>>
        tpu.enqueue_dma source(%dma_start3A_24 : memref<512xi32, #tpu.memory_space<hbm>>) target(%run_scoped3A_9 : memref<512xi32, #tpu.memory_space<vmem>>) target_semaphore(%run_scoped3A_19 : memref<!tpu.dma_semaphore, #tpu.memory_space<semaphore_mem>>)
        %dma_wait3A = arith.constant 0 : i32
        %dma_wait3A_25 = tpu.memref_slice %arg7[%run_scoped3A_13, %dma_wait3A] : memref<2x512xi32, #tpu.memory_space<hbm>> -> memref<1x512xi32, #tpu.memory_space<hbm>>
        %dma_wait3A_26 = tpu.memref_squeeze %dma_wait3A_25 : memref<1x512xi32, #tpu.memory_space<hbm>> -> memref<512xi32, #tpu.memory_space<hbm>>
        %dma_wait3A_27 = arith.constant 0 : i32
        %dma_wait3A_28 = tpu.memref_slice %arg7[%run_scoped3A_13, %dma_wait3A_27] : memref<2x512xi32, #tpu.memory_space<hbm>> -> memref<1x512xi32, #tpu.memory_space<hbm>>
        %dma_wait3A_29 = tpu.memref_squeeze %dma_wait3A_28 : memref<1x512xi32, #tpu.memory_space<hbm>> -> memref<512xi32, #tpu.memory_space<hbm>>
        tpu.wait_dma2 semaphore(%run_scoped3A_19 : memref<!tpu.dma_semaphore, #tpu.memory_space<semaphore_mem>>) src(%dma_wait3A_29 : memref<512xi32, #tpu.memory_space<hbm>>) dst(%run_scoped3A_9 : memref<512xi32, #tpu.memory_space<vmem>>)
        tpu.yield
      }) : () -> ()
      %scan3A = arith.constant 0 : i32
      %scan3A_14 = arith.constant 0 : i32
      %scan3A_15 = arith.constant 640 : i32
      %scan3A_16 = arith.addi %scan3A_14, %scan3A_15 : i32
      %scan3A_17 = arith.constant 1 : i32
      scf.for %scan3A_19 = %scan3A_14 to %scan3A_16 step %scan3A_17  : i32 {
        %mul3A_20 = arith.constant 16 : i32
        %mul3A_21 = arith.muli %scan3A_19, %mul3A_20 : i32
        %get3A = arith.index_cast %mul3A_21 : i32 to index
        %get3A_22 = tpu.vector_load %run_scoped3A[%get3A] {strides = array<i32>} : memref<10240xi32, #tpu.memory_space<vmem>>, vector<16xi32>,
        %mul3A_23 = arith.constant 8 : i32
        %mul3A_24 = vector.broadcast %mul3A_23 : i32 to vector<16xi32>
        %mul3A_25 = arith.muli %get3A_22, %mul3A_24 : vector<16xi32>
        %add3A_26 = arith.addi %mul3A_25, %and3A_6 : vector<16xi32>
        %gather3A = tpu.vector_load_idx %run_scoped3A_7[%add3A_26] : memref<80128xi32, #tpu.memory_space<vmem>>[vector<16xi32>], vector<16xi32>,
        %add3A_27 = arith.constant 1 : i32
        %add3A_28 = vector.broadcast %add3A_27 : i32 to vector<16xi32>
        %add3A_29 = arith.addi %gather3A, %add3A_28 : vector<16xi32>
        tpu.vector_store_idx %run_scoped3A_7[%add3A_26], %add3A_29 masked %lt3A_4 : memref<80128xi32, #tpu.memory_space<vmem>>[vector<16xi32>], vector<16xi32>, vector<16xi1>
        %min3A = arith.constant 511 : i32
        %min3A_30 = vector.broadcast %min3A : i32 to vector<16xi32>
        %min3A_31 = arith.minsi %gather3A, %min3A_30 : vector<16xi32>
        %gather3A_32 = tpu.vector_load_idx %run_scoped3A_9[%min3A_31] : memref<512xi32, #tpu.memory_space<vmem>>[vector<16xi32>], vector<16xi32>,
        %gather3A_33 = tpu.vector_load_idx %run_scoped3A_8[%get3A_22] : memref<10016xi32, #tpu.memory_space<vmem>>[vector<16xi32>], vector<16xi32>,
        %mul3A_34 = arith.constant 640 : i32
        %mul3A_35 = vector.broadcast %mul3A_34 : i32 to vector<16xi32>
        %mul3A_36 = arith.muli %and3A_6, %mul3A_35 : vector<16xi32>
        %add3A_37 = vector.broadcast %scan3A_19 : i32 to vector<16xi32>
        %add3A_38 = arith.addi %mul3A_36, %add3A_37 : vector<16xi32>
        %add3A_39 = vector.broadcast %mul3A_2 : i32 to vector<16xi32>
        %add3A_40 = arith.addi %add3A_39, %add3A_38 : vector<16xi32>
        %and3A_41 = arith.constant 127 : i32
        %and3A_42 = vector.broadcast %and3A_41 : i32 to vector<16xi32>
        %and3A_43 = arith.andi %add3A_38, %and3A_42 : vector<16xi32>
        %add3A_44 = arith.constant 167936 : i32
        %add3A_45 = vector.broadcast %add3A_44 : i32 to vector<16xi32>
        %add3A_46 = arith.addi %add3A_45, %and3A_43 : vector<16xi32>
        %lt3A_47 = arith.constant 160000 : i32
        %lt3A_48 = vector.broadcast %lt3A_47 : i32 to vector<16xi32>
        %lt3A_49 = arith.cmpi slt, %add3A_40, %lt3A_48 : vector<16xi32>
        %add3A_50 = arith.addi %gather3A_32, %gather3A_33 : vector<16xi32>
        %select_n3A = arith.select %lt3A_49, %add3A_50, %add3A_46 : vector<16xi1>, vector<16xi32>
        %shift_right_logical3A = arith.constant 7 : i32
        %shift_right_logical3A_51 = vector.broadcast %shift_right_logical3A : i32 to vector<16xi32>
        %shift_right_logical3A_52 = arith.shrui %add3A_38, %shift_right_logical3A_51 : vector<16xi32>
        %and3A_53 = arith.constant 127 : i32
        %and3A_54 = vector.broadcast %and3A_53 : i32 to vector<16xi32>
        %and3A_55 = arith.andi %add3A_38, %and3A_54 : vector<16xi32>
        tpu.vector_store_idx %arg10[%shift_right_logical3A_52, %and3A_55], %select_n3A masked %lt3A_4 : memref<40x128xi32, #tpu.memory_space<vmem>>[vector<16xi32>, vector<16xi32>], vector<16xi32>, vector<16xi1>
      }
      %scan3A_18 = arith.constant 640 : i32
      tpu.yield
    }) : () -> ()
    "tpu.region"() ({
      %run_scoped3A = memref.alloca() : memref<2x3x128x128xf32, #tpu.memory_space<vmem>>
      %rem3A = arith.constant 0 : i32
      %rem3A_7 = arith.constant 2 : i32
      %rem3A_8 = arith.remsi %rem3A, %rem3A_7 : i32
      %add3A_9 = arith.constant 0 : i32
      %add3A_10 = arith.addi %mul3A_2, %add3A_9 : i32
      %dma_start3A = arith.constant 0 : i32
      %dma_start3A_11 = arith.constant 0 : i32
      %dma_start3A_12 = arith.constant 0 : i32
      %dma_start3A_13 = tpu.memref_slice %run_scoped3A[%rem3A_8, %dma_start3A, %dma_start3A_11, %dma_start3A_12] : memref<2x3x128x128xf32, #tpu.memory_space<vmem>> -> memref<1x1x128x128xf32, #tpu.memory_space<vmem>>
      %dma_start3A_14 = tpu.memref_squeeze %dma_start3A_13 : memref<1x1x128x128xf32, #tpu.memory_space<vmem>> -> memref<128x128xf32, #tpu.memory_space<vmem>>
      %dma_start3A_15 = arith.constant 0 : i32
      %dma_start3A_16 = tpu.memref_slice %arg4[%add3A_10, %dma_start3A_15] : memref<163840x128xf32, #tpu.memory_space<hbm>> -> memref<128x128xf32, #tpu.memory_space<hbm>>
      %dma_start3A_17 = arith.constant 0 : i32
      %dma_start3A_18 = arith.constant 0 : i32
      %dma_start3A_19 = tpu.memref_slice %run_scoped3A[%rem3A_8, %dma_start3A, %dma_start3A_17, %dma_start3A_18] : memref<2x3x128x128xf32, #tpu.memory_space<vmem>> -> memref<1x1x128x128xf32, #tpu.memory_space<vmem>>
      %dma_start3A_20 = tpu.memref_squeeze %dma_start3A_19 : memref<1x1x128x128xf32, #tpu.memory_space<vmem>> -> memref<128x128xf32, #tpu.memory_space<vmem>>
      %dma_start3A_21 = arith.constant 0 : i32
      %dma_start3A_22 = tpu.memref_slice %arg4[%add3A_10, %dma_start3A_21] : memref<163840x128xf32, #tpu.memory_space<hbm>> -> memref<128x128xf32, #tpu.memory_space<hbm>>
      tpu.enqueue_dma source(%dma_start3A_22 : memref<128x128xf32, #tpu.memory_space<hbm>>) target(%dma_start3A_20 : memref<128x128xf32, #tpu.memory_space<vmem>>) target_semaphore(%arg11 : memref<!tpu.dma_semaphore, #tpu.memory_space<semaphore_mem>>)
      %add3A_23 = arith.constant 128 : i32
      %add3A_24 = arith.addi %mul3A_2, %add3A_23 : i32
      %dma_start3A_25 = arith.constant 1 : i32
      %dma_start3A_26 = arith.constant 0 : i32
      %dma_start3A_27 = arith.constant 0 : i32
      %dma_start3A_28 = tpu.memref_slice %run_scoped3A[%rem3A_8, %dma_start3A_25, %dma_start3A_26, %dma_start3A_27] : memref<2x3x128x128xf32, #tpu.memory_space<vmem>> -> memref<1x1x128x128xf32, #tpu.memory_space<vmem>>
      %dma_start3A_29 = tpu.memref_squeeze %dma_start3A_28 : memref<1x1x128x128xf32, #tpu.memory_space<vmem>> -> memref<128x128xf32, #tpu.memory_space<vmem>>
      %dma_start3A_30 = arith.constant 0 : i32
      %dma_start3A_31 = tpu.memref_slice %arg4[%add3A_24, %dma_start3A_30] : memref<163840x128xf32, #tpu.memory_space<hbm>> -> memref<128x128xf32, #tpu.memory_space<hbm>>
      %dma_start3A_32 = arith.constant 0 : i32
      %dma_start3A_33 = arith.constant 0 : i32
      %dma_start3A_34 = tpu.memref_slice %run_scoped3A[%rem3A_8, %dma_start3A_25, %dma_start3A_32, %dma_start3A_33] : memref<2x3x128x128xf32, #tpu.memory_space<vmem>> -> memref<1x1x128x128xf32, #tpu.memory_space<vmem>>
      %dma_start3A_35 = tpu.memref_squeeze %dma_start3A_34 : memref<1x1x128x128xf32, #tpu.memory_space<vmem>> -> memref<128x128xf32, #tpu.memory_space<vmem>>
      %dma_start3A_36 = arith.constant 0 : i32
      %dma_start3A_37 = tpu.memref_slice %arg4[%add3A_24, %dma_start3A_36] : memref<163840x128xf32, #tpu.memory_space<hbm>> -> memref<128x128xf32, #tpu.memory_space<hbm>>
      tpu.enqueue_dma source(%dma_start3A_37 : memref<128x128xf32, #tpu.memory_space<hbm>>) target(%dma_start3A_35 : memref<128x128xf32, #tpu.memory_space<vmem>>) target_semaphore(%arg11 : memref<!tpu.dma_semaphore, #tpu.memory_space<semaphore_mem>>)
      %add3A_38 = arith.constant 256 : i32
      %add3A_39 = arith.addi %mul3A_2, %add3A_38 : i32
      %dma_start3A_40 = arith.constant 2 : i32
      %dma_start3A_41 = arith.constant 0 : i32
      %dma_start3A_42 = arith.constant 0 : i32
      %dma_start3A_43 = tpu.memref_slice %run_scoped3A[%rem3A_8, %dma_start3A_40, %dma_start3A_41, %dma_start3A_42] : memref<2x3x128x128xf32, #tpu.memory_space<vmem>> -> memref<1x1x128x128xf32, #tpu.memory_space<vmem>>
      %dma_start3A_44 = tpu.memref_squeeze %dma_start3A_43 : memref<1x1x128x128xf32, #tpu.memory_space<vmem>> -> memref<128x128xf32, #tpu.memory_space<vmem>>
      %dma_start3A_45 = arith.constant 0 : i32
      %dma_start3A_46 = tpu.memref_slice %arg4[%add3A_39, %dma_start3A_45] : memref<163840x128xf32, #tpu.memory_space<hbm>> -> memref<128x128xf32, #tpu.memory_space<hbm>>
      %dma_start3A_47 = arith.constant 0 : i32
      %dma_start3A_48 = arith.constant 0 : i32
      %dma_start3A_49 = tpu.memref_slice %run_scoped3A[%rem3A_8, %dma_start3A_40, %dma_start3A_47, %dma_start3A_48] : memref<2x3x128x128xf32, #tpu.memory_space<vmem>> -> memref<1x1x128x128xf32, #tpu.memory_space<vmem>>
      %dma_start3A_50 = tpu.memref_squeeze %dma_start3A_49 : memref<1x1x128x128xf32, #tpu.memory_space<vmem>> -> memref<128x128xf32, #tpu.memory_space<vmem>>
      %dma_start3A_51 = arith.constant 0 : i32
      %dma_start3A_52 = tpu.memref_slice %arg4[%add3A_39, %dma_start3A_51] : memref<163840x128xf32, #tpu.memory_space<hbm>> -> memref<128x128xf32, #tpu.memory_space<hbm>>
      tpu.enqueue_dma source(%dma_start3A_52 : memref<128x128xf32, #tpu.memory_space<hbm>>) target(%dma_start3A_50 : memref<128x128xf32, #tpu.memory_space<vmem>>) target_semaphore(%arg11 : memref<!tpu.dma_semaphore, #tpu.memory_space<semaphore_mem>>)
      %scan3A = arith.constant 0 : i32
      %scan3A_53 = arith.constant 0 : i32
      %scan3A_54 = arith.constant 13 : i32
      %scan3A_55 = arith.addi %scan3A_53, %scan3A_54 : i32
      %scan3A_56 = arith.constant 1 : i32
      scf.for %scan3A_113 = %scan3A_53 to %scan3A_55 step %scan3A_56  : i32 {
        %rem3A_114 = arith.constant 2 : i32
        %rem3A_115 = arith.remsi %scan3A_113, %rem3A_114 : i32
        %add3A_116 = arith.constant 1 : i32
        %add3A_117 = arith.addi %scan3A_113, %add3A_116 : i32
        %lt3A_118 = arith.constant 13 : i32
        %lt3A_119 = arith.cmpi slt, %add3A_117, %lt3A_118 : i32
        %convert_element_type3A = arith.extui %lt3A_119 : i1 to i32
        %cond3A = arith.constant 0 : i32
        %cond3A_120 = arith.cmpi ne, %convert_element_type3A, %cond3A : i32
        scf.if %cond3A_120 {
          %add3A_259 = arith.constant 1 : i32
          %add3A_260 = arith.addi %scan3A_113, %add3A_259 : i32
          %rem3A_261 = arith.constant 2 : i32
          %rem3A_262 = arith.remsi %add3A_260, %rem3A_261 : i32
          %mul3A_263 = arith.constant 3 : i32
          %mul3A_264 = arith.muli %add3A_260, %mul3A_263 : i32
          %add3A_265 = arith.constant 0 : i32
          %add3A_266 = arith.addi %mul3A_264, %add3A_265 : i32
          %mul3A_267 = arith.constant 128 : i32
          %mul3A_268 = arith.muli %add3A_266, %mul3A_267 : i32
          %add3A_269 = arith.addi %mul3A_2, %mul3A_268 : i32
          %dma_start3A_270 = arith.constant 0 : i32
          %dma_start3A_271 = arith.constant 0 : i32
          %dma_start3A_272 = arith.constant 0 : i32
          %dma_start3A_273 = tpu.memref_slice %run_scoped3A[%rem3A_262, %dma_start3A_270, %dma_start3A_271, %dma_start3A_272] : memref<2x3x128x128xf32, #tpu.memory_space<vmem>> -> memref<1x1x128x128xf32, #tpu.memory_space<vmem>>
          %dma_start3A_274 = tpu.memref_squeeze %dma_start3A_273 : memref<1x1x128x128xf32, #tpu.memory_space<vmem>> -> memref<128x128xf32, #tpu.memory_space<vmem>>
          %dma_start3A_275 = arith.constant 0 : i32
          %dma_start3A_276 = tpu.memref_slice %arg4[%add3A_269, %dma_start3A_275] : memref<163840x128xf32, #tpu.memory_space<hbm>> -> memref<128x128xf32, #tpu.memory_space<hbm>>
          %dma_start3A_277 = arith.constant 0 : i32
          %dma_start3A_278 = arith.constant 0 : i32
          %dma_start3A_279 = tpu.memref_slice %run_scoped3A[%rem3A_262, %dma_start3A_270, %dma_start3A_277, %dma_start3A_278] : memref<2x3x128x128xf32, #tpu.memory_space<vmem>> -> memref<1x1x128x128xf32, #tpu.memory_space<vmem>>
          %dma_start3A_280 = tpu.memref_squeeze %dma_start3A_279 : memref<1x1x128x128xf32, #tpu.memory_space<vmem>> -> memref<128x128xf32, #tpu.memory_space<vmem>>
          %dma_start3A_281 = arith.constant 0 : i32
          %dma_start3A_282 = tpu.memref_slice %arg4[%add3A_269, %dma_start3A_281] : memref<163840x128xf32, #tpu.memory_space<hbm>> -> memref<128x128xf32, #tpu.memory_space<hbm>>
          tpu.enqueue_dma source(%dma_start3A_282 : memref<128x128xf32, #tpu.memory_space<hbm>>) target(%dma_start3A_280 : memref<128x128xf32, #tpu.memory_space<vmem>>) target_semaphore(%arg11 : memref<!tpu.dma_semaphore, #tpu.memory_space<semaphore_mem>>)
          %mul3A_283 = arith.constant 3 : i32
          %mul3A_284 = arith.muli %add3A_260, %mul3A_283 : i32
          %add3A_285 = arith.constant 1 : i32
          %add3A_286 = arith.addi %mul3A_284, %add3A_285 : i32
          %mul3A_287 = arith.constant 128 : i32
          %mul3A_288 = arith.muli %add3A_286, %mul3A_287 : i32
          %add3A_289 = arith.addi %mul3A_2, %mul3A_288 : i32
          %dma_start3A_290 = arith.constant 1 : i32
          %dma_start3A_291 = arith.constant 0 : i32
          %dma_start3A_292 = arith.constant 0 : i32
          %dma_start3A_293 = tpu.memref_slice %run_scoped3A[%rem3A_262, %dma_start3A_290, %dma_start3A_291, %dma_start3A_292] : memref<2x3x128x128xf32, #tpu.memory_space<vmem>> -> memref<1x1x128x128xf32, #tpu.memory_space<vmem>>
          %dma_start3A_294 = tpu.memref_squeeze %dma_start3A_293 : memref<1x1x128x128xf32, #tpu.memory_space<vmem>> -> memref<128x128xf32, #tpu.memory_space<vmem>>
          %dma_start3A_295 = arith.constant 0 : i32
          %dma_start3A_296 = tpu.memref_slice %arg4[%add3A_289, %dma_start3A_295] : memref<163840x128xf32, #tpu.memory_space<hbm>> -> memref<128x128xf32, #tpu.memory_space<hbm>>
          %dma_start3A_297 = arith.constant 0 : i32
          %dma_start3A_298 = arith.constant 0 : i32
          %dma_start3A_299 = tpu.memref_slice %run_scoped3A[%rem3A_262, %dma_start3A_290, %dma_start3A_297, %dma_start3A_298] : memref<2x3x128x128xf32, #tpu.memory_space<vmem>> -> memref<1x1x128x128xf32, #tpu.memory_space<vmem>>
          %dma_start3A_300 = tpu.memref_squeeze %dma_start3A_299 : memref<1x1x128x128xf32, #tpu.memory_space<vmem>> -> memref<128x128xf32, #tpu.memory_space<vmem>>
          %dma_start3A_301 = arith.constant 0 : i32
          %dma_start3A_302 = tpu.memref_slice %arg4[%add3A_289, %dma_start3A_301] : memref<163840x128xf32, #tpu.memory_space<hbm>> -> memref<128x128xf32, #tpu.memory_space<hbm>>
          tpu.enqueue_dma source(%dma_start3A_302 : memref<128x128xf32, #tpu.memory_space<hbm>>) target(%dma_start3A_300 : memref<128x128xf32, #tpu.memory_space<vmem>>) target_semaphore(%arg11 : memref<!tpu.dma_semaphore, #tpu.memory_space<semaphore_mem>>)
          %mul3A_303 = arith.constant 3 : i32
          %mul3A_304 = arith.muli %add3A_260, %mul3A_303 : i32
          %add3A_305 = arith.constant 2 : i32
          %add3A_306 = arith.addi %mul3A_304, %add3A_305 : i32
          %mul3A_307 = arith.constant 128 : i32
          %mul3A_308 = arith.muli %add3A_306, %mul3A_307 : i32
          %add3A_309 = arith.addi %mul3A_2, %mul3A_308 : i32
          %dma_start3A_310 = arith.constant 2 : i32
          %dma_start3A_311 = arith.constant 0 : i32
          %dma_start3A_312 = arith.constant 0 : i32
          %dma_start3A_313 = tpu.memref_slice %run_scoped3A[%rem3A_262, %dma_start3A_310, %dma_start3A_311, %dma_start3A_312] : memref<2x3x128x128xf32, #tpu.memory_space<vmem>> -> memref<1x1x128x128xf32, #tpu.memory_space<vmem>>
          %dma_start3A_314 = tpu.memref_squeeze %dma_start3A_313 : memref<1x1x128x128xf32, #tpu.memory_space<vmem>> -> memref<128x128xf32, #tpu.memory_space<vmem>>
          %dma_start3A_315 = arith.constant 0 : i32
          %dma_start3A_316 = tpu.memref_slice %arg4[%add3A_309, %dma_start3A_315] : memref<163840x128xf32, #tpu.memory_space<hbm>> -> memref<128x128xf32, #tpu.memory_space<hbm>>
          %dma_start3A_317 = arith.constant 0 : i32
          %dma_start3A_318 = arith.constant 0 : i32
          %dma_start3A_319 = tpu.memref_slice %run_scoped3A[%rem3A_262, %dma_start3A_310, %dma_start3A_317, %dma_start3A_318] : memref<2x3x128x128xf32, #tpu.memory_space<vmem>> -> memref<1x1x128x128xf32, #tpu.memory_space<vmem>>
          %dma_start3A_320 = tpu.memref_squeeze %dma_start3A_319 : memref<1x1x128x128xf32, #tpu.memory_space<vmem>> -> memref<128x128xf32, #tpu.memory_space<vmem>>
          %dma_start3A_321 = arith.constant 0 : i32
          %dma_start3A_322 = tpu.memref_slice %arg4[%add3A_309, %dma_start3A_321] : memref<163840x128xf32, #tpu.memory_space<hbm>> -> memref<128x128xf32, #tpu.memory_space<hbm>>
          tpu.enqueue_dma source(%dma_start3A_322 : memref<128x128xf32, #tpu.memory_space<hbm>>) target(%dma_start3A_320 : memref<128x128xf32, #tpu.memory_space<vmem>>) target_semaphore(%arg11 : memref<!tpu.dma_semaphore, #tpu.memory_space<semaphore_mem>>)
        } else {
        }
        %mul3A_121 = arith.constant 3 : i32
        %mul3A_122 = arith.muli %scan3A_113, %mul3A_121 : i32
        %add3A_123 = arith.constant 0 : i32
        %add3A_124 = arith.addi %mul3A_122, %add3A_123 : i32
        %mul3A_125 = arith.constant 128 : i32
        %mul3A_126 = arith.muli %add3A_124, %mul3A_125 : i32
        %add3A_127 = arith.addi %mul3A_2, %mul3A_126 : i32
        %dma_wait3A_128 = arith.constant 0 : i32
        %dma_wait3A_129 = arith.constant 0 : i32
        %dma_wait3A_130 = arith.constant 0 : i32
        %dma_wait3A_131 = tpu.memref_slice %run_scoped3A[%rem3A_115, %dma_wait3A_128, %dma_wait3A_129, %dma_wait3A_130] : memref<2x3x128x128xf32, #tpu.memory_space<vmem>> -> memref<1x1x128x128xf32, #tpu.memory_space<vmem>>
        %dma_wait3A_132 = tpu.memref_squeeze %dma_wait3A_131 : memref<1x1x128x128xf32, #tpu.memory_space<vmem>> -> memref<128x128xf32, #tpu.memory_space<vmem>>
        %dma_wait3A_133 = arith.constant 0 : i32
        %dma_wait3A_134 = tpu.memref_slice %arg4[%add3A_127, %dma_wait3A_133] : memref<163840x128xf32, #tpu.memory_space<hbm>> -> memref<128x128xf32, #tpu.memory_space<hbm>>
        %dma_wait3A_135 = arith.constant 0 : i32
        %dma_wait3A_136 = arith.constant 0 : i32
        %dma_wait3A_137 = tpu.memref_slice %run_scoped3A[%rem3A_115, %dma_wait3A_128, %dma_wait3A_135, %dma_wait3A_136] : memref<2x3x128x128xf32, #tpu.memory_space<vmem>> -> memref<1x1x128x128xf32, #tpu.memory_space<vmem>>
        %dma_wait3A_138 = tpu.memref_squeeze %dma_wait3A_137 : memref<1x1x128x128xf32, #tpu.memory_space<vmem>> -> memref<128x128xf32, #tpu.memory_space<vmem>>
        %dma_wait3A_139 = arith.constant 0 : i32
        %dma_wait3A_140 = tpu.memref_slice %arg4[%add3A_127, %dma_wait3A_139] : memref<163840x128xf32, #tpu.memory_space<hbm>> -> memref<128x128xf32, #tpu.memory_space<hbm>>
        tpu.wait_dma2 semaphore(%arg11 : memref<!tpu.dma_semaphore, #tpu.memory_space<semaphore_mem>>) src(%dma_wait3A_140 : memref<128x128xf32, #tpu.memory_space<hbm>>) dst(%dma_wait3A_138 : memref<128x128xf32, #tpu.memory_space<vmem>>)
        %mul3A_141 = arith.constant 3 : i32
        %mul3A_142 = arith.muli %scan3A_113, %mul3A_141 : i32
        %add3A_143 = arith.constant 1 : i32
        %add3A_144 = arith.addi %mul3A_142, %add3A_143 : i32
        %mul3A_145 = arith.constant 128 : i32
        %mul3A_146 = arith.muli %add3A_144, %mul3A_145 : i32
        %add3A_147 = arith.addi %mul3A_2, %mul3A_146 : i32
        %dma_wait3A_148 = arith.constant 1 : i32
        %dma_wait3A_149 = arith.constant 0 : i32
        %dma_wait3A_150 = arith.constant 0 : i32
        %dma_wait3A_151 = tpu.memref_slice %run_scoped3A[%rem3A_115, %dma_wait3A_148, %dma_wait3A_149, %dma_wait3A_150] : memref<2x3x128x128xf32, #tpu.memory_space<vmem>> -> memref<1x1x128x128xf32, #tpu.memory_space<vmem>>
        %dma_wait3A_152 = tpu.memref_squeeze %dma_wait3A_151 : memref<1x1x128x128xf32, #tpu.memory_space<vmem>> -> memref<128x128xf32, #tpu.memory_space<vmem>>
        %dma_wait3A_153 = arith.constant 0 : i32
        %dma_wait3A_154 = tpu.memref_slice %arg4[%add3A_147, %dma_wait3A_153] : memref<163840x128xf32, #tpu.memory_space<hbm>> -> memref<128x128xf32, #tpu.memory_space<hbm>>
        %dma_wait3A_155 = arith.constant 0 : i32
        %dma_wait3A_156 = arith.constant 0 : i32
        %dma_wait3A_157 = tpu.memref_slice %run_scoped3A[%rem3A_115, %dma_wait3A_148, %dma_wait3A_155, %dma_wait3A_156] : memref<2x3x128x128xf32, #tpu.memory_space<vmem>> -> memref<1x1x128x128xf32, #tpu.memory_space<vmem>>
        %dma_wait3A_158 = tpu.memref_squeeze %dma_wait3A_157 : memref<1x1x128x128xf32, #tpu.memory_space<vmem>> -> memref<128x128xf32, #tpu.memory_space<vmem>>
        %dma_wait3A_159 = arith.constant 0 : i32
        %dma_wait3A_160 = tpu.memref_slice %arg4[%add3A_147, %dma_wait3A_159] : memref<163840x128xf32, #tpu.memory_space<hbm>> -> memref<128x128xf32, #tpu.memory_space<hbm>>
        tpu.wait_dma2 semaphore(%arg11 : memref<!tpu.dma_semaphore, #tpu.memory_space<semaphore_mem>>) src(%dma_wait3A_160 : memref<128x128xf32, #tpu.memory_space<hbm>>) dst(%dma_wait3A_158 : memref<128x128xf32, #tpu.memory_space<vmem>>)
        %mul3A_161 = arith.constant 3 : i32
        %mul3A_162 = arith.muli %scan3A_113, %mul3A_161 : i32
        %add3A_163 = arith.constant 2 : i32
        %add3A_164 = arith.addi %mul3A_162, %add3A_163 : i32
        %mul3A_165 = arith.constant 128 : i32
        %mul3A_166 = arith.muli %add3A_164, %mul3A_165 : i32
        %add3A_167 = arith.addi %mul3A_2, %mul3A_166 : i32
        %dma_wait3A_168 = arith.constant 2 : i32
        %dma_wait3A_169 = arith.constant 0 : i32
        %dma_wait3A_170 = arith.constant 0 : i32
        %dma_wait3A_171 = tpu.memref_slice %run_scoped3A[%rem3A_115, %dma_wait3A_168, %dma_wait3A_169, %dma_wait3A_170] : memref<2x3x128x128xf32, #tpu.memory_space<vmem>> -> memref<1x1x128x128xf32, #tpu.memory_space<vmem>>
        %dma_wait3A_172 = tpu.memref_squeeze %dma_wait3A_171 : memref<1x1x128x128xf32, #tpu.memory_space<vmem>> -> memref<128x128xf32, #tpu.memory_space<vmem>>
        %dma_wait3A_173 = arith.constant 0 : i32
        %dma_wait3A_174 = tpu.memref_slice %arg4[%add3A_167, %dma_wait3A_173] : memref<163840x128xf32, #tpu.memory_space<hbm>> -> memref<128x128xf32, #tpu.memory_space<hbm>>
        %dma_wait3A_175 = arith.constant 0 : i32
        %dma_wait3A_176 = arith.constant 0 : i32
        %dma_wait3A_177 = tpu.memref_slice %run_scoped3A[%rem3A_115, %dma_wait3A_168, %dma_wait3A_175, %dma_wait3A_176] : memref<2x3x128x128xf32, #tpu.memory_space<vmem>> -> memref<1x1x128x128xf32, #tpu.memory_space<vmem>>
        %dma_wait3A_178 = tpu.memref_squeeze %dma_wait3A_177 : memref<1x1x128x128xf32, #tpu.memory_space<vmem>> -> memref<128x128xf32, #tpu.memory_space<vmem>>
        %dma_wait3A_179 = arith.constant 0 : i32
        %dma_wait3A_180 = tpu.memref_slice %arg4[%add3A_167, %dma_wait3A_179] : memref<163840x128xf32, #tpu.memory_space<hbm>> -> memref<128x128xf32, #tpu.memory_space<hbm>>
        tpu.wait_dma2 semaphore(%arg11 : memref<!tpu.dma_semaphore, #tpu.memory_space<semaphore_mem>>) src(%dma_wait3A_180 : memref<128x128xf32, #tpu.memory_space<hbm>>) dst(%dma_wait3A_178 : memref<128x128xf32, #tpu.memory_space<vmem>>)
        %mul3A_181 = arith.constant 3 : i32
        %mul3A_182 = arith.muli %scan3A_113, %mul3A_181 : i32
        %add3A_183 = arith.constant 0 : i32
        %add3A_184 = arith.addi %mul3A_182, %add3A_183 : i32
        %dma_start3A_185 = arith.constant 0 : i32
        %dma_start3A_186 = arith.constant 0 : i32
        %dma_start3A_187 = arith.constant 0 : i32
        %dma_start3A_188 = tpu.memref_slice %run_scoped3A[%rem3A_115, %dma_start3A_185, %dma_start3A_186, %dma_start3A_187] : memref<2x3x128x128xf32, #tpu.memory_space<vmem>> -> memref<1x1x128x128xf32, #tpu.memory_space<vmem>>
        %dma_start3A_189 = tpu.memref_squeeze %dma_start3A_188 : memref<1x1x128x128xf32, #tpu.memory_space<vmem>> -> memref<128x128xf32, #tpu.memory_space<vmem>>
        %dma_start3A_190 = arith.constant 0 : i32
        %dma_start3A_191 = tpu.memref_slice %arg10[%add3A_184, %dma_start3A_190] : memref<40x128xi32, #tpu.memory_space<vmem>> -> memref<1x128xi32, #tpu.memory_space<vmem>>
        %dma_start3A_192 = tpu.memref_squeeze %dma_start3A_191 : memref<1x128xi32, #tpu.memory_space<vmem>> -> memref<128xi32, #tpu.memory_space<vmem>>
        %dma_start3A_193 = arith.constant 0 : i32
        %dma_start3A_194 = arith.constant 0 : i32
        %dma_start3A_195 = tpu.memref_slice %arg9[%dma_start3A_193, %dma_start3A_194] : memref<168064x128xf32, #tpu.memory_space<hbm>> -> memref<168064x128xf32, #tpu.memory_space<hbm>>
        tpu.enqueue_indirect_dma source(%dma_start3A_189 : memref<128x128xf32, #tpu.memory_space<vmem>>) target(%dma_start3A_195 : memref<168064x128xf32, #tpu.memory_space<hbm>>) offsets(%dma_start3A_192 : memref<128xi32, #tpu.memory_space<vmem>>) semaphore(%arg12 : memref<!tpu.dma_semaphore, #tpu.memory_space<semaphore_mem>>)
        %mul3A_196 = arith.constant 3 : i32
        %mul3A_197 = arith.muli %scan3A_113, %mul3A_196 : i32
        %add3A_198 = arith.constant 1 : i32
        %add3A_199 = arith.addi %mul3A_197, %add3A_198 : i32
        %dma_start3A_200 = arith.constant 1 : i32
        %dma_start3A_201 = arith.constant 0 : i32
        %dma_start3A_202 = arith.constant 0 : i32
        %dma_start3A_203 = tpu.memref_slice %run_scoped3A[%rem3A_115, %dma_start3A_200, %dma_start3A_201, %dma_start3A_202] : memref<2x3x128x128xf32, #tpu.memory_space<vmem>> -> memref<1x1x128x128xf32, #tpu.memory_space<vmem>>
        %dma_start3A_204 = tpu.memref_squeeze %dma_start3A_203 : memref<1x1x128x128xf32, #tpu.memory_space<vmem>> -> memref<128x128xf32, #tpu.memory_space<vmem>>
        %dma_start3A_205 = arith.constant 0 : i32
        %dma_start3A_206 = tpu.memref_slice %arg10[%add3A_199, %dma_start3A_205] : memref<40x128xi32, #tpu.memory_space<vmem>> -> memref<1x128xi32, #tpu.memory_space<vmem>>
        %dma_start3A_207 = tpu.memref_squeeze %dma_start3A_206 : memref<1x128xi32, #tpu.memory_space<vmem>> -> memref<128xi32, #tpu.memory_space<vmem>>
        %dma_start3A_208 = arith.constant 0 : i32
        %dma_start3A_209 = arith.constant 0 : i32
        %dma_start3A_210 = tpu.memref_slice %arg9[%dma_start3A_208, %dma_start3A_209] : memref<168064x128xf32, #tpu.memory_space<hbm>> -> memref<168064x128xf32, #tpu.memory_space<hbm>>
        tpu.enqueue_indirect_dma source(%dma_start3A_204 : memref<128x128xf32, #tpu.memory_space<vmem>>) target(%dma_start3A_210 : memref<168064x128xf32, #tpu.memory_space<hbm>>) offsets(%dma_start3A_207 : memref<128xi32, #tpu.memory_space<vmem>>) semaphore(%arg12 : memref<!tpu.dma_semaphore, #tpu.memory_space<semaphore_mem>>)
        %mul3A_211 = arith.constant 3 : i32
        %mul3A_212 = arith.muli %scan3A_113, %mul3A_211 : i32
        %add3A_213 = arith.constant 2 : i32
        %add3A_214 = arith.addi %mul3A_212, %add3A_213 : i32
        %dma_start3A_215 = arith.constant 2 : i32
        %dma_start3A_216 = arith.constant 0 : i32
        %dma_start3A_217 = arith.constant 0 : i32
        %dma_start3A_218 = tpu.memref_slice %run_scoped3A[%rem3A_115, %dma_start3A_215, %dma_start3A_216, %dma_start3A_217] : memref<2x3x128x128xf32, #tpu.memory_space<vmem>> -> memref<1x1x128x128xf32, #tpu.memory_space<vmem>>
        %dma_start3A_219 = tpu.memref_squeeze %dma_start3A_218 : memref<1x1x128x128xf32, #tpu.memory_space<vmem>> -> memref<128x128xf32, #tpu.memory_space<vmem>>
        %dma_start3A_220 = arith.constant 0 : i32
        %dma_start3A_221 = tpu.memref_slice %arg10[%add3A_214, %dma_start3A_220] : memref<40x128xi32, #tpu.memory_space<vmem>> -> memref<1x128xi32, #tpu.memory_space<vmem>>
        %dma_start3A_222 = tpu.memref_squeeze %dma_start3A_221 : memref<1x128xi32, #tpu.memory_space<vmem>> -> memref<128xi32, #tpu.memory_space<vmem>>
        %dma_start3A_223 = arith.constant 0 : i32
        %dma_start3A_224 = arith.constant 0 : i32
        %dma_start3A_225 = tpu.memref_slice %arg9[%dma_start3A_223, %dma_start3A_224] : memref<168064x128xf32, #tpu.memory_space<hbm>> -> memref<168064x128xf32, #tpu.memory_space<hbm>>
        tpu.enqueue_indirect_dma source(%dma_start3A_219 : memref<128x128xf32, #tpu.memory_space<vmem>>) target(%dma_start3A_225 : memref<168064x128xf32, #tpu.memory_space<hbm>>) offsets(%dma_start3A_222 : memref<128xi32, #tpu.memory_space<vmem>>) semaphore(%arg12 : memref<!tpu.dma_semaphore, #tpu.memory_space<semaphore_mem>>)
        %dma_wait3A_226 = arith.constant 0 : i32
        %dma_wait3A_227 = arith.constant 0 : i32
        %dma_wait3A_228 = arith.constant 0 : i32
        %dma_wait3A_229 = tpu.memref_slice %run_scoped3A[%rem3A_115, %dma_wait3A_226, %dma_wait3A_227, %dma_wait3A_228] : memref<2x3x128x128xf32, #tpu.memory_space<vmem>> -> memref<1x1x128x128xf32, #tpu.memory_space<vmem>>
        %dma_wait3A_230 = tpu.memref_squeeze %dma_wait3A_229 : memref<1x1x128x128xf32, #tpu.memory_space<vmem>> -> memref<128x128xf32, #tpu.memory_space<vmem>>
        %dma_wait3A_231 = arith.constant 0 : i32
        %dma_wait3A_232 = tpu.memref_slice %arg10[%add3A_184, %dma_wait3A_231] : memref<40x128xi32, #tpu.memory_space<vmem>> -> memref<1x128xi32, #tpu.memory_space<vmem>>
        %dma_wait3A_233 = tpu.memref_squeeze %dma_wait3A_232 : memref<1x128xi32, #tpu.memory_space<vmem>> -> memref<128xi32, #tpu.memory_space<vmem>>
        %dma_wait3A_234 = arith.constant 0 : i32
        %dma_wait3A_235 = arith.constant 0 : i32
        %dma_wait3A_236 = tpu.memref_slice %arg9[%dma_wait3A_234, %dma_wait3A_235] : memref<168064x128xf32, #tpu.memory_space<hbm>> -> memref<168064x128xf32, #tpu.memory_space<hbm>>
        tpu.wait_indirect_dma semaphore(%arg12 : memref<!tpu.dma_semaphore, #tpu.memory_space<semaphore_mem>>) src(%dma_wait3A_230 : memref<128x128xf32, #tpu.memory_space<vmem>>) dst(%dma_wait3A_236 : memref<168064x128xf32, #tpu.memory_space<hbm>>)
        %dma_wait3A_237 = arith.constant 1 : i32
        %dma_wait3A_238 = arith.constant 0 : i32
        %dma_wait3A_239 = arith.constant 0 : i32
        %dma_wait3A_240 = tpu.memref_slice %run_scoped3A[%rem3A_115, %dma_wait3A_237, %dma_wait3A_238, %dma_wait3A_239] : memref<2x3x128x128xf32, #tpu.memory_space<vmem>> -> memref<1x1x128x128xf32, #tpu.memory_space<vmem>>
        %dma_wait3A_241 = tpu.memref_squeeze %dma_wait3A_240 : memref<1x1x128x128xf32, #tpu.memory_space<vmem>> -> memref<128x128xf32, #tpu.memory_space<vmem>>
        %dma_wait3A_242 = arith.constant 0 : i32
        %dma_wait3A_243 = tpu.memref_slice %arg10[%add3A_199, %dma_wait3A_242] : memref<40x128xi32, #tpu.memory_space<vmem>> -> memref<1x128xi32, #tpu.memory_space<vmem>>
        %dma_wait3A_244 = tpu.memref_squeeze %dma_wait3A_243 : memref<1x128xi32, #tpu.memory_space<vmem>> -> memref<128xi32, #tpu.memory_space<vmem>>
        %dma_wait3A_245 = arith.constant 0 : i32
        %dma_wait3A_246 = arith.constant 0 : i32
        %dma_wait3A_247 = tpu.memref_slice %arg9[%dma_wait3A_245, %dma_wait3A_246] : memref<168064x128xf32, #tpu.memory_space<hbm>> -> memref<168064x128xf32, #tpu.memory_space<hbm>>
        tpu.wait_indirect_dma semaphore(%arg12 : memref<!tpu.dma_semaphore, #tpu.memory_space<semaphore_mem>>) src(%dma_wait3A_241 : memref<128x128xf32, #tpu.memory_space<vmem>>) dst(%dma_wait3A_247 : memref<168064x128xf32, #tpu.memory_space<hbm>>)
        %dma_wait3A_248 = arith.constant 2 : i32
        %dma_wait3A_249 = arith.constant 0 : i32
        %dma_wait3A_250 = arith.constant 0 : i32
        %dma_wait3A_251 = tpu.memref_slice %run_scoped3A[%rem3A_115, %dma_wait3A_248, %dma_wait3A_249, %dma_wait3A_250] : memref<2x3x128x128xf32, #tpu.memory_space<vmem>> -> memref<1x1x128x128xf32, #tpu.memory_space<vmem>>
        %dma_wait3A_252 = tpu.memref_squeeze %dma_wait3A_251 : memref<1x1x128x128xf32, #tpu.memory_space<vmem>> -> memref<128x128xf32, #tpu.memory_space<vmem>>
        %dma_wait3A_253 = arith.constant 0 : i32
        %dma_wait3A_254 = tpu.memref_slice %arg10[%add3A_214, %dma_wait3A_253] : memref<40x128xi32, #tpu.memory_space<vmem>> -> memref<1x128xi32, #tpu.memory_space<vmem>>
        %dma_wait3A_255 = tpu.memref_squeeze %dma_wait3A_254 : memref<1x128xi32, #tpu.memory_space<vmem>> -> memref<128xi32, #tpu.memory_space<vmem>>
        %dma_wait3A_256 = arith.constant 0 : i32
        %dma_wait3A_257 = arith.constant 0 : i32
        %dma_wait3A_258 = tpu.memref_slice %arg9[%dma_wait3A_256, %dma_wait3A_257] : memref<168064x128xf32, #tpu.memory_space<hbm>> -> memref<168064x128xf32, #tpu.memory_space<hbm>>
        tpu.wait_indirect_dma semaphore(%arg12 : memref<!tpu.dma_semaphore, #tpu.memory_space<semaphore_mem>>) src(%dma_wait3A_252 : memref<128x128xf32, #tpu.memory_space<vmem>>) dst(%dma_wait3A_258 : memref<168064x128xf32, #tpu.memory_space<hbm>>)
      }
      %scan3A_57 = arith.constant 13 : i32
      %add3A_58 = arith.constant 4992 : i32
      %add3A_59 = arith.addi %mul3A_2, %add3A_58 : i32
      %dma_start3A_60 = arith.constant 0 : i32
      %dma_start3A_61 = arith.constant 0 : i32
      %dma_start3A_62 = arith.constant 0 : i32
      %dma_start3A_63 = arith.constant 0 : i32
      %dma_start3A_64 = tpu.memref_slice %run_scoped3A[%dma_start3A_60, %dma_start3A_61, %dma_start3A_62, %dma_start3A_63] : memref<2x3x128x128xf32, #tpu.memory_space<vmem>> -> memref<1x1x128x128xf32, #tpu.memory_space<vmem>>
      %dma_start3A_65 = tpu.memref_squeeze %dma_start3A_64 : memref<1x1x128x128xf32, #tpu.memory_space<vmem>> -> memref<128x128xf32, #tpu.memory_space<vmem>>
      %dma_start3A_66 = arith.constant 0 : i32
      %dma_start3A_67 = tpu.memref_slice %arg4[%add3A_59, %dma_start3A_66] : memref<163840x128xf32, #tpu.memory_space<hbm>> -> memref<128x128xf32, #tpu.memory_space<hbm>>
      %dma_start3A_68 = arith.constant 0 : i32
      %dma_start3A_69 = arith.constant 0 : i32
      %dma_start3A_70 = tpu.memref_slice %run_scoped3A[%dma_start3A_60, %dma_start3A_61, %dma_start3A_68, %dma_start3A_69] : memref<2x3x128x128xf32, #tpu.memory_space<vmem>> -> memref<1x1x128x128xf32, #tpu.memory_space<vmem>>
      %dma_start3A_71 = tpu.memref_squeeze %dma_start3A_70 : memref<1x1x128x128xf32, #tpu.memory_space<vmem>> -> memref<128x128xf32, #tpu.memory_space<vmem>>
      %dma_start3A_72 = arith.constant 0 : i32
      %dma_start3A_73 = tpu.memref_slice %arg4[%add3A_59, %dma_start3A_72] : memref<163840x128xf32, #tpu.memory_space<hbm>> -> memref<128x128xf32, #tpu.memory_space<hbm>>
      tpu.enqueue_dma source(%dma_start3A_73 : memref<128x128xf32, #tpu.memory_space<hbm>>) target(%dma_start3A_71 : memref<128x128xf32, #tpu.memory_space<vmem>>) target_semaphore(%arg11 : memref<!tpu.dma_semaphore, #tpu.memory_space<semaphore_mem>>)
      %dma_wait3A = arith.constant 0 : i32
      %dma_wait3A_74 = arith.constant 0 : i32
      %dma_wait3A_75 = arith.constant 0 : i32
      %dma_wait3A_76 = arith.constant 0 : i32
      %dma_wait3A_77 = tpu.memref_slice %run_scoped3A[%dma_wait3A, %dma_wait3A_74, %dma_wait3A_75, %dma_wait3A_76] : memref<2x3x128x128xf32, #tpu.memory_space<vmem>> -> memref<1x1x128x128xf32, #tpu.memory_space<vmem>>
      %dma_wait3A_78 = tpu.memref_squeeze %dma_wait3A_77 : memref<1x1x128x128xf32, #tpu.memory_space<vmem>> -> memref<128x128xf32, #tpu.memory_space<vmem>>
      %dma_wait3A_79 = arith.constant 0 : i32
      %dma_wait3A_80 = tpu.memref_slice %arg4[%add3A_59, %dma_wait3A_79] : memref<163840x128xf32, #tpu.memory_space<hbm>> -> memref<128x128xf32, #tpu.memory_space<hbm>>
      %dma_wait3A_81 = arith.constant 0 : i32
      %dma_wait3A_82 = arith.constant 0 : i32
      %dma_wait3A_83 = tpu.memref_slice %run_scoped3A[%dma_wait3A, %dma_wait3A_74, %dma_wait3A_81, %dma_wait3A_82] : memref<2x3x128x128xf32, #tpu.memory_space<vmem>> -> memref<1x1x128x128xf32, #tpu.memory_space<vmem>>
      %dma_wait3A_84 = tpu.memref_squeeze %dma_wait3A_83 : memref<1x1x128x128xf32, #tpu.memory_space<vmem>> -> memref<128x128xf32, #tpu.memory_space<vmem>>
      %dma_wait3A_85 = arith.constant 0 : i32
      %dma_wait3A_86 = tpu.memref_slice %arg4[%add3A_59, %dma_wait3A_85] : memref<163840x128xf32, #tpu.memory_space<hbm>> -> memref<128x128xf32, #tpu.memory_space<hbm>>
      tpu.wait_dma2 semaphore(%arg11 : memref<!tpu.dma_semaphore, #tpu.memory_space<semaphore_mem>>) src(%dma_wait3A_86 : memref<128x128xf32, #tpu.memory_space<hbm>>) dst(%dma_wait3A_84 : memref<128x128xf32, #tpu.memory_space<vmem>>)
      %dma_start3A_87 = arith.constant 0 : i32
      %dma_start3A_88 = arith.constant 0 : i32
      %dma_start3A_89 = arith.constant 39 : i32
      %dma_start3A_90 = arith.constant 0 : i32
      %dma_start3A_91 = arith.constant 0 : i32
      %dma_start3A_92 = tpu.memref_slice %run_scoped3A[%dma_start3A_87, %dma_start3A_88, %dma_start3A_90, %dma_start3A_91] : memref<2x3x128x128xf32, #tpu.memory_space<vmem>> -> memref<1x1x128x128xf32, #tpu.memory_space<vmem>>
      %dma_start3A_93 = tpu.memref_squeeze %dma_start3A_92 : memref<1x1x128x128xf32, #tpu.memory_space<vmem>> -> memref<128x128xf32, #tpu.memory_space<vmem>>
      %dma_start3A_94 = arith.constant 0 : i32
      %dma_start3A_95 = tpu.memref_slice %arg10[%dma_start3A_89, %dma_start3A_94] : memref<40x128xi32, #tpu.memory_space<vmem>> -> memref<1x128xi32, #tpu.memory_space<vmem>>
      %dma_start3A_96 = tpu.memref_squeeze %dma_start3A_95 : memref<1x128xi32, #tpu.memory_space<vmem>> -> memref<128xi32, #tpu.memory_space<vmem>>
      %dma_start3A_97 = arith.constant 0 : i32
      %dma_start3A_98 = arith.constant 0 : i32
      %dma_start3A_99 = tpu.memref_slice %arg9[%dma_start3A_97, %dma_start3A_98] : memref<168064x128xf32, #tpu.memory_space<hbm>> -> memref<168064x128xf32, #tpu.memory_space<hbm>>
      tpu.enqueue_indirect_dma source(%dma_start3A_93 : memref<128x128xf32, #tpu.memory_space<vmem>>) target(%dma_start3A_99 : memref<168064x128xf32, #tpu.memory_space<hbm>>) offsets(%dma_start3A_96 : memref<128xi32, #tpu.memory_space<vmem>>) semaphore(%arg12 : memref<!tpu.dma_semaphore, #tpu.memory_space<semaphore_mem>>)
      %dma_wait3A_100 = arith.constant 0 : i32
      %dma_wait3A_101 = arith.constant 0 : i32
      %dma_wait3A_102 = arith.constant 39 : i32
      %dma_wait3A_103 = arith.constant 0 : i32
      %dma_wait3A_104 = arith.constant 0 : i32
      %dma_wait3A_105 = tpu.memref_slice %run_scoped3A[%dma_wait3A_100, %dma_wait3A_101, %dma_wait3A_103, %dma_wait3A_104] : memref<2x3x128x128xf32, #tpu.memory_space<vmem>> -> memref<1x1x128x128xf32, #tpu.memory_space<vmem>>
      %dma_wait3A_106 = tpu.memref_squeeze %dma_wait3A_105 : memref<1x1x128x128xf32, #tpu.memory_space<vmem>> -> memref<128x128xf32, #tpu.memory_space<vmem>>
      %dma_wait3A_107 = arith.constant 0 : i32
      %dma_wait3A_108 = tpu.memref_slice %arg10[%dma_wait3A_102, %dma_wait3A_107] : memref<40x128xi32, #tpu.memory_space<vmem>> -> memref<1x128xi32, #tpu.memory_space<vmem>>
      %dma_wait3A_109 = tpu.memref_squeeze %dma_wait3A_108 : memref<1x128xi32, #tpu.memory_space<vmem>> -> memref<128xi32, #tpu.memory_space<vmem>>
      %dma_wait3A_110 = arith.constant 0 : i32
      %dma_wait3A_111 = arith.constant 0 : i32
      %dma_wait3A_112 = tpu.memref_slice %arg9[%dma_wait3A_110, %dma_wait3A_111] : memref<168064x128xf32, #tpu.memory_space<hbm>> -> memref<168064x128xf32, #tpu.memory_space<hbm>>
      tpu.wait_indirect_dma semaphore(%arg12 : memref<!tpu.dma_semaphore, #tpu.memory_space<semaphore_mem>>) src(%dma_wait3A_106 : memref<128x128xf32, #tpu.memory_space<vmem>>) dst(%dma_wait3A_112 : memref<168064x128xf32, #tpu.memory_space<hbm>>)
      tpu.yield
    }) : () -> ()
    return
  }
}

#map = affine_map<(d0, d1) -> (0, 0)>
module attributes {stable_mosaic.version = 14 : i64} {
  func.func @k(%arg0: i32, %arg1: i32, %arg2: memref<20480x128xf32, #tpu.memory_space<hbm>>, %arg3: memref<256x128xi32, #tpu.memory_space<hbm>>, %arg4: memref<32768x128xf32, #tpu.memory_space<hbm>>, %arg5: memref<8x128xi32, #tpu.memory_space<vmem>>, %arg6: memref<4x128x128xf32, #tpu.memory_space<vmem>>, %arg7: memref<!tpu.dma_semaphore, #tpu.memory_space<semaphore_mem>>, %arg8: memref<!tpu.dma_semaphore, #tpu.memory_space<semaphore_mem>>) attributes {dimension_semantics = [#tpu.dimension_semantics<core_parallel>, #tpu.dimension_semantics<subcore_parallel>], iteration_bounds = array<i64: 2, 16>, scalar_prefetch = 0 : i64, scratch_operands = 4 : i64, tpu.core_type = #tpu.core_type<sc_vector_subcore>, window_params = [{transform_indices = #map}, {transform_indices = #map}, {transform_indices = #map}]} {
    %mul3A = arith.constant 2 : i32
    %mul3A_0 = arith.muli %arg1, %mul3A : i32
    %add3A = arith.addi %mul3A_0, %arg0 : i32
    %mul3A_1 = arith.constant 1024 : i32
    %mul3A_2 = arith.muli %add3A, %mul3A_1 : i32
    %mul3A_3 = arith.constant 8 : i32
    %mul3A_4 = arith.muli %add3A, %mul3A_3 : i32
    "tpu.region"() ({
      %run_scoped3A = tpu.sem_alloc : memref<!tpu.dma_semaphore, #tpu.memory_space<semaphore_mem>>
      %dma_start3A = arith.constant 0 : i32
      %dma_start3A_10 = tpu.memref_slice %arg3[%mul3A_4, %dma_start3A] : memref<256x128xi32, #tpu.memory_space<hbm>> -> memref<8x128xi32, #tpu.memory_space<hbm>>
      %dma_start3A_11 = arith.constant 0 : i32
      %dma_start3A_12 = tpu.memref_slice %arg3[%mul3A_4, %dma_start3A_11] : memref<256x128xi32, #tpu.memory_space<hbm>> -> memref<8x128xi32, #tpu.memory_space<hbm>>
      tpu.enqueue_dma source(%dma_start3A_12 : memref<8x128xi32, #tpu.memory_space<hbm>>) target(%arg5 : memref<8x128xi32, #tpu.memory_space<vmem>>) target_semaphore(%run_scoped3A : memref<!tpu.dma_semaphore, #tpu.memory_space<semaphore_mem>>)
      %dma_wait3A = arith.constant 0 : i32
      %dma_wait3A_13 = tpu.memref_slice %arg3[%mul3A_4, %dma_wait3A] : memref<256x128xi32, #tpu.memory_space<hbm>> -> memref<8x128xi32, #tpu.memory_space<hbm>>
      %dma_wait3A_14 = arith.constant 0 : i32
      %dma_wait3A_15 = tpu.memref_slice %arg3[%mul3A_4, %dma_wait3A_14] : memref<256x128xi32, #tpu.memory_space<hbm>> -> memref<8x128xi32, #tpu.memory_space<hbm>>
      tpu.wait_dma2 semaphore(%run_scoped3A : memref<!tpu.dma_semaphore, #tpu.memory_space<semaphore_mem>>) src(%dma_wait3A_15 : memref<8x128xi32, #tpu.memory_space<hbm>>) dst(%arg5 : memref<8x128xi32, #tpu.memory_space<vmem>>)
      tpu.yield
    }) : () -> ()
    %scan3A = arith.constant 0 : i32
    %scan3A_5 = arith.constant 0 : i32
    %scan3A_6 = arith.constant 2 : i32
    %scan3A_7 = arith.addi %scan3A_5, %scan3A_6 : i32
    %scan3A_8 = arith.constant 1 : i32
    scf.for %scan3A_10 = %scan3A_5 to %scan3A_7 step %scan3A_8  : i32 {
      %mul3A_11 = arith.constant 4 : i32
      %mul3A_12 = arith.muli %scan3A_10, %mul3A_11 : i32
      %add3A_13 = arith.constant 0 : i32
      %add3A_14 = arith.addi %mul3A_12, %add3A_13 : i32
      %dma_start3A = arith.constant 0 : i32
      %dma_start3A_15 = arith.constant 0 : i32
      %dma_start3A_16 = arith.constant 0 : i32
      %dma_start3A_17 = tpu.memref_slice %arg6[%dma_start3A, %dma_start3A_15, %dma_start3A_16] : memref<4x128x128xf32, #tpu.memory_space<vmem>> -> memref<1x128x128xf32, #tpu.memory_space<vmem>>
      %dma_start3A_18 = tpu.memref_squeeze %dma_start3A_17 : memref<1x128x128xf32, #tpu.memory_space<vmem>> -> memref<128x128xf32, #tpu.memory_space<vmem>>
      %dma_start3A_19 = arith.constant 0 : i32
      %dma_start3A_20 = tpu.memref_slice %arg5[%add3A_14, %dma_start3A_19] : memref<8x128xi32, #tpu.memory_space<vmem>> -> memref<1x128xi32, #tpu.memory_space<vmem>>
      %dma_start3A_21 = tpu.memref_squeeze %dma_start3A_20 : memref<1x128xi32, #tpu.memory_space<vmem>> -> memref<128xi32, #tpu.memory_space<vmem>>
      %dma_start3A_22 = arith.constant 0 : i32
      %dma_start3A_23 = arith.constant 0 : i32
      %dma_start3A_24 = tpu.memref_slice %arg2[%dma_start3A_22, %dma_start3A_23] : memref<20480x128xf32, #tpu.memory_space<hbm>> -> memref<20480x128xf32, #tpu.memory_space<hbm>>
      tpu.enqueue_indirect_dma source(%dma_start3A_24 : memref<20480x128xf32, #tpu.memory_space<hbm>>) target(%dma_start3A_18 : memref<128x128xf32, #tpu.memory_space<vmem>>) offsets(%dma_start3A_21 : memref<128xi32, #tpu.memory_space<vmem>>) semaphore(%arg7 : memref<!tpu.dma_semaphore, #tpu.memory_space<semaphore_mem>>)
      %add3A_25 = arith.constant 1 : i32
      %add3A_26 = arith.addi %mul3A_12, %add3A_25 : i32
      %dma_start3A_27 = arith.constant 1 : i32
      %dma_start3A_28 = arith.constant 0 : i32
      %dma_start3A_29 = arith.constant 0 : i32
      %dma_start3A_30 = tpu.memref_slice %arg6[%dma_start3A_27, %dma_start3A_28, %dma_start3A_29] : memref<4x128x128xf32, #tpu.memory_space<vmem>> -> memref<1x128x128xf32, #tpu.memory_space<vmem>>
      %dma_start3A_31 = tpu.memref_squeeze %dma_start3A_30 : memref<1x128x128xf32, #tpu.memory_space<vmem>> -> memref<128x128xf32, #tpu.memory_space<vmem>>
      %dma_start3A_32 = arith.constant 0 : i32
      %dma_start3A_33 = tpu.memref_slice %arg5[%add3A_26, %dma_start3A_32] : memref<8x128xi32, #tpu.memory_space<vmem>> -> memref<1x128xi32, #tpu.memory_space<vmem>>
      %dma_start3A_34 = tpu.memref_squeeze %dma_start3A_33 : memref<1x128xi32, #tpu.memory_space<vmem>> -> memref<128xi32, #tpu.memory_space<vmem>>
      %dma_start3A_35 = arith.constant 0 : i32
      %dma_start3A_36 = arith.constant 0 : i32
      %dma_start3A_37 = tpu.memref_slice %arg2[%dma_start3A_35, %dma_start3A_36] : memref<20480x128xf32, #tpu.memory_space<hbm>> -> memref<20480x128xf32, #tpu.memory_space<hbm>>
      tpu.enqueue_indirect_dma source(%dma_start3A_37 : memref<20480x128xf32, #tpu.memory_space<hbm>>) target(%dma_start3A_31 : memref<128x128xf32, #tpu.memory_space<vmem>>) offsets(%dma_start3A_34 : memref<128xi32, #tpu.memory_space<vmem>>) semaphore(%arg7 : memref<!tpu.dma_semaphore, #tpu.memory_space<semaphore_mem>>)
      %add3A_38 = arith.constant 2 : i32
      %add3A_39 = arith.addi %mul3A_12, %add3A_38 : i32
      %dma_start3A_40 = arith.constant 2 : i32
      %dma_start3A_41 = arith.constant 0 : i32
      %dma_start3A_42 = arith.constant 0 : i32
      %dma_start3A_43 = tpu.memref_slice %arg6[%dma_start3A_40, %dma_start3A_41, %dma_start3A_42] : memref<4x128x128xf32, #tpu.memory_space<vmem>> -> memref<1x128x128xf32, #tpu.memory_space<vmem>>
      %dma_start3A_44 = tpu.memref_squeeze %dma_start3A_43 : memref<1x128x128xf32, #tpu.memory_space<vmem>> -> memref<128x128xf32, #tpu.memory_space<vmem>>
      %dma_start3A_45 = arith.constant 0 : i32
      %dma_start3A_46 = tpu.memref_slice %arg5[%add3A_39, %dma_start3A_45] : memref<8x128xi32, #tpu.memory_space<vmem>> -> memref<1x128xi32, #tpu.memory_space<vmem>>
      %dma_start3A_47 = tpu.memref_squeeze %dma_start3A_46 : memref<1x128xi32, #tpu.memory_space<vmem>> -> memref<128xi32, #tpu.memory_space<vmem>>
      %dma_start3A_48 = arith.constant 0 : i32
      %dma_start3A_49 = arith.constant 0 : i32
      %dma_start3A_50 = tpu.memref_slice %arg2[%dma_start3A_48, %dma_start3A_49] : memref<20480x128xf32, #tpu.memory_space<hbm>> -> memref<20480x128xf32, #tpu.memory_space<hbm>>
      tpu.enqueue_indirect_dma source(%dma_start3A_50 : memref<20480x128xf32, #tpu.memory_space<hbm>>) target(%dma_start3A_44 : memref<128x128xf32, #tpu.memory_space<vmem>>) offsets(%dma_start3A_47 : memref<128xi32, #tpu.memory_space<vmem>>) semaphore(%arg7 : memref<!tpu.dma_semaphore, #tpu.memory_space<semaphore_mem>>)
      %add3A_51 = arith.constant 3 : i32
      %add3A_52 = arith.addi %mul3A_12, %add3A_51 : i32
      %dma_start3A_53 = arith.constant 3 : i32
      %dma_start3A_54 = arith.constant 0 : i32
      %dma_start3A_55 = arith.constant 0 : i32
      %dma_start3A_56 = tpu.memref_slice %arg6[%dma_start3A_53, %dma_start3A_54, %dma_start3A_55] : memref<4x128x128xf32, #tpu.memory_space<vmem>> -> memref<1x128x128xf32, #tpu.memory_space<vmem>>
      %dma_start3A_57 = tpu.memref_squeeze %dma_start3A_56 : memref<1x128x128xf32, #tpu.memory_space<vmem>> -> memref<128x128xf32, #tpu.memory_space<vmem>>
      %dma_start3A_58 = arith.constant 0 : i32
      %dma_start3A_59 = tpu.memref_slice %arg5[%add3A_52, %dma_start3A_58] : memref<8x128xi32, #tpu.memory_space<vmem>> -> memref<1x128xi32, #tpu.memory_space<vmem>>
      %dma_start3A_60 = tpu.memref_squeeze %dma_start3A_59 : memref<1x128xi32, #tpu.memory_space<vmem>> -> memref<128xi32, #tpu.memory_space<vmem>>
      %dma_start3A_61 = arith.constant 0 : i32
      %dma_start3A_62 = arith.constant 0 : i32
      %dma_start3A_63 = tpu.memref_slice %arg2[%dma_start3A_61, %dma_start3A_62] : memref<20480x128xf32, #tpu.memory_space<hbm>> -> memref<20480x128xf32, #tpu.memory_space<hbm>>
      tpu.enqueue_indirect_dma source(%dma_start3A_63 : memref<20480x128xf32, #tpu.memory_space<hbm>>) target(%dma_start3A_57 : memref<128x128xf32, #tpu.memory_space<vmem>>) offsets(%dma_start3A_60 : memref<128xi32, #tpu.memory_space<vmem>>) semaphore(%arg7 : memref<!tpu.dma_semaphore, #tpu.memory_space<semaphore_mem>>)
      %dma_wait3A = arith.constant 0 : i32
      %dma_wait3A_64 = arith.constant 0 : i32
      %dma_wait3A_65 = arith.constant 0 : i32
      %dma_wait3A_66 = tpu.memref_slice %arg6[%dma_wait3A, %dma_wait3A_64, %dma_wait3A_65] : memref<4x128x128xf32, #tpu.memory_space<vmem>> -> memref<1x128x128xf32, #tpu.memory_space<vmem>>
      %dma_wait3A_67 = tpu.memref_squeeze %dma_wait3A_66 : memref<1x128x128xf32, #tpu.memory_space<vmem>> -> memref<128x128xf32, #tpu.memory_space<vmem>>
      %dma_wait3A_68 = arith.constant 0 : i32
      %dma_wait3A_69 = tpu.memref_slice %arg5[%add3A_14, %dma_wait3A_68] : memref<8x128xi32, #tpu.memory_space<vmem>> -> memref<1x128xi32, #tpu.memory_space<vmem>>
      %dma_wait3A_70 = tpu.memref_squeeze %dma_wait3A_69 : memref<1x128xi32, #tpu.memory_space<vmem>> -> memref<128xi32, #tpu.memory_space<vmem>>
      %dma_wait3A_71 = arith.constant 0 : i32
      %dma_wait3A_72 = arith.constant 0 : i32
      %dma_wait3A_73 = tpu.memref_slice %arg2[%dma_wait3A_71, %dma_wait3A_72] : memref<20480x128xf32, #tpu.memory_space<hbm>> -> memref<20480x128xf32, #tpu.memory_space<hbm>>
      tpu.wait_indirect_dma semaphore(%arg7 : memref<!tpu.dma_semaphore, #tpu.memory_space<semaphore_mem>>) src(%dma_wait3A_73 : memref<20480x128xf32, #tpu.memory_space<hbm>>) dst(%dma_wait3A_67 : memref<128x128xf32, #tpu.memory_space<vmem>>)
      %dma_wait3A_74 = arith.constant 1 : i32
      %dma_wait3A_75 = arith.constant 0 : i32
      %dma_wait3A_76 = arith.constant 0 : i32
      %dma_wait3A_77 = tpu.memref_slice %arg6[%dma_wait3A_74, %dma_wait3A_75, %dma_wait3A_76] : memref<4x128x128xf32, #tpu.memory_space<vmem>> -> memref<1x128x128xf32, #tpu.memory_space<vmem>>
      %dma_wait3A_78 = tpu.memref_squeeze %dma_wait3A_77 : memref<1x128x128xf32, #tpu.memory_space<vmem>> -> memref<128x128xf32, #tpu.memory_space<vmem>>
      %dma_wait3A_79 = arith.constant 0 : i32
      %dma_wait3A_80 = tpu.memref_slice %arg5[%add3A_26, %dma_wait3A_79] : memref<8x128xi32, #tpu.memory_space<vmem>> -> memref<1x128xi32, #tpu.memory_space<vmem>>
      %dma_wait3A_81 = tpu.memref_squeeze %dma_wait3A_80 : memref<1x128xi32, #tpu.memory_space<vmem>> -> memref<128xi32, #tpu.memory_space<vmem>>
      %dma_wait3A_82 = arith.constant 0 : i32
      %dma_wait3A_83 = arith.constant 0 : i32
      %dma_wait3A_84 = tpu.memref_slice %arg2[%dma_wait3A_82, %dma_wait3A_83] : memref<20480x128xf32, #tpu.memory_space<hbm>> -> memref<20480x128xf32, #tpu.memory_space<hbm>>
      tpu.wait_indirect_dma semaphore(%arg7 : memref<!tpu.dma_semaphore, #tpu.memory_space<semaphore_mem>>) src(%dma_wait3A_84 : memref<20480x128xf32, #tpu.memory_space<hbm>>) dst(%dma_wait3A_78 : memref<128x128xf32, #tpu.memory_space<vmem>>)
      %dma_wait3A_85 = arith.constant 2 : i32
      %dma_wait3A_86 = arith.constant 0 : i32
      %dma_wait3A_87 = arith.constant 0 : i32
      %dma_wait3A_88 = tpu.memref_slice %arg6[%dma_wait3A_85, %dma_wait3A_86, %dma_wait3A_87] : memref<4x128x128xf32, #tpu.memory_space<vmem>> -> memref<1x128x128xf32, #tpu.memory_space<vmem>>
      %dma_wait3A_89 = tpu.memref_squeeze %dma_wait3A_88 : memref<1x128x128xf32, #tpu.memory_space<vmem>> -> memref<128x128xf32, #tpu.memory_space<vmem>>
      %dma_wait3A_90 = arith.constant 0 : i32
      %dma_wait3A_91 = tpu.memref_slice %arg5[%add3A_39, %dma_wait3A_90] : memref<8x128xi32, #tpu.memory_space<vmem>> -> memref<1x128xi32, #tpu.memory_space<vmem>>
      %dma_wait3A_92 = tpu.memref_squeeze %dma_wait3A_91 : memref<1x128xi32, #tpu.memory_space<vmem>> -> memref<128xi32, #tpu.memory_space<vmem>>
      %dma_wait3A_93 = arith.constant 0 : i32
      %dma_wait3A_94 = arith.constant 0 : i32
      %dma_wait3A_95 = tpu.memref_slice %arg2[%dma_wait3A_93, %dma_wait3A_94] : memref<20480x128xf32, #tpu.memory_space<hbm>> -> memref<20480x128xf32, #tpu.memory_space<hbm>>
      tpu.wait_indirect_dma semaphore(%arg7 : memref<!tpu.dma_semaphore, #tpu.memory_space<semaphore_mem>>) src(%dma_wait3A_95 : memref<20480x128xf32, #tpu.memory_space<hbm>>) dst(%dma_wait3A_89 : memref<128x128xf32, #tpu.memory_space<vmem>>)
      %dma_wait3A_96 = arith.constant 3 : i32
      %dma_wait3A_97 = arith.constant 0 : i32
      %dma_wait3A_98 = arith.constant 0 : i32
      %dma_wait3A_99 = tpu.memref_slice %arg6[%dma_wait3A_96, %dma_wait3A_97, %dma_wait3A_98] : memref<4x128x128xf32, #tpu.memory_space<vmem>> -> memref<1x128x128xf32, #tpu.memory_space<vmem>>
      %dma_wait3A_100 = tpu.memref_squeeze %dma_wait3A_99 : memref<1x128x128xf32, #tpu.memory_space<vmem>> -> memref<128x128xf32, #tpu.memory_space<vmem>>
      %dma_wait3A_101 = arith.constant 0 : i32
      %dma_wait3A_102 = tpu.memref_slice %arg5[%add3A_52, %dma_wait3A_101] : memref<8x128xi32, #tpu.memory_space<vmem>> -> memref<1x128xi32, #tpu.memory_space<vmem>>
      %dma_wait3A_103 = tpu.memref_squeeze %dma_wait3A_102 : memref<1x128xi32, #tpu.memory_space<vmem>> -> memref<128xi32, #tpu.memory_space<vmem>>
      %dma_wait3A_104 = arith.constant 0 : i32
      %dma_wait3A_105 = arith.constant 0 : i32
      %dma_wait3A_106 = tpu.memref_slice %arg2[%dma_wait3A_104, %dma_wait3A_105] : memref<20480x128xf32, #tpu.memory_space<hbm>> -> memref<20480x128xf32, #tpu.memory_space<hbm>>
      tpu.wait_indirect_dma semaphore(%arg7 : memref<!tpu.dma_semaphore, #tpu.memory_space<semaphore_mem>>) src(%dma_wait3A_106 : memref<20480x128xf32, #tpu.memory_space<hbm>>) dst(%dma_wait3A_100 : memref<128x128xf32, #tpu.memory_space<vmem>>)
      %add3A_107 = arith.constant 0 : i32
      %add3A_108 = arith.addi %mul3A_12, %add3A_107 : i32
      %mul3A_109 = arith.constant 128 : i32
      %mul3A_110 = arith.muli %add3A_108, %mul3A_109 : i32
      %add3A_111 = arith.addi %mul3A_2, %mul3A_110 : i32
      %dma_start3A_112 = arith.constant 0 : i32
      %dma_start3A_113 = arith.constant 0 : i32
      %dma_start3A_114 = arith.constant 0 : i32
      %dma_start3A_115 = tpu.memref_slice %arg6[%dma_start3A_112, %dma_start3A_113, %dma_start3A_114] : memref<4x128x128xf32, #tpu.memory_space<vmem>> -> memref<1x128x128xf32, #tpu.memory_space<vmem>>
      %dma_start3A_116 = tpu.memref_squeeze %dma_start3A_115 : memref<1x128x128xf32, #tpu.memory_space<vmem>> -> memref<128x128xf32, #tpu.memory_space<vmem>>
      %dma_start3A_117 = arith.constant 0 : i32
      %dma_start3A_118 = tpu.memref_slice %arg4[%add3A_111, %dma_start3A_117] : memref<32768x128xf32, #tpu.memory_space<hbm>> -> memref<128x128xf32, #tpu.memory_space<hbm>>
      %dma_start3A_119 = arith.constant 0 : i32
      %dma_start3A_120 = tpu.memref_slice %arg4[%add3A_111, %dma_start3A_119] : memref<32768x128xf32, #tpu.memory_space<hbm>> -> memref<128x128xf32, #tpu.memory_space<hbm>>
      %dma_start3A_121 = arith.constant 0 : i32
      %dma_start3A_122 = arith.constant 0 : i32
      %dma_start3A_123 = tpu.memref_slice %arg6[%dma_start3A_112, %dma_start3A_121, %dma_start3A_122] : memref<4x128x128xf32, #tpu.memory_space<vmem>> -> memref<1x128x128xf32, #tpu.memory_space<vmem>>
      %dma_start3A_124 = tpu.memref_squeeze %dma_start3A_123 : memref<1x128x128xf32, #tpu.memory_space<vmem>> -> memref<128x128xf32, #tpu.memory_space<vmem>>
      tpu.enqueue_dma source(%dma_start3A_124 : memref<128x128xf32, #tpu.memory_space<vmem>>) target(%dma_start3A_120 : memref<128x128xf32, #tpu.memory_space<hbm>>) target_semaphore(%arg8 : memref<!tpu.dma_semaphore, #tpu.memory_space<semaphore_mem>>)
      %add3A_125 = arith.constant 1 : i32
      %add3A_126 = arith.addi %mul3A_12, %add3A_125 : i32
      %mul3A_127 = arith.constant 128 : i32
      %mul3A_128 = arith.muli %add3A_126, %mul3A_127 : i32
      %add3A_129 = arith.addi %mul3A_2, %mul3A_128 : i32
      %dma_start3A_130 = arith.constant 1 : i32
      %dma_start3A_131 = arith.constant 0 : i32
      %dma_start3A_132 = arith.constant 0 : i32
      %dma_start3A_133 = tpu.memref_slice %arg6[%dma_start3A_130, %dma_start3A_131, %dma_start3A_132] : memref<4x128x128xf32, #tpu.memory_space<vmem>> -> memref<1x128x128xf32, #tpu.memory_space<vmem>>
      %dma_start3A_134 = tpu.memref_squeeze %dma_start3A_133 : memref<1x128x128xf32, #tpu.memory_space<vmem>> -> memref<128x128xf32, #tpu.memory_space<vmem>>
      %dma_start3A_135 = arith.constant 0 : i32
      %dma_start3A_136 = tpu.memref_slice %arg4[%add3A_129, %dma_start3A_135] : memref<32768x128xf32, #tpu.memory_space<hbm>> -> memref<128x128xf32, #tpu.memory_space<hbm>>
      %dma_start3A_137 = arith.constant 0 : i32
      %dma_start3A_138 = tpu.memref_slice %arg4[%add3A_129, %dma_start3A_137] : memref<32768x128xf32, #tpu.memory_space<hbm>> -> memref<128x128xf32, #tpu.memory_space<hbm>>
      %dma_start3A_139 = arith.constant 0 : i32
      %dma_start3A_140 = arith.constant 0 : i32
      %dma_start3A_141 = tpu.memref_slice %arg6[%dma_start3A_130, %dma_start3A_139, %dma_start3A_140] : memref<4x128x128xf32, #tpu.memory_space<vmem>> -> memref<1x128x128xf32, #tpu.memory_space<vmem>>
      %dma_start3A_142 = tpu.memref_squeeze %dma_start3A_141 : memref<1x128x128xf32, #tpu.memory_space<vmem>> -> memref<128x128xf32, #tpu.memory_space<vmem>>
      tpu.enqueue_dma source(%dma_start3A_142 : memref<128x128xf32, #tpu.memory_space<vmem>>) target(%dma_start3A_138 : memref<128x128xf32, #tpu.memory_space<hbm>>) target_semaphore(%arg8 : memref<!tpu.dma_semaphore, #tpu.memory_space<semaphore_mem>>)
      %add3A_143 = arith.constant 2 : i32
      %add3A_144 = arith.addi %mul3A_12, %add3A_143 : i32
      %mul3A_145 = arith.constant 128 : i32
      %mul3A_146 = arith.muli %add3A_144, %mul3A_145 : i32
      %add3A_147 = arith.addi %mul3A_2, %mul3A_146 : i32
      %dma_start3A_148 = arith.constant 2 : i32
      %dma_start3A_149 = arith.constant 0 : i32
      %dma_start3A_150 = arith.constant 0 : i32
      %dma_start3A_151 = tpu.memref_slice %arg6[%dma_start3A_148, %dma_start3A_149, %dma_start3A_150] : memref<4x128x128xf32, #tpu.memory_space<vmem>> -> memref<1x128x128xf32, #tpu.memory_space<vmem>>
      %dma_start3A_152 = tpu.memref_squeeze %dma_start3A_151 : memref<1x128x128xf32, #tpu.memory_space<vmem>> -> memref<128x128xf32, #tpu.memory_space<vmem>>
      %dma_start3A_153 = arith.constant 0 : i32
      %dma_start3A_154 = tpu.memref_slice %arg4[%add3A_147, %dma_start3A_153] : memref<32768x128xf32, #tpu.memory_space<hbm>> -> memref<128x128xf32, #tpu.memory_space<hbm>>
      %dma_start3A_155 = arith.constant 0 : i32
      %dma_start3A_156 = tpu.memref_slice %arg4[%add3A_147, %dma_start3A_155] : memref<32768x128xf32, #tpu.memory_space<hbm>> -> memref<128x128xf32, #tpu.memory_space<hbm>>
      %dma_start3A_157 = arith.constant 0 : i32
      %dma_start3A_158 = arith.constant 0 : i32
      %dma_start3A_159 = tpu.memref_slice %arg6[%dma_start3A_148, %dma_start3A_157, %dma_start3A_158] : memref<4x128x128xf32, #tpu.memory_space<vmem>> -> memref<1x128x128xf32, #tpu.memory_space<vmem>>
      %dma_start3A_160 = tpu.memref_squeeze %dma_start3A_159 : memref<1x128x128xf32, #tpu.memory_space<vmem>> -> memref<128x128xf32, #tpu.memory_space<vmem>>
      tpu.enqueue_dma source(%dma_start3A_160 : memref<128x128xf32, #tpu.memory_space<vmem>>) target(%dma_start3A_156 : memref<128x128xf32, #tpu.memory_space<hbm>>) target_semaphore(%arg8 : memref<!tpu.dma_semaphore, #tpu.memory_space<semaphore_mem>>)
      %add3A_161 = arith.constant 3 : i32
      %add3A_162 = arith.addi %mul3A_12, %add3A_161 : i32
      %mul3A_163 = arith.constant 128 : i32
      %mul3A_164 = arith.muli %add3A_162, %mul3A_163 : i32
      %add3A_165 = arith.addi %mul3A_2, %mul3A_164 : i32
      %dma_start3A_166 = arith.constant 3 : i32
      %dma_start3A_167 = arith.constant 0 : i32
      %dma_start3A_168 = arith.constant 0 : i32
      %dma_start3A_169 = tpu.memref_slice %arg6[%dma_start3A_166, %dma_start3A_167, %dma_start3A_168] : memref<4x128x128xf32, #tpu.memory_space<vmem>> -> memref<1x128x128xf32, #tpu.memory_space<vmem>>
      %dma_start3A_170 = tpu.memref_squeeze %dma_start3A_169 : memref<1x128x128xf32, #tpu.memory_space<vmem>> -> memref<128x128xf32, #tpu.memory_space<vmem>>
      %dma_start3A_171 = arith.constant 0 : i32
      %dma_start3A_172 = tpu.memref_slice %arg4[%add3A_165, %dma_start3A_171] : memref<32768x128xf32, #tpu.memory_space<hbm>> -> memref<128x128xf32, #tpu.memory_space<hbm>>
      %dma_start3A_173 = arith.constant 0 : i32
      %dma_start3A_174 = tpu.memref_slice %arg4[%add3A_165, %dma_start3A_173] : memref<32768x128xf32, #tpu.memory_space<hbm>> -> memref<128x128xf32, #tpu.memory_space<hbm>>
      %dma_start3A_175 = arith.constant 0 : i32
      %dma_start3A_176 = arith.constant 0 : i32
      %dma_start3A_177 = tpu.memref_slice %arg6[%dma_start3A_166, %dma_start3A_175, %dma_start3A_176] : memref<4x128x128xf32, #tpu.memory_space<vmem>> -> memref<1x128x128xf32, #tpu.memory_space<vmem>>
      %dma_start3A_178 = tpu.memref_squeeze %dma_start3A_177 : memref<1x128x128xf32, #tpu.memory_space<vmem>> -> memref<128x128xf32, #tpu.memory_space<vmem>>
      tpu.enqueue_dma source(%dma_start3A_178 : memref<128x128xf32, #tpu.memory_space<vmem>>) target(%dma_start3A_174 : memref<128x128xf32, #tpu.memory_space<hbm>>) target_semaphore(%arg8 : memref<!tpu.dma_semaphore, #tpu.memory_space<semaphore_mem>>)
      %dma_wait3A_179 = arith.constant 0 : i32
      %dma_wait3A_180 = arith.constant 0 : i32
      %dma_wait3A_181 = arith.constant 0 : i32
      %dma_wait3A_182 = tpu.memref_slice %arg6[%dma_wait3A_179, %dma_wait3A_180, %dma_wait3A_181] : memref<4x128x128xf32, #tpu.memory_space<vmem>> -> memref<1x128x128xf32, #tpu.memory_space<vmem>>
      %dma_wait3A_183 = tpu.memref_squeeze %dma_wait3A_182 : memref<1x128x128xf32, #tpu.memory_space<vmem>> -> memref<128x128xf32, #tpu.memory_space<vmem>>
      %dma_wait3A_184 = arith.constant 0 : i32
      %dma_wait3A_185 = tpu.memref_slice %arg4[%add3A_111, %dma_wait3A_184] : memref<32768x128xf32, #tpu.memory_space<hbm>> -> memref<128x128xf32, #tpu.memory_space<hbm>>
      %dma_wait3A_186 = arith.constant 0 : i32
      %dma_wait3A_187 = tpu.memref_slice %arg4[%add3A_111, %dma_wait3A_186] : memref<32768x128xf32, #tpu.memory_space<hbm>> -> memref<128x128xf32, #tpu.memory_space<hbm>>
      %dma_wait3A_188 = arith.constant 0 : i32
      %dma_wait3A_189 = arith.constant 0 : i32
      %dma_wait3A_190 = tpu.memref_slice %arg6[%dma_wait3A_179, %dma_wait3A_188, %dma_wait3A_189] : memref<4x128x128xf32, #tpu.memory_space<vmem>> -> memref<1x128x128xf32, #tpu.memory_space<vmem>>
      %dma_wait3A_191 = tpu.memref_squeeze %dma_wait3A_190 : memref<1x128x128xf32, #tpu.memory_space<vmem>> -> memref<128x128xf32, #tpu.memory_space<vmem>>
      tpu.wait_dma2 semaphore(%arg8 : memref<!tpu.dma_semaphore, #tpu.memory_space<semaphore_mem>>) src(%dma_wait3A_191 : memref<128x128xf32, #tpu.memory_space<vmem>>) dst(%dma_wait3A_187 : memref<128x128xf32, #tpu.memory_space<hbm>>)
      %dma_wait3A_192 = arith.constant 1 : i32
      %dma_wait3A_193 = arith.constant 0 : i32
      %dma_wait3A_194 = arith.constant 0 : i32
      %dma_wait3A_195 = tpu.memref_slice %arg6[%dma_wait3A_192, %dma_wait3A_193, %dma_wait3A_194] : memref<4x128x128xf32, #tpu.memory_space<vmem>> -> memref<1x128x128xf32, #tpu.memory_space<vmem>>
      %dma_wait3A_196 = tpu.memref_squeeze %dma_wait3A_195 : memref<1x128x128xf32, #tpu.memory_space<vmem>> -> memref<128x128xf32, #tpu.memory_space<vmem>>
      %dma_wait3A_197 = arith.constant 0 : i32
      %dma_wait3A_198 = tpu.memref_slice %arg4[%add3A_129, %dma_wait3A_197] : memref<32768x128xf32, #tpu.memory_space<hbm>> -> memref<128x128xf32, #tpu.memory_space<hbm>>
      %dma_wait3A_199 = arith.constant 0 : i32
      %dma_wait3A_200 = tpu.memref_slice %arg4[%add3A_129, %dma_wait3A_199] : memref<32768x128xf32, #tpu.memory_space<hbm>> -> memref<128x128xf32, #tpu.memory_space<hbm>>
      %dma_wait3A_201 = arith.constant 0 : i32
      %dma_wait3A_202 = arith.constant 0 : i32
      %dma_wait3A_203 = tpu.memref_slice %arg6[%dma_wait3A_192, %dma_wait3A_201, %dma_wait3A_202] : memref<4x128x128xf32, #tpu.memory_space<vmem>> -> memref<1x128x128xf32, #tpu.memory_space<vmem>>
      %dma_wait3A_204 = tpu.memref_squeeze %dma_wait3A_203 : memref<1x128x128xf32, #tpu.memory_space<vmem>> -> memref<128x128xf32, #tpu.memory_space<vmem>>
      tpu.wait_dma2 semaphore(%arg8 : memref<!tpu.dma_semaphore, #tpu.memory_space<semaphore_mem>>) src(%dma_wait3A_204 : memref<128x128xf32, #tpu.memory_space<vmem>>) dst(%dma_wait3A_200 : memref<128x128xf32, #tpu.memory_space<hbm>>)
      %dma_wait3A_205 = arith.constant 2 : i32
      %dma_wait3A_206 = arith.constant 0 : i32
      %dma_wait3A_207 = arith.constant 0 : i32
      %dma_wait3A_208 = tpu.memref_slice %arg6[%dma_wait3A_205, %dma_wait3A_206, %dma_wait3A_207] : memref<4x128x128xf32, #tpu.memory_space<vmem>> -> memref<1x128x128xf32, #tpu.memory_space<vmem>>
      %dma_wait3A_209 = tpu.memref_squeeze %dma_wait3A_208 : memref<1x128x128xf32, #tpu.memory_space<vmem>> -> memref<128x128xf32, #tpu.memory_space<vmem>>
      %dma_wait3A_210 = arith.constant 0 : i32
      %dma_wait3A_211 = tpu.memref_slice %arg4[%add3A_147, %dma_wait3A_210] : memref<32768x128xf32, #tpu.memory_space<hbm>> -> memref<128x128xf32, #tpu.memory_space<hbm>>
      %dma_wait3A_212 = arith.constant 0 : i32
      %dma_wait3A_213 = tpu.memref_slice %arg4[%add3A_147, %dma_wait3A_212] : memref<32768x128xf32, #tpu.memory_space<hbm>> -> memref<128x128xf32, #tpu.memory_space<hbm>>
      %dma_wait3A_214 = arith.constant 0 : i32
      %dma_wait3A_215 = arith.constant 0 : i32
      %dma_wait3A_216 = tpu.memref_slice %arg6[%dma_wait3A_205, %dma_wait3A_214, %dma_wait3A_215] : memref<4x128x128xf32, #tpu.memory_space<vmem>> -> memref<1x128x128xf32, #tpu.memory_space<vmem>>
      %dma_wait3A_217 = tpu.memref_squeeze %dma_wait3A_216 : memref<1x128x128xf32, #tpu.memory_space<vmem>> -> memref<128x128xf32, #tpu.memory_space<vmem>>
      tpu.wait_dma2 semaphore(%arg8 : memref<!tpu.dma_semaphore, #tpu.memory_space<semaphore_mem>>) src(%dma_wait3A_217 : memref<128x128xf32, #tpu.memory_space<vmem>>) dst(%dma_wait3A_213 : memref<128x128xf32, #tpu.memory_space<hbm>>)
      %dma_wait3A_218 = arith.constant 3 : i32
      %dma_wait3A_219 = arith.constant 0 : i32
      %dma_wait3A_220 = arith.constant 0 : i32
      %dma_wait3A_221 = tpu.memref_slice %arg6[%dma_wait3A_218, %dma_wait3A_219, %dma_wait3A_220] : memref<4x128x128xf32, #tpu.memory_space<vmem>> -> memref<1x128x128xf32, #tpu.memory_space<vmem>>
      %dma_wait3A_222 = tpu.memref_squeeze %dma_wait3A_221 : memref<1x128x128xf32, #tpu.memory_space<vmem>> -> memref<128x128xf32, #tpu.memory_space<vmem>>
      %dma_wait3A_223 = arith.constant 0 : i32
      %dma_wait3A_224 = tpu.memref_slice %arg4[%add3A_165, %dma_wait3A_223] : memref<32768x128xf32, #tpu.memory_space<hbm>> -> memref<128x128xf32, #tpu.memory_space<hbm>>
      %dma_wait3A_225 = arith.constant 0 : i32
      %dma_wait3A_226 = tpu.memref_slice %arg4[%add3A_165, %dma_wait3A_225] : memref<32768x128xf32, #tpu.memory_space<hbm>> -> memref<128x128xf32, #tpu.memory_space<hbm>>
      %dma_wait3A_227 = arith.constant 0 : i32
      %dma_wait3A_228 = arith.constant 0 : i32
      %dma_wait3A_229 = tpu.memref_slice %arg6[%dma_wait3A_218, %dma_wait3A_227, %dma_wait3A_228] : memref<4x128x128xf32, #tpu.memory_space<vmem>> -> memref<1x128x128xf32, #tpu.memory_space<vmem>>
      %dma_wait3A_230 = tpu.memref_squeeze %dma_wait3A_229 : memref<1x128x128xf32, #tpu.memory_space<vmem>> -> memref<128x128xf32, #tpu.memory_space<vmem>>
      tpu.wait_dma2 semaphore(%arg8 : memref<!tpu.dma_semaphore, #tpu.memory_space<semaphore_mem>>) src(%dma_wait3A_230 : memref<128x128xf32, #tpu.memory_space<vmem>>) dst(%dma_wait3A_226 : memref<128x128xf32, #tpu.memory_space<hbm>>)
    }
    %scan3A_9 = arith.constant 2 : i32
    return
  }
}

module attributes {stable_mosaic.version = 14 : i64} {
  func.func @body(%arg0: i32, %arg1: memref<2048x128xf32, #tpu.memory_space<vmem>>, %arg2: memref<128x64xf32, #tpu.memory_space<vmem>>, %arg3: memref<8x64xf32, #tpu.memory_space<vmem>>, %arg4: memref<2048x64xf32, #tpu.memory_space<vmem>>) attributes {dimension_semantics = [#tpu.dimension_semantics<arbitrary>], iteration_bounds = array<i64: 5>, scalar_prefetch = 0 : i64, scratch_operands = 0 : i64, tpu.core_type = #tpu.core_type<tc>, window_params = [{transform_indices = @transform_0, window_bounds = array<i64: 2048, 128>}, {pipeline_mode = #tpu.pipeline_mode<synchronous>, transform_indices = @transform_1, window_bounds = array<i64: 128, 64>}, {pipeline_mode = #tpu.pipeline_mode<synchronous>, transform_indices = @transform_2, window_bounds = array<i64: 8, 64>}, {transform_indices = @transform_3, window_bounds = array<i64: 2048, 64>}]} {
    %get3A = arith.constant 0 : index
    %get3A_0 = arith.constant 0 : index
    %get3A_1 = vector.load %arg1[%get3A, %get3A_0] : memref<2048x128xf32, #tpu.memory_space<vmem>>, vector<2048x128xf32>
    %get3A_2 = arith.constant 0 : index
    %get3A_3 = arith.constant 0 : index
    %get3A_4 = vector.load %arg2[%get3A_2, %get3A_3] : memref<128x64xf32, #tpu.memory_space<vmem>>, vector<128x64xf32>
    %dot_general3A = arith.constant dense<0.000000e+00> : vector<2048x64xf32>
    %dot_general3A_5 = tpu.matmul %get3A_1, %get3A_4, %dot_general3A {dimension_numbers = #tpu.dot_dimension_numbers<[1], [0], [0], [1], [0, 0, 1, 1], [], []>, transpose_lhs_hint = false} : vector<2048x128xf32>, vector<128x64xf32>, vector<2048x64xf32> -> vector<2048x64xf32>
    %get3A_6 = arith.constant 0 : index
    %get3A_7 = arith.constant 0 : index
    %get3A_8 = vector.load %arg3[%get3A_6, %get3A_7] : memref<8x64xf32, #tpu.memory_space<vmem>>, vector<1x64xf32>
    %add3A = vector.broadcast %get3A_8 : vector<1x64xf32> to vector<2048x64xf32>
    %add3A_9 = arith.addf %dot_general3A_5, %add3A : vector<2048x64xf32>
    %max3A = arith.constant 0.000000e+00 : f32
    %max3A_10 = vector.broadcast %max3A : f32 to vector<2048x64xf32>
    %max3A_11 = arith.maximumf %add3A_9, %max3A_10 : vector<2048x64xf32>
    %swap3A = arith.constant 0 : index
    %swap3A_12 = arith.constant 0 : index
    %swap3A_13 = vector.load %arg4[%swap3A, %swap3A_12] : memref<2048x64xf32, #tpu.memory_space<vmem>>, vector<2048x64xf32>
    tpu.vector_store %arg4[%swap3A, %swap3A_12], %max3A_11 {strides = array<i32>} : memref<2048x64xf32, #tpu.memory_space<vmem>>, vector<2048x64xf32>,
    return
  }
  func.func @transform_0(%arg0: i32) -> (i32, i32) {
    %c0_i32 = arith.constant 0 : i32
    %c0_i32_0 = arith.constant 0 : i32
    return %arg0, %c0_i32 : i32, i32
  }
  func.func @transform_1(%arg0: i32) -> (i32, i32) {
    %c0_i32 = arith.constant 0 : i32
    %c0_i32_0 = arith.constant 0 : i32
    %c0_i32_1 = arith.constant 0 : i32
    return %c0_i32, %c0_i32_0 : i32, i32
  }
  func.func @transform_2(%arg0: i32) -> (i32, i32) {
    %c0_i32 = arith.constant 0 : i32
    %c0_i32_0 = arith.constant 0 : i32
    %c0_i32_1 = arith.constant 0 : i32
    return %c0_i32, %c0_i32_0 : i32, i32
  }
  func.func @transform_3(%arg0: i32) -> (i32, i32) {
    %c0_i32 = arith.constant 0 : i32
    %c0_i32_0 = arith.constant 0 : i32
    return %arg0, %c0_i32 : i32, i32
  }
}

module attributes {stable_mosaic.version = 14 : i64} {
  func.func @body(%arg0: i32, %arg1: memref<2048x16xf32, #tpu.memory_space<vmem>>, %arg2: memref<16x64xf32, #tpu.memory_space<vmem>>, %arg3: memref<8x64xf32, #tpu.memory_space<vmem>>, %arg4: memref<2048x64xf32, #tpu.memory_space<vmem>>) attributes {dimension_semantics = [#tpu.dimension_semantics<arbitrary>], iteration_bounds = array<i64: 79>, scalar_prefetch = 0 : i64, scratch_operands = 0 : i64, tpu.core_type = #tpu.core_type<tc>, window_params = [{transform_indices = @transform_0, window_bounds = array<i64: 2048, 16>}, {pipeline_mode = #tpu.pipeline_mode<synchronous>, transform_indices = @transform_1, window_bounds = array<i64: 16, 64>}, {pipeline_mode = #tpu.pipeline_mode<synchronous>, transform_indices = @transform_2, window_bounds = array<i64: 8, 64>}, {transform_indices = @transform_3, window_bounds = array<i64: 2048, 64>}]} {
    %get3A = arith.constant 0 : index
    %get3A_0 = arith.constant 0 : index
    %get3A_1 = vector.load %arg1[%get3A, %get3A_0] : memref<2048x16xf32, #tpu.memory_space<vmem>>, vector<2048x16xf32>
    %get3A_2 = arith.constant 0 : index
    %get3A_3 = arith.constant 0 : index
    %get3A_4 = vector.load %arg2[%get3A_2, %get3A_3] : memref<16x64xf32, #tpu.memory_space<vmem>>, vector<16x64xf32>
    %dot_general3A = arith.constant dense<0.000000e+00> : vector<2048x64xf32>
    %dot_general3A_5 = tpu.matmul %get3A_1, %get3A_4, %dot_general3A {dimension_numbers = #tpu.dot_dimension_numbers<[1], [0], [0], [1], [0, 0, 1, 1], [], []>, transpose_lhs_hint = false} : vector<2048x16xf32>, vector<16x64xf32>, vector<2048x64xf32> -> vector<2048x64xf32>
    %get3A_6 = arith.constant 0 : index
    %get3A_7 = arith.constant 0 : index
    %get3A_8 = vector.load %arg3[%get3A_6, %get3A_7] : memref<8x64xf32, #tpu.memory_space<vmem>>, vector<1x64xf32>
    %add3A = vector.broadcast %get3A_8 : vector<1x64xf32> to vector<2048x64xf32>
    %add3A_9 = arith.addf %dot_general3A_5, %add3A : vector<2048x64xf32>
    %max3A = arith.constant 0.000000e+00 : f32
    %max3A_10 = vector.broadcast %max3A : f32 to vector<2048x64xf32>
    %max3A_11 = arith.maximumf %add3A_9, %max3A_10 : vector<2048x64xf32>
    %swap3A = arith.constant 0 : index
    %swap3A_12 = arith.constant 0 : index
    %swap3A_13 = vector.load %arg4[%swap3A, %swap3A_12] : memref<2048x64xf32, #tpu.memory_space<vmem>>, vector<2048x64xf32>
    tpu.vector_store %arg4[%swap3A, %swap3A_12], %max3A_11 {strides = array<i32>} : memref<2048x64xf32, #tpu.memory_space<vmem>>, vector<2048x64xf32>,
    return
  }
  func.func @transform_0(%arg0: i32) -> (i32, i32) {
    %c0_i32 = arith.constant 0 : i32
    %c0_i32_0 = arith.constant 0 : i32
    return %arg0, %c0_i32 : i32, i32
  }
  func.func @transform_1(%arg0: i32) -> (i32, i32) {
    %c0_i32 = arith.constant 0 : i32
    %c0_i32_0 = arith.constant 0 : i32
    %c0_i32_1 = arith.constant 0 : i32
    return %c0_i32, %c0_i32_0 : i32, i32
  }
  func.func @transform_2(%arg0: i32) -> (i32, i32) {
    %c0_i32 = arith.constant 0 : i32
    %c0_i32_0 = arith.constant 0 : i32
    %c0_i32_1 = arith.constant 0 : i32
    return %c0_i32, %c0_i32_0 : i32, i32
  }
  func.func @transform_3(%arg0: i32) -> (i32, i32) {
    %c0_i32 = arith.constant 0 : i32
    %c0_i32_0 = arith.constant 0 : i32
    return %arg0, %c0_i32 : i32, i32
  }
}

module attributes {stable_mosaic.version = 14 : i64} {
  func.func @body(%arg0: i32, %arg1: memref<20xi32, #tpu.memory_space<smem>>, %arg2: memref<512xi32, #tpu.memory_space<smem>>, %arg3: memref<512xi32, #tpu.memory_space<smem>>, %arg4: memref<20xi32, #tpu.memory_space<smem>>, %arg5: memref<512xi32, #tpu.memory_space<smem>>, %arg6: memref<512xi32, #tpu.memory_space<smem>>, %arg7: memref<168064x128xf32, #tpu.memory_space<any>>, %arg8: memref<168064x128xf32, #tpu.memory_space<any>>, %arg9: memref<128x512xf32, #tpu.memory_space<vmem>>, %arg10: memref<128x512xf32, #tpu.memory_space<vmem>>, %arg11: memref<8x512xf32, #tpu.memory_space<vmem>>, %arg12: memref<128x64xf32, #tpu.memory_space<vmem>>, %arg13: memref<8x64xf32, #tpu.memory_space<vmem>>, %arg14: memref<128x512xf32, #tpu.memory_space<vmem>>, %arg15: memref<128x512xf32, #tpu.memory_space<vmem>>, %arg16: memref<8x512xf32, #tpu.memory_space<vmem>>, %arg17: memref<128x64xf32, #tpu.memory_space<vmem>>, %arg18: memref<8x64xf32, #tpu.memory_space<vmem>>, %arg19: memref<512x64xf32, #tpu.memory_space<vmem>>, %arg20: memref<512x64xf32, #tpu.memory_space<vmem>>, %arg21: memref<2x512x128xf32, #tpu.memory_space<vmem>>, %arg22: memref<2x512x128xf32, #tpu.memory_space<vmem>>, %arg23: memref<512x128xf32, #tpu.memory_space<vmem>>, %arg24: memref<512x128xf32, #tpu.memory_space<vmem>>, %arg25: memref<512x128xf32, #tpu.memory_space<vmem>>, %arg26: memref<512x128xf32, #tpu.memory_space<vmem>>, %arg27: memref<2x!tpu.dma_semaphore, #tpu.memory_space<semaphore_mem>>, %arg28: memref<2x!tpu.dma_semaphore, #tpu.memory_space<semaphore_mem>>) attributes {dimension_semantics = [#tpu.dimension_semantics<arbitrary>], iteration_bounds = array<i64: 20>, scalar_prefetch = 6 : i64, scratch_operands = 8 : i64, tpu.core_type = #tpu.core_type<tc>, window_params = [{}, {}, {pipeline_mode = #tpu.pipeline_mode<synchronous>, transform_indices = @transform_2, window_bounds = array<i64: 128, 512>}, {pipeline_mode = #tpu.pipeline_mode<synchronous>, transform_indices = @transform_3, window_bounds = array<i64: 128, 512>}, {pipeline_mode = #tpu.pipeline_mode<synchronous>, transform_indices = @transform_4, window_bounds = array<i64: 8, 512>}, {pipeline_mode = #tpu.pipeline_mode<synchronous>, transform_indices = @transform_5, window_bounds = array<i64: 128, 64>}, {pipeline_mode = #tpu.pipeline_mode<synchronous>, transform_indices = @transform_6, window_bounds = array<i64: 8, 64>}, {pipeline_mode = #tpu.pipeline_mode<synchronous>, transform_indices = @transform_7, window_bounds = array<i64: 128, 512>}, {pipeline_mode = #tpu.pipeline_mode<synchronous>, transform_indices = @transform_8, window_bounds = array<i64: 128, 512>}, {pipeline_mode = #tpu.pipeline_mode<synchronous>, transform_indices = @transform_9, window_bounds = array<i64: 8, 512>}, {pipeline_mode = #tpu.pipeline_mode<synchronous>, transform_indices = @transform_10, window_bounds = array<i64: 128, 64>}, {pipeline_mode = #tpu.pipeline_mode<synchronous>, transform_indices = @transform_11, window_bounds = array<i64: 8, 64>}, {transform_indices = @transform_12, window_bounds = array<i64: 512, 64>}, {transform_indices = @transform_13, window_bounds = array<i64: 512, 64>}]} {
    %get3A = arith.index_cast %arg0 : i32 to index
    %get3A_0 = memref.load %arg1[%get3A] : memref<20xi32, #tpu.memory_space<smem>>
    %get3A_1 = arith.index_cast %arg0 : i32 to index
    %get3A_2 = memref.load %arg4[%get3A_1] : memref<20xi32, #tpu.memory_space<smem>>
    %broadcast_in_dim3A = arith.constant 0.000000e+00 : f32
    %broadcast_in_dim3A_3 = vector.broadcast %broadcast_in_dim3A : f32 to vector<512x128xf32>
    %swap3A = arith.constant 0 : index
    %swap3A_4 = arith.constant 0 : index
    %swap3A_5 = vector.load %arg23[%swap3A, %swap3A_4] : memref<512x128xf32, #tpu.memory_space<vmem>>, vector<512x128xf32>
    tpu.vector_store %arg23[%swap3A, %swap3A_4], %broadcast_in_dim3A_3 {strides = array<i32>} : memref<512x128xf32, #tpu.memory_space<vmem>>, vector<512x128xf32>,
    %broadcast_in_dim3A_6 = arith.constant 0.000000e+00 : f32
    %broadcast_in_dim3A_7 = vector.broadcast %broadcast_in_dim3A_6 : f32 to vector<512x128xf32>
    %swap3A_8 = arith.constant 0 : index
    %swap3A_9 = arith.constant 0 : index
    %swap3A_10 = vector.load %arg24[%swap3A_8, %swap3A_9] : memref<512x128xf32, #tpu.memory_space<vmem>>, vector<512x128xf32>
    tpu.vector_store %arg24[%swap3A_8, %swap3A_9], %broadcast_in_dim3A_7 {strides = array<i32>} : memref<512x128xf32, #tpu.memory_space<vmem>>, vector<512x128xf32>,
    %broadcast_in_dim3A_11 = arith.constant 0.000000e+00 : f32
    %broadcast_in_dim3A_12 = vector.broadcast %broadcast_in_dim3A_11 : f32 to vector<512x128xf32>
    %swap3A_13 = arith.constant 0 : index
    %swap3A_14 = arith.constant 0 : index
    %swap3A_15 = vector.load %arg25[%swap3A_13, %swap3A_14] : memref<512x128xf32, #tpu.memory_space<vmem>>, vector<512x128xf32>
    tpu.vector_store %arg25[%swap3A_13, %swap3A_14], %broadcast_in_dim3A_12 {strides = array<i32>} : memref<512x128xf32, #tpu.memory_space<vmem>>, vector<512x128xf32>,
    %broadcast_in_dim3A_16 = arith.constant 0.000000e+00 : f32
    %broadcast_in_dim3A_17 = vector.broadcast %broadcast_in_dim3A_16 : f32 to vector<512x128xf32>
    %swap3A_18 = arith.constant 0 : index
    %swap3A_19 = arith.constant 0 : index
    %swap3A_20 = vector.load %arg26[%swap3A_18, %swap3A_19] : memref<512x128xf32, #tpu.memory_space<vmem>>, vector<512x128xf32>
    tpu.vector_store %arg26[%swap3A_18, %swap3A_19], %broadcast_in_dim3A_17 {strides = array<i32>} : memref<512x128xf32, #tpu.memory_space<vmem>>, vector<512x128xf32>,
    %iota3A = tpu.iota {dimensions = array<i32: 0>} : vector<512x1xi32>
    %gt3A = arith.constant 0 : i32
    %gt3A_21 = arith.cmpi sgt, %get3A_0, %gt3A : i32
    %convert_element_type3A = arith.extui %gt3A_21 : i1 to i32
    %cond3A = arith.constant 0 : i32
    %cond3A_22 = arith.cmpi ne, %convert_element_type3A, %cond3A : i32
    scf.if %cond3A_22 {
      %get3A_79 = arith.constant 0 : index
      %get3A_80 = memref.load %arg2[%get3A_79] : memref<512xi32, #tpu.memory_space<smem>>
      %mul3A = arith.constant 512 : i32
      %mul3A_81 = arith.muli %arg0, %mul3A : i32
      %add3A_82 = arith.addi %get3A_80, %mul3A_81 : i32
      %multiple_of3A = tpu.assume_multiple %add3A_82, 8 : i32
      %dma_start3A = arith.constant 0 : i32
      %dma_start3A_83 = arith.constant 0 : i32
      %dma_start3A_84 = tpu.memref_slice %arg27[%dma_start3A_83] : memref<2x!tpu.dma_semaphore, #tpu.memory_space<semaphore_mem>> -> memref<1x!tpu.dma_semaphore, #tpu.memory_space<semaphore_mem>>
      %dma_start3A_85 = tpu.memref_squeeze %dma_start3A_84 : memref<1x!tpu.dma_semaphore, #tpu.memory_space<semaphore_mem>> -> memref<!tpu.dma_semaphore, #tpu.memory_space<semaphore_mem>>
      %dma_start3A_86 = arith.constant 0 : i32
      %dma_start3A_87 = arith.constant 0 : i32
      %dma_start3A_88 = tpu.memref_slice %arg21[%dma_start3A, %dma_start3A_86, %dma_start3A_87] : memref<2x512x128xf32, #tpu.memory_space<vmem>> -> memref<1x512x128xf32, #tpu.memory_space<vmem>>
      %dma_start3A_89 = tpu.memref_squeeze %dma_start3A_88 : memref<1x512x128xf32, #tpu.memory_space<vmem>> -> memref<512x128xf32, #tpu.memory_space<vmem>>
      %dma_start3A_90 = arith.constant 0 : i32
      %dma_start3A_91 = tpu.memref_slice %arg7[%multiple_of3A, %dma_start3A_90] : memref<168064x128xf32, #tpu.memory_space<any>> -> memref<512x128xf32, #tpu.memory_space<any>>
      tpu.enqueue_dma source(%dma_start3A_91 : memref<512x128xf32, #tpu.memory_space<any>>) target(%dma_start3A_89 : memref<512x128xf32, #tpu.memory_space<vmem>>) target_semaphore(%dma_start3A_85 : memref<!tpu.dma_semaphore, #tpu.memory_space<semaphore_mem>>)
    } else {
    }
    %gt3A_23 = arith.constant 0 : i32
    %gt3A_24 = arith.cmpi sgt, %get3A_2, %gt3A_23 : i32
    %convert_element_type3A_25 = arith.extui %gt3A_24 : i1 to i32
    %cond3A_26 = arith.constant 0 : i32
    %cond3A_27 = arith.cmpi ne, %convert_element_type3A_25, %cond3A_26 : i32
    scf.if %cond3A_27 {
      %get3A_79 = arith.constant 0 : index
      %get3A_80 = memref.load %arg5[%get3A_79] : memref<512xi32, #tpu.memory_space<smem>>
      %mul3A = arith.constant 512 : i32
      %mul3A_81 = arith.muli %arg0, %mul3A : i32
      %add3A_82 = arith.addi %get3A_80, %mul3A_81 : i32
      %multiple_of3A = tpu.assume_multiple %add3A_82, 8 : i32
      %dma_start3A = arith.constant 0 : i32
      %dma_start3A_83 = arith.constant 0 : i32
      %dma_start3A_84 = tpu.memref_slice %arg28[%dma_start3A_83] : memref<2x!tpu.dma_semaphore, #tpu.memory_space<semaphore_mem>> -> memref<1x!tpu.dma_semaphore, #tpu.memory_space<semaphore_mem>>
      %dma_start3A_85 = tpu.memref_squeeze %dma_start3A_84 : memref<1x!tpu.dma_semaphore, #tpu.memory_space<semaphore_mem>> -> memref<!tpu.dma_semaphore, #tpu.memory_space<semaphore_mem>>
      %dma_start3A_86 = arith.constant 0 : i32
      %dma_start3A_87 = arith.constant 0 : i32
      %dma_start3A_88 = tpu.memref_slice %arg22[%dma_start3A, %dma_start3A_86, %dma_start3A_87] : memref<2x512x128xf32, #tpu.memory_space<vmem>> -> memref<1x512x128xf32, #tpu.memory_space<vmem>>
      %dma_start3A_89 = tpu.memref_squeeze %dma_start3A_88 : memref<1x512x128xf32, #tpu.memory_space<vmem>> -> memref<512x128xf32, #tpu.memory_space<vmem>>
      %dma_start3A_90 = arith.constant 0 : i32
      %dma_start3A_91 = tpu.memref_slice %arg8[%multiple_of3A, %dma_start3A_90] : memref<168064x128xf32, #tpu.memory_space<any>> -> memref<512x128xf32, #tpu.memory_space<any>>
      tpu.enqueue_dma source(%dma_start3A_91 : memref<512x128xf32, #tpu.memory_space<any>>) target(%dma_start3A_89 : memref<512x128xf32, #tpu.memory_space<vmem>>) target_semaphore(%dma_start3A_85 : memref<!tpu.dma_semaphore, #tpu.memory_space<semaphore_mem>>)
    } else {
    }
    %max3A = arith.maxsi %get3A_0, %get3A_2 : i32
    %while3A = arith.constant 0 : i32
    %while3A_28 = arith.constant 0 : i32
    %while3A_29 = arith.subi %max3A, %while3A_28 : i32
    %while3A_30 = arith.addi %while3A_28, %while3A_29 : i32
    %while3A_31 = arith.constant 1 : i32
    %while3A_32 = arith.divsi %while3A_29, %while3A_31 : i32
    %while3A_33 = arith.muli %while3A_32, %while3A_31 : i32
    %while3A_34 = arith.addi %while3A_28, %while3A_33 : i32
    %while3A_35 = arith.constant 1 : i32
    scf.for %while3A_79 = %while3A_28 to %while3A_34 step %while3A_35  : i32 {
      %rem3A = arith.constant 2 : i32
      %rem3A_80 = arith.remsi %while3A_79, %rem3A : i32
      %add3A_81 = arith.constant 1 : i32
      %add3A_82 = arith.addi %while3A_79, %add3A_81 : i32
      %lt3A = arith.cmpi slt, %add3A_82, %get3A_0 : i32
      %convert_element_type3A_83 = arith.extui %lt3A : i1 to i32
      %cond3A_84 = arith.constant 0 : i32
      %cond3A_85 = arith.cmpi ne, %convert_element_type3A_83, %cond3A_84 : i32
      scf.if %cond3A_85 {
        %add3A_100 = arith.constant 1 : i32
        %add3A_101 = arith.addi %while3A_79, %add3A_100 : i32
        %sub3A = arith.constant 1 : i32
        %sub3A_102 = arith.subi %sub3A, %rem3A_80 : i32
        %get3A_103 = arith.index_cast %add3A_101 : i32 to index
        %get3A_104 = memref.load %arg2[%get3A_103] : memref<512xi32, #tpu.memory_space<smem>>
        %mul3A = arith.constant 512 : i32
        %mul3A_105 = arith.muli %arg0, %mul3A : i32
        %add3A_106 = arith.addi %get3A_104, %mul3A_105 : i32
        %multiple_of3A = tpu.assume_multiple %add3A_106, 8 : i32
        %dma_start3A = tpu.memref_slice %arg27[%sub3A_102] : memref<2x!tpu.dma_semaphore, #tpu.memory_space<semaphore_mem>> -> memref<1x!tpu.dma_semaphore, #tpu.memory_space<semaphore_mem>>
        %dma_start3A_107 = tpu.memref_squeeze %dma_start3A : memref<1x!tpu.dma_semaphore, #tpu.memory_space<semaphore_mem>> -> memref<!tpu.dma_semaphore, #tpu.memory_space<semaphore_mem>>
        %dma_start3A_108 = arith.constant 0 : i32
        %dma_start3A_109 = arith.constant 0 : i32
        %dma_start3A_110 = tpu.memref_slice %arg21[%sub3A_102, %dma_start3A_108, %dma_start3A_109] : memref<2x512x128xf32, #tpu.memory_space<vmem>> -> memref<1x512x128xf32, #tpu.memory_space<vmem>>
        %dma_start3A_111 = tpu.memref_squeeze %dma_start3A_110 : memref<1x512x128xf32, #tpu.memory_space<vmem>> -> memref<512x128xf32, #tpu.memory_space<vmem>>
        %dma_start3A_112 = arith.constant 0 : i32
        %dma_start3A_113 = tpu.memref_slice %arg7[%multiple_of3A, %dma_start3A_112] : memref<168064x128xf32, #tpu.memory_space<any>> -> memref<512x128xf32, #tpu.memory_space<any>>
        tpu.enqueue_dma source(%dma_start3A_113 : memref<512x128xf32, #tpu.memory_space<any>>) target(%dma_start3A_111 : memref<512x128xf32, #tpu.memory_space<vmem>>) target_semaphore(%dma_start3A_107 : memref<!tpu.dma_semaphore, #tpu.memory_space<semaphore_mem>>)
      } else {
      }
      %add3A_86 = arith.constant 1 : i32
      %add3A_87 = arith.addi %while3A_79, %add3A_86 : i32
      %lt3A_88 = arith.cmpi slt, %add3A_87, %get3A_2 : i32
      %convert_element_type3A_89 = arith.extui %lt3A_88 : i1 to i32
      %cond3A_90 = arith.constant 0 : i32
      %cond3A_91 = arith.cmpi ne, %convert_element_type3A_89, %cond3A_90 : i32
      scf.if %cond3A_91 {
        %add3A_100 = arith.constant 1 : i32
        %add3A_101 = arith.addi %while3A_79, %add3A_100 : i32
        %sub3A = arith.constant 1 : i32
        %sub3A_102 = arith.subi %sub3A, %rem3A_80 : i32
        %get3A_103 = arith.index_cast %add3A_101 : i32 to index
        %get3A_104 = memref.load %arg5[%get3A_103] : memref<512xi32, #tpu.memory_space<smem>>
        %mul3A = arith.constant 512 : i32
        %mul3A_105 = arith.muli %arg0, %mul3A : i32
        %add3A_106 = arith.addi %get3A_104, %mul3A_105 : i32
        %multiple_of3A = tpu.assume_multiple %add3A_106, 8 : i32
        %dma_start3A = tpu.memref_slice %arg28[%sub3A_102] : memref<2x!tpu.dma_semaphore, #tpu.memory_space<semaphore_mem>> -> memref<1x!tpu.dma_semaphore, #tpu.memory_space<semaphore_mem>>
        %dma_start3A_107 = tpu.memref_squeeze %dma_start3A : memref<1x!tpu.dma_semaphore, #tpu.memory_space<semaphore_mem>> -> memref<!tpu.dma_semaphore, #tpu.memory_space<semaphore_mem>>
        %dma_start3A_108 = arith.constant 0 : i32
        %dma_start3A_109 = arith.constant 0 : i32
        %dma_start3A_110 = tpu.memref_slice %arg22[%sub3A_102, %dma_start3A_108, %dma_start3A_109] : memref<2x512x128xf32, #tpu.memory_space<vmem>> -> memref<1x512x128xf32, #tpu.memory_space<vmem>>
        %dma_start3A_111 = tpu.memref_squeeze %dma_start3A_110 : memref<1x512x128xf32, #tpu.memory_space<vmem>> -> memref<512x128xf32, #tpu.memory_space<vmem>>
        %dma_start3A_112 = arith.constant 0 : i32
        %dma_start3A_113 = tpu.memref_slice %arg8[%multiple_of3A, %dma_start3A_112] : memref<168064x128xf32, #tpu.memory_space<any>> -> memref<512x128xf32, #tpu.memory_space<any>>
        tpu.enqueue_dma source(%dma_start3A_113 : memref<512x128xf32, #tpu.memory_space<any>>) target(%dma_start3A_111 : memref<512x128xf32, #tpu.memory_space<vmem>>) target_semaphore(%dma_start3A_107 : memref<!tpu.dma_semaphore, #tpu.memory_space<semaphore_mem>>)
      } else {
      }
      %lt3A_92 = arith.cmpi slt, %while3A_79, %get3A_0 : i32
      %convert_element_type3A_93 = arith.extui %lt3A_92 : i1 to i32
      %cond3A_94 = arith.constant 0 : i32
      %cond3A_95 = arith.cmpi ne, %convert_element_type3A_93, %cond3A_94 : i32
      scf.if %cond3A_95 {
        %get3A_100 = arith.index_cast %while3A_79 : i32 to index
        %get3A_101 = memref.load %arg2[%get3A_100] : memref<512xi32, #tpu.memory_space<smem>>
        %mul3A = arith.constant 512 : i32
        %mul3A_102 = arith.muli %arg0, %mul3A : i32
        %add3A_103 = arith.addi %get3A_101, %mul3A_102 : i32
        %multiple_of3A = tpu.assume_multiple %add3A_103, 8 : i32
        %dma_wait3A = tpu.memref_slice %arg27[%rem3A_80] : memref<2x!tpu.dma_semaphore, #tpu.memory_space<semaphore_mem>> -> memref<1x!tpu.dma_semaphore, #tpu.memory_space<semaphore_mem>>
        %dma_wait3A_104 = tpu.memref_squeeze %dma_wait3A : memref<1x!tpu.dma_semaphore, #tpu.memory_space<semaphore_mem>> -> memref<!tpu.dma_semaphore, #tpu.memory_space<semaphore_mem>>
        %dma_wait3A_105 = arith.constant 0 : i32
        %dma_wait3A_106 = arith.constant 0 : i32
        %dma_wait3A_107 = tpu.memref_slice %arg21[%rem3A_80, %dma_wait3A_105, %dma_wait3A_106] : memref<2x512x128xf32, #tpu.memory_space<vmem>> -> memref<1x512x128xf32, #tpu.memory_space<vmem>>
        %dma_wait3A_108 = tpu.memref_squeeze %dma_wait3A_107 : memref<1x512x128xf32, #tpu.memory_space<vmem>> -> memref<512x128xf32, #tpu.memory_space<vmem>>
        %dma_wait3A_109 = arith.constant 0 : i32
        %dma_wait3A_110 = tpu.memref_slice %arg7[%multiple_of3A, %dma_wait3A_109] : memref<168064x128xf32, #tpu.memory_space<any>> -> memref<512x128xf32, #tpu.memory_space<any>>
        tpu.wait_dma2 semaphore(%dma_wait3A_104 : memref<!tpu.dma_semaphore, #tpu.memory_space<semaphore_mem>>) src(%dma_wait3A_110 : memref<512x128xf32, #tpu.memory_space<any>>) dst(%dma_wait3A_108 : memref<512x128xf32, #tpu.memory_space<vmem>>)
        %get3A_111 = arith.constant 0 : index
        %get3A_112 = arith.constant 0 : index
        %get3A_113 = vector.load %arg23[%get3A_111, %get3A_112] : memref<512x128xf32, #tpu.memory_space<vmem>>, vector<512x128xf32>
        %get3A_114 = arith.constant 0 : index
        %get3A_115 = arith.constant 0 : index
        %get3A_116 = vector.load %arg24[%get3A_114, %get3A_115] : memref<512x128xf32, #tpu.memory_space<vmem>>, vector<512x128xf32>
        %get3A_117 = arith.index_cast %rem3A_80 : i32 to index
        %get3A_118 = arith.constant 0 : index
        %get3A_119 = arith.constant 0 : index
        %get3A_120 = vector.load %arg21[%get3A_117, %get3A_118, %get3A_119] : memref<2x512x128xf32, #tpu.memory_space<vmem>>, vector<1x512x128xf32>
        %get3A_121 = vector.shape_cast %get3A_120 : vector<1x512x128xf32> to vector<512x128xf32>
        %get3A_122 = arith.constant 0 : index
        %get3A_123 = arith.constant 0 : index
        %get3A_124 = vector.load %arg9[%get3A_122, %get3A_123] : memref<128x512xf32, #tpu.memory_space<vmem>>, vector<128x512xf32>
        %dot_general3A_125 = arith.constant dense<0.000000e+00> : vector<512x512xf32>
        %dot_general3A_126 = tpu.matmul %get3A_121, %get3A_124, %dot_general3A_125 {dimension_numbers = #tpu.dot_dimension_numbers<[1], [0], [0], [1], [0, 0, 1, 1], [], []>, transpose_lhs_hint = false} : vector<512x128xf32>, vector<128x512xf32>, vector<512x512xf32> -> vector<512x512xf32>
        %get3A_127 = arith.constant 0 : index
        %get3A_128 = arith.constant 0 : index
        %get3A_129 = vector.load %arg10[%get3A_127, %get3A_128] : memref<128x512xf32, #tpu.memory_space<vmem>>, vector<128x512xf32>
        %dot_general3A_130 = arith.constant dense<0.000000e+00> : vector<512x512xf32>
        %dot_general3A_131 = tpu.matmul %get3A_113, %get3A_129, %dot_general3A_130 {dimension_numbers = #tpu.dot_dimension_numbers<[1], [0], [0], [1], [0, 0, 1, 1], [], []>, transpose_lhs_hint = false} : vector<512x128xf32>, vector<128x512xf32>, vector<512x512xf32> -> vector<512x512xf32>
        %add3A_132 = arith.addf %dot_general3A_126, %dot_general3A_131 : vector<512x512xf32>
        %get3A_133 = arith.constant 0 : index
        %get3A_134 = arith.constant 0 : index
        %get3A_135 = vector.load %arg11[%get3A_133, %get3A_134] : memref<8x512xf32, #tpu.memory_space<vmem>>, vector<1x512xf32>
        %add3A_136 = vector.broadcast %get3A_135 : vector<1x512xf32> to vector<512x512xf32>
        %add3A_137 = arith.addf %add3A_132, %add3A_136 : vector<512x512xf32>
        %slice3A = vector.extract_strided_slice %add3A_137 {offsets = [0, 0], sizes = [512, 128], strides = [1, 1]} : vector<512x512xf32> to vector<512x128xf32>
        %logistic3A = arith.negf %slice3A : vector<512x128xf32>
        %logistic3A_138 = math.exp %logistic3A : vector<512x128xf32>
        %logistic3A_139 = arith.constant 1.000000e+00 : f32
        %logistic3A_140 = vector.broadcast %logistic3A_139 : f32 to vector<512x128xf32>
        %logistic3A_141 = arith.addf %logistic3A_140, %logistic3A_138 : vector<512x128xf32>
        %logistic3A_142 = arith.divf %logistic3A_140, %logistic3A_141 : vector<512x128xf32>
        %slice3A_143 = vector.extract_strided_slice %add3A_137 {offsets = [0, 128], sizes = [512, 128], strides = [1, 1]} : vector<512x512xf32> to vector<512x128xf32>
        %logistic3A_144 = arith.negf %slice3A_143 : vector<512x128xf32>
        %logistic3A_145 = math.exp %logistic3A_144 : vector<512x128xf32>
        %logistic3A_146 = arith.constant 1.000000e+00 : f32
        %logistic3A_147 = vector.broadcast %logistic3A_146 : f32 to vector<512x128xf32>
        %logistic3A_148 = arith.addf %logistic3A_147, %logistic3A_145 : vector<512x128xf32>
        %logistic3A_149 = arith.divf %logistic3A_147, %logistic3A_148 : vector<512x128xf32>
        %slice3A_150 = vector.extract_strided_slice %add3A_137 {offsets = [0, 256], sizes = [512, 128], strides = [1, 1]} : vector<512x512xf32> to vector<512x128xf32>
        %tanh3A = math.tanh %slice3A_150 : vector<512x128xf32>
        %slice3A_151 = vector.extract_strided_slice %add3A_137 {offsets = [0, 384], sizes = [512, 128], strides = [1, 1]} : vector<512x512xf32> to vector<512x128xf32>
        %logistic3A_152 = arith.negf %slice3A_151 : vector<512x128xf32>
        %logistic3A_153 = math.exp %logistic3A_152 : vector<512x128xf32>
        %logistic3A_154 = arith.constant 1.000000e+00 : f32
        %logistic3A_155 = vector.broadcast %logistic3A_154 : f32 to vector<512x128xf32>
        %logistic3A_156 = arith.addf %logistic3A_155, %logistic3A_153 : vector<512x128xf32>
        %logistic3A_157 = arith.divf %logistic3A_155, %logistic3A_156 : vector<512x128xf32>
        %mul3A_158 = arith.mulf %logistic3A_149, %get3A_116 : vector<512x128xf32>
        %mul3A_159 = arith.mulf %logistic3A_142, %tanh3A : vector<512x128xf32>
        %add3A_160 = arith.addf %mul3A_158, %mul3A_159 : vector<512x128xf32>
        %tanh3A_161 = math.tanh %add3A_160 : vector<512x128xf32>
        %mul3A_162 = arith.mulf %logistic3A_157, %tanh3A_161 : vector<512x128xf32>
        %get3A_163 = arith.index_cast %while3A_79 : i32 to index
        %get3A_164 = memref.load %arg3[%get3A_163] : memref<512xi32, #tpu.memory_space<smem>>
        %mul3A_165 = arith.constant 512 : i32
        %mul3A_166 = arith.muli %arg0, %mul3A_165 : i32
        %sub3A = arith.subi %get3A_164, %mul3A_166 : i32
        %lt3A_167 = vector.broadcast %sub3A : i32 to vector<512x1xi32>
        %lt3A_168 = arith.cmpi slt, %iota3A, %lt3A_167 : vector<512x1xi32>
        %broadcast_in_dim3A_169 = vector.shape_cast %lt3A_168 : vector<512x1xi1> to vector<512x1xi1>
        %broadcast_in_dim3A_170 = vector.broadcast %broadcast_in_dim3A_169 : vector<512x1xi1> to vector<512x128xi1>
        %select_n3A = arith.select %broadcast_in_dim3A_170, %mul3A_162, %get3A_113 : vector<512x128xi1>, vector<512x128xf32>
        %swap3A_171 = arith.constant 0 : index
        %swap3A_172 = arith.constant 0 : index
        %swap3A_173 = vector.load %arg23[%swap3A_171, %swap3A_172] : memref<512x128xf32, #tpu.memory_space<vmem>>, vector<512x128xf32>
        tpu.vector_store %arg23[%swap3A_171, %swap3A_172], %select_n3A {strides = array<i32>} : memref<512x128xf32, #tpu.memory_space<vmem>>, vector<512x128xf32>,
        %broadcast_in_dim3A_174 = vector.shape_cast %lt3A_168 : vector<512x1xi1> to vector<512x1xi1>
        %broadcast_in_dim3A_175 = vector.broadcast %broadcast_in_dim3A_174 : vector<512x1xi1> to vector<512x128xi1>
        %select_n3A_176 = arith.select %broadcast_in_dim3A_175, %add3A_160, %get3A_116 : vector<512x128xi1>, vector<512x128xf32>
        %swap3A_177 = arith.constant 0 : index
        %swap3A_178 = arith.constant 0 : index
        %swap3A_179 = vector.load %arg24[%swap3A_177, %swap3A_178] : memref<512x128xf32, #tpu.memory_space<vmem>>, vector<512x128xf32>
        tpu.vector_store %arg24[%swap3A_177, %swap3A_178], %select_n3A_176 {strides = array<i32>} : memref<512x128xf32, #tpu.memory_space<vmem>>, vector<512x128xf32>,
      } else {
      }
      %lt3A_96 = arith.cmpi slt, %while3A_79, %get3A_2 : i32
      %convert_element_type3A_97 = arith.extui %lt3A_96 : i1 to i32
      %cond3A_98 = arith.constant 0 : i32
      %cond3A_99 = arith.cmpi ne, %convert_element_type3A_97, %cond3A_98 : i32
      scf.if %cond3A_99 {
        %get3A_100 = arith.index_cast %while3A_79 : i32 to index
        %get3A_101 = memref.load %arg5[%get3A_100] : memref<512xi32, #tpu.memory_space<smem>>
        %mul3A = arith.constant 512 : i32
        %mul3A_102 = arith.muli %arg0, %mul3A : i32
        %add3A_103 = arith.addi %get3A_101, %mul3A_102 : i32
        %multiple_of3A = tpu.assume_multiple %add3A_103, 8 : i32
        %dma_wait3A = tpu.memref_slice %arg28[%rem3A_80] : memref<2x!tpu.dma_semaphore, #tpu.memory_space<semaphore_mem>> -> memref<1x!tpu.dma_semaphore, #tpu.memory_space<semaphore_mem>>
        %dma_wait3A_104 = tpu.memref_squeeze %dma_wait3A : memref<1x!tpu.dma_semaphore, #tpu.memory_space<semaphore_mem>> -> memref<!tpu.dma_semaphore, #tpu.memory_space<semaphore_mem>>
        %dma_wait3A_105 = arith.constant 0 : i32
        %dma_wait3A_106 = arith.constant 0 : i32
        %dma_wait3A_107 = tpu.memref_slice %arg22[%rem3A_80, %dma_wait3A_105, %dma_wait3A_106] : memref<2x512x128xf32, #tpu.memory_space<vmem>> -> memref<1x512x128xf32, #tpu.memory_space<vmem>>
        %dma_wait3A_108 = tpu.memref_squeeze %dma_wait3A_107 : memref<1x512x128xf32, #tpu.memory_space<vmem>> -> memref<512x128xf32, #tpu.memory_space<vmem>>
        %dma_wait3A_109 = arith.constant 0 : i32
        %dma_wait3A_110 = tpu.memref_slice %arg8[%multiple_of3A, %dma_wait3A_109] : memref<168064x128xf32, #tpu.memory_space<any>> -> memref<512x128xf32, #tpu.memory_space<any>>
        tpu.wait_dma2 semaphore(%dma_wait3A_104 : memref<!tpu.dma_semaphore, #tpu.memory_space<semaphore_mem>>) src(%dma_wait3A_110 : memref<512x128xf32, #tpu.memory_space<any>>) dst(%dma_wait3A_108 : memref<512x128xf32, #tpu.memory_space<vmem>>)
        %get3A_111 = arith.constant 0 : index
        %get3A_112 = arith.constant 0 : index
        %get3A_113 = vector.load %arg25[%get3A_111, %get3A_112] : memref<512x128xf32, #tpu.memory_space<vmem>>, vector<512x128xf32>
        %get3A_114 = arith.constant 0 : index
        %get3A_115 = arith.constant 0 : index
        %get3A_116 = vector.load %arg26[%get3A_114, %get3A_115] : memref<512x128xf32, #tpu.memory_space<vmem>>, vector<512x128xf32>
        %get3A_117 = arith.index_cast %rem3A_80 : i32 to index
        %get3A_118 = arith.constant 0 : index
        %get3A_119 = arith.constant 0 : index
        %get3A_120 = vector.load %arg22[%get3A_117, %get3A_118, %get3A_119] : memref<2x512x128xf32, #tpu.memory_space<vmem>>, vector<1x512x128xf32>
        %get3A_121 = vector.shape_cast %get3A_120 : vector<1x512x128xf32> to vector<512x128xf32>
        %get3A_122 = arith.constant 0 : index
        %get3A_123 = arith.constant 0 : index
        %get3A_124 = vector.load %arg14[%get3A_122, %get3A_123] : memref<128x512xf32, #tpu.memory_space<vmem>>, vector<128x512xf32>
        %dot_general3A_125 = arith.constant dense<0.000000e+00> : vector<512x512xf32>
        %dot_general3A_126 = tpu.matmul %get3A_121, %get3A_124, %dot_general3A_125 {dimension_numbers = #tpu.dot_dimension_numbers<[1], [0], [0], [1], [0, 0, 1, 1], [], []>, transpose_lhs_hint = false} : vector<512x128xf32>, vector<128x512xf32>, vector<512x512xf32> -> vector<512x512xf32>
        %get3A_127 = arith.constant 0 : index
        %get3A_128 = arith.constant 0 : index
        %get3A_129 = vector.load %arg15[%get3A_127, %get3A_128] : memref<128x512xf32, #tpu.memory_space<vmem>>, vector<128x512xf32>
        %dot_general3A_130 = arith.constant dense<0.000000e+00> : vector<512x512xf32>
        %dot_general3A_131 = tpu.matmul %get3A_113, %get3A_129, %dot_general3A_130 {dimension_numbers = #tpu.dot_dimension_numbers<[1], [0], [0], [1], [0, 0, 1, 1], [], []>, transpose_lhs_hint = false} : vector<512x128xf32>, vector<128x512xf32>, vector<512x512xf32> -> vector<512x512xf32>
        %add3A_132 = arith.addf %dot_general3A_126, %dot_general3A_131 : vector<512x512xf32>
        %get3A_133 = arith.constant 0 : index
        %get3A_134 = arith.constant 0 : index
        %get3A_135 = vector.load %arg16[%get3A_133, %get3A_134] : memref<8x512xf32, #tpu.memory_space<vmem>>, vector<1x512xf32>
        %add3A_136 = vector.broadcast %get3A_135 : vector<1x512xf32> to vector<512x512xf32>
        %add3A_137 = arith.addf %add3A_132, %add3A_136 : vector<512x512xf32>
        %slice3A = vector.extract_strided_slice %add3A_137 {offsets = [0, 0], sizes = [512, 128], strides = [1, 1]} : vector<512x512xf32> to vector<512x128xf32>
        %logistic3A = arith.negf %slice3A : vector<512x128xf32>
        %logistic3A_138 = math.exp %logistic3A : vector<512x128xf32>
        %logistic3A_139 = arith.constant 1.000000e+00 : f32
        %logistic3A_140 = vector.broadcast %logistic3A_139 : f32 to vector<512x128xf32>
        %logistic3A_141 = arith.addf %logistic3A_140, %logistic3A_138 : vector<512x128xf32>
        %logistic3A_142 = arith.divf %logistic3A_140, %logistic3A_141 : vector<512x128xf32>
        %slice3A_143 = vector.extract_strided_slice %add3A_137 {offsets = [0, 128], sizes = [512, 128], strides = [1, 1]} : vector<512x512xf32> to vector<512x128xf32>
        %logistic3A_144 = arith.negf %slice3A_143 : vector<512x128xf32>
        %logistic3A_145 = math.exp %logistic3A_144 : vector<512x128xf32>
        %logistic3A_146 = arith.constant 1.000000e+00 : f32
        %logistic3A_147 = vector.broadcast %logistic3A_146 : f32 to vector<512x128xf32>
        %logistic3A_148 = arith.addf %logistic3A_147, %logistic3A_145 : vector<512x128xf32>
        %logistic3A_149 = arith.divf %logistic3A_147, %logistic3A_148 : vector<512x128xf32>
        %slice3A_150 = vector.extract_strided_slice %add3A_137 {offsets = [0, 256], sizes = [512, 128], strides = [1, 1]} : vector<512x512xf32> to vector<512x128xf32>
        %tanh3A = math.tanh %slice3A_150 : vector<512x128xf32>
        %slice3A_151 = vector.extract_strided_slice %add3A_137 {offsets = [0, 384], sizes = [512, 128], strides = [1, 1]} : vector<512x512xf32> to vector<512x128xf32>
        %logistic3A_152 = arith.negf %slice3A_151 : vector<512x128xf32>
        %logistic3A_153 = math.exp %logistic3A_152 : vector<512x128xf32>
        %logistic3A_154 = arith.constant 1.000000e+00 : f32
        %logistic3A_155 = vector.broadcast %logistic3A_154 : f32 to vector<512x128xf32>
        %logistic3A_156 = arith.addf %logistic3A_155, %logistic3A_153 : vector<512x128xf32>
        %logistic3A_157 = arith.divf %logistic3A_155, %logistic3A_156 : vector<512x128xf32>
        %mul3A_158 = arith.mulf %logistic3A_149, %get3A_116 : vector<512x128xf32>
        %mul3A_159 = arith.mulf %logistic3A_142, %tanh3A : vector<512x128xf32>
        %add3A_160 = arith.addf %mul3A_158, %mul3A_159 : vector<512x128xf32>
        %tanh3A_161 = math.tanh %add3A_160 : vector<512x128xf32>
        %mul3A_162 = arith.mulf %logistic3A_157, %tanh3A_161 : vector<512x128xf32>
        %get3A_163 = arith.index_cast %while3A_79 : i32 to index
        %get3A_164 = memref.load %arg6[%get3A_163] : memref<512xi32, #tpu.memory_space<smem>>
        %mul3A_165 = arith.constant 512 : i32
        %mul3A_166 = arith.muli %arg0, %mul3A_165 : i32
        %sub3A = arith.subi %get3A_164, %mul3A_166 : i32
        %lt3A_167 = vector.broadcast %sub3A : i32 to vector<512x1xi32>
        %lt3A_168 = arith.cmpi slt, %iota3A, %lt3A_167 : vector<512x1xi32>
        %broadcast_in_dim3A_169 = vector.shape_cast %lt3A_168 : vector<512x1xi1> to vector<512x1xi1>
        %broadcast_in_dim3A_170 = vector.broadcast %broadcast_in_dim3A_169 : vector<512x1xi1> to vector<512x128xi1>
        %select_n3A = arith.select %broadcast_in_dim3A_170, %mul3A_162, %get3A_113 : vector<512x128xi1>, vector<512x128xf32>
        %swap3A_171 = arith.constant 0 : index
        %swap3A_172 = arith.constant 0 : index
        %swap3A_173 = vector.load %arg25[%swap3A_171, %swap3A_172] : memref<512x128xf32, #tpu.memory_space<vmem>>, vector<512x128xf32>
        tpu.vector_store %arg25[%swap3A_171, %swap3A_172], %select_n3A {strides = array<i32>} : memref<512x128xf32, #tpu.memory_space<vmem>>, vector<512x128xf32>,
        %broadcast_in_dim3A_174 = vector.shape_cast %lt3A_168 : vector<512x1xi1> to vector<512x1xi1>
        %broadcast_in_dim3A_175 = vector.broadcast %broadcast_in_dim3A_174 : vector<512x1xi1> to vector<512x128xi1>
        %select_n3A_176 = arith.select %broadcast_in_dim3A_175, %add3A_160, %get3A_116 : vector<512x128xi1>, vector<512x128xf32>
        %swap3A_177 = arith.constant 0 : index
        %swap3A_178 = arith.constant 0 : index
        %swap3A_179 = vector.load %arg26[%swap3A_177, %swap3A_178] : memref<512x128xf32, #tpu.memory_space<vmem>>, vector<512x128xf32>
        tpu.vector_store %arg26[%swap3A_177, %swap3A_178], %select_n3A_176 {strides = array<i32>} : memref<512x128xf32, #tpu.memory_space<vmem>>, vector<512x128xf32>,
      } else {
      }
    }
    %while3A_36 = arith.constant 1 : i32
    scf.for %while3A_79 = %while3A_34 to %while3A_30 step %while3A_36  : i32 {
      %rem3A = arith.constant 2 : i32
      %rem3A_80 = arith.remsi %while3A_79, %rem3A : i32
      %add3A_81 = arith.constant 1 : i32
      %add3A_82 = arith.addi %while3A_79, %add3A_81 : i32
      %lt3A = arith.cmpi slt, %add3A_82, %get3A_0 : i32
      %convert_element_type3A_83 = arith.extui %lt3A : i1 to i32
      %cond3A_84 = arith.constant 0 : i32
      %cond3A_85 = arith.cmpi ne, %convert_element_type3A_83, %cond3A_84 : i32
      scf.if %cond3A_85 {
        %add3A_100 = arith.constant 1 : i32
        %add3A_101 = arith.addi %while3A_79, %add3A_100 : i32
        %sub3A = arith.constant 1 : i32
        %sub3A_102 = arith.subi %sub3A, %rem3A_80 : i32
        %get3A_103 = arith.index_cast %add3A_101 : i32 to index
        %get3A_104 = memref.load %arg2[%get3A_103] : memref<512xi32, #tpu.memory_space<smem>>
        %mul3A = arith.constant 512 : i32
        %mul3A_105 = arith.muli %arg0, %mul3A : i32
        %add3A_106 = arith.addi %get3A_104, %mul3A_105 : i32
        %multiple_of3A = tpu.assume_multiple %add3A_106, 8 : i32
        %dma_start3A = tpu.memref_slice %arg27[%sub3A_102] : memref<2x!tpu.dma_semaphore, #tpu.memory_space<semaphore_mem>> -> memref<1x!tpu.dma_semaphore, #tpu.memory_space<semaphore_mem>>
        %dma_start3A_107 = tpu.memref_squeeze %dma_start3A : memref<1x!tpu.dma_semaphore, #tpu.memory_space<semaphore_mem>> -> memref<!tpu.dma_semaphore, #tpu.memory_space<semaphore_mem>>
        %dma_start3A_108 = arith.constant 0 : i32
        %dma_start3A_109 = arith.constant 0 : i32
        %dma_start3A_110 = tpu.memref_slice %arg21[%sub3A_102, %dma_start3A_108, %dma_start3A_109] : memref<2x512x128xf32, #tpu.memory_space<vmem>> -> memref<1x512x128xf32, #tpu.memory_space<vmem>>
        %dma_start3A_111 = tpu.memref_squeeze %dma_start3A_110 : memref<1x512x128xf32, #tpu.memory_space<vmem>> -> memref<512x128xf32, #tpu.memory_space<vmem>>
        %dma_start3A_112 = arith.constant 0 : i32
        %dma_start3A_113 = tpu.memref_slice %arg7[%multiple_of3A, %dma_start3A_112] : memref<168064x128xf32, #tpu.memory_space<any>> -> memref<512x128xf32, #tpu.memory_space<any>>
        tpu.enqueue_dma source(%dma_start3A_113 : memref<512x128xf32, #tpu.memory_space<any>>) target(%dma_start3A_111 : memref<512x128xf32, #tpu.memory_space<vmem>>) target_semaphore(%dma_start3A_107 : memref<!tpu.dma_semaphore, #tpu.memory_space<semaphore_mem>>)
      } else {
      }
      %add3A_86 = arith.constant 1 : i32
      %add3A_87 = arith.addi %while3A_79, %add3A_86 : i32
      %lt3A_88 = arith.cmpi slt, %add3A_87, %get3A_2 : i32
      %convert_element_type3A_89 = arith.extui %lt3A_88 : i1 to i32
      %cond3A_90 = arith.constant 0 : i32
      %cond3A_91 = arith.cmpi ne, %convert_element_type3A_89, %cond3A_90 : i32
      scf.if %cond3A_91 {
        %add3A_100 = arith.constant 1 : i32
        %add3A_101 = arith.addi %while3A_79, %add3A_100 : i32
        %sub3A = arith.constant 1 : i32
        %sub3A_102 = arith.subi %sub3A, %rem3A_80 : i32
        %get3A_103 = arith.index_cast %add3A_101 : i32 to index
        %get3A_104 = memref.load %arg5[%get3A_103] : memref<512xi32, #tpu.memory_space<smem>>
        %mul3A = arith.constant 512 : i32
        %mul3A_105 = arith.muli %arg0, %mul3A : i32
        %add3A_106 = arith.addi %get3A_104, %mul3A_105 : i32
        %multiple_of3A = tpu.assume_multiple %add3A_106, 8 : i32
        %dma_start3A = tpu.memref_slice %arg28[%sub3A_102] : memref<2x!tpu.dma_semaphore, #tpu.memory_space<semaphore_mem>> -> memref<1x!tpu.dma_semaphore, #tpu.memory_space<semaphore_mem>>
        %dma_start3A_107 = tpu.memref_squeeze %dma_start3A : memref<1x!tpu.dma_semaphore, #tpu.memory_space<semaphore_mem>> -> memref<!tpu.dma_semaphore, #tpu.memory_space<semaphore_mem>>
        %dma_start3A_108 = arith.constant 0 : i32
        %dma_start3A_109 = arith.constant 0 : i32
        %dma_start3A_110 = tpu.memref_slice %arg22[%sub3A_102, %dma_start3A_108, %dma_start3A_109] : memref<2x512x128xf32, #tpu.memory_space<vmem>> -> memref<1x512x128xf32, #tpu.memory_space<vmem>>
        %dma_start3A_111 = tpu.memref_squeeze %dma_start3A_110 : memref<1x512x128xf32, #tpu.memory_space<vmem>> -> memref<512x128xf32, #tpu.memory_space<vmem>>
        %dma_start3A_112 = arith.constant 0 : i32
        %dma_start3A_113 = tpu.memref_slice %arg8[%multiple_of3A, %dma_start3A_112] : memref<168064x128xf32, #tpu.memory_space<any>> -> memref<512x128xf32, #tpu.memory_space<any>>
        tpu.enqueue_dma source(%dma_start3A_113 : memref<512x128xf32, #tpu.memory_space<any>>) target(%dma_start3A_111 : memref<512x128xf32, #tpu.memory_space<vmem>>) target_semaphore(%dma_start3A_107 : memref<!tpu.dma_semaphore, #tpu.memory_space<semaphore_mem>>)
      } else {
      }
      %lt3A_92 = arith.cmpi slt, %while3A_79, %get3A_0 : i32
      %convert_element_type3A_93 = arith.extui %lt3A_92 : i1 to i32
      %cond3A_94 = arith.constant 0 : i32
      %cond3A_95 = arith.cmpi ne, %convert_element_type3A_93, %cond3A_94 : i32
      scf.if %cond3A_95 {
        %get3A_100 = arith.index_cast %while3A_79 : i32 to index
        %get3A_101 = memref.load %arg2[%get3A_100] : memref<512xi32, #tpu.memory_space<smem>>
        %mul3A = arith.constant 512 : i32
        %mul3A_102 = arith.muli %arg0, %mul3A : i32
        %add3A_103 = arith.addi %get3A_101, %mul3A_102 : i32
        %multiple_of3A = tpu.assume_multiple %add3A_103, 8 : i32
        %dma_wait3A = tpu.memref_slice %arg27[%rem3A_80] : memref<2x!tpu.dma_semaphore, #tpu.memory_space<semaphore_mem>> -> memref<1x!tpu.dma_semaphore, #tpu.memory_space<semaphore_mem>>
        %dma_wait3A_104 = tpu.memref_squeeze %dma_wait3A : memref<1x!tpu.dma_semaphore, #tpu.memory_space<semaphore_mem>> -> memref<!tpu.dma_semaphore, #tpu.memory_space<semaphore_mem>>
        %dma_wait3A_105 = arith.constant 0 : i32
        %dma_wait3A_106 = arith.constant 0 : i32
        %dma_wait3A_107 = tpu.memref_slice %arg21[%rem3A_80, %dma_wait3A_105, %dma_wait3A_106] : memref<2x512x128xf32, #tpu.memory_space<vmem>> -> memref<1x512x128xf32, #tpu.memory_space<vmem>>
        %dma_wait3A_108 = tpu.memref_squeeze %dma_wait3A_107 : memref<1x512x128xf32, #tpu.memory_space<vmem>> -> memref<512x128xf32, #tpu.memory_space<vmem>>
        %dma_wait3A_109 = arith.constant 0 : i32
        %dma_wait3A_110 = tpu.memref_slice %arg7[%multiple_of3A, %dma_wait3A_109] : memref<168064x128xf32, #tpu.memory_space<any>> -> memref<512x128xf32, #tpu.memory_space<any>>
        tpu.wait_dma2 semaphore(%dma_wait3A_104 : memref<!tpu.dma_semaphore, #tpu.memory_space<semaphore_mem>>) src(%dma_wait3A_110 : memref<512x128xf32, #tpu.memory_space<any>>) dst(%dma_wait3A_108 : memref<512x128xf32, #tpu.memory_space<vmem>>)
        %get3A_111 = arith.constant 0 : index
        %get3A_112 = arith.constant 0 : index
        %get3A_113 = vector.load %arg23[%get3A_111, %get3A_112] : memref<512x128xf32, #tpu.memory_space<vmem>>, vector<512x128xf32>
        %get3A_114 = arith.constant 0 : index
        %get3A_115 = arith.constant 0 : index
        %get3A_116 = vector.load %arg24[%get3A_114, %get3A_115] : memref<512x128xf32, #tpu.memory_space<vmem>>, vector<512x128xf32>
        %get3A_117 = arith.index_cast %rem3A_80 : i32 to index
        %get3A_118 = arith.constant 0 : index
        %get3A_119 = arith.constant 0 : index
        %get3A_120 = vector.load %arg21[%get3A_117, %get3A_118, %get3A_119] : memref<2x512x128xf32, #tpu.memory_space<vmem>>, vector<1x512x128xf32>
        %get3A_121 = vector.shape_cast %get3A_120 : vector<1x512x128xf32> to vector<512x128xf32>
        %get3A_122 = arith.constant 0 : index
        %get3A_123 = arith.constant 0 : index
        %get3A_124 = vector.load %arg9[%get3A_122, %get3A_123] : memref<128x512xf32, #tpu.memory_space<vmem>>, vector<128x512xf32>
        %dot_general3A_125 = arith.constant dense<0.000000e+00> : vector<512x512xf32>
        %dot_general3A_126 = tpu.matmul %get3A_121, %get3A_124, %dot_general3A_125 {dimension_numbers = #tpu.dot_dimension_numbers<[1], [0], [0], [1], [0, 0, 1, 1], [], []>, transpose_lhs_hint = false} : vector<512x128xf32>, vector<128x512xf32>, vector<512x512xf32> -> vector<512x512xf32>
        %get3A_127 = arith.constant 0 : index
        %get3A_128 = arith.constant 0 : index
        %get3A_129 = vector.load %arg10[%get3A_127, %get3A_128] : memref<128x512xf32, #tpu.memory_space<vmem>>, vector<128x512xf32>
        %dot_general3A_130 = arith.constant dense<0.000000e+00> : vector<512x512xf32>
        %dot_general3A_131 = tpu.matmul %get3A_113, %get3A_129, %dot_general3A_130 {dimension_numbers = #tpu.dot_dimension_numbers<[1], [0], [0], [1], [0, 0, 1, 1], [], []>, transpose_lhs_hint = false} : vector<512x128xf32>, vector<128x512xf32>, vector<512x512xf32> -> vector<512x512xf32>
        %add3A_132 = arith.addf %dot_general3A_126, %dot_general3A_131 : vector<512x512xf32>
        %get3A_133 = arith.constant 0 : index
        %get3A_134 = arith.constant 0 : index
        %get3A_135 = vector.load %arg11[%get3A_133, %get3A_134] : memref<8x512xf32, #tpu.memory_space<vmem>>, vector<1x512xf32>
        %add3A_136 = vector.broadcast %get3A_135 : vector<1x512xf32> to vector<512x512xf32>
        %add3A_137 = arith.addf %add3A_132, %add3A_136 : vector<512x512xf32>
        %slice3A = vector.extract_strided_slice %add3A_137 {offsets = [0, 0], sizes = [512, 128], strides = [1, 1]} : vector<512x512xf32> to vector<512x128xf32>
        %logistic3A = arith.negf %slice3A : vector<512x128xf32>
        %logistic3A_138 = math.exp %logistic3A : vector<512x128xf32>
        %logistic3A_139 = arith.constant 1.000000e+00 : f32
        %logistic3A_140 = vector.broadcast %logistic3A_139 : f32 to vector<512x128xf32>
        %logistic3A_141 = arith.addf %logistic3A_140, %logistic3A_138 : vector<512x128xf32>
        %logistic3A_142 = arith.divf %logistic3A_140, %logistic3A_141 : vector<512x128xf32>
        %slice3A_143 = vector.extract_strided_slice %add3A_137 {offsets = [0, 128], sizes = [512, 128], strides = [1, 1]} : vector<512x512xf32> to vector<512x128xf32>
        %logistic3A_144 = arith.negf %slice3A_143 : vector<512x128xf32>
        %logistic3A_145 = math.exp %logistic3A_144 : vector<512x128xf32>
        %logistic3A_146 = arith.constant 1.000000e+00 : f32
        %logistic3A_147 = vector.broadcast %logistic3A_146 : f32 to vector<512x128xf32>
        %logistic3A_148 = arith.addf %logistic3A_147, %logistic3A_145 : vector<512x128xf32>
        %logistic3A_149 = arith.divf %logistic3A_147, %logistic3A_148 : vector<512x128xf32>
        %slice3A_150 = vector.extract_strided_slice %add3A_137 {offsets = [0, 256], sizes = [512, 128], strides = [1, 1]} : vector<512x512xf32> to vector<512x128xf32>
        %tanh3A = math.tanh %slice3A_150 : vector<512x128xf32>
        %slice3A_151 = vector.extract_strided_slice %add3A_137 {offsets = [0, 384], sizes = [512, 128], strides = [1, 1]} : vector<512x512xf32> to vector<512x128xf32>
        %logistic3A_152 = arith.negf %slice3A_151 : vector<512x128xf32>
        %logistic3A_153 = math.exp %logistic3A_152 : vector<512x128xf32>
        %logistic3A_154 = arith.constant 1.000000e+00 : f32
        %logistic3A_155 = vector.broadcast %logistic3A_154 : f32 to vector<512x128xf32>
        %logistic3A_156 = arith.addf %logistic3A_155, %logistic3A_153 : vector<512x128xf32>
        %logistic3A_157 = arith.divf %logistic3A_155, %logistic3A_156 : vector<512x128xf32>
        %mul3A_158 = arith.mulf %logistic3A_149, %get3A_116 : vector<512x128xf32>
        %mul3A_159 = arith.mulf %logistic3A_142, %tanh3A : vector<512x128xf32>
        %add3A_160 = arith.addf %mul3A_158, %mul3A_159 : vector<512x128xf32>
        %tanh3A_161 = math.tanh %add3A_160 : vector<512x128xf32>
        %mul3A_162 = arith.mulf %logistic3A_157, %tanh3A_161 : vector<512x128xf32>
        %get3A_163 = arith.index_cast %while3A_79 : i32 to index
        %get3A_164 = memref.load %arg3[%get3A_163] : memref<512xi32, #tpu.memory_space<smem>>
        %mul3A_165 = arith.constant 512 : i32
        %mul3A_166 = arith.muli %arg0, %mul3A_165 : i32
        %sub3A = arith.subi %get3A_164, %mul3A_166 : i32
        %lt3A_167 = vector.broadcast %sub3A : i32 to vector<512x1xi32>
        %lt3A_168 = arith.cmpi slt, %iota3A, %lt3A_167 : vector<512x1xi32>
        %broadcast_in_dim3A_169 = vector.shape_cast %lt3A_168 : vector<512x1xi1> to vector<512x1xi1>
        %broadcast_in_dim3A_170 = vector.broadcast %broadcast_in_dim3A_169 : vector<512x1xi1> to vector<512x128xi1>
        %select_n3A = arith.select %broadcast_in_dim3A_170, %mul3A_162, %get3A_113 : vector<512x128xi1>, vector<512x128xf32>
        %swap3A_171 = arith.constant 0 : index
        %swap3A_172 = arith.constant 0 : index
        %swap3A_173 = vector.load %arg23[%swap3A_171, %swap3A_172] : memref<512x128xf32, #tpu.memory_space<vmem>>, vector<512x128xf32>
        tpu.vector_store %arg23[%swap3A_171, %swap3A_172], %select_n3A {strides = array<i32>} : memref<512x128xf32, #tpu.memory_space<vmem>>, vector<512x128xf32>,
        %broadcast_in_dim3A_174 = vector.shape_cast %lt3A_168 : vector<512x1xi1> to vector<512x1xi1>
        %broadcast_in_dim3A_175 = vector.broadcast %broadcast_in_dim3A_174 : vector<512x1xi1> to vector<512x128xi1>
        %select_n3A_176 = arith.select %broadcast_in_dim3A_175, %add3A_160, %get3A_116 : vector<512x128xi1>, vector<512x128xf32>
        %swap3A_177 = arith.constant 0 : index
        %swap3A_178 = arith.constant 0 : index
        %swap3A_179 = vector.load %arg24[%swap3A_177, %swap3A_178] : memref<512x128xf32, #tpu.memory_space<vmem>>, vector<512x128xf32>
        tpu.vector_store %arg24[%swap3A_177, %swap3A_178], %select_n3A_176 {strides = array<i32>} : memref<512x128xf32, #tpu.memory_space<vmem>>, vector<512x128xf32>,
      } else {
      }
      %lt3A_96 = arith.cmpi slt, %while3A_79, %get3A_2 : i32
      %convert_element_type3A_97 = arith.extui %lt3A_96 : i1 to i32
      %cond3A_98 = arith.constant 0 : i32
      %cond3A_99 = arith.cmpi ne, %convert_element_type3A_97, %cond3A_98 : i32
      scf.if %cond3A_99 {
        %get3A_100 = arith.index_cast %while3A_79 : i32 to index
        %get3A_101 = memref.load %arg5[%get3A_100] : memref<512xi32, #tpu.memory_space<smem>>
        %mul3A = arith.constant 512 : i32
        %mul3A_102 = arith.muli %arg0, %mul3A : i32
        %add3A_103 = arith.addi %get3A_101, %mul3A_102 : i32
        %multiple_of3A = tpu.assume_multiple %add3A_103, 8 : i32
        %dma_wait3A = tpu.memref_slice %arg28[%rem3A_80] : memref<2x!tpu.dma_semaphore, #tpu.memory_space<semaphore_mem>> -> memref<1x!tpu.dma_semaphore, #tpu.memory_space<semaphore_mem>>
        %dma_wait3A_104 = tpu.memref_squeeze %dma_wait3A : memref<1x!tpu.dma_semaphore, #tpu.memory_space<semaphore_mem>> -> memref<!tpu.dma_semaphore, #tpu.memory_space<semaphore_mem>>
        %dma_wait3A_105 = arith.constant 0 : i32
        %dma_wait3A_106 = arith.constant 0 : i32
        %dma_wait3A_107 = tpu.memref_slice %arg22[%rem3A_80, %dma_wait3A_105, %dma_wait3A_106] : memref<2x512x128xf32, #tpu.memory_space<vmem>> -> memref<1x512x128xf32, #tpu.memory_space<vmem>>
        %dma_wait3A_108 = tpu.memref_squeeze %dma_wait3A_107 : memref<1x512x128xf32, #tpu.memory_space<vmem>> -> memref<512x128xf32, #tpu.memory_space<vmem>>
        %dma_wait3A_109 = arith.constant 0 : i32
        %dma_wait3A_110 = tpu.memref_slice %arg8[%multiple_of3A, %dma_wait3A_109] : memref<168064x128xf32, #tpu.memory_space<any>> -> memref<512x128xf32, #tpu.memory_space<any>>
        tpu.wait_dma2 semaphore(%dma_wait3A_104 : memref<!tpu.dma_semaphore, #tpu.memory_space<semaphore_mem>>) src(%dma_wait3A_110 : memref<512x128xf32, #tpu.memory_space<any>>) dst(%dma_wait3A_108 : memref<512x128xf32, #tpu.memory_space<vmem>>)
        %get3A_111 = arith.constant 0 : index
        %get3A_112 = arith.constant 0 : index
        %get3A_113 = vector.load %arg25[%get3A_111, %get3A_112] : memref<512x128xf32, #tpu.memory_space<vmem>>, vector<512x128xf32>
        %get3A_114 = arith.constant 0 : index
        %get3A_115 = arith.constant 0 : index
        %get3A_116 = vector.load %arg26[%get3A_114, %get3A_115] : memref<512x128xf32, #tpu.memory_space<vmem>>, vector<512x128xf32>
        %get3A_117 = arith.index_cast %rem3A_80 : i32 to index
        %get3A_118 = arith.constant 0 : index
        %get3A_119 = arith.constant 0 : index
        %get3A_120 = vector.load %arg22[%get3A_117, %get3A_118, %get3A_119] : memref<2x512x128xf32, #tpu.memory_space<vmem>>, vector<1x512x128xf32>
        %get3A_121 = vector.shape_cast %get3A_120 : vector<1x512x128xf32> to vector<512x128xf32>
        %get3A_122 = arith.constant 0 : index
        %get3A_123 = arith.constant 0 : index
        %get3A_124 = vector.load %arg14[%get3A_122, %get3A_123] : memref<128x512xf32, #tpu.memory_space<vmem>>, vector<128x512xf32>
        %dot_general3A_125 = arith.constant dense<0.000000e+00> : vector<512x512xf32>
        %dot_general3A_126 = tpu.matmul %get3A_121, %get3A_124, %dot_general3A_125 {dimension_numbers = #tpu.dot_dimension_numbers<[1], [0], [0], [1], [0, 0, 1, 1], [], []>, transpose_lhs_hint = false} : vector<512x128xf32>, vector<128x512xf32>, vector<512x512xf32> -> vector<512x512xf32>
        %get3A_127 = arith.constant 0 : index
        %get3A_128 = arith.constant 0 : index
        %get3A_129 = vector.load %arg15[%get3A_127, %get3A_128] : memref<128x512xf32, #tpu.memory_space<vmem>>, vector<128x512xf32>
        %dot_general3A_130 = arith.constant dense<0.000000e+00> : vector<512x512xf32>
        %dot_general3A_131 = tpu.matmul %get3A_113, %get3A_129, %dot_general3A_130 {dimension_numbers = #tpu.dot_dimension_numbers<[1], [0], [0], [1], [0, 0, 1, 1], [], []>, transpose_lhs_hint = false} : vector<512x128xf32>, vector<128x512xf32>, vector<512x512xf32> -> vector<512x512xf32>
        %add3A_132 = arith.addf %dot_general3A_126, %dot_general3A_131 : vector<512x512xf32>
        %get3A_133 = arith.constant 0 : index
        %get3A_134 = arith.constant 0 : index
        %get3A_135 = vector.load %arg16[%get3A_133, %get3A_134] : memref<8x512xf32, #tpu.memory_space<vmem>>, vector<1x512xf32>
        %add3A_136 = vector.broadcast %get3A_135 : vector<1x512xf32> to vector<512x512xf32>
        %add3A_137 = arith.addf %add3A_132, %add3A_136 : vector<512x512xf32>
        %slice3A = vector.extract_strided_slice %add3A_137 {offsets = [0, 0], sizes = [512, 128], strides = [1, 1]} : vector<512x512xf32> to vector<512x128xf32>
        %logistic3A = arith.negf %slice3A : vector<512x128xf32>
        %logistic3A_138 = math.exp %logistic3A : vector<512x128xf32>
        %logistic3A_139 = arith.constant 1.000000e+00 : f32
        %logistic3A_140 = vector.broadcast %logistic3A_139 : f32 to vector<512x128xf32>
        %logistic3A_141 = arith.addf %logistic3A_140, %logistic3A_138 : vector<512x128xf32>
        %logistic3A_142 = arith.divf %logistic3A_140, %logistic3A_141 : vector<512x128xf32>
        %slice3A_143 = vector.extract_strided_slice %add3A_137 {offsets = [0, 128], sizes = [512, 128], strides = [1, 1]} : vector<512x512xf32> to vector<512x128xf32>
        %logistic3A_144 = arith.negf %slice3A_143 : vector<512x128xf32>
        %logistic3A_145 = math.exp %logistic3A_144 : vector<512x128xf32>
        %logistic3A_146 = arith.constant 1.000000e+00 : f32
        %logistic3A_147 = vector.broadcast %logistic3A_146 : f32 to vector<512x128xf32>
        %logistic3A_148 = arith.addf %logistic3A_147, %logistic3A_145 : vector<512x128xf32>
        %logistic3A_149 = arith.divf %logistic3A_147, %logistic3A_148 : vector<512x128xf32>
        %slice3A_150 = vector.extract_strided_slice %add3A_137 {offsets = [0, 256], sizes = [512, 128], strides = [1, 1]} : vector<512x512xf32> to vector<512x128xf32>
        %tanh3A = math.tanh %slice3A_150 : vector<512x128xf32>
        %slice3A_151 = vector.extract_strided_slice %add3A_137 {offsets = [0, 384], sizes = [512, 128], strides = [1, 1]} : vector<512x512xf32> to vector<512x128xf32>
        %logistic3A_152 = arith.negf %slice3A_151 : vector<512x128xf32>
        %logistic3A_153 = math.exp %logistic3A_152 : vector<512x128xf32>
        %logistic3A_154 = arith.constant 1.000000e+00 : f32
        %logistic3A_155 = vector.broadcast %logistic3A_154 : f32 to vector<512x128xf32>
        %logistic3A_156 = arith.addf %logistic3A_155, %logistic3A_153 : vector<512x128xf32>
        %logistic3A_157 = arith.divf %logistic3A_155, %logistic3A_156 : vector<512x128xf32>
        %mul3A_158 = arith.mulf %logistic3A_149, %get3A_116 : vector<512x128xf32>
        %mul3A_159 = arith.mulf %logistic3A_142, %tanh3A : vector<512x128xf32>
        %add3A_160 = arith.addf %mul3A_158, %mul3A_159 : vector<512x128xf32>
        %tanh3A_161 = math.tanh %add3A_160 : vector<512x128xf32>
        %mul3A_162 = arith.mulf %logistic3A_157, %tanh3A_161 : vector<512x128xf32>
        %get3A_163 = arith.index_cast %while3A_79 : i32 to index
        %get3A_164 = memref.load %arg6[%get3A_163] : memref<512xi32, #tpu.memory_space<smem>>
        %mul3A_165 = arith.constant 512 : i32
        %mul3A_166 = arith.muli %arg0, %mul3A_165 : i32
        %sub3A = arith.subi %get3A_164, %mul3A_166 : i32
        %lt3A_167 = vector.broadcast %sub3A : i32 to vector<512x1xi32>
        %lt3A_168 = arith.cmpi slt, %iota3A, %lt3A_167 : vector<512x1xi32>
        %broadcast_in_dim3A_169 = vector.shape_cast %lt3A_168 : vector<512x1xi1> to vector<512x1xi1>
        %broadcast_in_dim3A_170 = vector.broadcast %broadcast_in_dim3A_169 : vector<512x1xi1> to vector<512x128xi1>
        %select_n3A = arith.select %broadcast_in_dim3A_170, %mul3A_162, %get3A_113 : vector<512x128xi1>, vector<512x128xf32>
        %swap3A_171 = arith.constant 0 : index
        %swap3A_172 = arith.constant 0 : index
        %swap3A_173 = vector.load %arg25[%swap3A_171, %swap3A_172] : memref<512x128xf32, #tpu.memory_space<vmem>>, vector<512x128xf32>
        tpu.vector_store %arg25[%swap3A_171, %swap3A_172], %select_n3A {strides = array<i32>} : memref<512x128xf32, #tpu.memory_space<vmem>>, vector<512x128xf32>,
        %broadcast_in_dim3A_174 = vector.shape_cast %lt3A_168 : vector<512x1xi1> to vector<512x1xi1>
        %broadcast_in_dim3A_175 = vector.broadcast %broadcast_in_dim3A_174 : vector<512x1xi1> to vector<512x128xi1>
        %select_n3A_176 = arith.select %broadcast_in_dim3A_175, %add3A_160, %get3A_116 : vector<512x128xi1>, vector<512x128xf32>
        %swap3A_177 = arith.constant 0 : index
        %swap3A_178 = arith.constant 0 : index
        %swap3A_179 = vector.load %arg26[%swap3A_177, %swap3A_178] : memref<512x128xf32, #tpu.memory_space<vmem>>, vector<512x128xf32>
        tpu.vector_store %arg26[%swap3A_177, %swap3A_178], %select_n3A_176 {strides = array<i32>} : memref<512x128xf32, #tpu.memory_space<vmem>>, vector<512x128xf32>,
      } else {
      }
    }
    %get3A_37 = arith.constant 0 : index
    %get3A_38 = arith.constant 0 : index
    %get3A_39 = vector.load %arg23[%get3A_37, %get3A_38] : memref<512x128xf32, #tpu.memory_space<vmem>>, vector<512x128xf32>
    %max3A_40 = arith.constant 0.000000e+00 : f32
    %max3A_41 = vector.broadcast %max3A_40 : f32 to vector<512x128xf32>
    %max3A_42 = arith.maximumf %get3A_39, %max3A_41 : vector<512x128xf32>
    %get3A_43 = arith.constant 0 : index
    %get3A_44 = arith.constant 0 : index
    %get3A_45 = vector.load %arg12[%get3A_43, %get3A_44] : memref<128x64xf32, #tpu.memory_space<vmem>>, vector<128x64xf32>
    %dot_general3A = arith.constant dense<0.000000e+00> : vector<512x64xf32>
    %dot_general3A_46 = tpu.matmul %max3A_42, %get3A_45, %dot_general3A {dimension_numbers = #tpu.dot_dimension_numbers<[1], [0], [0], [1], [0, 0, 1, 1], [], []>, transpose_lhs_hint = false} : vector<512x128xf32>, vector<128x64xf32>, vector<512x64xf32> -> vector<512x64xf32>
    %get3A_47 = arith.constant 0 : index
    %get3A_48 = arith.constant 0 : index
    %get3A_49 = vector.load %arg13[%get3A_47, %get3A_48] : memref<8x64xf32, #tpu.memory_space<vmem>>, vector<1x64xf32>
    %add3A = vector.broadcast %get3A_49 : vector<1x64xf32> to vector<512x64xf32>
    %add3A_50 = arith.addf %dot_general3A_46, %add3A : vector<512x64xf32>
    %max3A_51 = arith.constant 0.000000e+00 : f32
    %max3A_52 = vector.broadcast %max3A_51 : f32 to vector<512x64xf32>
    %max3A_53 = arith.maximumf %add3A_50, %max3A_52 : vector<512x64xf32>
    %swap3A_54 = arith.constant 0 : index
    %swap3A_55 = arith.constant 0 : index
    %swap3A_56 = vector.load %arg19[%swap3A_54, %swap3A_55] : memref<512x64xf32, #tpu.memory_space<vmem>>, vector<512x64xf32>
    tpu.vector_store %arg19[%swap3A_54, %swap3A_55], %max3A_53 {strides = array<i32>} : memref<512x64xf32, #tpu.memory_space<vmem>>, vector<512x64xf32>,
    %get3A_57 = arith.constant 0 : index
    %get3A_58 = arith.constant 0 : index
    %get3A_59 = vector.load %arg25[%get3A_57, %get3A_58] : memref<512x128xf32, #tpu.memory_space<vmem>>, vector<512x128xf32>
    %max3A_60 = arith.constant 0.000000e+00 : f32
    %max3A_61 = vector.broadcast %max3A_60 : f32 to vector<512x128xf32>
    %max3A_62 = arith.maximumf %get3A_59, %max3A_61 : vector<512x128xf32>
    %get3A_63 = arith.constant 0 : index
    %get3A_64 = arith.constant 0 : index
    %get3A_65 = vector.load %arg17[%get3A_63, %get3A_64] : memref<128x64xf32, #tpu.memory_space<vmem>>, vector<128x64xf32>
    %dot_general3A_66 = arith.constant dense<0.000000e+00> : vector<512x64xf32>
    %dot_general3A_67 = tpu.matmul %max3A_62, %get3A_65, %dot_general3A_66 {dimension_numbers = #tpu.dot_dimension_numbers<[1], [0], [0], [1], [0, 0, 1, 1], [], []>, transpose_lhs_hint = false} : vector<512x128xf32>, vector<128x64xf32>, vector<512x64xf32> -> vector<512x64xf32>
    %get3A_68 = arith.constant 0 : index
    %get3A_69 = arith.constant 0 : index
    %get3A_70 = vector.load %arg18[%get3A_68, %get3A_69] : memref<8x64xf32, #tpu.memory_space<vmem>>, vector<1x64xf32>
    %add3A_71 = vector.broadcast %get3A_70 : vector<1x64xf32> to vector<512x64xf32>
    %add3A_72 = arith.addf %dot_general3A_67, %add3A_71 : vector<512x64xf32>
    %max3A_73 = arith.constant 0.000000e+00 : f32
    %max3A_74 = vector.broadcast %max3A_73 : f32 to vector<512x64xf32>
    %max3A_75 = arith.maximumf %add3A_72, %max3A_74 : vector<512x64xf32>
    %swap3A_76 = arith.constant 0 : index
    %swap3A_77 = arith.constant 0 : index
    %swap3A_78 = vector.load %arg20[%swap3A_76, %swap3A_77] : memref<512x64xf32, #tpu.memory_space<vmem>>, vector<512x64xf32>
    tpu.vector_store %arg20[%swap3A_76, %swap3A_77], %max3A_75 {strides = array<i32>} : memref<512x64xf32, #tpu.memory_space<vmem>>, vector<512x64xf32>,
    return
  }
  func.func @transform_2(%arg0: i32, %arg1: memref<20xi32, #tpu.memory_space<smem>>, %arg2: memref<512xi32, #tpu.memory_space<smem>>, %arg3: memref<512xi32, #tpu.memory_space<smem>>, %arg4: memref<20xi32, #tpu.memory_space<smem>>, %arg5: memref<512xi32, #tpu.memory_space<smem>>, %arg6: memref<512xi32, #tpu.memory_space<smem>>) -> (i32, i32) {
    %c0_i32 = arith.constant 0 : i32
    %c0_i32_0 = arith.constant 0 : i32
    %c0_i32_1 = arith.constant 0 : i32
    return %c0_i32, %c0_i32_0 : i32, i32
  }
  func.func @transform_3(%arg0: i32, %arg1: memref<20xi32, #tpu.memory_space<smem>>, %arg2: memref<512xi32, #tpu.memory_space<smem>>, %arg3: memref<512xi32, #tpu.memory_space<smem>>, %arg4: memref<20xi32, #tpu.memory_space<smem>>, %arg5: memref<512xi32, #tpu.memory_space<smem>>, %arg6: memref<512xi32, #tpu.memory_space<smem>>) -> (i32, i32) {
    %c0_i32 = arith.constant 0 : i32
    %c0_i32_0 = arith.constant 0 : i32
    %c0_i32_1 = arith.constant 0 : i32
    return %c0_i32, %c0_i32_0 : i32, i32
  }
  func.func @transform_4(%arg0: i32, %arg1: memref<20xi32, #tpu.memory_space<smem>>, %arg2: memref<512xi32, #tpu.memory_space<smem>>, %arg3: memref<512xi32, #tpu.memory_space<smem>>, %arg4: memref<20xi32, #tpu.memory_space<smem>>, %arg5: memref<512xi32, #tpu.memory_space<smem>>, %arg6: memref<512xi32, #tpu.memory_space<smem>>) -> (i32, i32) {
    %c0_i32 = arith.constant 0 : i32
    %c0_i32_0 = arith.constant 0 : i32
    %c0_i32_1 = arith.constant 0 : i32
    return %c0_i32, %c0_i32_0 : i32, i32
  }
  func.func @transform_5(%arg0: i32, %arg1: memref<20xi32, #tpu.memory_space<smem>>, %arg2: memref<512xi32, #tpu.memory_space<smem>>, %arg3: memref<512xi32, #tpu.memory_space<smem>>, %arg4: memref<20xi32, #tpu.memory_space<smem>>, %arg5: memref<512xi32, #tpu.memory_space<smem>>, %arg6: memref<512xi32, #tpu.memory_space<smem>>) -> (i32, i32) {
    %c0_i32 = arith.constant 0 : i32
    %c0_i32_0 = arith.constant 0 : i32
    %c0_i32_1 = arith.constant 0 : i32
    return %c0_i32, %c0_i32_0 : i32, i32
  }
  func.func @transform_6(%arg0: i32, %arg1: memref<20xi32, #tpu.memory_space<smem>>, %arg2: memref<512xi32, #tpu.memory_space<smem>>, %arg3: memref<512xi32, #tpu.memory_space<smem>>, %arg4: memref<20xi32, #tpu.memory_space<smem>>, %arg5: memref<512xi32, #tpu.memory_space<smem>>, %arg6: memref<512xi32, #tpu.memory_space<smem>>) -> (i32, i32) {
    %c0_i32 = arith.constant 0 : i32
    %c0_i32_0 = arith.constant 0 : i32
    %c0_i32_1 = arith.constant 0 : i32
    return %c0_i32, %c0_i32_0 : i32, i32
  }
  func.func @transform_7(%arg0: i32, %arg1: memref<20xi32, #tpu.memory_space<smem>>, %arg2: memref<512xi32, #tpu.memory_space<smem>>, %arg3: memref<512xi32, #tpu.memory_space<smem>>, %arg4: memref<20xi32, #tpu.memory_space<smem>>, %arg5: memref<512xi32, #tpu.memory_space<smem>>, %arg6: memref<512xi32, #tpu.memory_space<smem>>) -> (i32, i32) {
    %c0_i32 = arith.constant 0 : i32
    %c0_i32_0 = arith.constant 0 : i32
    %c0_i32_1 = arith.constant 0 : i32
    return %c0_i32, %c0_i32_0 : i32, i32
  }
  func.func @transform_8(%arg0: i32, %arg1: memref<20xi32, #tpu.memory_space<smem>>, %arg2: memref<512xi32, #tpu.memory_space<smem>>, %arg3: memref<512xi32, #tpu.memory_space<smem>>, %arg4: memref<20xi32, #tpu.memory_space<smem>>, %arg5: memref<512xi32, #tpu.memory_space<smem>>, %arg6: memref<512xi32, #tpu.memory_space<smem>>) -> (i32, i32) {
    %c0_i32 = arith.constant 0 : i32
    %c0_i32_0 = arith.constant 0 : i32
    %c0_i32_1 = arith.constant 0 : i32
    return %c0_i32, %c0_i32_0 : i32, i32
  }
  func.func @transform_9(%arg0: i32, %arg1: memref<20xi32, #tpu.memory_space<smem>>, %arg2: memref<512xi32, #tpu.memory_space<smem>>, %arg3: memref<512xi32, #tpu.memory_space<smem>>, %arg4: memref<20xi32, #tpu.memory_space<smem>>, %arg5: memref<512xi32, #tpu.memory_space<smem>>, %arg6: memref<512xi32, #tpu.memory_space<smem>>) -> (i32, i32) {
    %c0_i32 = arith.constant 0 : i32
    %c0_i32_0 = arith.constant 0 : i32
    %c0_i32_1 = arith.constant 0 : i32
    return %c0_i32, %c0_i32_0 : i32, i32
  }
  func.func @transform_10(%arg0: i32, %arg1: memref<20xi32, #tpu.memory_space<smem>>, %arg2: memref<512xi32, #tpu.memory_space<smem>>, %arg3: memref<512xi32, #tpu.memory_space<smem>>, %arg4: memref<20xi32, #tpu.memory_space<smem>>, %arg5: memref<512xi32, #tpu.memory_space<smem>>, %arg6: memref<512xi32, #tpu.memory_space<smem>>) -> (i32, i32) {
    %c0_i32 = arith.constant 0 : i32
    %c0_i32_0 = arith.constant 0 : i32
    %c0_i32_1 = arith.constant 0 : i32
    return %c0_i32, %c0_i32_0 : i32, i32
  }
  func.func @transform_11(%arg0: i32, %arg1: memref<20xi32, #tpu.memory_space<smem>>, %arg2: memref<512xi32, #tpu.memory_space<smem>>, %arg3: memref<512xi32, #tpu.memory_space<smem>>, %arg4: memref<20xi32, #tpu.memory_space<smem>>, %arg5: memref<512xi32, #tpu.memory_space<smem>>, %arg6: memref<512xi32, #tpu.memory_space<smem>>) -> (i32, i32) {
    %c0_i32 = arith.constant 0 : i32
    %c0_i32_0 = arith.constant 0 : i32
    %c0_i32_1 = arith.constant 0 : i32
    return %c0_i32, %c0_i32_0 : i32, i32
  }
  func.func @transform_12(%arg0: i32, %arg1: memref<20xi32, #tpu.memory_space<smem>>, %arg2: memref<512xi32, #tpu.memory_space<smem>>, %arg3: memref<512xi32, #tpu.memory_space<smem>>, %arg4: memref<20xi32, #tpu.memory_space<smem>>, %arg5: memref<512xi32, #tpu.memory_space<smem>>, %arg6: memref<512xi32, #tpu.memory_space<smem>>) -> (i32, i32) {
    %c0_i32 = arith.constant 0 : i32
    %c0_i32_0 = arith.constant 0 : i32
    return %arg0, %c0_i32 : i32, i32
  }
  func.func @transform_13(%arg0: i32, %arg1: memref<20xi32, #tpu.memory_space<smem>>, %arg2: memref<512xi32, #tpu.memory_space<smem>>, %arg3: memref<512xi32, #tpu.memory_space<smem>>, %arg4: memref<20xi32, #tpu.memory_space<smem>>, %arg5: memref<512xi32, #tpu.memory_space<smem>>, %arg6: memref<512xi32, #tpu.memory_space<smem>>) -> (i32, i32) {
    %c0_i32 = arith.constant 0 : i32
    %c0_i32_0 = arith.constant 0 : i32
    return %arg0, %c0_i32 : i32, i32
  }
}

module attributes {stable_mosaic.version = 14 : i64} {
  func.func @body(%arg0: i32, %arg1: memref<2048x64xf32, #tpu.memory_space<vmem>>, %arg2: memref<2048x64xf32, #tpu.memory_space<vmem>>, %arg3: memref<2048x64xf32, #tpu.memory_space<vmem>>, %arg4: memref<64x16xf32, #tpu.memory_space<vmem>>, %arg5: memref<64x16xf32, #tpu.memory_space<vmem>>, %arg6: memref<64x16xf32, #tpu.memory_space<vmem>>, %arg7: memref<8x16xf32, #tpu.memory_space<vmem>>, %arg8: memref<2048x16xf32, #tpu.memory_space<vmem>>) attributes {dimension_semantics = [#tpu.dimension_semantics<arbitrary>], iteration_bounds = array<i64: 79>, scalar_prefetch = 0 : i64, scratch_operands = 0 : i64, tpu.core_type = #tpu.core_type<tc>, window_params = [{transform_indices = @transform_0, window_bounds = array<i64: 2048, 64>}, {transform_indices = @transform_1, window_bounds = array<i64: 2048, 64>}, {transform_indices = @transform_2, window_bounds = array<i64: 2048, 64>}, {pipeline_mode = #tpu.pipeline_mode<synchronous>, transform_indices = @transform_3, window_bounds = array<i64: 64, 16>}, {pipeline_mode = #tpu.pipeline_mode<synchronous>, transform_indices = @transform_4, window_bounds = array<i64: 64, 16>}, {pipeline_mode = #tpu.pipeline_mode<synchronous>, transform_indices = @transform_5, window_bounds = array<i64: 64, 16>}, {pipeline_mode = #tpu.pipeline_mode<synchronous>, transform_indices = @transform_6, window_bounds = array<i64: 8, 16>}, {transform_indices = @transform_7, window_bounds = array<i64: 2048, 16>}]} {
    %get3A = arith.constant 0 : index
    %get3A_0 = arith.constant 0 : index
    %get3A_1 = vector.load %arg1[%get3A, %get3A_0] : memref<2048x64xf32, #tpu.memory_space<vmem>>, vector<2048x64xf32>
    %get3A_2 = arith.constant 0 : index
    %get3A_3 = arith.constant 0 : index
    %get3A_4 = vector.load %arg4[%get3A_2, %get3A_3] : memref<64x16xf32, #tpu.memory_space<vmem>>, vector<64x16xf32>
    %dot_general3A = arith.constant dense<0.000000e+00> : vector<2048x16xf32>
    %dot_general3A_5 = tpu.matmul %get3A_1, %get3A_4, %dot_general3A {dimension_numbers = #tpu.dot_dimension_numbers<[1], [0], [0], [1], [0, 0, 1, 1], [], []>, transpose_lhs_hint = false} : vector<2048x64xf32>, vector<64x16xf32>, vector<2048x16xf32> -> vector<2048x16xf32>
    %get3A_6 = arith.constant 0 : index
    %get3A_7 = arith.constant 0 : index
    %get3A_8 = vector.load %arg2[%get3A_6, %get3A_7] : memref<2048x64xf32, #tpu.memory_space<vmem>>, vector<2048x64xf32>
    %get3A_9 = arith.constant 0 : index
    %get3A_10 = arith.constant 0 : index
    %get3A_11 = vector.load %arg5[%get3A_9, %get3A_10] : memref<64x16xf32, #tpu.memory_space<vmem>>, vector<64x16xf32>
    %dot_general3A_12 = arith.constant dense<0.000000e+00> : vector<2048x16xf32>
    %dot_general3A_13 = tpu.matmul %get3A_8, %get3A_11, %dot_general3A_12 {dimension_numbers = #tpu.dot_dimension_numbers<[1], [0], [0], [1], [0, 0, 1, 1], [], []>, transpose_lhs_hint = false} : vector<2048x64xf32>, vector<64x16xf32>, vector<2048x16xf32> -> vector<2048x16xf32>
    %add3A = arith.addf %dot_general3A_5, %dot_general3A_13 : vector<2048x16xf32>
    %get3A_14 = arith.constant 0 : index
    %get3A_15 = arith.constant 0 : index
    %get3A_16 = vector.load %arg3[%get3A_14, %get3A_15] : memref<2048x64xf32, #tpu.memory_space<vmem>>, vector<2048x64xf32>
    %get3A_17 = arith.constant 0 : index
    %get3A_18 = arith.constant 0 : index
    %get3A_19 = vector.load %arg6[%get3A_17, %get3A_18] : memref<64x16xf32, #tpu.memory_space<vmem>>, vector<64x16xf32>
    %dot_general3A_20 = arith.constant dense<0.000000e+00> : vector<2048x16xf32>
    %dot_general3A_21 = tpu.matmul %get3A_16, %get3A_19, %dot_general3A_20 {dimension_numbers = #tpu.dot_dimension_numbers<[1], [0], [0], [1], [0, 0, 1, 1], [], []>, transpose_lhs_hint = false} : vector<2048x64xf32>, vector<64x16xf32>, vector<2048x16xf32> -> vector<2048x16xf32>
    %add3A_22 = arith.addf %add3A, %dot_general3A_21 : vector<2048x16xf32>
    %get3A_23 = arith.constant 0 : index
    %get3A_24 = arith.constant 0 : index
    %get3A_25 = vector.load %arg7[%get3A_23, %get3A_24] : memref<8x16xf32, #tpu.memory_space<vmem>>, vector<1x16xf32>
    %add3A_26 = vector.broadcast %get3A_25 : vector<1x16xf32> to vector<2048x16xf32>
    %add3A_27 = arith.addf %add3A_22, %add3A_26 : vector<2048x16xf32>
    %max3A = arith.constant 0.000000e+00 : f32
    %max3A_28 = vector.broadcast %max3A : f32 to vector<2048x16xf32>
    %max3A_29 = arith.maximumf %add3A_27, %max3A_28 : vector<2048x16xf32>
    %swap3A = arith.constant 0 : index
    %swap3A_30 = arith.constant 0 : index
    %swap3A_31 = vector.load %arg8[%swap3A, %swap3A_30] : memref<2048x16xf32, #tpu.memory_space<vmem>>, vector<2048x16xf32>
    tpu.vector_store %arg8[%swap3A, %swap3A_30], %max3A_29 {strides = array<i32>} : memref<2048x16xf32, #tpu.memory_space<vmem>>, vector<2048x16xf32>,
    return
  }
  func.func @transform_0(%arg0: i32) -> (i32, i32) {
    %c0_i32 = arith.constant 0 : i32
    %c0_i32_0 = arith.constant 0 : i32
    return %arg0, %c0_i32 : i32, i32
  }
  func.func @transform_1(%arg0: i32) -> (i32, i32) {
    %c0_i32 = arith.constant 0 : i32
    %c0_i32_0 = arith.constant 0 : i32
    return %arg0, %c0_i32 : i32, i32
  }
  func.func @transform_2(%arg0: i32) -> (i32, i32) {
    %c0_i32 = arith.constant 0 : i32
    %c0_i32_0 = arith.constant 0 : i32
    return %arg0, %c0_i32 : i32, i32
  }
  func.func @transform_3(%arg0: i32) -> (i32, i32) {
    %c0_i32 = arith.constant 0 : i32
    %c0_i32_0 = arith.constant 0 : i32
    %c0_i32_1 = arith.constant 0 : i32
    return %c0_i32, %c0_i32_0 : i32, i32
  }
  func.func @transform_4(%arg0: i32) -> (i32, i32) {
    %c0_i32 = arith.constant 0 : i32
    %c0_i32_0 = arith.constant 0 : i32
    %c0_i32_1 = arith.constant 0 : i32
    return %c0_i32, %c0_i32_0 : i32, i32
  }
  func.func @transform_5(%arg0: i32) -> (i32, i32) {
    %c0_i32 = arith.constant 0 : i32
    %c0_i32_0 = arith.constant 0 : i32
    %c0_i32_1 = arith.constant 0 : i32
    return %c0_i32, %c0_i32_0 : i32, i32
  }
  func.func @transform_6(%arg0: i32) -> (i32, i32) {
    %c0_i32 = arith.constant 0 : i32
    %c0_i32_0 = arith.constant 0 : i32
    %c0_i32_1 = arith.constant 0 : i32
    return %c0_i32, %c0_i32_0 : i32, i32
  }
  func.func @transform_7(%arg0: i32) -> (i32, i32) {
    %c0_i32 = arith.constant 0 : i32
    %c0_i32_0 = arith.constant 0 : i32
    return %arg0, %c0_i32 : i32, i32
  }
}

module attributes {stable_mosaic.version = 14 : i64} {
  func.func @body(%arg0: i32, %arg1: memref<2048x64xf32, #tpu.memory_space<vmem>>, %arg2: memref<2048x64xf32, #tpu.memory_space<vmem>>, %arg3: memref<2048x64xf32, #tpu.memory_space<vmem>>, %arg4: memref<64x128xf32, #tpu.memory_space<vmem>>, %arg5: memref<64x128xf32, #tpu.memory_space<vmem>>, %arg6: memref<64x128xf32, #tpu.memory_space<vmem>>, %arg7: memref<8x128xf32, #tpu.memory_space<vmem>>, %arg8: memref<2048x128xf32, #tpu.memory_space<vmem>>) attributes {dimension_semantics = [#tpu.dimension_semantics<arbitrary>], iteration_bounds = array<i64: 5>, scalar_prefetch = 0 : i64, scratch_operands = 0 : i64, tpu.core_type = #tpu.core_type<tc>, window_params = [{transform_indices = @transform_0, window_bounds = array<i64: 2048, 64>}, {transform_indices = @transform_1, window_bounds = array<i64: 2048, 64>}, {transform_indices = @transform_2, window_bounds = array<i64: 2048, 64>}, {pipeline_mode = #tpu.pipeline_mode<synchronous>, transform_indices = @transform_3, window_bounds = array<i64: 64, 128>}, {pipeline_mode = #tpu.pipeline_mode<synchronous>, transform_indices = @transform_4, window_bounds = array<i64: 64, 128>}, {pipeline_mode = #tpu.pipeline_mode<synchronous>, transform_indices = @transform_5, window_bounds = array<i64: 64, 128>}, {pipeline_mode = #tpu.pipeline_mode<synchronous>, transform_indices = @transform_6, window_bounds = array<i64: 8, 128>}, {transform_indices = @transform_7, window_bounds = array<i64: 2048, 128>}]} {
    %get3A = arith.constant 0 : index
    %get3A_0 = arith.constant 0 : index
    %get3A_1 = vector.load %arg1[%get3A, %get3A_0] : memref<2048x64xf32, #tpu.memory_space<vmem>>, vector<2048x64xf32>
    %get3A_2 = arith.constant 0 : index
    %get3A_3 = arith.constant 0 : index
    %get3A_4 = vector.load %arg4[%get3A_2, %get3A_3] : memref<64x128xf32, #tpu.memory_space<vmem>>, vector<64x128xf32>
    %dot_general3A = arith.constant dense<0.000000e+00> : vector<2048x128xf32>
    %dot_general3A_5 = tpu.matmul %get3A_1, %get3A_4, %dot_general3A {dimension_numbers = #tpu.dot_dimension_numbers<[1], [0], [0], [1], [0, 0, 1, 1], [], []>, transpose_lhs_hint = false} : vector<2048x64xf32>, vector<64x128xf32>, vector<2048x128xf32> -> vector<2048x128xf32>
    %get3A_6 = arith.constant 0 : index
    %get3A_7 = arith.constant 0 : index
    %get3A_8 = vector.load %arg2[%get3A_6, %get3A_7] : memref<2048x64xf32, #tpu.memory_space<vmem>>, vector<2048x64xf32>
    %get3A_9 = arith.constant 0 : index
    %get3A_10 = arith.constant 0 : index
    %get3A_11 = vector.load %arg5[%get3A_9, %get3A_10] : memref<64x128xf32, #tpu.memory_space<vmem>>, vector<64x128xf32>
    %dot_general3A_12 = arith.constant dense<0.000000e+00> : vector<2048x128xf32>
    %dot_general3A_13 = tpu.matmul %get3A_8, %get3A_11, %dot_general3A_12 {dimension_numbers = #tpu.dot_dimension_numbers<[1], [0], [0], [1], [0, 0, 1, 1], [], []>, transpose_lhs_hint = false} : vector<2048x64xf32>, vector<64x128xf32>, vector<2048x128xf32> -> vector<2048x128xf32>
    %add3A = arith.addf %dot_general3A_5, %dot_general3A_13 : vector<2048x128xf32>
    %get3A_14 = arith.constant 0 : index
    %get3A_15 = arith.constant 0 : index
    %get3A_16 = vector.load %arg3[%get3A_14, %get3A_15] : memref<2048x64xf32, #tpu.memory_space<vmem>>, vector<2048x64xf32>
    %get3A_17 = arith.constant 0 : index
    %get3A_18 = arith.constant 0 : index
    %get3A_19 = vector.load %arg6[%get3A_17, %get3A_18] : memref<64x128xf32, #tpu.memory_space<vmem>>, vector<64x128xf32>
    %dot_general3A_20 = arith.constant dense<0.000000e+00> : vector<2048x128xf32>
    %dot_general3A_21 = tpu.matmul %get3A_16, %get3A_19, %dot_general3A_20 {dimension_numbers = #tpu.dot_dimension_numbers<[1], [0], [0], [1], [0, 0, 1, 1], [], []>, transpose_lhs_hint = false} : vector<2048x64xf32>, vector<64x128xf32>, vector<2048x128xf32> -> vector<2048x128xf32>
    %add3A_22 = arith.addf %add3A, %dot_general3A_21 : vector<2048x128xf32>
    %get3A_23 = arith.constant 0 : index
    %get3A_24 = arith.constant 0 : index
    %get3A_25 = vector.load %arg7[%get3A_23, %get3A_24] : memref<8x128xf32, #tpu.memory_space<vmem>>, vector<1x128xf32>
    %add3A_26 = vector.broadcast %get3A_25 : vector<1x128xf32> to vector<2048x128xf32>
    %add3A_27 = arith.addf %add3A_22, %add3A_26 : vector<2048x128xf32>
    %max3A = arith.constant 0.000000e+00 : f32
    %max3A_28 = vector.broadcast %max3A : f32 to vector<2048x128xf32>
    %max3A_29 = arith.maximumf %add3A_27, %max3A_28 : vector<2048x128xf32>
    %swap3A = arith.constant 0 : index
    %swap3A_30 = arith.constant 0 : index
    %swap3A_31 = vector.load %arg8[%swap3A, %swap3A_30] : memref<2048x128xf32, #tpu.memory_space<vmem>>, vector<2048x128xf32>
    tpu.vector_store %arg8[%swap3A, %swap3A_30], %max3A_29 {strides = array<i32>} : memref<2048x128xf32, #tpu.memory_space<vmem>>, vector<2048x128xf32>,
    return
  }
  func.func @transform_0(%arg0: i32) -> (i32, i32) {
    %c0_i32 = arith.constant 0 : i32
    %c0_i32_0 = arith.constant 0 : i32
    return %arg0, %c0_i32 : i32, i32
  }
  func.func @transform_1(%arg0: i32) -> (i32, i32) {
    %c0_i32 = arith.constant 0 : i32
    %c0_i32_0 = arith.constant 0 : i32
    return %arg0, %c0_i32 : i32, i32
  }
  func.func @transform_2(%arg0: i32) -> (i32, i32) {
    %c0_i32 = arith.constant 0 : i32
    %c0_i32_0 = arith.constant 0 : i32
    return %arg0, %c0_i32 : i32, i32
  }
  func.func @transform_3(%arg0: i32) -> (i32, i32) {
    %c0_i32 = arith.constant 0 : i32
    %c0_i32_0 = arith.constant 0 : i32
    %c0_i32_1 = arith.constant 0 : i32
    return %c0_i32, %c0_i32_0 : i32, i32
  }
  func.func @transform_4(%arg0: i32) -> (i32, i32) {
    %c0_i32 = arith.constant 0 : i32
    %c0_i32_0 = arith.constant 0 : i32
    %c0_i32_1 = arith.constant 0 : i32
    return %c0_i32, %c0_i32_0 : i32, i32
  }
  func.func @transform_5(%arg0: i32) -> (i32, i32) {
    %c0_i32 = arith.constant 0 : i32
    %c0_i32_0 = arith.constant 0 : i32
    %c0_i32_1 = arith.constant 0 : i32
    return %c0_i32, %c0_i32_0 : i32, i32
  }
  func.func @transform_6(%arg0: i32) -> (i32, i32) {
    %c0_i32 = arith.constant 0 : i32
    %c0_i32_0 = arith.constant 0 : i32
    %c0_i32_1 = arith.constant 0 : i32
    return %c0_i32, %c0_i32_0 : i32, i32
  }
  func.func @transform_7(%arg0: i32) -> (i32, i32) {
    %c0_i32 = arith.constant 0 : i32
    %c0_i32_0 = arith.constant 0 : i32
    return %arg0, %c0_i32 : i32, i32
  }
}

</mosaic_0001>

<sc_bundles>
// kernel: gather_offload_async_start.1
scs
__scs_entry_jumppad:
0x0: {  	(pc) =	sbr.rel $0x88, $3  }
0x1: {  	(tag) =	ssettag $0x0;
	lr =	simm.s32 $0x1  }
0x2: {  	[smem:$0x3F8A] =	sst lr;
	_ =	strace $0xD0000000  }
0x3: {  	_ = 	snop  }
0x4: {  	_ = 	snop  }
0x5: {  	_ = 	snop  }
0x6: {  	_ = 	snop  }
0x7: {  	_ = 	snop  }
__scs_overlays_trampoline_lowered:
0x8: {  	[smem:$0x3F99] =	sst s0  }
0x9: {  	[smem:$0x3F9A] =	sst s1  }
0xa: {  	[smem:$0x3F9B] =	sst s2  }
0xb: {  	[smem:$0x3F9C] =	sst s3  }
0xc: {  	[smem:$0x3F9D] =	sst s4  }
0xd: {  	[smem:$0x3F9E] =	sst s5  }
0xe: {  	[smem:$0x3F9F] =	sst s6  }
0xf: {  	[smem:$0x3FA0] =	sst s7  }
0x10: {  	[smem:$0x3FA1] =	sst s8  }
0x11: {  	[smem:$0x3FA2] =	sst s9;
	s0 =	simm.s32 @!p0 $0x0  }
0x12: {  	s1 =	sld [smem:$0x3F88];
	s0 =	simm.s32 @p0 $0x1  }
0x13: {  	[smem:$0x3FA3] =	sst s0;
	s0 =	simm.s32 @!p1 $0x0  }
0x14: {  	s2 =	sld [smem:$0x3F87];
	s0 =	simm.s32 @p1 $0x1  }
0x15: {  	[smem:$0x3FA4] =	sst s0;
	s0 =	simm.s32 @!p2 $0x0  }
0x16: {  	s3 =	sld [smem:$0x3FDB];
	s0 =	simm.s32 @p2 $0x1  }
0x17: {  	s4 =	simm.s32 $0x1BF5;
	[smem:$0x3FA6] =	sst s0  }
0x18: {  	s0 =	sld [smem:$0x3F89];
	_ =	swait.ge [sflag:s4], $0x0  }
0x19: {  	s7 =	sld [smem:$0x3F8A]  }
0x1a: {  	s8 =	sadd.s32 $0xFFFFE003, lr  }
0x1b: {  	s9 =	sadd.s32 $0xFFFFFEF7, lr;
	s5 =	simm.s32 $0xFFFFFFFF;
	p2 =	slt.u32 s8, $0xFFFFF086  }
0x1c: {  	p1 =	slt.u32 s9, $0xF7A;
	s5 =	simm.s32 @!p2 $0x0  }
0x1d: {  	s5 =	simm.s32 @p1 $0x1;
	p0 =	seq.s32 s7, s2  }
0x1e: {  	s7 =	smul.u32 @!p0 $0xF7A, s2;
	p2 =	seq.s32 @!p0 s5, $0x0  }
0x1f: {  	s9 =	smul.u32 $0xF7A, s1;
	s8 =	simm.s32 @!p0 $0x1BF5;
	p2 =	por !p2, p0  }
0x20: {  	[sflag:s8] =	ssyncset.s32 @!p0 $0xFFFFF086;
	s6 =	sadd.s32 @!p0 s3, s7;
	s7 =	simm.s32 @!p0 $0x108  }
0x21: {  	s3 =	sadd.s32 s3, s9;
	s6 =	sadd.s32 @!p0 $0x88, s6;
	s7 =	simm.s32 @p2 $0x1082  }
0x22: {  	[simem:s7], [sflag:s8] =	dma.local @!p0 [hbm:s6], $0xF7A  }
0x23: {  	s9 =	sor.u32 $0xD0000000, s2;
	s6 =	simm.s32 $0x108;
	_ =	swait.ge @!p0 [sflag:s8], $0x0  }
0x24: {  	s3 =	sadd.s32 $0x88, s3;
	s6 =	simm.s32 @!p1 $0x1082;
	[sflag:s4] =	ssyncset.s32 $0xFFFFF086  }
0x25: {  	[simem:s6], [sflag:s4] =	dma.local [hbm:s3], $0xF7A  }
0x26: {  	[smem:$0x3F8A] =	sst s1;
	(tag) =	ssettag s2;
	_ =	strace s9  }
0x27: {  	s1 =	sld [smem:$0x3F9A]  }
0x28: {  	s2 =	sld [smem:$0x3F9B]  }
0x29: {  	s4 =	sld [smem:$0x3F9D]  }
0x2a: {  	p0 =	seq.s32 s5, $0x0;
	s5 =	sld [smem:$0x3F9E]  }
0x2b: {  	s6 =	sld [smem:$0x3F9F]  }
0x2c: {  	s7 =	sld [smem:$0x3FA0]  }
0x2d: {  	s3 =	simm.s32 $0x108;
	s8 =	sld [smem:$0x3FA1]  }
0x2e: {  	s3 =	simm.s32 @!p0 $0x1082;
	s9 =	sld [smem:$0x3FA2]  }
0x2f: {  	lr =	sadd.s32 s0, s3;
	s0 =	sld [smem:$0x3F99]  }
0x30: {  	s3 =	sld [smem:$0x3F9C]  }
0x31: {  	[smem:$0x3FA5] =	sst s10  }
0x32: {  	s10 =	sld [smem:$0x3FA3];
	_ =	sdelay $0x3  }
0x33: {  	p0 =	seq.s32 s10, $0x1;
	s10 =	sld [smem:$0x3FA5];
	_ =	sdelay $0x3  }
0x34: {  	[smem:$0x3FA5] =	sst s10  }
0x35: {  	s10 =	sld [smem:$0x3FA4];
	_ =	sdelay $0x3  }
0x36: {  	p1 =	seq.s32 s10, $0x1;
	s10 =	sld [smem:$0x3FA5];
	_ =	sdelay $0x3  }
0x37: {  	[smem:$0x3FA5] =	sst s10  }
0x38: {  	s10 =	sld [smem:$0x3FA6]  }
0x39: {  	_ = 	snop;
	(pc) =	sbr.ind lr, $3  }
0x3a: {  	_ = 	snop  }
0x3b: {  	_ = 	snop  }
0x3c: {  	p2 =	seq.s32 s10, $0x1;
	s10 =	sld [smem:$0x3FA5]  }
0x3d: {  	_ =	shalt  }
0x3e: {  	_ =	shalt  }
0x3f: {  	_ =	shalt  }
0x40: {  	_ =	shalt  }
0x41: {  	_ =	shalt  }
0x42: {  	_ =	shalt  }
0x43: {  	_ =	shalt  }
0x44: {  	_ =	shalt  }
0x45: {  	_ =	shalt  }
0x46: {  	_ =	shalt  }
0x47: {  	_ =	shalt  }
0x48: {  	_ =	shalt  }
0x49: {  	_ =	shalt  }
0x4a: {  	_ =	shalt  }
0x4b: {  	_ =	shalt  }
0x4c: {  	_ =	shalt  }
0x4d: {  	_ =	shalt  }
0x4e: {  	_ =	shalt  }
0x4f: {  	_ =	shalt  }
0x50: {  	_ =	shalt  }
0x51: {  	_ =	shalt  }
0x52: {  	_ =	shalt  }
0x53: {  	_ =	shalt  }
0x54: {  	_ =	shalt  }
0x55: {  	_ =	shalt  }
0x56: {  	_ =	shalt  }
0x57: {  	_ =	shalt  }
0x58: {  	_ =	shalt  }
0x59: {  	_ =	shalt  }
0x5a: {  	_ =	shalt  }
0x5b: {  	_ =	shalt  }
0x5c: {  	_ =	shalt  }
0x5d: {  	_ =	shalt  }
0x5e: {  	_ =	shalt  }
0x5f: {  	_ =	shalt  }
0x60: {  	_ =	shalt  }
0x61: {  	_ =	shalt  }
0x62: {  	_ =	shalt  }
0x63: {  	_ =	shalt  }
0x64: {  	_ =	shalt  }
0x65: {  	_ =	shalt  }
0x66: {  	_ =	shalt  }
0x67: {  	_ =	shalt  }
0x68: {  	_ =	shalt  }
0x69: {  	_ =	shalt  }
0x6a: {  	_ =	shalt  }
0x6b: {  	_ =	shalt  }
0x6c: {  	_ =	shalt  }
0x6d: {  	_ =	shalt  }
0x6e: {  	_ =	shalt  }
0x6f: {  	_ =	shalt  }
0x70: {  	_ =	shalt  }
0x71: {  	_ =	shalt  }
0x72: {  	_ =	shalt  }
0x73: {  	_ =	shalt  }
0x74: {  	_ =	shalt  }
0x75: {  	_ =	shalt  }
0x76: {  	_ =	shalt  }
0x77: {  	_ =	shalt  }
0x78: {  	_ =	shalt  }
0x79: {  	_ =	shalt  }
0x7a: {  	_ =	shalt  }
0x7b: {  	_ =	shalt  }
0x7c: {  	_ =	shalt  }
0x7d: {  	_ =	shalt  }
0x7e: {  	_ =	shalt  }
0x7f: {  	_ =	shalt  }
0x80: {  	_ =	shalt  }
0x81: {  	_ =	shalt  }
0x82: {  	_ =	shalt  }
0x83: {  	_ =	shalt  }
0x84: {  	_ =	shalt  }
0x85: {  	_ =	shalt  }
0x86: {  	_ =	shalt  }
0x87: {  	_ =	shalt  }
.Lfunc_end0:
.L_simem_size_0:
called_computation.3_lowered:
.L_overlay_start_0:
0x88: {  	s0 =	sld [smem:$0x3FD9]  }
0x89: {  	s1 =	sld [smem:$0x3FFE];
	_ =	sdelay $0x3  }
0x8a: {  	s0 =	sadd.s32 s1, s0  }
0x8b: {  	[smem:$0x3FB1] =	sst s0  }
0x8c: {  	_ = 	snop  }
0x8d: {  	(tm) =	ssettm $0x1  }
0x8e: {  	s15 =	sld [smem:$0x3FFB];
	_ =	sdelay $0x3  }
0x8f: {  	_ =	strace s15  }
0x90: {  	s0 =	sld [smem:$0x3FFC];
	_ =	sdelay $0x3  }
0x91: {  	_ =	strace s0  }
0x92: {  	s0 =	sld [smem:$0x3FFD];
	_ =	sdelay $0x3  }
0x93: {  	_ =	strace s0  }
0x94: {  	_ =	strace $0x8FFFFFFF  }
0x95: {  	s16 =	sld [smem:$0x3FDB];
	_ =	sdelay $0x1  }
0x96: {  	s17 =	simm.s32 $_scs_section_size  }
0x97: {  	s2 =	simm.s32 $_size__tile_overlayer_lowered;
	s3 =	simm.s32 $_tile_overlayer_lowered  }
0x98: {  	s20 =	simm.s32 $0x1BFF;
	s19 =	sshll.u32 s3, $0x1;
	s0 =	sadd.s32 s17, s16  }
0x99: {  	s4 =	simm.s32 $0x0;
	s18 =	sshll.u32 s2, $0x1;
	s2 =	sadd.s32 s19, s0  }
0x9a: {  	[timem:s4], [sflag:s20] =	dma.local [hbm:s2], s18  }
0x9b: {  	_ =	swait.ge [sflag:s20], s18  }
0x9c: {  	s1 =	ssub.s32 $0x0, s18;
	[sflag:s20] =	ssyncset.done $0x0  }
0x9d: {  	[sflag:s20] =	ssyncadd.s32 s1;
	_ =	sdelay $0x1  }
0x9e: {  	s21 =	simm.s32 $0x1B8B  }
0x9f: {  	_ =	swait.ge [sflag:s21], $0x1  }
0xa0: {  	[sflag:s21] =	ssyncset.done $0x0  }
0xa1: {  	s23 =	simm.s32 $0x1B8E;
	s22 =	sld [smem:$0x3FFE];
	[sflag:s21] =	ssyncadd.s32 $0xFFFFFFFF  }
0xa2: {  	s24 =	simm.s32 $execute0_lowered;
	[smem:$0x3FD2] =	sst s23  }
0xa3: {  	s2 =	sshll.u32 s24, $0x1;
	_ =	strace $0x80000052;
	[dreg:$0x1] =	wrdreg $0xFFFFFFFF  }
0xa4: {  	s25 =	simm.s32 $_size_execute0_lowered;
	s0 =	sadd.s32 s0, s2;
	[dreg:$0x0] =	wrdreg $0x0  }
0xa5: {  	s2 =	sshll.u32 s25, $0x1;
	[dreg:$0x2] =	wrdreg s0  }
0xa6: {  	[dreg:$0x3] =	wrdreg s2  }
0xa7: {  	[dreg:$0x4] =	wrdreg $0xC0  }
0xa8: {  	_ =	task [dreg:s4], $0x5FFFF  }
0xa9: {  	[dreg:$0x1] =	wrdreg $0xFFFFFFFF  }
0xaa: {  	[dreg:$0x0] =	wrdreg $0x60  }
0xab: {  	[dreg:$0x2] =	wrdreg s22  }
0xac: {  	[dreg:$0x3] =	wrdreg $0xA  }
0xad: {  	_ =	task.clear_ibuf [dreg:s4], $0x4FFFF;
	_ =	strace $0x90000052  }
0xae: {  	s26 =	simm.s32 $0xA;
	_ =	strace $0x80000054  }
0xaf: {  	_ =	swait.ge [sflag:s26], $0x1  }
0xb0: {  	[sflag:s26] =	ssyncadd.s32 $0xFFFFFFFF  }
0xb1: {  	_ =	strace $0x90000054  }
0xb2: {  	_ =	sfence  }
0xb3: {  	s28 =	sld [smem:$0x0];
	_ =	sdelay $0x1  }
0xb4: {  	s29 =	srdreg.scid  }
0xb5: {  	s30 =	sshll.u32 s29, $0xD;
	s31 =	sshrl.u32 s29, $0x2  }
0xb6: {  	s1 =	sand.u32 $0x1, s29;
	s2 =	sand.u32 $0x4000, s30;
	s0 =	sadd.s32 s31, s28  }
0xb7: {  	s1 =	sor.u32 s2, s1;
	s0 =	sshll.u32 s0, $0x11  }
0xb8: {  	s0 =	sor.u32 s0, s1  }
0xb9: {  	s0 =	sadd.s32 $0x8F2B, s0  }
0xba: {  	[sflag:s0] =	ssyncadd.remote.s32 $0x1  }
0xbb: {  	_ =	sfence.sel $0xFFFF  }
0xbc: {  	[dreg:$0x0] =	wrdreg $0xFFFFFFFF;
	(pc) =	sbr.abs _section_cstart, $3  }
0xbd: {  	[dreg:$0x1] =	wrdreg $0xFFFFFFFF  }
0xbe: {  	_ =	task.clear_ibuf [dreg:s4], $0x2FFFF;
	_ =	strace $0x9FFFFFFF  }
0xbf: {  	(tm) =	ssettm $0x7FFFFFFF  }
tec
execute0_lowered:
.L_overlay_start_1:
0x0: {  	(tag) =	ssettag $0x1  }
0x1: {  	s8 =	rddreg [dreg:$0x0]  }
0x2: {  	s0 =	rddreg [dreg:$0x1];
	_ =	strace $0x80000053  }
0x3: {  	s4 =	simm.s32 $0x1;
	s1 =	stileid.u32;
	s7 =	simm.s32 $0x1  }
0x4: {  	s9 =	simm.s32 $0x1;
	s6 =	simm.s32 $0x2;
	s10 =	simm.s32 $0x3  }
0x5: {  	s13 =	simm.s32 $0x0;
	s12 =	simm.s32 $0x0;
	s2 =	sadd.s32 $0x15600, s8  }
.Ltmp0:
0x6: {  	s3 =	sadd.s32 $0x16200, s8;
	p0 =	slt.u32 s1, $0xA;
	(pc) =	sbr.rel .LBB2_1-.Ltmp0, $4  }
0x7: {  	[sflag:s4] =	ssyncpa.u1 $0x0;
	s7 =	simm.s32 @!p0 $0x0;
	p0 =	sne.s32 s1, $0x9  }
0x8: {  	s5 =	smul.u32 $0x190, s1;
	[sflag:s6] =	ssyncpa.u1 $0x0;
	s9 =	simm.s32 @!p0 $0x0  }
0x9: {  	s8 =	sadd.s32 $0x18A00, s8;
	[sflag:s10] =	ssyncpa.u1 $0x0;
	s7 =	sadd.s32 s9, s7  }
0xa: {  	vm0 =	vmmov $0xffff;
	s10 =	simm.s32 $0x0;
	s11 =	smov.u32 s5;
	s9 =	sadd.s32 $0x1, s7  }
.LBB2_4:
0xb: {  	v2 =	vnsel vm1, $0x0, v2  }
0xc: {  	vm1 =	vgt.s32 v0, $0x0;
	v2 =	vmin.u32 v2, $0x270F  }
0xd: {  	v0 =	vnsel vm1, $0x0, v0  }
0xe: {  	v0 =	vmin.u32 v0, $0x270F  }
0xf: {  	[tilespmem:s18], [sflag:$0x1] =	stream.indirect_vreg.gather [hbm4b:s2+s10], $0x1, v1, vm0, $0x4038;
	[tilespmem:$0x640] =	vst v63  }
0x10: {  	(ifvalue) =	ssetifvalue $0x7FFFFFFF  }
0x11: {  	[tilespmem:s15], [sflag:$0x1] =	stream.indirect_vreg.gather [hbm4b:s2+s10], $0x1, v2, vm0, $0x4038;
	[tilespmem:$0x640] =	vst v63  }
0x12: {  	s29 =	sadd.s32 $0x10, s15;
	(ifvalue) =	ssetifvalue $0x7FFFFFFF  }
0x13: {  	[tilespmem:s29], [sflag:$0x1] =	stream.indirect_vreg.gather [hbm4b:s2+s10], $0x1, v0, vm0, $0x4038;
	[tilespmem:$0x640] =	vst v63  }
0x14: {  	_ =	swait.ge [sflag:s4], $0x190  }
0x15: {  	s30 =	sshrl.u32 s13, $0x3;
	[sflag:s4] =	ssyncset.done $0x0  }
0x16: {  	s31 =	sand.u32 $0x7, s13;
	s15 =	sadd.s32 s8, s30;
	[sflag:s4] =	ssyncadd.s32 $0xFFFFFE70  }
0x17: {  	[hbm4b:s15+s31] =	stream.linear.scatter [tilespmem:s14], [sflag:$0x3], $0x190, $0x38;
	[tilespmem:$0x640] =	vst v63  }
.LBB2_5:
0x18: {  	s15 =	sadd.s32 $0x1900, s11  }
0x19: {  	p1 =	sgt.s32 s15, $0x270F  }
0x1a: {  	s15 =	smov.u32 @p1 s5;
	p1 =	sne.s32 s12, s9  }
.Ltmp1:
0x1b: {  	p0 =	slt.u32 s12, $0x2;
	(pc) =	sbr.rel @!p1 .LBB2_6-.Ltmp1, $4  }
0x1c: {  	s14 =	simm.s32 @!p0 $0x3  }
0x1d: {  	_ =	swait.ge @!p0 [sflag:s14], $0x190  }
0x1e: {  	s16 =	sadd.s32 $0x1, s12;
	s13 =	smov.u32 s11;
	[sflag:s14] =	ssyncset.done @!p0 $0x0  }
0x1f: {  	s12 =	smov.u32 s16;
	s11 =	smov.u32 s15;
	[sflag:s14] =	ssyncadd.s32 @!p0 $0xFFFFFE70  }
.LBB2_1:
0x20: {  	p0 =	sge.u32 s12, s7  }
0x21: {  	s14 =	sxor.u32 @!p0 $0x1, s12  }
0x22: {  	s14 =	smul.u32 @!p0 $0x640, s14  }
0x23: {  	s31 =	sadd.s32 $0xFFFFFFFF, s12;
	s15 =	sshrl.u32 @!p0 s11, $0x3  }
0x24: {  	s16 =	sand.u32 @!p0 $0x7, s11;
	s15 =	sadd.s32 @!p0 s3, s15;
	s14 =	sshra.s32 @!p0 s14, $0x2  }
0x25: {  	[tilespmem:s14], [sflag:$0x2] =	stream.linear.gather @!p0 [hbm4b:s15+s16], $0x190, $0x38;
	[tilespmem:$0x640] =	vst v63  }
0x26: {  	p0 =	sge.u32 s31, s7  }
.Ltmp2:
0x27: {  	_ = 	snop;
	(pc) =	sbr.rel @p0 .LBB2_5-.Ltmp2, $1  }
0x28: {  	_ =	sdelay $0x3  }
0x29: {  	s14 =	sand.u32 $0x1, s12  }
0x2a: {  	_ =	swait.ge [sflag:s6], $0x190;
	p0 =	seq.s32 s14, $0x1;
	s14 =	simm.s32 $0x190  }
0x2b: {  	[sflag:s6] =	ssyncset.done $0x0;
	s14 =	simm.s32 @!p0 $0x0  }
0x2c: {  	[sflag:s6] =	ssyncadd.s32 $0xFFFFFE70;
	(ifvalue) =	ssetifvalue $0x7FFFFFFF;
	v0 =	vld.msk [tilespmem:s14+$0x0 ss:$0x1], $0xffff;
	_ =	sdelay $0x4  }
0x2d: {  	s15 =	sadd.s32 $0x10, s14;
	vm1 =	vgt.s32 v0, $0x0  }
0x2e: {  	v2 =	vld.msk [tilespmem:s15+$0x0 ss:$0x1], $0xffff;
	v1 =	vnsel vm1, $0x0, v0  }
0x2f: {  	v1 =	vmin.u32 v1, $0x270F;
	_ =	sdelay $0x2  }
0x30: {  	s17 =	simm.s32 $0x20;
	s14 =	sadd.s32 $0x320, s14;
	s16 =	sadd.s32 $0x10, s15  }
0x31: {  	s15 =	sadd.s32 $0x10, s14;
	s18 =	smov.u32 s14;
	v0 =	vld.msk [tilespmem:s16+$0x0 ss:$0x1], $0xffff;
	vm1 =	vgt.s32 v2, $0x0;
	(ifvalue) =	ssetifvalue $0x7FFFFFFF  }
.LBB2_3:
0x32: {  	[tilespmem:s18], [sflag:$0x1] =	stream.indirect_vreg.gather [hbm4b:s2+s10], $0x1, v1, vm0, $0x4038;
	[tilespmem:$0x640] =	vst v63  }
0x33: {  	s17 =	sadd.s32 $0x10, s17  }
0x34: {  	v2 =	vnsel vm1, $0x0, v2;
	p0 =	slt.u32 s17, $0x180  }
.Ltmp3:
0x35: {  	s18 =	smov.u32 s15;
	v1 =	vmin.u32 v2, $0x270F;
	(pc) =	sbr.rel @p0 .LBB2_3-.Ltmp3, $3  }
0x36: {  	_ =	sdelay $0x1  }
0x37: {  	s16 =	sadd.s32 $0x10, s16  }
0x38: {  	vm1 =	vgt.s32 v0, $0x0;
	s15 =	sadd.s32 $0x10, s15;
	v2 =	vmov v0;
	(ifvalue) =	ssetifvalue $0x7FFFFFFF;
	v0 =	vld.msk [tilespmem:s16+$0x0 ss:$0x1], $0xffff  }
.Ltmp4:
0x39: {  	_ = 	snop;
	(pc) =	sbr.rel .LBB2_4-.Ltmp4, $1  }
0x3a: {  	_ =	sdelay $0x3  }
.LBB2_6:
0x3b: {  	_ =	sfence.sel $0x180000  }
0x3c: {  	s2 =	simm.s32 $0x2;
	[bflag:$0x0] =	sbarrier.arrive $0xFFFF  }
0x3d: {  	s30 =	simm.s32 $0x3;
	[sflag:s2] =	ssyncpa.u1 $0x1  }
0x3e: {  	s31 =	simm.s32 $0x1;
	[sflag:s30] =	ssyncpa.u1 $0x1  }
0x3f: {  	[sflag:s31] =	ssyncpa.u1 $0x1  }
0x40: {  	p0 =	sne.s32 s1, $0x0;
	_ =	strace $0x90000053  }
0x41: {  	s0 =	sadd.s32 @!p0 $0x100000, s0;
	[bflag:$0x2] =	sbarrier.arrive $0xFFFF  }
0x42: {  	[sflag:s0] =	ssyncadd.tile.s32 @!p0 $0x1;
	_ =	shalt  }
.Lfunc_end2:
_tile_overlayer_lowered:
.L_overlay_start_2:
0x43: {  	(tag) =	ssettag $0x2  }
0x44: {  	s0 =	rddreg [dreg:$0x0];
	s2 =	stileid.u32  }
0x45: {  	s1 =	rddreg [dreg:$0x1];
	p0 =	sne.s32 s2, $0x0  }
0x46: {  	s3 =	rddreg [dreg:$0x2];
	[bflag:$0x3] =	sbarrier.arrive $0xFFFF;
	s2 =	simm.s32 @!p0 $0x1C01  }
0x47: {  	[timem:s3], [sflag:s2] =	dma.local @!p0 [hbm:s0], s1  }
0x48: {  	s0 =	simm.s32 @!p0 $0x1  }
0x49: {  	_ =	swait.ge @!p0 [sflag:s0], s1  }
0x4a: {  	s1 =	ssub.s32 @!p0 $0x0, s1;
	[sflag:s0] =	ssyncset.done @!p0 $0x0  }
0x4b: {  	[sflag:s0] =	ssyncadd.s32 @!p0 s1  }
0x4c: {  	[bflag:$0x3] =	sbarrier.arrive $0xFFFF  }
0x4d: {  	_ =	shalt  }

// kernel: gather_offload_async_start
scs
__scs_entry_jumppad:
0x0: {  	(pc) =	sbr.rel $0x88, $3  }
0x1: {  	(tag) =	ssettag $0x0;
	lr =	simm.s32 $0x1  }
0x2: {  	[smem:$0x3F8A] =	sst lr;
	_ =	strace $0xD0000000  }
0x3: {  	_ = 	snop  }
0x4: {  	_ = 	snop  }
0x5: {  	_ = 	snop  }
0x6: {  	_ = 	snop  }
0x7: {  	_ = 	snop  }
__scs_overlays_trampoline_lowered:
0x8: {  	[smem:$0x3F99] =	sst s0  }
0x9: {  	[smem:$0x3F9A] =	sst s1  }
0xa: {  	[smem:$0x3F9B] =	sst s2  }
0xb: {  	[smem:$0x3F9C] =	sst s3  }
0xc: {  	[smem:$0x3F9D] =	sst s4  }
0xd: {  	[smem:$0x3F9E] =	sst s5  }
0xe: {  	[smem:$0x3F9F] =	sst s6  }
0xf: {  	[smem:$0x3FA0] =	sst s7  }
0x10: {  	[smem:$0x3FA1] =	sst s8  }
0x11: {  	[smem:$0x3FA2] =	sst s9;
	s0 =	simm.s32 @!p0 $0x0  }
0x12: {  	s1 =	sld [smem:$0x3F88];
	s0 =	simm.s32 @p0 $0x1  }
0x13: {  	[smem:$0x3FA3] =	sst s0;
	s0 =	simm.s32 @!p1 $0x0  }
0x14: {  	s2 =	sld [smem:$0x3F87];
	s0 =	simm.s32 @p1 $0x1  }
0x15: {  	[smem:$0x3FA4] =	sst s0;
	s0 =	simm.s32 @!p2 $0x0  }
0x16: {  	s3 =	sld [smem:$0x3FDB];
	s0 =	simm.s32 @p2 $0x1  }
0x17: {  	s4 =	simm.s32 $0x1BF5;
	[smem:$0x3FA6] =	sst s0  }
0x18: {  	s0 =	sld [smem:$0x3F89];
	_ =	swait.ge [sflag:s4], $0x0  }
0x19: {  	s7 =	sld [smem:$0x3F8A]  }
0x1a: {  	s8 =	sadd.s32 $0xFFFFE003, lr  }
0x1b: {  	s9 =	sadd.s32 $0xFFFFFEF7, lr;
	s5 =	simm.s32 $0xFFFFFFFF;
	p2 =	slt.u32 s8, $0xFFFFF086  }
0x1c: {  	p1 =	slt.u32 s9, $0xF7A;
	s5 =	simm.s32 @!p2 $0x0  }
0x1d: {  	s5 =	simm.s32 @p1 $0x1;
	p0 =	seq.s32 s7, s2  }
0x1e: {  	s7 =	smul.u32 @!p0 $0xF7A, s2;
	p2 =	seq.s32 @!p0 s5, $0x0  }
0x1f: {  	s9 =	smul.u32 $0xF7A, s1;
	s8 =	simm.s32 @!p0 $0x1BF5;
	p2 =	por !p2, p0  }
0x20: {  	[sflag:s8] =	ssyncset.s32 @!p0 $0xFFFFF086;
	s6 =	sadd.s32 @!p0 s3, s7;
	s7 =	simm.s32 @!p0 $0x108  }
0x21: {  	s3 =	sadd.s32 s3, s9;
	s6 =	sadd.s32 @!p0 $0x88, s6;
	s7 =	simm.s32 @p2 $0x1082  }
0x22: {  	[simem:s7], [sflag:s8] =	dma.local @!p0 [hbm:s6], $0xF7A  }
0x23: {  	s9 =	sor.u32 $0xD0000000, s2;
	s6 =	simm.s32 $0x108;
	_ =	swait.ge @!p0 [sflag:s8], $0x0  }
0x24: {  	s3 =	sadd.s32 $0x88, s3;
	s6 =	simm.s32 @!p1 $0x1082;
	[sflag:s4] =	ssyncset.s32 $0xFFFFF086  }
0x25: {  	[simem:s6], [sflag:s4] =	dma.local [hbm:s3], $0xF7A  }
0x26: {  	[smem:$0x3F8A] =	sst s1;
	(tag) =	ssettag s2;
	_ =	strace s9  }
0x27: {  	s1 =	sld [smem:$0x3F9A]  }
0x28: {  	s2 =	sld [smem:$0x3F9B]  }
0x29: {  	s4 =	sld [smem:$0x3F9D]  }
0x2a: {  	p0 =	seq.s32 s5, $0x0;
	s5 =	sld [smem:$0x3F9E]  }
0x2b: {  	s6 =	sld [smem:$0x3F9F]  }
0x2c: {  	s7 =	sld [smem:$0x3FA0]  }
0x2d: {  	s3 =	simm.s32 $0x108;
	s8 =	sld [smem:$0x3FA1]  }
0x2e: {  	s3 =	simm.s32 @!p0 $0x1082;
	s9 =	sld [smem:$0x3FA2]  }
0x2f: {  	lr =	sadd.s32 s0, s3;
	s0 =	sld [smem:$0x3F99]  }
0x30: {  	s3 =	sld [smem:$0x3F9C]  }
0x31: {  	[smem:$0x3FA5] =	sst s10  }
0x32: {  	s10 =	sld [smem:$0x3FA3];
	_ =	sdelay $0x3  }
0x33: {  	p0 =	seq.s32 s10, $0x1;
	s10 =	sld [smem:$0x3FA5];
	_ =	sdelay $0x3  }
0x34: {  	[smem:$0x3FA5] =	sst s10  }
0x35: {  	s10 =	sld [smem:$0x3FA4];
	_ =	sdelay $0x3  }
0x36: {  	p1 =	seq.s32 s10, $0x1;
	s10 =	sld [smem:$0x3FA5];
	_ =	sdelay $0x3  }
0x37: {  	[smem:$0x3FA5] =	sst s10  }
0x38: {  	s10 =	sld [smem:$0x3FA6]  }
0x39: {  	_ = 	snop;
	(pc) =	sbr.ind lr, $3  }
0x3a: {  	_ = 	snop  }
0x3b: {  	_ = 	snop  }
0x3c: {  	p2 =	seq.s32 s10, $0x1;
	s10 =	sld [smem:$0x3FA5]  }
0x3d: {  	_ =	shalt  }
0x3e: {  	_ =	shalt  }
0x3f: {  	_ =	shalt  }
0x40: {  	_ =	shalt  }
0x41: {  	_ =	shalt  }
0x42: {  	_ =	shalt  }
0x43: {  	_ =	shalt  }
0x44: {  	_ =	shalt  }
0x45: {  	_ =	shalt  }
0x46: {  	_ =	shalt  }
0x47: {  	_ =	shalt  }
0x48: {  	_ =	shalt  }
0x49: {  	_ =	shalt  }
0x4a: {  	_ =	shalt  }
0x4b: {  	_ =	shalt  }
0x4c: {  	_ =	shalt  }
0x4d: {  	_ =	shalt  }
0x4e: {  	_ =	shalt  }
0x4f: {  	_ =	shalt  }
0x50: {  	_ =	shalt  }
0x51: {  	_ =	shalt  }
0x52: {  	_ =	shalt  }
0x53: {  	_ =	shalt  }
0x54: {  	_ =	shalt  }
0x55: {  	_ =	shalt  }
0x56: {  	_ =	shalt  }
0x57: {  	_ =	shalt  }
0x58: {  	_ =	shalt  }
0x59: {  	_ =	shalt  }
0x5a: {  	_ =	shalt  }
0x5b: {  	_ =	shalt  }
0x5c: {  	_ =	shalt  }
0x5d: {  	_ =	shalt  }
0x5e: {  	_ =	shalt  }
0x5f: {  	_ =	shalt  }
0x60: {  	_ =	shalt  }
0x61: {  	_ =	shalt  }
0x62: {  	_ =	shalt  }
0x63: {  	_ =	shalt  }
0x64: {  	_ =	shalt  }
0x65: {  	_ =	shalt  }
0x66: {  	_ =	shalt  }
0x67: {  	_ =	shalt  }
0x68: {  	_ =	shalt  }
0x69: {  	_ =	shalt  }
0x6a: {  	_ =	shalt  }
0x6b: {  	_ =	shalt  }
0x6c: {  	_ =	shalt  }
0x6d: {  	_ =	shalt  }
0x6e: {  	_ =	shalt  }
0x6f: {  	_ =	shalt  }
0x70: {  	_ =	shalt  }
0x71: {  	_ =	shalt  }
0x72: {  	_ =	shalt  }
0x73: {  	_ =	shalt  }
0x74: {  	_ =	shalt  }
0x75: {  	_ =	shalt  }
0x76: {  	_ =	shalt  }
0x77: {  	_ =	shalt  }
0x78: {  	_ =	shalt  }
0x79: {  	_ =	shalt  }
0x7a: {  	_ =	shalt  }
0x7b: {  	_ =	shalt  }
0x7c: {  	_ =	shalt  }
0x7d: {  	_ =	shalt  }
0x7e: {  	_ =	shalt  }
0x7f: {  	_ =	shalt  }
0x80: {  	_ =	shalt  }
0x81: {  	_ =	shalt  }
0x82: {  	_ =	shalt  }
0x83: {  	_ =	shalt  }
0x84: {  	_ =	shalt  }
0x85: {  	_ =	shalt  }
0x86: {  	_ =	shalt  }
0x87: {  	_ =	shalt  }
.Lfunc_end0:
.L_simem_size_0:
called_computation.2_lowered:
.L_overlay_start_0:
0x88: {  	s0 =	sld [smem:$0x3FD9]  }
0x89: {  	s1 =	sld [smem:$0x3FFE];
	_ =	sdelay $0x3  }
0x8a: {  	s0 =	sadd.s32 s1, s0  }
0x8b: {  	[smem:$0x3FB1] =	sst s0  }
0x8c: {  	_ = 	snop  }
0x8d: {  	(tm) =	ssettm $0x1  }
0x8e: {  	s15 =	sld [smem:$0x3FFB];
	_ =	sdelay $0x3  }
0x8f: {  	_ =	strace s15  }
0x90: {  	s0 =	sld [smem:$0x3FFC];
	_ =	sdelay $0x3  }
0x91: {  	_ =	strace s0  }
0x92: {  	s0 =	sld [smem:$0x3FFD];
	_ =	sdelay $0x3  }
0x93: {  	_ =	strace s0  }
0x94: {  	_ =	strace $0x8FFFFFFF  }
0x95: {  	s16 =	sld [smem:$0x3FDB];
	_ =	sdelay $0x1  }
0x96: {  	s17 =	simm.s32 $_scs_section_size  }
0x97: {  	s2 =	simm.s32 $_size__tile_overlayer_lowered;
	s3 =	simm.s32 $_tile_overlayer_lowered  }
0x98: {  	s20 =	simm.s32 $0x1BFF;
	s19 =	sshll.u32 s3, $0x1;
	s0 =	sadd.s32 s17, s16  }
0x99: {  	s4 =	simm.s32 $0x0;
	s18 =	sshll.u32 s2, $0x1;
	s2 =	sadd.s32 s19, s0  }
0x9a: {  	[timem:s4], [sflag:s20] =	dma.local [hbm:s2], s18  }
0x9b: {  	_ =	swait.ge [sflag:s20], s18  }
0x9c: {  	s1 =	ssub.s32 $0x0, s18;
	[sflag:s20] =	ssyncset.done $0x0  }
0x9d: {  	[sflag:s20] =	ssyncadd.s32 s1;
	_ =	sdelay $0x1  }
0x9e: {  	s21 =	simm.s32 $0x1B8B  }
0x9f: {  	_ =	swait.ge [sflag:s21], $0x1  }
0xa0: {  	[sflag:s21] =	ssyncset.done $0x0  }
0xa1: {  	s23 =	simm.s32 $0x1B8E;
	s22 =	sld [smem:$0x3FFE];
	[sflag:s21] =	ssyncadd.s32 $0xFFFFFFFF  }
0xa2: {  	s24 =	simm.s32 $execute0_lowered;
	[smem:$0x3FD2] =	sst s23  }
0xa3: {  	s2 =	sshll.u32 s24, $0x1;
	_ =	strace $0x80000055;
	[dreg:$0x1] =	wrdreg $0xFFFFFFFF  }
0xa4: {  	s25 =	simm.s32 $_size_execute0_lowered;
	s0 =	sadd.s32 s0, s2;
	[dreg:$0x0] =	wrdreg $0x0  }
0xa5: {  	s2 =	sshll.u32 s25, $0x1;
	[dreg:$0x2] =	wrdreg s0  }
0xa6: {  	[dreg:$0x3] =	wrdreg s2  }
0xa7: {  	[dreg:$0x4] =	wrdreg $0xC0  }
0xa8: {  	_ =	task [dreg:s4], $0x5FFFF  }
0xa9: {  	[dreg:$0x1] =	wrdreg $0xFFFFFFFF  }
0xaa: {  	[dreg:$0x0] =	wrdreg $0x60  }
0xab: {  	[dreg:$0x2] =	wrdreg s22  }
0xac: {  	[dreg:$0x3] =	wrdreg $0x9  }
0xad: {  	_ =	task.clear_ibuf [dreg:s4], $0x4FFFF;
	_ =	strace $0x90000055  }
0xae: {  	s26 =	simm.s32 $0x9;
	_ =	strace $0x80000057  }
0xaf: {  	_ =	swait.ge [sflag:s26], $0x1  }
0xb0: {  	[sflag:s26] =	ssyncadd.s32 $0xFFFFFFFF  }
0xb1: {  	_ =	strace $0x90000057  }
0xb2: {  	_ =	sfence  }
0xb3: {  	s28 =	sld [smem:$0x0];
	_ =	sdelay $0x1  }
0xb4: {  	s29 =	srdreg.scid  }
0xb5: {  	s30 =	sshll.u32 s29, $0xD;
	s31 =	sshrl.u32 s29, $0x2  }
0xb6: {  	s1 =	sand.u32 $0x1, s29;
	s2 =	sand.u32 $0x4000, s30;
	s0 =	sadd.s32 s31, s28  }
0xb7: {  	s1 =	sor.u32 s2, s1;
	s0 =	sshll.u32 s0, $0x11  }
0xb8: {  	s0 =	sor.u32 s0, s1  }
0xb9: {  	s0 =	sadd.s32 $0x8F2B, s0  }
0xba: {  	[sflag:s0] =	ssyncadd.remote.s32 $0x1  }
0xbb: {  	_ =	sfence.sel $0xFFFF  }
0xbc: {  	[dreg:$0x0] =	wrdreg $0xFFFFFFFF;
	(pc) =	sbr.abs _section_cstart, $3  }
0xbd: {  	[dreg:$0x1] =	wrdreg $0xFFFFFFFF  }
0xbe: {  	_ =	task.clear_ibuf [dreg:s4], $0x2FFFF;
	_ =	strace $0x9FFFFFFF  }
0xbf: {  	(tm) =	ssettm $0x7FFFFFFF  }
tec
execute0_lowered:
.L_overlay_start_1:
0x0: {  	(tag) =	ssettag $0x1  }
0x1: {  	s8 =	rddreg [dreg:$0x0]  }
0x2: {  	s0 =	rddreg [dreg:$0x1];
	_ =	strace $0x80000056  }
0x3: {  	s4 =	simm.s32 $0x1;
	s1 =	stileid.u32;
	s7 =	simm.s32 $0x1  }
0x4: {  	s9 =	simm.s32 $0x1;
	s6 =	simm.s32 $0x2;
	s10 =	simm.s32 $0x3  }
0x5: {  	s13 =	simm.s32 $0x0;
	s12 =	simm.s32 $0x0;
	s2 =	sadd.s32 $0x15000, s8  }
.Ltmp0:
0x6: {  	s3 =	sadd.s32 $0x17A00, s8;
	p0 =	slt.u32 s1, $0xA;
	(pc) =	sbr.rel .LBB2_1-.Ltmp0, $4  }
0x7: {  	[sflag:s4] =	ssyncpa.u1 $0x0;
	s7 =	simm.s32 @!p0 $0x0;
	p0 =	sne.s32 s1, $0x9  }
0x8: {  	s5 =	smul.u32 $0x190, s1;
	[sflag:s6] =	ssyncpa.u1 $0x0;
	s9 =	simm.s32 @!p0 $0x0  }
0x9: {  	s8 =	sadd.s32 $0x19000, s8;
	[sflag:s10] =	ssyncpa.u1 $0x0;
	s7 =	sadd.s32 s9, s7  }
0xa: {  	vm0 =	vmmov $0xffff;
	s10 =	simm.s32 $0x0;
	s11 =	smov.u32 s5;
	s9 =	sadd.s32 $0x1, s7  }
.LBB2_4:
0xb: {  	v2 =	vnsel vm1, $0x0, v2  }
0xc: {  	vm1 =	vgt.s32 v0, $0x0;
	v2 =	vmin.u32 v2, $0x270F  }
0xd: {  	v0 =	vnsel vm1, $0x0, v0  }
0xe: {  	v0 =	vmin.u32 v0, $0x270F  }
0xf: {  	[tilespmem:s18], [sflag:$0x1] =	stream.indirect_vreg.gather [hbm4b:s2+s10], $0x1, v1, vm0, $0x4038;
	[tilespmem:$0x640] =	vst v63  }
0x10: {  	(ifvalue) =	ssetifvalue $0x7FFFFFFF  }
0x11: {  	[tilespmem:s15], [sflag:$0x1] =	stream.indirect_vreg.gather [hbm4b:s2+s10], $0x1, v2, vm0, $0x4038;
	[tilespmem:$0x640] =	vst v63  }
0x12: {  	s29 =	sadd.s32 $0x10, s15;
	(ifvalue) =	ssetifvalue $0x7FFFFFFF  }
0x13: {  	[tilespmem:s29], [sflag:$0x1] =	stream.indirect_vreg.gather [hbm4b:s2+s10], $0x1, v0, vm0, $0x4038;
	[tilespmem:$0x640] =	vst v63  }
0x14: {  	_ =	swait.ge [sflag:s4], $0x190  }
0x15: {  	s30 =	sshrl.u32 s13, $0x3;
	[sflag:s4] =	ssyncset.done $0x0  }
0x16: {  	s31 =	sand.u32 $0x7, s13;
	s15 =	sadd.s32 s8, s30;
	[sflag:s4] =	ssyncadd.s32 $0xFFFFFE70  }
0x17: {  	[hbm4b:s15+s31] =	stream.linear.scatter [tilespmem:s14], [sflag:$0x3], $0x190, $0x38;
	[tilespmem:$0x640] =	vst v63  }
.LBB2_5:
0x18: {  	s15 =	sadd.s32 $0x1900, s11  }
0x19: {  	p1 =	sgt.s32 s15, $0x270F  }
0x1a: {  	s15 =	smov.u32 @p1 s5;
	p1 =	sne.s32 s12, s9  }
.Ltmp1:
0x1b: {  	p0 =	slt.u32 s12, $0x2;
	(pc) =	sbr.rel @!p1 .LBB2_6-.Ltmp1, $4  }
0x1c: {  	s14 =	simm.s32 @!p0 $0x3  }
0x1d: {  	_ =	swait.ge @!p0 [sflag:s14], $0x190  }
0x1e: {  	s16 =	sadd.s32 $0x1, s12;
	s13 =	smov.u32 s11;
	[sflag:s14] =	ssyncset.done @!p0 $0x0  }
0x1f: {  	s12 =	smov.u32 s16;
	s11 =	smov.u32 s15;
	[sflag:s14] =	ssyncadd.s32 @!p0 $0xFFFFFE70  }
.LBB2_1:
0x20: {  	p0 =	sge.u32 s12, s7  }
0x21: {  	s14 =	sxor.u32 @!p0 $0x1, s12  }
0x22: {  	s14 =	smul.u32 @!p0 $0x640, s14  }
0x23: {  	s31 =	sadd.s32 $0xFFFFFFFF, s12;
	s15 =	sshrl.u32 @!p0 s11, $0x3  }
0x24: {  	s16 =	sand.u32 @!p0 $0x7, s11;
	s15 =	sadd.s32 @!p0 s3, s15;
	s14 =	sshra.s32 @!p0 s14, $0x2  }
0x25: {  	[tilespmem:s14], [sflag:$0x2] =	stream.linear.gather @!p0 [hbm4b:s15+s16], $0x190, $0x38;
	[tilespmem:$0x640] =	vst v63  }
0x26: {  	p0 =	sge.u32 s31, s7  }
.Ltmp2:
0x27: {  	_ = 	snop;
	(pc) =	sbr.rel @p0 .LBB2_5-.Ltmp2, $1  }
0x28: {  	_ =	sdelay $0x3  }
0x29: {  	s14 =	sand.u32 $0x1, s12  }
0x2a: {  	_ =	swait.ge [sflag:s6], $0x190;
	p0 =	seq.s32 s14, $0x1;
	s14 =	simm.s32 $0x190  }
0x2b: {  	[sflag:s6] =	ssyncset.done $0x0;
	s14 =	simm.s32 @!p0 $0x0  }
0x2c: {  	[sflag:s6] =	ssyncadd.s32 $0xFFFFFE70;
	(ifvalue) =	ssetifvalue $0x7FFFFFFF;
	v0 =	vld.msk [tilespmem:s14+$0x0 ss:$0x1], $0xffff;
	_ =	sdelay $0x4  }
0x2d: {  	s15 =	sadd.s32 $0x10, s14;
	vm1 =	vgt.s32 v0, $0x0  }
0x2e: {  	v2 =	vld.msk [tilespmem:s15+$0x0 ss:$0x1], $0xffff;
	v1 =	vnsel vm1, $0x0, v0  }
0x2f: {  	v1 =	vmin.u32 v1, $0x270F;
	_ =	sdelay $0x2  }
0x30: {  	s17 =	simm.s32 $0x20;
	s14 =	sadd.s32 $0x320, s14;
	s16 =	sadd.s32 $0x10, s15  }
0x31: {  	s15 =	sadd.s32 $0x10, s14;
	s18 =	smov.u32 s14;
	v0 =	vld.msk [tilespmem:s16+$0x0 ss:$0x1], $0xffff;
	vm1 =	vgt.s32 v2, $0x0;
	(ifvalue) =	ssetifvalue $0x7FFFFFFF  }
.LBB2_3:
0x32: {  	[tilespmem:s18], [sflag:$0x1] =	stream.indirect_vreg.gather [hbm4b:s2+s10], $0x1, v1, vm0, $0x4038;
	[tilespmem:$0x640] =	vst v63  }
0x33: {  	s17 =	sadd.s32 $0x10, s17  }
0x34: {  	v2 =	vnsel vm1, $0x0, v2;
	p0 =	slt.u32 s17, $0x180  }
.Ltmp3:
0x35: {  	s18 =	smov.u32 s15;
	v1 =	vmin.u32 v2, $0x270F;
	(pc) =	sbr.rel @p0 .LBB2_3-.Ltmp3, $3  }
0x36: {  	_ =	sdelay $0x1  }
0x37: {  	s16 =	sadd.s32 $0x10, s16  }
0x38: {  	vm1 =	vgt.s32 v0, $0x0;
	s15 =	sadd.s32 $0x10, s15;
	v2 =	vmov v0;
	(ifvalue) =	ssetifvalue $0x7FFFFFFF;
	v0 =	vld.msk [tilespmem:s16+$0x0 ss:$0x1], $0xffff  }
.Ltmp4:
0x39: {  	_ = 	snop;
	(pc) =	sbr.rel .LBB2_4-.Ltmp4, $1  }
0x3a: {  	_ =	sdelay $0x3  }
.LBB2_6:
0x3b: {  	_ =	sfence.sel $0x180000  }
0x3c: {  	s2 =	simm.s32 $0x2;
	[bflag:$0x0] =	sbarrier.arrive $0xFFFF  }
0x3d: {  	s30 =	simm.s32 $0x3;
	[sflag:s2] =	ssyncpa.u1 $0x1  }
0x3e: {  	s31 =	simm.s32 $0x1;
	[sflag:s30] =	ssyncpa.u1 $0x1  }
0x3f: {  	[sflag:s31] =	ssyncpa.u1 $0x1  }
0x40: {  	p0 =	sne.s32 s1, $0x0;
	_ =	strace $0x90000056  }
0x41: {  	s0 =	sadd.s32 @!p0 $0x100000, s0;
	[bflag:$0x2] =	sbarrier.arrive $0xFFFF  }
0x42: {  	[sflag:s0] =	ssyncadd.tile.s32 @!p0 $0x1;
	_ =	shalt  }
.Lfunc_end2:
_tile_overlayer_lowered:
.L_overlay_start_2:
0x43: {  	(tag) =	ssettag $0x2  }
0x44: {  	s0 =	rddreg [dreg:$0x0];
	s2 =	stileid.u32  }
0x45: {  	s1 =	rddreg [dreg:$0x1];
	p0 =	sne.s32 s2, $0x0  }
0x46: {  	s3 =	rddreg [dreg:$0x2];
	[bflag:$0x3] =	sbarrier.arrive $0xFFFF;
	s2 =	simm.s32 @!p0 $0x1C01  }
0x47: {  	[timem:s3], [sflag:s2] =	dma.local @!p0 [hbm:s0], s1  }
0x48: {  	s0 =	simm.s32 @!p0 $0x1  }
0x49: {  	_ =	swait.ge @!p0 [sflag:s0], s1  }
0x4a: {  	s1 =	ssub.s32 @!p0 $0x0, s1;
	[sflag:s0] =	ssyncset.done @!p0 $0x0  }
0x4b: {  	[sflag:s0] =	ssyncadd.s32 @!p0 s1  }
0x4c: {  	[bflag:$0x3] =	sbarrier.arrive $0xFFFF  }
0x4d: {  	_ =	shalt  }

// kernel: kernel.11.cloned.1.call-start
scs
__scs_entry_jumppad:
0x0: {  	(pc) =	sbr.rel $0x88, $3  }
0x1: {  	(tag) =	ssettag $0x0;
	lr =	simm.s32 $0x1  }
0x2: {  	[smem:$0x3F8A] =	sst lr;
	_ =	strace $0xD0000000  }
0x3: {  	_ = 	snop  }
0x4: {  	_ = 	snop  }
0x5: {  	_ = 	snop  }
0x6: {  	_ = 	snop  }
0x7: {  	_ = 	snop  }
__scs_overlays_trampoline_lowered:
0x8: {  	[smem:$0x3F99] =	sst s0  }
0x9: {  	[smem:$0x3F9A] =	sst s1  }
0xa: {  	[smem:$0x3F9B] =	sst s2  }
0xb: {  	[smem:$0x3F9C] =	sst s3  }
0xc: {  	[smem:$0x3F9D] =	sst s4  }
0xd: {  	[smem:$0x3F9E] =	sst s5  }
0xe: {  	[smem:$0x3F9F] =	sst s6  }
0xf: {  	[smem:$0x3FA0] =	sst s7  }
0x10: {  	[smem:$0x3FA1] =	sst s8  }
0x11: {  	[smem:$0x3FA2] =	sst s9;
	s0 =	simm.s32 @!p0 $0x0  }
0x12: {  	s1 =	sld [smem:$0x3F88];
	s0 =	simm.s32 @p0 $0x1  }
0x13: {  	[smem:$0x3FA3] =	sst s0;
	s0 =	simm.s32 @!p1 $0x0  }
0x14: {  	s2 =	sld [smem:$0x3F87];
	s0 =	simm.s32 @p1 $0x1  }
0x15: {  	[smem:$0x3FA4] =	sst s0;
	s0 =	simm.s32 @!p2 $0x0  }
0x16: {  	s3 =	sld [smem:$0x3FDB];
	s0 =	simm.s32 @p2 $0x1  }
0x17: {  	s4 =	simm.s32 $0x1BF5;
	[smem:$0x3FA6] =	sst s0  }
0x18: {  	s0 =	sld [smem:$0x3F89];
	_ =	swait.ge [sflag:s4], $0x0  }
0x19: {  	s7 =	sld [smem:$0x3F8A]  }
0x1a: {  	s8 =	sadd.s32 $0xFFFFE003, lr  }
0x1b: {  	s9 =	sadd.s32 $0xFFFFFEF7, lr;
	s5 =	simm.s32 $0xFFFFFFFF;
	p2 =	slt.u32 s8, $0xFFFFF086  }
0x1c: {  	p1 =	slt.u32 s9, $0xF7A;
	s5 =	simm.s32 @!p2 $0x0  }
0x1d: {  	s5 =	simm.s32 @p1 $0x1;
	p0 =	seq.s32 s7, s2  }
0x1e: {  	s7 =	smul.u32 @!p0 $0xF7A, s2;
	p2 =	seq.s32 @!p0 s5, $0x0  }
0x1f: {  	s9 =	smul.u32 $0xF7A, s1;
	s8 =	simm.s32 @!p0 $0x1BF5;
	p2 =	por !p2, p0  }
0x20: {  	[sflag:s8] =	ssyncset.s32 @!p0 $0xFFFFF086;
	s6 =	sadd.s32 @!p0 s3, s7;
	s7 =	simm.s32 @!p0 $0x108  }
0x21: {  	s3 =	sadd.s32 s3, s9;
	s6 =	sadd.s32 @!p0 $0x88, s6;
	s7 =	simm.s32 @p2 $0x1082  }
0x22: {  	[simem:s7], [sflag:s8] =	dma.local @!p0 [hbm:s6], $0xF7A  }
0x23: {  	s9 =	sor.u32 $0xD0000000, s2;
	s6 =	simm.s32 $0x108;
	_ =	swait.ge @!p0 [sflag:s8], $0x0  }
0x24: {  	s3 =	sadd.s32 $0x88, s3;
	s6 =	simm.s32 @!p1 $0x1082;
	[sflag:s4] =	ssyncset.s32 $0xFFFFF086  }
0x25: {  	[simem:s6], [sflag:s4] =	dma.local [hbm:s3], $0xF7A  }
0x26: {  	[smem:$0x3F8A] =	sst s1;
	(tag) =	ssettag s2;
	_ =	strace s9  }
0x27: {  	s1 =	sld [smem:$0x3F9A]  }
0x28: {  	s2 =	sld [smem:$0x3F9B]  }
0x29: {  	s4 =	sld [smem:$0x3F9D]  }
0x2a: {  	p0 =	seq.s32 s5, $0x0;
	s5 =	sld [smem:$0x3F9E]  }
0x2b: {  	s6 =	sld [smem:$0x3F9F]  }
0x2c: {  	s7 =	sld [smem:$0x3FA0]  }
0x2d: {  	s3 =	simm.s32 $0x108;
	s8 =	sld [smem:$0x3FA1]  }
0x2e: {  	s3 =	simm.s32 @!p0 $0x1082;
	s9 =	sld [smem:$0x3FA2]  }
0x2f: {  	lr =	sadd.s32 s0, s3;
	s0 =	sld [smem:$0x3F99]  }
0x30: {  	s3 =	sld [smem:$0x3F9C]  }
0x31: {  	[smem:$0x3FA5] =	sst s10  }
0x32: {  	s10 =	sld [smem:$0x3FA3];
	_ =	sdelay $0x3  }
0x33: {  	p0 =	seq.s32 s10, $0x1;
	s10 =	sld [smem:$0x3FA5];
	_ =	sdelay $0x3  }
0x34: {  	[smem:$0x3FA5] =	sst s10  }
0x35: {  	s10 =	sld [smem:$0x3FA4];
	_ =	sdelay $0x3  }
0x36: {  	p1 =	seq.s32 s10, $0x1;
	s10 =	sld [smem:$0x3FA5];
	_ =	sdelay $0x3  }
0x37: {  	[smem:$0x3FA5] =	sst s10  }
0x38: {  	s10 =	sld [smem:$0x3FA6]  }
0x39: {  	_ = 	snop;
	(pc) =	sbr.ind lr, $3  }
0x3a: {  	_ = 	snop  }
0x3b: {  	_ = 	snop  }
0x3c: {  	p2 =	seq.s32 s10, $0x1;
	s10 =	sld [smem:$0x3FA5]  }
0x3d: {  	_ =	shalt  }
0x3e: {  	_ =	shalt  }
0x3f: {  	_ =	shalt  }
0x40: {  	_ =	shalt  }
0x41: {  	_ =	shalt  }
0x42: {  	_ =	shalt  }
0x43: {  	_ =	shalt  }
0x44: {  	_ =	shalt  }
0x45: {  	_ =	shalt  }
0x46: {  	_ =	shalt  }
0x47: {  	_ =	shalt  }
0x48: {  	_ =	shalt  }
0x49: {  	_ =	shalt  }
0x4a: {  	_ =	shalt  }
0x4b: {  	_ =	shalt  }
0x4c: {  	_ =	shalt  }
0x4d: {  	_ =	shalt  }
0x4e: {  	_ =	shalt  }
0x4f: {  	_ =	shalt  }
0x50: {  	_ =	shalt  }
0x51: {  	_ =	shalt  }
0x52: {  	_ =	shalt  }
0x53: {  	_ =	shalt  }
0x54: {  	_ =	shalt  }
0x55: {  	_ =	shalt  }
0x56: {  	_ =	shalt  }
0x57: {  	_ =	shalt  }
0x58: {  	_ =	shalt  }
0x59: {  	_ =	shalt  }
0x5a: {  	_ =	shalt  }
0x5b: {  	_ =	shalt  }
0x5c: {  	_ =	shalt  }
0x5d: {  	_ =	shalt  }
0x5e: {  	_ =	shalt  }
0x5f: {  	_ =	shalt  }
0x60: {  	_ =	shalt  }
0x61: {  	_ =	shalt  }
0x62: {  	_ =	shalt  }
0x63: {  	_ =	shalt  }
0x64: {  	_ =	shalt  }
0x65: {  	_ =	shalt  }
0x66: {  	_ =	shalt  }
0x67: {  	_ =	shalt  }
0x68: {  	_ =	shalt  }
0x69: {  	_ =	shalt  }
0x6a: {  	_ =	shalt  }
0x6b: {  	_ =	shalt  }
0x6c: {  	_ =	shalt  }
0x6d: {  	_ =	shalt  }
0x6e: {  	_ =	shalt  }
0x6f: {  	_ =	shalt  }
0x70: {  	_ =	shalt  }
0x71: {  	_ =	shalt  }
0x72: {  	_ =	shalt  }
0x73: {  	_ =	shalt  }
0x74: {  	_ =	shalt  }
0x75: {  	_ =	shalt  }
0x76: {  	_ =	shalt  }
0x77: {  	_ =	shalt  }
0x78: {  	_ =	shalt  }
0x79: {  	_ =	shalt  }
0x7a: {  	_ =	shalt  }
0x7b: {  	_ =	shalt  }
0x7c: {  	_ =	shalt  }
0x7d: {  	_ =	shalt  }
0x7e: {  	_ =	shalt  }
0x7f: {  	_ =	shalt  }
0x80: {  	_ =	shalt  }
0x81: {  	_ =	shalt  }
0x82: {  	_ =	shalt  }
0x83: {  	_ =	shalt  }
0x84: {  	_ =	shalt  }
0x85: {  	_ =	shalt  }
0x86: {  	_ =	shalt  }
0x87: {  	_ =	shalt  }
.Lfunc_end0:
.L_simem_size_0:
called_computation.4_lowered:
.L_overlay_start_0:
0x88: {  	s2 =	sld [smem:$0x3FD9]  }
0x89: {  	s3 =	sld [smem:$0x3FFE];
	_ =	sdelay $0x1  }
0x8a: {  	s1 =	srdreg.scid  }
0x8b: {  	s0 =	sand.u32 $0x1, s1  }
0x8c: {  	s16 =	sshll.u32 s0, $0xA;
	s2 =	sadd.s32 s3, s2  }
0x8d: {  	s2 =	sadd.s32 s2, s16  }
0x8e: {  	[smem:$0x3FB1] =	sst s2  }
0x8f: {  	_ = 	snop  }
0x90: {  	(tm) =	ssettm $0x1  }
0x91: {  	s17 =	sld [smem:$0x3FFB];
	_ =	sdelay $0x3  }
0x92: {  	_ =	strace s17  }
0x93: {  	s2 =	sld [smem:$0x3FFC];
	_ =	sdelay $0x3  }
0x94: {  	_ =	strace s2  }
0x95: {  	s2 =	sld [smem:$0x3FFD];
	_ =	sdelay $0x3  }
0x96: {  	_ =	strace s2  }
0x97: {  	_ =	strace $0x8FFFFFFF  }
0x98: {  	s18 =	sld [smem:$0x3FDB];
	_ =	sdelay $0x1  }
0x99: {  	s19 =	simm.s32 $_scs_section_size  }
0x9a: {  	s4 =	simm.s32 $_size__tile_overlayer_lowered;
	s5 =	simm.s32 $_tile_overlayer_lowered  }
0x9b: {  	s22 =	simm.s32 $0x1BFF;
	s21 =	sshll.u32 s5, $0x1;
	s2 =	sadd.s32 s19, s18  }
0x9c: {  	s6 =	simm.s32 $0x0;
	s20 =	sshll.u32 s4, $0x1;
	s4 =	sadd.s32 s21, s2  }
0x9d: {  	[timem:s6], [sflag:s22] =	dma.local [hbm:s4], s20  }
0x9e: {  	_ =	swait.ge [sflag:s22], s20  }
0x9f: {  	s3 =	ssub.s32 $0x0, s20;
	[sflag:s22] =	ssyncset.done $0x0  }
0xa0: {  	[sflag:s22] =	ssyncadd.s32 s3;
	_ =	sdelay $0x1  }
0xa1: {  	s23 =	simm.s32 $0x1B8B  }
0xa2: {  	_ =	swait.ge [sflag:s23], $0x1  }
0xa3: {  	[sflag:s23] =	ssyncset.done $0x0  }
0xa4: {  	s25 =	simm.s32 $0x1B8E;
	s24 =	sld [smem:$0x3FFE];
	[sflag:s23] =	ssyncadd.s32 $0xFFFFFFFF  }
0xa5: {  	s26 =	simm.s32 $execute0_lowered;
	[smem:$0x3FD2] =	sst s25  }
0xa6: {  	s4 =	sshll.u32 s26, $0x1;
	_ =	strace $0x80000046;
	[dreg:$0x1] =	wrdreg $0xFFFFFFFF  }
0xa7: {  	s28 =	simm.s32 $_size_execute0_lowered;
	s2 =	sadd.s32 s2, s4;
	[dreg:$0x0] =	wrdreg $0x0  }
0xa8: {  	s4 =	sshll.u32 s28, $0x1;
	[dreg:$0x2] =	wrdreg s2  }
0xa9: {  	[dreg:$0x3] =	wrdreg s4  }
0xaa: {  	[dreg:$0x4] =	wrdreg $0xC0  }
0xab: {  	_ =	task [dreg:s6], $0x5FFFF  }
0xac: {  	[dreg:$0x1] =	wrdreg $0xFFFFFFFF  }
0xad: {  	[dreg:$0x0] =	wrdreg $0x60  }
0xae: {  	[dreg:$0x2] =	wrdreg s24  }
0xaf: {  	[dreg:$0x3] =	wrdreg $0x9  }
0xb0: {  	_ =	task.clear_ibuf [dreg:s6], $0x4FFFF;
	_ =	strace $0x90000046  }
0xb1: {  	s29 =	simm.s32 $0x9;
	_ =	strace $0x80000048  }
0xb2: {  	_ =	swait.ge [sflag:s29], $0x1  }
0xb3: {  	[sflag:s29] =	ssyncadd.s32 $0xFFFFFFFF  }
0xb4: {  	_ =	strace $0x90000048  }
0xb5: {  	_ =	sfence  }
0xb6: {  	s30 =	sld [smem:$0x0];
	_ =	sdelay $0x2  }
0xb7: {  	s31 =	sshll.u32 s1, $0xD;
	s1 =	sshrl.u32 s1, $0x2  }
0xb8: {  	s3 =	sand.u32 $0x4000, s31;
	s1 =	sadd.s32 s1, s30  }
0xb9: {  	s0 =	sor.u32 s3, s0;
	s1 =	sshll.u32 s1, $0x11  }
0xba: {  	s0 =	sor.u32 s1, s0  }
0xbb: {  	s0 =	sadd.s32 $0x8F2B, s0  }
0xbc: {  	[sflag:s0] =	ssyncadd.remote.s32 $0x1  }
0xbd: {  	_ =	sfence.sel $0xFFFF  }
0xbe: {  	[dreg:$0x0] =	wrdreg $0xFFFFFFFF;
	(pc) =	sbr.abs _section_cstart, $3  }
0xbf: {  	[dreg:$0x1] =	wrdreg $0xFFFFFFFF  }
0xc0: {  	_ =	task.clear_ibuf [dreg:s6], $0x2FFFF;
	_ =	strace $0x9FFFFFFF  }
0xc1: {  	(tm) =	ssettm $0x7FFFFFFF  }
tec
execute0_lowered:
.L_overlay_start_1:
0x0: {  	(tag) =	ssettag $0x1  }
0x1: {  	s3 =	rddreg [dreg:$0x0]  }
0x2: {  	s0 =	rddreg [dreg:$0x1];
	s2 =	simm.s32 $0x0;
	s4 =	srdreg.scid  }
0x3: {  	s1 =	stileid.u32;
	s11 =	simm.s32 $0x2800;
	[smem:$0x7FF] =	sst s2  }
0x4: {  	s4 =	sand.u32 $0x1, s4;
	s5 =	sshrl.u32 s1, $0x2;
	s6 =	sshll.u32 s1, $0x8  }
0x5: {  	s9 =	sadd.s32 $0x1000, s3;
	s10 =	sadd.s32 $0x15000, s3;
	s7 =	smul.u32 $0x14000, s5  }
0x6: {  	s8 =	sshll.u32 s4, $0x7;
	s6 =	sand.u32 $0x300, s6;
	s4 =	ssub.s32 $0x2, s4  }
0x7: {  	s5 =	smul.u32 $0x9C800, s5;
	s6 =	sor.u32 s8, s6;
	s25 =	sshrl.u32 s4, $0x1  }
0x8: {  	_ =	strace $0x80000047;
	s7 =	sor.u32 s7, s6;
	s8 =	ssub.s32 s4, s25  }
0x9: {  	s28 =	sor.u32 s5, s6;
	s26 =	sshrl.u32 s7, $0x3;
	s29 =	sadd.s32 $0x50000, s7  }
0xa: {  	s6 =	sshrl.u32 s28, $0x3;
	s30 =	sadd.s32 $0x272000, s28;
	s7 =	smax.u32 s8, $0x1  }
0xb: {  	s8 =	simm.s32 $0x80;
	s3 =	sadd.s32 s9, s26;
	s5 =	sshrl.u32 s29, $0x3  }
0xc: {  	v1 =	vlaneseq.u32;
	s4 =	sadd.s32 s10, s6;
	s31 =	sshrl.u32 s30, $0x3;
	s5 =	sadd.s32 s9, s5  }
0xd: {  	v0 =	vimm.s32 $0x0;
	v1 =	vand.u32 $0x7, v1;
	s6 =	sadd.s32 s10, s31;
	s9 =	simm.s32 $0x400;
	s10 =	simm.s32 $0x1  }
.LBB2_1:
0xe: {  	s12 =	simm.s32 $0x40;
	s13 =	simm.s32 $0x0  }
.LBB2_2:
0xf: {  	p0 =	sne.s32 s12, $0x4E3C0;
	[tilespmem:s13+$0x2800] =	vst v0;
	s13 =	smov.u32 s12;
	s12 =	sadd.s32 $0x40, s12  }
.Ltmp0:
0x10: {  	(pc) =	sbr.rel @p0 .LBB2_2-.Ltmp0, $2  }
0x11: {  	_ =	sdelay $0x2  }
0x12: {  	s13 =	sshra.s32 s13, $0x2  }
0x13: {  	[tilespmem:s13+$0x2800] =	vst v0;
	s12 =	simm.s32 $0x0  }
0x14: {  	[tilespmem:s12], [sflag:$0x1] =	stream.strided.gather [hbm4b:s3+s8], $0x2800, s9, s8, $0x38;
	[tilespmem:$0x16100] =	vst v63  }
0x15: {  	_ =	swait.ge [sflag:s10], $0x2800  }
0x16: {  	[sflag:s10] =	ssyncset.done $0x0  }
0x17: {  	s13 =	simm.s32 $0x0;
	s12 =	simm.s32 $0x40;
	[sflag:s10] =	ssyncadd.s32 $0xFFFFD800  }
.LBB2_4:
0x18: {  	p0 =	sne.s32 s12, $0x9FC0;
	v2 =	vld [tilespmem:s13+$0x0];
	_ =	sdelay $0x4  }
0x19: {  	v2 =	vshll.u32 v2, $0x3  }
0x1a: {  	v2 =	vor.u32 v1, v2;
	_ =	sdelay $0x4  }
0x1b: {  	v3 =	vld.idx.msk [tilespmem:v2+s11+$0x0], $0xffff;
	_ =	sdelay $0x2  }
.Ltmp1:
0x1c: {  	(pc) =	sbr.rel @p0 .LBB2_4-.Ltmp1, $3  }
0x1d: {  	_ =	sdelay $0x1  }
0x1e: {  	v3 =	vadd.s32 $0x1, v3  }
0x1f: {  	s13 =	sshra.s32 s12, $0x2;
	s12 =	sadd.s32 $0x40, s12;
	[tilespmem:v2+s11+$0x0] =	vst.idx.msk $0xff, v3  }
0x20: {  	v2 =	vld [tilespmem:s13+$0x0];
	_ =	sdelay $0x4  }
0x21: {  	v2 =	vshll.u32 v2, $0x3  }
0x22: {  	v2 =	vor.u32 v1, v2;
	_ =	sdelay $0x4  }
0x23: {  	v3 =	vld.idx.msk [tilespmem:v2+s11+$0x0], $0xffff;
	_ =	sdelay $0x4  }
0x24: {  	v3 =	vadd.s32 $0x1, v3  }
0x25: {  	[tilespmem:v2+s11+$0x0] =	vst.idx.msk $0xff, v3  }
0x26: {  	[hbm4b:s4+s8] =	stream.strided.scatter [tilespmem:s11], [sflag:$0x1], $0x13900, s9, s8, $0x38;
	[tilespmem:$0x16100] =	vst v63  }
0x27: {  	_ =	swait.ge [sflag:s10], $0x13900  }
0x28: {  	[sflag:s10] =	ssyncset.done $0x0  }
0x29: {  	s12 =	simm.s32 $0x40;
	s13 =	simm.s32 $0x0;
	[sflag:s10] =	ssyncadd.s32 $0xFFFEC700  }
.LBB2_6:
0x2a: {  	p0 =	sne.s32 s12, $0x4E3C0;
	[tilespmem:s13+$0x2800] =	vst v0;
	s13 =	smov.u32 s12;
	s12 =	sadd.s32 $0x40, s12  }
.Ltmp2:
0x2b: {  	(pc) =	sbr.rel @p0 .LBB2_6-.Ltmp2, $2  }
0x2c: {  	_ =	sdelay $0x2  }
0x2d: {  	s13 =	sshra.s32 s13, $0x2  }
0x2e: {  	[tilespmem:s13+$0x2800] =	vst v0;
	s12 =	simm.s32 $0x0  }
0x2f: {  	[tilespmem:s12], [sflag:$0x1] =	stream.strided.gather [hbm4b:s5+s8], $0x2800, s9, s8, $0x38;
	[tilespmem:$0x16100] =	vst v63  }
0x30: {  	_ =	swait.ge [sflag:s10], $0x2800  }
0x31: {  	[sflag:s10] =	ssyncset.done $0x0  }
0x32: {  	s13 =	simm.s32 $0x0;
	s12 =	simm.s32 $0x40;
	[sflag:s10] =	ssyncadd.s32 $0xFFFFD800  }
.LBB2_8:
0x33: {  	p0 =	sne.s32 s12, $0x9FC0;
	v2 =	vld [tilespmem:s13+$0x0];
	_ =	sdelay $0x4  }
0x34: {  	v2 =	vshll.u32 v2, $0x3  }
0x35: {  	v2 =	vor.u32 v1, v2;
	_ =	sdelay $0x4  }
0x36: {  	v3 =	vld.idx.msk [tilespmem:v2+s11+$0x0], $0xffff;
	_ =	sdelay $0x2  }
.Ltmp3:
0x37: {  	(pc) =	sbr.rel @p0 .LBB2_8-.Ltmp3, $3  }
0x38: {  	_ =	sdelay $0x1  }
0x39: {  	v3 =	vadd.s32 $0x1, v3  }
0x3a: {  	s13 =	sshra.s32 s12, $0x2;
	s12 =	sadd.s32 $0x40, s12;
	[tilespmem:v2+s11+$0x0] =	vst.idx.msk $0xff, v3  }
0x3b: {  	v2 =	vld [tilespmem:s13+$0x0];
	_ =	sdelay $0x4  }
0x3c: {  	v2 =	vshll.u32 v2, $0x3  }
0x3d: {  	v2 =	vor.u32 v1, v2;
	_ =	sdelay $0x4  }
0x3e: {  	v3 =	vld.idx.msk [tilespmem:v2+s11+$0x0], $0xffff;
	_ =	sdelay $0x3  }
0x3f: {  	s2 =	sadd.s32 $0x1, s2  }
0x40: {  	p0 =	sne.s32 s2, s7;
	v3 =	vadd.s32 $0x1, v3  }
.Ltmp4:
0x41: {  	[tilespmem:v2+s11+$0x0] =	vst.idx.msk $0xff, v3;
	(pc) =	sbr.rel @p0 .LBB2_1-.Ltmp4, $4  }
0x42: {  	[hbm4b:s6+s8] =	stream.strided.scatter [tilespmem:s11], [sflag:$0x1], $0x13900, s9, s8, $0x38;
	[tilespmem:$0x16100] =	vst v63  }
0x43: {  	_ =	swait.ge [sflag:s10], $0x13900  }
0x44: {  	[sflag:s10] =	ssyncset.done $0x0  }
0x45: {  	[sflag:s10] =	ssyncadd.s32 $0xFFFEC700  }
0x46: {  	_ =	sfence.sel $0x180000  }
0x47: {  	[bflag:$0x0] =	sbarrier.arrive $0xFFFF  }
0x48: {  	p0 =	sne.s32 s1, $0x0;
	_ =	strace $0x90000047  }
0x49: {  	s0 =	sadd.s32 @!p0 $0x100000, s0;
	[bflag:$0x2] =	sbarrier.arrive $0xFFFF  }
0x4a: {  	[sflag:s0] =	ssyncadd.tile.s32 @!p0 $0x1;
	_ =	shalt  }
.Lfunc_end2:
_tile_overlayer_lowered:
.L_overlay_start_2:
0x4b: {  	(tag) =	ssettag $0x2  }
0x4c: {  	s0 =	rddreg [dreg:$0x0];
	s2 =	stileid.u32  }
0x4d: {  	s1 =	rddreg [dreg:$0x1];
	p0 =	sne.s32 s2, $0x0  }
0x4e: {  	s3 =	rddreg [dreg:$0x2];
	[bflag:$0x3] =	sbarrier.arrive $0xFFFF;
	s2 =	simm.s32 @!p0 $0x1C01  }
0x4f: {  	[timem:s3], [sflag:s2] =	dma.local @!p0 [hbm:s0], s1  }
0x50: {  	s0 =	simm.s32 @!p0 $0x1  }
0x51: {  	_ =	swait.ge @!p0 [sflag:s0], s1  }
0x52: {  	s1 =	ssub.s32 @!p0 $0x0, s1;
	[sflag:s0] =	ssyncset.done @!p0 $0x0  }
0x53: {  	[sflag:s0] =	ssyncadd.s32 @!p0 s1  }
0x54: {  	[bflag:$0x3] =	sbarrier.arrive $0xFFFF  }
0x55: {  	_ =	shalt  }

// kernel: kernel.14.cloned.1.call-start
scs
__scs_entry_jumppad:
0x0: {  	(pc) =	sbr.rel $0x88, $3  }
0x1: {  	(tag) =	ssettag $0x0;
	lr =	simm.s32 $0x1  }
0x2: {  	[smem:$0x3F8A] =	sst lr;
	_ =	strace $0xD0000000  }
0x3: {  	_ = 	snop  }
0x4: {  	_ = 	snop  }
0x5: {  	_ = 	snop  }
0x6: {  	_ = 	snop  }
0x7: {  	_ = 	snop  }
__scs_overlays_trampoline_lowered:
0x8: {  	[smem:$0x3F99] =	sst s0  }
0x9: {  	[smem:$0x3F9A] =	sst s1  }
0xa: {  	[smem:$0x3F9B] =	sst s2  }
0xb: {  	[smem:$0x3F9C] =	sst s3  }
0xc: {  	[smem:$0x3F9D] =	sst s4  }
0xd: {  	[smem:$0x3F9E] =	sst s5  }
0xe: {  	[smem:$0x3F9F] =	sst s6  }
0xf: {  	[smem:$0x3FA0] =	sst s7  }
0x10: {  	[smem:$0x3FA1] =	sst s8  }
0x11: {  	[smem:$0x3FA2] =	sst s9;
	s0 =	simm.s32 @!p0 $0x0  }
0x12: {  	s1 =	sld [smem:$0x3F88];
	s0 =	simm.s32 @p0 $0x1  }
0x13: {  	[smem:$0x3FA3] =	sst s0;
	s0 =	simm.s32 @!p1 $0x0  }
0x14: {  	s2 =	sld [smem:$0x3F87];
	s0 =	simm.s32 @p1 $0x1  }
0x15: {  	[smem:$0x3FA4] =	sst s0;
	s0 =	simm.s32 @!p2 $0x0  }
0x16: {  	s3 =	sld [smem:$0x3FDB];
	s0 =	simm.s32 @p2 $0x1  }
0x17: {  	s4 =	simm.s32 $0x1BF5;
	[smem:$0x3FA6] =	sst s0  }
0x18: {  	s0 =	sld [smem:$0x3F89];
	_ =	swait.ge [sflag:s4], $0x0  }
0x19: {  	s7 =	sld [smem:$0x3F8A]  }
0x1a: {  	s8 =	sadd.s32 $0xFFFFE003, lr  }
0x1b: {  	s9 =	sadd.s32 $0xFFFFFEF7, lr;
	s5 =	simm.s32 $0xFFFFFFFF;
	p2 =	slt.u32 s8, $0xFFFFF086  }
0x1c: {  	p1 =	slt.u32 s9, $0xF7A;
	s5 =	simm.s32 @!p2 $0x0  }
0x1d: {  	s5 =	simm.s32 @p1 $0x1;
	p0 =	seq.s32 s7, s2  }
0x1e: {  	s7 =	smul.u32 @!p0 $0xF7A, s2;
	p2 =	seq.s32 @!p0 s5, $0x0  }
0x1f: {  	s9 =	smul.u32 $0xF7A, s1;
	s8 =	simm.s32 @!p0 $0x1BF5;
	p2 =	por !p2, p0  }
0x20: {  	[sflag:s8] =	ssyncset.s32 @!p0 $0xFFFFF086;
	s6 =	sadd.s32 @!p0 s3, s7;
	s7 =	simm.s32 @!p0 $0x108  }
0x21: {  	s3 =	sadd.s32 s3, s9;
	s6 =	sadd.s32 @!p0 $0x88, s6;
	s7 =	simm.s32 @p2 $0x1082  }
0x22: {  	[simem:s7], [sflag:s8] =	dma.local @!p0 [hbm:s6], $0xF7A  }
0x23: {  	s9 =	sor.u32 $0xD0000000, s2;
	s6 =	simm.s32 $0x108;
	_ =	swait.ge @!p0 [sflag:s8], $0x0  }
0x24: {  	s3 =	sadd.s32 $0x88, s3;
	s6 =	simm.s32 @!p1 $0x1082;
	[sflag:s4] =	ssyncset.s32 $0xFFFFF086  }
0x25: {  	[simem:s6], [sflag:s4] =	dma.local [hbm:s3], $0xF7A  }
0x26: {  	[smem:$0x3F8A] =	sst s1;
	(tag) =	ssettag s2;
	_ =	strace s9  }
0x27: {  	s1 =	sld [smem:$0x3F9A]  }
0x28: {  	s2 =	sld [smem:$0x3F9B]  }
0x29: {  	s4 =	sld [smem:$0x3F9D]  }
0x2a: {  	p0 =	seq.s32 s5, $0x0;
	s5 =	sld [smem:$0x3F9E]  }
0x2b: {  	s6 =	sld [smem:$0x3F9F]  }
0x2c: {  	s7 =	sld [smem:$0x3FA0]  }
0x2d: {  	s3 =	simm.s32 $0x108;
	s8 =	sld [smem:$0x3FA1]  }
0x2e: {  	s3 =	simm.s32 @!p0 $0x1082;
	s9 =	sld [smem:$0x3FA2]  }
0x2f: {  	lr =	sadd.s32 s0, s3;
	s0 =	sld [smem:$0x3F99]  }
0x30: {  	s3 =	sld [smem:$0x3F9C]  }
0x31: {  	[smem:$0x3FA5] =	sst s10  }
0x32: {  	s10 =	sld [smem:$0x3FA3];
	_ =	sdelay $0x3  }
0x33: {  	p0 =	seq.s32 s10, $0x1;
	s10 =	sld [smem:$0x3FA5];
	_ =	sdelay $0x3  }
0x34: {  	[smem:$0x3FA5] =	sst s10  }
0x35: {  	s10 =	sld [smem:$0x3FA4];
	_ =	sdelay $0x3  }
0x36: {  	p1 =	seq.s32 s10, $0x1;
	s10 =	sld [smem:$0x3FA5];
	_ =	sdelay $0x3  }
0x37: {  	[smem:$0x3FA5] =	sst s10  }
0x38: {  	s10 =	sld [smem:$0x3FA6]  }
0x39: {  	_ = 	snop;
	(pc) =	sbr.ind lr, $3  }
0x3a: {  	_ = 	snop  }
0x3b: {  	_ = 	snop  }
0x3c: {  	p2 =	seq.s32 s10, $0x1;
	s10 =	sld [smem:$0x3FA5]  }
0x3d: {  	_ =	shalt  }
0x3e: {  	_ =	shalt  }
0x3f: {  	_ =	shalt  }
0x40: {  	_ =	shalt  }
0x41: {  	_ =	shalt  }
0x42: {  	_ =	shalt  }
0x43: {  	_ =	shalt  }
0x44: {  	_ =	shalt  }
0x45: {  	_ =	shalt  }
0x46: {  	_ =	shalt  }
0x47: {  	_ =	shalt  }
0x48: {  	_ =	shalt  }
0x49: {  	_ =	shalt  }
0x4a: {  	_ =	shalt  }
0x4b: {  	_ =	shalt  }
0x4c: {  	_ =	shalt  }
0x4d: {  	_ =	shalt  }
0x4e: {  	_ =	shalt  }
0x4f: {  	_ =	shalt  }
0x50: {  	_ =	shalt  }
0x51: {  	_ =	shalt  }
0x52: {  	_ =	shalt  }
0x53: {  	_ =	shalt  }
0x54: {  	_ =	shalt  }
0x55: {  	_ =	shalt  }
0x56: {  	_ =	shalt  }
0x57: {  	_ =	shalt  }
0x58: {  	_ =	shalt  }
0x59: {  	_ =	shalt  }
0x5a: {  	_ =	shalt  }
0x5b: {  	_ =	shalt  }
0x5c: {  	_ =	shalt  }
0x5d: {  	_ =	shalt  }
0x5e: {  	_ =	shalt  }
0x5f: {  	_ =	shalt  }
0x60: {  	_ =	shalt  }
0x61: {  	_ =	shalt  }
0x62: {  	_ =	shalt  }
0x63: {  	_ =	shalt  }
0x64: {  	_ =	shalt  }
0x65: {  	_ =	shalt  }
0x66: {  	_ =	shalt  }
0x67: {  	_ =	shalt  }
0x68: {  	_ =	shalt  }
0x69: {  	_ =	shalt  }
0x6a: {  	_ =	shalt  }
0x6b: {  	_ =	shalt  }
0x6c: {  	_ =	shalt  }
0x6d: {  	_ =	shalt  }
0x6e: {  	_ =	shalt  }
0x6f: {  	_ =	shalt  }
0x70: {  	_ =	shalt  }
0x71: {  	_ =	shalt  }
0x72: {  	_ =	shalt  }
0x73: {  	_ =	shalt  }
0x74: {  	_ =	shalt  }
0x75: {  	_ =	shalt  }
0x76: {  	_ =	shalt  }
0x77: {  	_ =	shalt  }
0x78: {  	_ =	shalt  }
0x79: {  	_ =	shalt  }
0x7a: {  	_ =	shalt  }
0x7b: {  	_ =	shalt  }
0x7c: {  	_ =	shalt  }
0x7d: {  	_ =	shalt  }
0x7e: {  	_ =	shalt  }
0x7f: {  	_ =	shalt  }
0x80: {  	_ =	shalt  }
0x81: {  	_ =	shalt  }
0x82: {  	_ =	shalt  }
0x83: {  	_ =	shalt  }
0x84: {  	_ =	shalt  }
0x85: {  	_ =	shalt  }
0x86: {  	_ =	shalt  }
0x87: {  	_ =	shalt  }
.Lfunc_end0:
.L_simem_size_0:
called_computation.5_lowered:
.L_overlay_start_0:
0x88: {  	s2 =	sld [smem:$0x3FD9]  }
0x89: {  	s3 =	sld [smem:$0x3FFE];
	_ =	sdelay $0x1  }
0x8a: {  	s1 =	srdreg.scid  }
0x8b: {  	s0 =	sand.u32 $0x1, s1  }
0x8c: {  	s15 =	sshll.u32 s0, $0xA;
	s2 =	sadd.s32 s3, s2  }
0x8d: {  	s2 =	sadd.s32 s2, s15  }
0x8e: {  	[smem:$0x3FB1] =	sst s2  }
0x8f: {  	_ = 	snop  }
0x90: {  	s2 =	sld [smem:$0x3FD0];
	_ =	sdelay $0x2  }
0x91: {  	s16 =	simm.s32 $0xC;
	s4 =	simm.s32 $0x10  }
0x92: {  	[smem:s4], [sflag:s16] =	dma.local [hbm:s2], $0x1  }
0x93: {  	_ =	swait.eq [sflag:s16], $0x1  }
0x94: {  	[sflag:s16] =	ssyncset.done $0x0  }
0x95: {  	[sflag:s16] =	ssyncadd.s32 $0xFFFFFFFF  }
0x96: {  	s17 =	sld [smem:$0x10];
	(tm) =	ssettm $0x1  }
0x97: {  	s18 =	sld [smem:$0x3FFB];
	_ =	sdelay $0x3  }
0x98: {  	_ =	strace s18  }
0x99: {  	s2 =	sld [smem:$0x3FFC];
	_ =	sdelay $0x3  }
0x9a: {  	_ =	strace s2  }
0x9b: {  	s2 =	sld [smem:$0x3FFD];
	_ =	sdelay $0x3  }
0x9c: {  	_ =	strace s2  }
0x9d: {  	_ =	strace $0x8FFFFFFF  }
0x9e: {  	s19 =	sld [smem:$0x3FDB];
	_ =	sdelay $0x1  }
0x9f: {  	s20 =	simm.s32 $_scs_section_size  }
0xa0: {  	s5 =	simm.s32 $_size__tile_overlayer_lowered;
	s6 =	simm.s32 $_tile_overlayer_lowered  }
0xa1: {  	s7 =	simm.s32 $0x1BFF;
	s21 =	sshll.u32 s6, $0x1;
	s4 =	sadd.s32 s20, s19  }
0xa2: {  	s22 =	simm.s32 $0x0;
	s5 =	sshll.u32 s5, $0x1;
	s6 =	sadd.s32 s21, s4  }
0xa3: {  	[timem:s22], [sflag:s7] =	dma.local [hbm:s6], s5  }
0xa4: {  	_ =	swait.ge [sflag:s7], s5  }
0xa5: {  	s5 =	ssub.s32 $0x0, s5;
	[sflag:s7] =	ssyncset.done $0x0  }
0xa6: {  	[sflag:s7] =	ssyncadd.s32 s5;
	_ =	sdelay $0x1  }
0xa7: {  	s23 =	simm.s32 $0x1B8B  }
0xa8: {  	_ =	swait.ge [sflag:s23], $0x1  }
0xa9: {  	[sflag:s23] =	ssyncset.done $0x0  }
0xaa: {  	[sflag:s23] =	ssyncadd.s32 $0xFFFFFFFF  }
0xab: {  	s5 =	sld [smem:$0x0]  }
0xac: {  	s6 =	sand.u32 $0xFFFFFFFE, s1  }
0xad: {  	p0 =	sne.s32 s1, s6  }
0xae: {  	s6 =	sshll.u32 @p0 s6, $0xE  }
0xaf: {  	s6 =	sadd.s32 @p0 $0x11B8D, s6;
	s7 =	sshll.u32 @p0 s5, $0x11  }
0xb0: {  	s6 =	sor.u32 @p0 s7, s6  }
0xb1: {  	[sflag:s6] =	ssyncadd.remote.s32 @p0 $0x1;
	_ =	sdelay $0x1  }
0xb2: {  	s6 =	simm.s32 @p0 $0x1B8D  }
0xb3: {  	_ =	swait.eq @p0 [sflag:s6], $0x1  }
0xb4: {  	[sflag:s6] =	ssyncadd.s32 @p0 $0xFFFFFFFF  }
0xb5: {  	s7 =	sshll.u32 @!p0 s1, $0xE  }
0xb6: {  	s7 =	sor.u32 @!p0 $0x4000, s7;
	s6 =	simm.s32 @!p0 $0x1B8D  }
0xb7: {  	s5 =	sshll.u32 @!p0 s5, $0x11;
	s7 =	sadd.s32 @!p0 $0x11B8D, s7;
	_ =	swait.eq @!p0 [sflag:s6], $0x1  }
0xb8: {  	s5 =	sor.u32 @!p0 s5, s7;
	[sflag:s6] =	ssyncadd.s32 @!p0 $0xFFFFFFFF  }
0xb9: {  	s25 =	simm.s32 $0x1B8E;
	s24 =	sld [smem:$0x3FFE];
	[sflag:s5] =	ssyncadd.remote.s32 @!p0 $0x1  }
0xba: {  	s26 =	simm.s32 $execute0_lowered;
	[smem:$0x3FD2] =	sst s25  }
0xbb: {  	s6 =	sshll.u32 s26, $0x1;
	_ =	strace $0x80000049;
	[dreg:$0x1] =	wrdreg $0xFFFFFFFF  }
0xbc: {  	s28 =	simm.s32 $_size_execute0_lowered;
	s4 =	sadd.s32 s4, s6;
	[dreg:$0x0] =	wrdreg $0x0  }
0xbd: {  	s6 =	sshll.u32 s28, $0x1;
	[dreg:$0x2] =	wrdreg s4  }
0xbe: {  	[dreg:$0x3] =	wrdreg s6  }
0xbf: {  	[dreg:$0x4] =	wrdreg $0xC0  }
0xc0: {  	_ =	task [dreg:s22], $0x5FFFF  }
0xc1: {  	[dreg:$0x1] =	wrdreg $0xFFFFFFFF  }
0xc2: {  	[dreg:$0x0] =	wrdreg $0x60  }
0xc3: {  	[dreg:$0x2] =	wrdreg s17  }
0xc4: {  	[dreg:$0x3] =	wrdreg s24  }
0xc5: {  	[dreg:$0x4] =	wrdreg $0xA  }
0xc6: {  	_ =	task.clear_ibuf [dreg:s22], $0x5FFFF;
	_ =	strace $0x90000049  }
0xc7: {  	s29 =	simm.s32 $0xA;
	_ =	strace $0x8000004B  }
0xc8: {  	_ =	swait.ge [sflag:s29], $0x1  }
0xc9: {  	[sflag:s29] =	ssyncadd.s32 $0xFFFFFFFF  }
0xca: {  	_ =	strace $0x9000004B  }
0xcb: {  	_ =	sfence  }
0xcc: {  	s30 =	sld [smem:$0x0];
	_ =	sdelay $0x2  }
0xcd: {  	s31 =	sshll.u32 s1, $0xD;
	s1 =	sshrl.u32 s1, $0x2  }
0xce: {  	s4 =	sand.u32 $0x4000, s31;
	s1 =	sadd.s32 s1, s30  }
0xcf: {  	s0 =	sor.u32 s4, s0;
	s1 =	sshll.u32 s1, $0x11  }
0xd0: {  	s0 =	sor.u32 s1, s0  }
0xd1: {  	s0 =	sadd.s32 $0x8F2B, s0  }
0xd2: {  	[sflag:s0] =	ssyncadd.remote.s32 $0x1  }
0xd3: {  	_ =	sfence.sel $0xFFFF  }
0xd4: {  	[dreg:$0x0] =	wrdreg $0xFFFFFFFF;
	(pc) =	sbr.abs _section_cstart, $3  }
0xd5: {  	[dreg:$0x1] =	wrdreg $0xFFFFFFFF  }
0xd6: {  	_ =	task.clear_ibuf [dreg:s22], $0x2FFFF;
	_ =	strace $0x9FFFFFFF  }
0xd7: {  	(tm) =	ssettm $0x7FFFFFFF  }
tec
execute0_lowered:
.L_overlay_start_1:
0x0: {  	(tag) =	ssettag $0x1  }
0x1: {  	s2 =	rddreg [dreg:$0x0];
	s1 =	srdreg.scid  }
0x2: {  	s0 =	stileid.u32;
	s4 =	rddreg [dreg:$0x1]  }
0x3: {  	s3 =	simm.s32 $0x0;
	s12 =	simm.s32 $0xA800;
	s13 =	simm.s32 $0xE800  }
0x4: {  	s14 =	simm.s32 $0x1;
	s15 =	simm.s32 $0x2;
	s16 =	simm.s32 $0x0  }
0x5: {  	s5 =	sand.u32 $0x1, s1;
	s1 =	rddreg [dreg:$0x2];
	s7 =	smul.u32 $0x280000, s0  }
0x6: {  	s6 =	sshll.u32 s0, $0x1;
	[smem:$0x7FF] =	sst s3;
	s11 =	smul.u32 $0x50000, s0  }
0x7: {  	s10 =	sadd.s32 $0xBB800, s4;
	s6 =	sor.u32 s5, s6;
	s9 =	smul.u32 $0x140000, s5  }
0x8: {  	_ =	strace $0x8000004A;
	s8 =	ssub.s32 $0x2, s5;
	s29 =	smul.u32 $0x28000, s5  }
0x9: {  	s6 =	smul.u32 $0x500, s6;
	s28 =	sshrl.u32 s8, $0x1;
	s31 =	sadd.s32 s11, s10  }
0xa: {  	s11 =	simm.s32 $0x6800;
	s8 =	ssub.s32 s8, s28;
	s7 =	sadd.s32 s9, s7  }
0xb: {  	s9 =	simm.s32 $0x80;
	s6 =	sadd.s32 s6, s4;
	s30 =	sshrl.u32 s7, $0x3  }
0xc: {  	s5 =	smax.u32 s8, $0x1;
	s7 =	sadd.s32 s29, s31;
	s8 =	simm.s32 $0x3  }
0xd: {  	s4 =	sadd.s32 $0xB1800, s6;
	s6 =	sadd.s32 s30, s10;
	s10 =	simm.s32 $0x2800  }
.LBB2_1:
0xe: {  	[tilespmem:s3], [sflag:$0x3] =	stream.linear.gather [hbm4b:s4+s3], $0x2800, $0x38;
	[tilespmem:$0x12800] =	vst v63  }
0xf: {  	_ =	swait.ge [sflag:s8], $0x2800  }
0x10: {  	[sflag:s8] =	ssyncset.done $0x0  }
0x11: {  	[sflag:s8] =	ssyncadd.s32 $0xFFFFD800  }
0x12: {  	[tilespmem:s10], [sflag:$0x1] =	stream.indirect.gather [hbm4b:s2+s9], $0x80, s3, s9, $0xb8;
	[tilespmem:$0x12800] =	vst v63  }
0x13: {  	s17 =	simm.s32 $0x80  }
0x14: {  	[tilespmem:s11], [sflag:$0x1] =	stream.indirect.gather [hbm4b:s2+s9], $0x80, s17, s9, $0xb8;
	[tilespmem:$0x12800] =	vst v63  }
0x15: {  	s25 =	simm.s32 $0x100  }
0x16: {  	[tilespmem:s12], [sflag:$0x1] =	stream.indirect.gather [hbm4b:s2+s9], $0x80, s25, s9, $0xb8;
	[tilespmem:$0x12800] =	vst v63  }
0x17: {  	s26 =	simm.s32 $0x180  }
0x18: {  	[tilespmem:s13], [sflag:$0x1] =	stream.indirect.gather [hbm4b:s2+s9], $0x80, s26, s9, $0xb8;
	[tilespmem:$0x12800] =	vst v63  }
0x19: {  	_ =	swait.ge [sflag:s14], $0x4000  }
0x1a: {  	[sflag:s14] =	ssyncset.done $0x0  }
0x1b: {  	[sflag:s14] =	ssyncadd.s32 $0xFFFFC000  }
0x1c: {  	_ =	swait.ge [sflag:s14], $0x4000  }
0x1d: {  	[sflag:s14] =	ssyncset.done $0x0  }
0x1e: {  	[sflag:s14] =	ssyncadd.s32 $0xFFFFC000  }
0x1f: {  	_ =	swait.ge [sflag:s14], $0x4000  }
0x20: {  	[sflag:s14] =	ssyncset.done $0x0  }
0x21: {  	[sflag:s14] =	ssyncadd.s32 $0xFFFFC000  }
0x22: {  	_ =	swait.ge [sflag:s14], $0x4000  }
0x23: {  	[sflag:s14] =	ssyncset.done $0x0  }
0x24: {  	s28 =	sadd.s32 $0x0, s6;
	s18 =	sadd.s32 $0x0, s7;
	[sflag:s14] =	ssyncadd.s32 $0xFFFFC000  }
0x25: {  	[hbm4b:s28+s3] =	stream.linear.scatter [tilespmem:s10], [sflag:$0x2], $0x4000, $0x38;
	[tilespmem:$0x12800] =	vst v63  }
0x26: {  	s29 =	sadd.s32 $0x800, s18  }
0x27: {  	[hbm4b:s29+s3] =	stream.linear.scatter [tilespmem:s11], [sflag:$0x2], $0x4000, $0x38;
	[tilespmem:$0x12800] =	vst v63  }
0x28: {  	s30 =	sadd.s32 $0x1000, s18  }
0x29: {  	[hbm4b:s30+s3] =	stream.linear.scatter [tilespmem:s12], [sflag:$0x2], $0x4000, $0x38;
	[tilespmem:$0x12800] =	vst v63  }
0x2a: {  	s31 =	sadd.s32 $0x1800, s18  }
0x2b: {  	[hbm4b:s31+s3] =	stream.linear.scatter [tilespmem:s13], [sflag:$0x2], $0x4000, $0x38;
	[tilespmem:$0x12800] =	vst v63  }
0x2c: {  	_ =	swait.ge [sflag:s15], $0x4000  }
0x2d: {  	[sflag:s15] =	ssyncset.done $0x0  }
0x2e: {  	[sflag:s15] =	ssyncadd.s32 $0xFFFFC000  }
0x2f: {  	_ =	swait.ge [sflag:s15], $0x4000  }
0x30: {  	[sflag:s15] =	ssyncset.done $0x0  }
0x31: {  	[sflag:s15] =	ssyncadd.s32 $0xFFFFC000  }
0x32: {  	_ =	swait.ge [sflag:s15], $0x4000  }
0x33: {  	[sflag:s15] =	ssyncset.done $0x0  }
0x34: {  	[sflag:s15] =	ssyncadd.s32 $0xFFFFC000  }
0x35: {  	_ =	swait.ge [sflag:s15], $0x4000  }
0x36: {  	s18 =	simm.s32 $0x0;
	s17 =	simm.s32 $0x2000;
	[sflag:s15] =	ssyncset.done $0x0  }
.LBB2_2:
0x37: {  	p0 =	sne.s32 s17, $0x26000;
	[sflag:s15] =	ssyncadd.s32 $0xFFFFC000;
	s18 =	sadd.s32 $0x200, s18  }
0x38: {  	[tilespmem:s10], [sflag:$0x1] =	stream.indirect.gather [hbm4b:s2+s9], $0x80, s18, s9, $0xb8;
	[tilespmem:$0x12800] =	vst v63  }
0x39: {  	s20 =	smov.u32 s17;
	s17 =	sadd.s32 $0x2000, s17;
	s19 =	sadd.s32 $0x80, s18  }
0x3a: {  	[tilespmem:s11], [sflag:$0x1] =	stream.indirect.gather [hbm4b:s2+s9], $0x80, s19, s9, $0xb8;
	[tilespmem:$0x12800] =	vst v63  }
0x3b: {  	s19 =	sadd.s32 $0x100, s18  }
0x3c: {  	[tilespmem:s12], [sflag:$0x1] =	stream.indirect.gather [hbm4b:s2+s9], $0x80, s19, s9, $0xb8;
	[tilespmem:$0x12800] =	vst v63  }
0x3d: {  	s19 =	sadd.s32 $0x180, s18  }
0x3e: {  	[tilespmem:s13], [sflag:$0x1] =	stream.indirect.gather [hbm4b:s2+s9], $0x80, s19, s9, $0xb8;
	[tilespmem:$0x12800] =	vst v63  }
0x3f: {  	_ =	swait.ge [sflag:s14], $0x4000  }
0x40: {  	[sflag:s14] =	ssyncset.done $0x0  }
0x41: {  	[sflag:s14] =	ssyncadd.s32 $0xFFFFC000  }
0x42: {  	_ =	swait.ge [sflag:s14], $0x4000  }
0x43: {  	[sflag:s14] =	ssyncset.done $0x0  }
0x44: {  	[sflag:s14] =	ssyncadd.s32 $0xFFFFC000  }
0x45: {  	_ =	swait.ge [sflag:s14], $0x4000  }
0x46: {  	[sflag:s14] =	ssyncset.done $0x0  }
0x47: {  	[sflag:s14] =	ssyncadd.s32 $0xFFFFC000  }
0x48: {  	_ =	swait.ge [sflag:s14], $0x4000  }
0x49: {  	[sflag:s14] =	ssyncset.done $0x0  }
0x4a: {  	s19 =	sadd.s32 s20, s6;
	s20 =	sadd.s32 s20, s7;
	[sflag:s14] =	ssyncadd.s32 $0xFFFFC000  }
0x4b: {  	[hbm4b:s19+s3] =	stream.linear.scatter [tilespmem:s10], [sflag:$0x2], $0x4000, $0x38;
	[tilespmem:$0x12800] =	vst v63  }
0x4c: {  	s19 =	sadd.s32 $0x800, s20  }
0x4d: {  	[hbm4b:s19+s3] =	stream.linear.scatter [tilespmem:s11], [sflag:$0x2], $0x4000, $0x38;
	[tilespmem:$0x12800] =	vst v63  }
0x4e: {  	s19 =	sadd.s32 $0x1000, s20  }
0x4f: {  	[hbm4b:s19+s3] =	stream.linear.scatter [tilespmem:s12], [sflag:$0x2], $0x4000, $0x38;
	[tilespmem:$0x12800] =	vst v63  }
0x50: {  	s19 =	sadd.s32 $0x1800, s20  }
0x51: {  	[hbm4b:s19+s3] =	stream.linear.scatter [tilespmem:s13], [sflag:$0x2], $0x4000, $0x38;
	[tilespmem:$0x12800] =	vst v63  }
0x52: {  	_ =	swait.ge [sflag:s15], $0x4000  }
0x53: {  	[sflag:s15] =	ssyncset.done $0x0  }
0x54: {  	[sflag:s15] =	ssyncadd.s32 $0xFFFFC000  }
0x55: {  	_ =	swait.ge [sflag:s15], $0x4000  }
0x56: {  	[sflag:s15] =	ssyncset.done $0x0  }
0x57: {  	[sflag:s15] =	ssyncadd.s32 $0xFFFFC000  }
.Ltmp0:
0x58: {  	_ =	swait.ge [sflag:s15], $0x4000;
	(pc) =	sbr.rel @p0 .LBB2_2-.Ltmp0, $4  }
0x59: {  	[sflag:s15] =	ssyncset.done $0x0  }
0x5a: {  	[sflag:s15] =	ssyncadd.s32 $0xFFFFC000  }
0x5b: {  	_ =	swait.ge [sflag:s15], $0x4000  }
0x5c: {  	[sflag:s15] =	ssyncset.done $0x0  }
0x5d: {  	s16 =	sadd.s32 $0x1, s16  }
0x5e: {  	p0 =	sne.s32 s16, s5  }
.Ltmp1:
0x5f: {  	_ = 	snop;
	(pc) =	sbr.rel @p0 .LBB2_1-.Ltmp1, $2  }
0x60: {  	_ =	sdelay $0x2  }
0x61: {  	[sflag:s15] =	ssyncadd.s32 $0xFFFFC000  }
0x62: {  	_ =	sfence.sel $0x180000  }
0x63: {  	[bflag:$0x0] =	sbarrier.arrive $0xFFFF  }
0x64: {  	p0 =	sne.s32 s0, $0x0;
	_ =	strace $0x9000004A  }
0x65: {  	s0 =	sadd.s32 @!p0 $0x100000, s1;
	[bflag:$0x2] =	sbarrier.arrive $0xFFFF  }
0x66: {  	[sflag:s0] =	ssyncadd.tile.s32 @!p0 $0x1;
	_ =	shalt  }
.Lfunc_end2:
_tile_overlayer_lowered:
.L_overlay_start_2:
0x67: {  	(tag) =	ssettag $0x2  }
0x68: {  	s0 =	rddreg [dreg:$0x0];
	s2 =	stileid.u32  }
0x69: {  	s1 =	rddreg [dreg:$0x1];
	p0 =	sne.s32 s2, $0x0  }
0x6a: {  	s3 =	rddreg [dreg:$0x2];
	[bflag:$0x3] =	sbarrier.arrive $0xFFFF;
	s2 =	simm.s32 @!p0 $0x1C03  }
0x6b: {  	[timem:s3], [sflag:s2] =	dma.local @!p0 [hbm:s0], s1  }
0x6c: {  	s0 =	simm.s32 @!p0 $0x3  }
0x6d: {  	_ =	swait.ge @!p0 [sflag:s0], s1  }
0x6e: {  	s1 =	ssub.s32 @!p0 $0x0, s1;
	[sflag:s0] =	ssyncset.done @!p0 $0x0  }
0x6f: {  	[sflag:s0] =	ssyncadd.s32 @!p0 s1  }
0x70: {  	[bflag:$0x3] =	sbarrier.arrive $0xFFFF  }
0x71: {  	_ =	shalt  }

// kernel: kernel.17.cloned.1.call-start
scs
__scs_entry_jumppad:
0x0: {  	(pc) =	sbr.rel $0x88, $3  }
0x1: {  	(tag) =	ssettag $0x0;
	lr =	simm.s32 $0x1  }
0x2: {  	[smem:$0x3F8A] =	sst lr;
	_ =	strace $0xD0000000  }
0x3: {  	_ = 	snop  }
0x4: {  	_ = 	snop  }
0x5: {  	_ = 	snop  }
0x6: {  	_ = 	snop  }
0x7: {  	_ = 	snop  }
__scs_overlays_trampoline_lowered:
0x8: {  	[smem:$0x3F99] =	sst s0  }
0x9: {  	[smem:$0x3F9A] =	sst s1  }
0xa: {  	[smem:$0x3F9B] =	sst s2  }
0xb: {  	[smem:$0x3F9C] =	sst s3  }
0xc: {  	[smem:$0x3F9D] =	sst s4  }
0xd: {  	[smem:$0x3F9E] =	sst s5  }
0xe: {  	[smem:$0x3F9F] =	sst s6  }
0xf: {  	[smem:$0x3FA0] =	sst s7  }
0x10: {  	[smem:$0x3FA1] =	sst s8  }
0x11: {  	[smem:$0x3FA2] =	sst s9;
	s0 =	simm.s32 @!p0 $0x0  }
0x12: {  	s1 =	sld [smem:$0x3F88];
	s0 =	simm.s32 @p0 $0x1  }
0x13: {  	[smem:$0x3FA3] =	sst s0;
	s0 =	simm.s32 @!p1 $0x0  }
0x14: {  	s2 =	sld [smem:$0x3F87];
	s0 =	simm.s32 @p1 $0x1  }
0x15: {  	[smem:$0x3FA4] =	sst s0;
	s0 =	simm.s32 @!p2 $0x0  }
0x16: {  	s3 =	sld [smem:$0x3FDB];
	s0 =	simm.s32 @p2 $0x1  }
0x17: {  	s4 =	simm.s32 $0x1BF5;
	[smem:$0x3FA6] =	sst s0  }
0x18: {  	s0 =	sld [smem:$0x3F89];
	_ =	swait.ge [sflag:s4], $0x0  }
0x19: {  	s7 =	sld [smem:$0x3F8A]  }
0x1a: {  	s8 =	sadd.s32 $0xFFFFE003, lr  }
0x1b: {  	s9 =	sadd.s32 $0xFFFFFEF7, lr;
	s5 =	simm.s32 $0xFFFFFFFF;
	p2 =	slt.u32 s8, $0xFFFFF086  }
0x1c: {  	p1 =	slt.u32 s9, $0xF7A;
	s5 =	simm.s32 @!p2 $0x0  }
0x1d: {  	s5 =	simm.s32 @p1 $0x1;
	p0 =	seq.s32 s7, s2  }
0x1e: {  	s7 =	smul.u32 @!p0 $0xF7A, s2;
	p2 =	seq.s32 @!p0 s5, $0x0  }
0x1f: {  	s9 =	smul.u32 $0xF7A, s1;
	s8 =	simm.s32 @!p0 $0x1BF5;
	p2 =	por !p2, p0  }
0x20: {  	[sflag:s8] =	ssyncset.s32 @!p0 $0xFFFFF086;
	s6 =	sadd.s32 @!p0 s3, s7;
	s7 =	simm.s32 @!p0 $0x108  }
0x21: {  	s3 =	sadd.s32 s3, s9;
	s6 =	sadd.s32 @!p0 $0x88, s6;
	s7 =	simm.s32 @p2 $0x1082  }
0x22: {  	[simem:s7], [sflag:s8] =	dma.local @!p0 [hbm:s6], $0xF7A  }
0x23: {  	s9 =	sor.u32 $0xD0000000, s2;
	s6 =	simm.s32 $0x108;
	_ =	swait.ge @!p0 [sflag:s8], $0x0  }
0x24: {  	s3 =	sadd.s32 $0x88, s3;
	s6 =	simm.s32 @!p1 $0x1082;
	[sflag:s4] =	ssyncset.s32 $0xFFFFF086  }
0x25: {  	[simem:s6], [sflag:s4] =	dma.local [hbm:s3], $0xF7A  }
0x26: {  	[smem:$0x3F8A] =	sst s1;
	(tag) =	ssettag s2;
	_ =	strace s9  }
0x27: {  	s1 =	sld [smem:$0x3F9A]  }
0x28: {  	s2 =	sld [smem:$0x3F9B]  }
0x29: {  	s4 =	sld [smem:$0x3F9D]  }
0x2a: {  	p0 =	seq.s32 s5, $0x0;
	s5 =	sld [smem:$0x3F9E]  }
0x2b: {  	s6 =	sld [smem:$0x3F9F]  }
0x2c: {  	s7 =	sld [smem:$0x3FA0]  }
0x2d: {  	s3 =	simm.s32 $0x108;
	s8 =	sld [smem:$0x3FA1]  }
0x2e: {  	s3 =	simm.s32 @!p0 $0x1082;
	s9 =	sld [smem:$0x3FA2]  }
0x2f: {  	lr =	sadd.s32 s0, s3;
	s0 =	sld [smem:$0x3F99]  }
0x30: {  	s3 =	sld [smem:$0x3F9C]  }
0x31: {  	[smem:$0x3FA5] =	sst s10  }
0x32: {  	s10 =	sld [smem:$0x3FA3];
	_ =	sdelay $0x3  }
0x33: {  	p0 =	seq.s32 s10, $0x1;
	s10 =	sld [smem:$0x3FA5];
	_ =	sdelay $0x3  }
0x34: {  	[smem:$0x3FA5] =	sst s10  }
0x35: {  	s10 =	sld [smem:$0x3FA4];
	_ =	sdelay $0x3  }
0x36: {  	p1 =	seq.s32 s10, $0x1;
	s10 =	sld [smem:$0x3FA5];
	_ =	sdelay $0x3  }
0x37: {  	[smem:$0x3FA5] =	sst s10  }
0x38: {  	s10 =	sld [smem:$0x3FA6]  }
0x39: {  	_ = 	snop;
	(pc) =	sbr.ind lr, $3  }
0x3a: {  	_ = 	snop  }
0x3b: {  	_ = 	snop  }
0x3c: {  	p2 =	seq.s32 s10, $0x1;
	s10 =	sld [smem:$0x3FA5]  }
0x3d: {  	_ =	shalt  }
0x3e: {  	_ =	shalt  }
0x3f: {  	_ =	shalt  }
0x40: {  	_ =	shalt  }
0x41: {  	_ =	shalt  }
0x42: {  	_ =	shalt  }
0x43: {  	_ =	shalt  }
0x44: {  	_ =	shalt  }
0x45: {  	_ =	shalt  }
0x46: {  	_ =	shalt  }
0x47: {  	_ =	shalt  }
0x48: {  	_ =	shalt  }
0x49: {  	_ =	shalt  }
0x4a: {  	_ =	shalt  }
0x4b: {  	_ =	shalt  }
0x4c: {  	_ =	shalt  }
0x4d: {  	_ =	shalt  }
0x4e: {  	_ =	shalt  }
0x4f: {  	_ =	shalt  }
0x50: {  	_ =	shalt  }
0x51: {  	_ =	shalt  }
0x52: {  	_ =	shalt  }
0x53: {  	_ =	shalt  }
0x54: {  	_ =	shalt  }
0x55: {  	_ =	shalt  }
0x56: {  	_ =	shalt  }
0x57: {  	_ =	shalt  }
0x58: {  	_ =	shalt  }
0x59: {  	_ =	shalt  }
0x5a: {  	_ =	shalt  }
0x5b: {  	_ =	shalt  }
0x5c: {  	_ =	shalt  }
0x5d: {  	_ =	shalt  }
0x5e: {  	_ =	shalt  }
0x5f: {  	_ =	shalt  }
0x60: {  	_ =	shalt  }
0x61: {  	_ =	shalt  }
0x62: {  	_ =	shalt  }
0x63: {  	_ =	shalt  }
0x64: {  	_ =	shalt  }
0x65: {  	_ =	shalt  }
0x66: {  	_ =	shalt  }
0x67: {  	_ =	shalt  }
0x68: {  	_ =	shalt  }
0x69: {  	_ =	shalt  }
0x6a: {  	_ =	shalt  }
0x6b: {  	_ =	shalt  }
0x6c: {  	_ =	shalt  }
0x6d: {  	_ =	shalt  }
0x6e: {  	_ =	shalt  }
0x6f: {  	_ =	shalt  }
0x70: {  	_ =	shalt  }
0x71: {  	_ =	shalt  }
0x72: {  	_ =	shalt  }
0x73: {  	_ =	shalt  }
0x74: {  	_ =	shalt  }
0x75: {  	_ =	shalt  }
0x76: {  	_ =	shalt  }
0x77: {  	_ =	shalt  }
0x78: {  	_ =	shalt  }
0x79: {  	_ =	shalt  }
0x7a: {  	_ =	shalt  }
0x7b: {  	_ =	shalt  }
0x7c: {  	_ =	shalt  }
0x7d: {  	_ =	shalt  }
0x7e: {  	_ =	shalt  }
0x7f: {  	_ =	shalt  }
0x80: {  	_ =	shalt  }
0x81: {  	_ =	shalt  }
0x82: {  	_ =	shalt  }
0x83: {  	_ =	shalt  }
0x84: {  	_ =	shalt  }
0x85: {  	_ =	shalt  }
0x86: {  	_ =	shalt  }
0x87: {  	_ =	shalt  }
.Lfunc_end0:
.L_simem_size_0:
called_computation.6_lowered:
.L_overlay_start_0:
0x88: {  	s2 =	sld [smem:$0x3FD9]  }
0x89: {  	s3 =	sld [smem:$0x3FFE];
	_ =	sdelay $0x1  }
0x8a: {  	s1 =	srdreg.scid  }
0x8b: {  	s0 =	sand.u32 $0x1, s1  }
0x8c: {  	s17 =	sshll.u32 s0, $0xA;
	s2 =	sadd.s32 s3, s2  }
0x8d: {  	s2 =	sadd.s32 s2, s17  }
0x8e: {  	[smem:$0x3FB1] =	sst s2  }
0x8f: {  	_ = 	snop  }
0x90: {  	(tm) =	ssettm $0x1  }
0x91: {  	s18 =	sld [smem:$0x3FFB];
	_ =	sdelay $0x3  }
0x92: {  	_ =	strace s18  }
0x93: {  	s2 =	sld [smem:$0x3FFC];
	_ =	sdelay $0x3  }
0x94: {  	_ =	strace s2  }
0x95: {  	s2 =	sld [smem:$0x3FFD];
	_ =	sdelay $0x3  }
0x96: {  	_ =	strace s2  }
0x97: {  	_ =	strace $0x8FFFFFFF  }
0x98: {  	s19 =	sld [smem:$0x3FDB];
	_ =	sdelay $0x1  }
0x99: {  	s20 =	simm.s32 $_scs_section_size  }
0x9a: {  	s4 =	simm.s32 $_size__tile_overlayer_lowered;
	s5 =	simm.s32 $_tile_overlayer_lowered  }
0x9b: {  	s6 =	simm.s32 $0x1BFF;
	s21 =	sshll.u32 s5, $0x1;
	s3 =	sadd.s32 s20, s19  }
0x9c: {  	s22 =	simm.s32 $0x0;
	s4 =	sshll.u32 s4, $0x1;
	s5 =	sadd.s32 s21, s3  }
0x9d: {  	[timem:s22], [sflag:s6] =	dma.local [hbm:s5], s4  }
0x9e: {  	_ =	swait.ge [sflag:s6], s4  }
0x9f: {  	s4 =	ssub.s32 $0x0, s4;
	[sflag:s6] =	ssyncset.done $0x0  }
0xa0: {  	[sflag:s6] =	ssyncadd.s32 s4;
	_ =	sdelay $0x1  }
0xa1: {  	s23 =	simm.s32 $0x1B8B  }
0xa2: {  	_ =	swait.ge [sflag:s23], $0x1  }
0xa3: {  	[sflag:s23] =	ssyncset.done $0x0  }
0xa4: {  	[sflag:s23] =	ssyncadd.s32 $0xFFFFFFFF  }
0xa5: {  	s4 =	sld [smem:$0x0]  }
0xa6: {  	s5 =	sand.u32 $0xFFFFFFFE, s1  }
0xa7: {  	p0 =	sne.s32 s1, s5  }
0xa8: {  	s5 =	sshll.u32 @p0 s5, $0xE  }
0xa9: {  	s5 =	sadd.s32 @p0 $0x11B8D, s5;
	s6 =	sshll.u32 @p0 s4, $0x11  }
0xaa: {  	s5 =	sor.u32 @p0 s6, s5  }
0xab: {  	[sflag:s5] =	ssyncadd.remote.s32 @p0 $0x1;
	_ =	sdelay $0x1  }
0xac: {  	s5 =	simm.s32 @p0 $0x1B8D  }
0xad: {  	_ =	swait.eq @p0 [sflag:s5], $0x1  }
0xae: {  	[sflag:s5] =	ssyncadd.s32 @p0 $0xFFFFFFFF  }
0xaf: {  	s6 =	sshll.u32 @!p0 s1, $0xE  }
0xb0: {  	s6 =	sor.u32 @!p0 $0x4000, s6;
	s5 =	simm.s32 @!p0 $0x1B8D  }
0xb1: {  	s4 =	sshll.u32 @!p0 s4, $0x11;
	s6 =	sadd.s32 @!p0 $0x11B8D, s6;
	_ =	swait.eq @!p0 [sflag:s5], $0x1  }
0xb2: {  	s4 =	sor.u32 @!p0 s4, s6;
	[sflag:s5] =	ssyncadd.s32 @!p0 $0xFFFFFFFF  }
0xb3: {  	s25 =	simm.s32 $0x1B8E;
	s24 =	sld [smem:$0x3FFE];
	[sflag:s4] =	ssyncadd.remote.s32 @!p0 $0x1  }
0xb4: {  	s26 =	simm.s32 $execute0_lowered;
	[smem:$0x3FD2] =	sst s25  }
0xb5: {  	s5 =	sshll.u32 s26, $0x1;
	_ =	strace $0x8000005B;
	[dreg:$0x1] =	wrdreg $0xFFFFFFFF  }
0xb6: {  	s28 =	simm.s32 $_size_execute0_lowered;
	s3 =	sadd.s32 s3, s5;
	[dreg:$0x0] =	wrdreg $0x0  }
0xb7: {  	s5 =	sshll.u32 s28, $0x1;
	[dreg:$0x2] =	wrdreg s3  }
0xb8: {  	[dreg:$0x3] =	wrdreg s5  }
0xb9: {  	[dreg:$0x4] =	wrdreg $0xC0  }
0xba: {  	_ =	task [dreg:s22], $0x5FFFF  }
0xbb: {  	[dreg:$0x1] =	wrdreg $0xFFFFFFFF  }
0xbc: {  	[dreg:$0x0] =	wrdreg $0x60  }
0xbd: {  	[dreg:$0x2] =	wrdreg s24  }
0xbe: {  	[dreg:$0x3] =	wrdreg $0xB  }
0xbf: {  	_ =	task.clear_ibuf [dreg:s22], $0x4FFFF;
	_ =	strace $0x9000005B  }
0xc0: {  	s29 =	simm.s32 $0xB;
	_ =	strace $0x8000005D  }
0xc1: {  	_ =	swait.ge [sflag:s29], $0x1  }
0xc2: {  	[sflag:s29] =	ssyncadd.s32 $0xFFFFFFFF  }
0xc3: {  	_ =	strace $0x9000005D  }
0xc4: {  	_ =	sfence  }
0xc5: {  	s30 =	sld [smem:$0x0];
	_ =	sdelay $0x2  }
0xc6: {  	s31 =	sshll.u32 s1, $0xD;
	s1 =	sshrl.u32 s1, $0x2  }
0xc7: {  	s4 =	sand.u32 $0x4000, s31;
	s1 =	sadd.s32 s1, s30  }
0xc8: {  	s0 =	sor.u32 s4, s0;
	s1 =	sshll.u32 s1, $0x11  }
0xc9: {  	s0 =	sor.u32 s1, s0  }
0xca: {  	s0 =	sadd.s32 $0x8F2B, s0  }
0xcb: {  	[sflag:s0] =	ssyncadd.remote.s32 $0x1  }
0xcc: {  	_ =	sfence.sel $0xFFFF  }
0xcd: {  	[dreg:$0x0] =	wrdreg $0xFFFFFFFF;
	(pc) =	sbr.abs _section_cstart, $3  }
0xce: {  	[dreg:$0x1] =	wrdreg $0xFFFFFFFF  }
0xcf: {  	_ =	task.clear_ibuf [dreg:s22], $0x2FFFF;
	_ =	strace $0x9FFFFFFF  }
0xd0: {  	(tm) =	ssettm $0x7FFFFFFF  }
0xd1: {  	_ =	shalt  }
tec
execute0_lowered:
.L_overlay_start_1:
0x0: {  	(tag) =	ssettag $0x1  }
0x1: {  	s0 =	rddreg [dreg:$0x0];
	s1 =	simm.s32 $0x0  }
0x2: {  	s18 =	srdreg.scid;
	s17 =	stileid.u32;
	s28 =	simm.s32 $0x3C00  }
0x3: {  	s29 =	simm.s32 $0x100;
	s30 =	simm.s32 $0x17500;
	s31 =	simm.s32 $0x19C80  }
0x4: {  	[smem:$0x7FF] =	sst s1;
	s2 =	sadd.s32 $0x149C800, s0;
	s3 =	sadd.s32 $0x1000, s0  }
0x5: {  	s4 =	sadd.s32 $0x121C800, s0;
	s7 =	sadd.s32 $0x8C9000, s0;
	s5 =	sadd.s32 $0x18000, s0  }
0x6: {  	s6 =	sadd.s32 $0x17600, s0;
	s8 =	sand.u32 $0x1, s18;
	s19 =	sshll.u32 s17, $0x1  }
0x7: {  	s20 =	sshrl.u32 s17, $0x2;
	_ =	strace $0x8000005C;
	[dreg:$0x2] =	wrdreg s5  }
0x8: {  	[dreg:$0x3] =	wrdreg s6;
	s5 =	sadd.s32 $0x5BB800, s0;
	s11 =	smul.u32 $0x14000, s20  }
0x9: {  	s9 =	sor.u32 s8, s19;
	s10 =	ssub.s32 $0x2, s8;
	s14 =	smul.u32 $0x9C800, s20  }
0xa: {  	s6 =	sadd.s32 $0xD1C800, s0;
	s12 =	sshll.u32 s9, $0x7;
	s22 =	smul.u32 $0x14000, s9  }
0xb: {  	s13 =	sshrl.u32 s10, $0x1;
	s15 =	smul.u32 $0x1400, s9;
	s12 =	sand.u32 $0x380, s12  }
0xc: {  	s9 =	smul.u32 $0xA0000, s9;
	s10 =	ssub.s32 s10, s13;
	s11 =	sor.u32 s11, s12  }
0xd: {  	s12 =	sor.u32 s14, s12;
	s24 =	sor.u32 $0x800, s22;
	s16 =	sadd.s32 s2, s22  }
0xe: {  	s26 =	sor.u32 $0x1000, s22;
	s14 =	sadd.s32 s4, s22;
	[dreg:$0x6] =	wrdreg s16  }
0xf: {  	s9 =	sshrl.u32 s9, $0x3;
	s25 =	sadd.s32 s2, s24;
	[dreg:$0xc] =	wrdreg s14  }
0x10: {  	s21 =	sshrl.u32 s11, $0x3;
	s18 =	sadd.s32 s2, s26;
	[dreg:$0x7] =	wrdreg s25  }
0x11: {  	s23 =	sshrl.u32 s12, $0x3;
	s19 =	sadd.s32 s4, s24;
	[dreg:$0x8] =	wrdreg s18  }
0x12: {  	s11 =	sadd.s32 $0x50000, s11;
	s20 =	sadd.s32 s4, s26;
	[dreg:$0xd] =	wrdreg s19  }
0x13: {  	s9 =	sadd.s32 $0x13800, s9;
	s13 =	sadd.s32 s3, s21;
	[dreg:$0xe] =	wrdreg s20  }
0x14: {  	s12 =	sadd.s32 $0x272000, s12;
	s22 =	sadd.s32 s4, s9;
	[dreg:$0x4] =	wrdreg s13  }
0x15: {  	s11 =	sshrl.u32 s11, $0x3;
	s25 =	smax.u32 s10, $0x1;
	[dreg:$0xf] =	wrdreg s22  }
0x16: {  	s12 =	sshrl.u32 s12, $0x3;
	s13 =	sadd.s32 s7, s23;
	[dreg:$0x12] =	wrdreg s25  }
0x17: {  	s18 =	smul.u32 $0x28000, s17;
	s3 =	sadd.s32 s3, s11;
	[dreg:$0x5] =	wrdreg s13  }
0x18: {  	s21 =	smul.u32 $0x14000, s8;
	s11 =	sadd.s32 s2, s9;
	[dreg:$0x9] =	wrdreg s3  }
0x19: {  	s10 =	simm.s32 $0x1300;
	s23 =	sadd.s32 $0x18010, s0;
	[dreg:$0xa] =	wrdreg s11  }
0x1a: {  	s0 =	sadd.s32 $0x17610, s0;
	s25 =	simm.s32 $0x400;
	[dreg:$0x10] =	wrdreg s23  }
0x1b: {  	s3 =	sadd.s32 s7, s12;
	s2 =	sadd.s32 s18, s2;
	[dreg:$0x11] =	wrdreg s0  }
0x1c: {  	v0 =	vlaneseq.u32;
	s0 =	simm.s32 $0x1400;
	s7 =	simm.s32 $0x2;
	s11 =	simm.s32 $0x1380  }
0x1d: {  	v0 =	vand.u32 $0x7, v0;
	s12 =	simm.s32 $0x0;
	[dreg:$0xb] =	wrdreg s3;
	s3 =	sadd.s32 s18, s4  }
0x1e: {  	v1 =	vmul.u32 $0x280, v0;
	s24 =	sadd.s32 s21, s2;
	s2 =	simm.s32 $0x5400;
	s4 =	simm.s32 $0x1  }
0x1f: {  	s22 =	sadd.s32 $0x2800, s24;
	s26 =	sadd.s32 s21, s3;
	s24 =	simm.s32 $0x80  }
0x20: {  	v2 =	vadd.s32 s15, v1;
	s3 =	simm.s32 $0x9400;
	s23 =	sadd.s32 $0x2800, s26;
	s26 =	simm.s32 $0x3  }
.LBB2_1:
0x21: {  	s8 =	rddreg [dreg:$0x4]  }
0x22: {  	[tilespmem:s0], [sflag:$0x3] =	stream.strided.gather [hbm4b:s8+s24], $0x2800, s25, s24, $0x38;
	[tilespmem:$0x19E80] =	vst v63  }
0x23: {  	_ =	swait.ge [sflag:s26], $0x2800  }
0x24: {  	[sflag:s26] =	ssyncset.done $0x0  }
0x25: {  	s19 =	rddreg [dreg:$0x5];
	[sflag:s26] =	ssyncadd.s32 $0xFFFFD800  }
0x26: {  	[tilespmem:s28], [sflag:$0x3] =	stream.strided.gather [hbm4b:s19+s24], $0x13900, s25, s24, $0x38;
	[tilespmem:$0x19E80] =	vst v63  }
0x27: {  	_ =	swait.ge [sflag:s26], $0x13900  }
0x28: {  	[sflag:s26] =	ssyncset.done $0x0  }
0x29: {  	s20 =	rddreg [dreg:$0x2];
	[sflag:s26] =	ssyncadd.s32 $0xFFFEC700  }
0x2a: {  	[tilespmem:s30], [sflag:$0x3] =	stream.strided.gather [hbm4b:s20+s24], $0x2780, s29, s24, $0x38;
	[tilespmem:$0x19E80] =	vst v63  }
0x2b: {  	_ =	swait.ge [sflag:s26], $0x2780  }
0x2c: {  	[sflag:s26] =	ssyncset.done $0x0  }
0x2d: {  	s21 =	rddreg [dreg:$0x3];
	[sflag:s26] =	ssyncadd.s32 $0xFFFFD880  }
0x2e: {  	[tilespmem:s31], [sflag:$0x3] =	stream.strided.gather [hbm4b:s21+s24], $0x200, s29, s24, $0x38;
	[tilespmem:$0x19E80] =	vst v63  }
0x2f: {  	_ =	swait.ge [sflag:s26], $0x200  }
0x30: {  	[sflag:s26] =	ssyncset.done $0x0  }
0x31: {  	s13 =	simm.s32 $0x1400;
	s14 =	simm.s32 $0x0;
	[sflag:s26] =	ssyncadd.s32 $0xFFFFFE00  }
.LBB2_2:
0x32: {  	v3 =	vld [tilespmem:s13+$0x0];
	_ =	sdelay $0x4  }
0x33: {  	v4 =	vshll.u32 v3, $0x3  }
0x34: {  	v4 =	vor.u32 v0, v4;
	_ =	sdelay $0x4  }
0x35: {  	v5 =	vld.idx.msk [tilespmem:v4+s28+$0x0], $0xffff;
	_ =	sdelay $0x4  }
0x36: {  	vm0 =	vlt.s32 v5, $0x1FF  }
0x37: {  	v6 =	vnsel vm0, $0x1FF, v5;
	_ =	sdelay $0x3  }
0x38: {  	v3 =	vld.idx.msk [tilespmem:v3+s30+$0x0], $0xffff  }
0x39: {  	v6 =	vld.idx.msk [tilespmem:v6+s31+$0x0], $0xffff;
	_ =	sdelay $0x1  }
0x3a: {  	v7 =	vadd.s32 s14, v1;
	p0 =	sne.s32 s14, $0x27F  }
.Ltmp0:
0x3b: {  	v8 =	vmov s14;
	v9 =	vadd.s32 s14, v2;
	(pc) =	sbr.rel @p0 .LBB2_2-.Ltmp0, $4  }
0x3c: {  	vm15 =	vlt.u32 v9, $0x27100;
	v8 =	vand.u32 $0x7F, v8  }
0x3d: {  	v63 =	vor.u32 $0x29000, v8;
	v5 =	vadd.s32 $0x1, v5;
	v3 =	vadd.s32 v6, v3  }
0x3e: {  	[tilespmem:v4+s28+$0x0] =	vst.idx.msk $0xff, v5;
	v3 =	vsel vm15, v3, v63  }
0x3f: {  	s13 =	sadd.s32 $0x10, s13;
	s14 =	sadd.s32 $0x1, s14;
	[tilespmem:v7+s1+$0x0] =	vst.idx.msk $0xff, v3  }
0x40: {  	s13 =	simm.s32 $0x0;
	s8 =	rddreg [dreg:$0x6]  }
0x41: {  	[tilespmem:s0], [sflag:$0x1] =	stream.linear.gather [hbm4b:s8+s13], $0x4000, $0x38;
	[tilespmem:$0x19E80] =	vst v63  }
0x42: {  	s21 =	rddreg [dreg:$0x7]  }
0x43: {  	[tilespmem:s2], [sflag:$0x1] =	stream.linear.gather [hbm4b:s21+s13], $0x4000, $0x38;
	[tilespmem:$0x19E80] =	vst v63  }
0x44: {  	s9 =	rddreg [dreg:$0x8];
	s14 =	simm.s32 $0x1  }
0x45: {  	[tilespmem:s3], [sflag:$0x1] =	stream.linear.gather [hbm4b:s9+s13], $0x4000, $0x38;
	[tilespmem:$0x19E80] =	vst v63  }
0x46: {  	s13 =	sand.u32 $0x1, s14  }
0x47: {  	p0 =	seq.s32 s13, $0x1;
	s13 =	simm.s32 $0xC000  }
0x48: {  	s13 =	simm.s32 @!p0 $0x0  }
0x49: {  	s14 =	sadd.s32 $0xFFFFF000, s22;
	s15 =	sor.u32 $0x1400, s13  }
0x4a: {  	[tilespmem:s15], [sflag:$0x1] =	stream.linear.gather [hbm4b:s14+s1], $0x4000, $0x38;
	[tilespmem:$0x19E80] =	vst v63  }
0x4b: {  	s16 =	sadd.s32 $0xFFFFF800, s22;
	s15 =	sadd.s32 $0x5400, s13  }
0x4c: {  	[tilespmem:s15], [sflag:$0x1] =	stream.linear.gather [hbm4b:s16+s1], $0x4000, $0x38;
	[tilespmem:$0x19E80] =	vst v63  }
0x4d: {  	s13 =	sadd.s32 $0x9400, s13  }
0x4e: {  	[tilespmem:s13], [sflag:$0x1] =	stream.linear.gather [hbm4b:s22+s1], $0x4000, $0x38;
	[tilespmem:$0x19E80] =	vst v63  }
0x4f: {  	_ =	swait.ge [sflag:s4], $0x4000  }
0x50: {  	[sflag:s4] =	ssyncset.done $0x0  }
0x51: {  	[sflag:s4] =	ssyncadd.s32 $0xFFFFC000  }
0x52: {  	_ =	swait.ge [sflag:s4], $0x4000  }
0x53: {  	[sflag:s4] =	ssyncset.done $0x0  }
0x54: {  	[sflag:s4] =	ssyncadd.s32 $0xFFFFC000  }
0x55: {  	s13 =	simm.s32 $0x0;
	_ =	swait.ge [sflag:s4], $0x4000  }
0x56: {  	s13 =	simm.s32 @!p0 $0xC000;
	[sflag:s4] =	ssyncset.done $0x0  }
0x57: {  	s18 =	simm.s32 $0x0;
	s17 =	sor.u32 $0x1400, s13;
	[sflag:s4] =	ssyncadd.s32 $0xFFFFC000  }
0x58: {  	[hbm4b:s5+s24] =	stream.indirect.scatter [tilespmem:s17], [sflag:$0x2], $0x80, s18, s24, $0xb8;
	[tilespmem:$0x19E80] =	vst v63  }
0x59: {  	s20 =	simm.s32 $0x80;
	s19 =	sadd.s32 $0x5400, s13  }
0x5a: {  	[hbm4b:s5+s24] =	stream.indirect.scatter [tilespmem:s19], [sflag:$0x2], $0x80, s20, s24, $0xb8;
	[tilespmem:$0x19E80] =	vst v63  }
0x5b: {  	s21 =	simm.s32 $0x100;
	s13 =	sadd.s32 $0x9400, s13  }
0x5c: {  	[hbm4b:s5+s24] =	stream.indirect.scatter [tilespmem:s13], [sflag:$0x2], $0x80, s21, s24, $0xb8;
	[tilespmem:$0x19E80] =	vst v63  }
0x5d: {  	_ =	swait.ge [sflag:s7], $0x4000  }
0x5e: {  	[sflag:s7] =	ssyncset.done $0x0  }
0x5f: {  	s14 =	sadd.s32 $0x1800, s22;
	s15 =	simm.s32 $0x2;
	[sflag:s7] =	ssyncadd.s32 $0xFFFFC000  }
0x60: {  	s16 =	simm.s32 $0xC00;
	s18 =	sand.u32 $0x1, s15;
	_ =	swait.ge [sflag:s7], $0x4000  }
0x61: {  	s17 =	sadd.s32 $0xFFFFF000, s14;
	p0 =	seq.s32 s18, $0x1;
	[sflag:s7] =	ssyncset.done $0x0  }
0x62: {  	s18 =	sadd.s32 $0x1800, s14;
	s20 =	simm.s32 $0xC000;
	[sflag:s7] =	ssyncadd.s32 $0xFFFFC000  }
0x63: {  	s19 =	simm.s32 $0x0;
	s20 =	simm.s32 @!p0 $0x0;
	_ =	swait.ge [sflag:s7], $0x4000  }
0x64: {  	s19 =	simm.s32 @!p0 $0xC000;
	s13 =	simm.s32 $0x600;
	[sflag:s7] =	ssyncset.done $0x0  }
.LBB2_4:
0x65: {  	s21 =	sadd.s32 $0xFFFFF000, s18  }
0x66: {  	s8 =	sor.u32 $0x1400, s20;
	[sflag:s7] =	ssyncadd.s32 $0xFFFFC000;
	s9 =	smov.u32 s16  }
0x67: {  	[tilespmem:s8], [sflag:$0x1] =	stream.linear.gather [hbm4b:s17+s1], $0x4000, $0x38;
	[tilespmem:$0x19E80] =	vst v63  }
0x68: {  	p0 =	sne.s32 s16, $0x4200;
	s8 =	sadd.s32 $0x5400, s20;
	s17 =	sadd.s32 $0xFFFFF800, s14  }
0x69: {  	[tilespmem:s8], [sflag:$0x1] =	stream.linear.gather [hbm4b:s17+s1], $0x4000, $0x38;
	[tilespmem:$0x19E80] =	vst v63  }
0x6a: {  	s16 =	sadd.s32 $0x600, s16;
	s8 =	sadd.s32 $0x9400, s20;
	s17 =	smov.u32 s21  }
0x6b: {  	[tilespmem:s8], [sflag:$0x1] =	stream.linear.gather [hbm4b:s14+s1], $0x4000, $0x38;
	[tilespmem:$0x19E80] =	vst v63  }
0x6c: {  	s14 =	smov.u32 s18;
	_ =	swait.ge [sflag:s4], $0x4000  }
0x6d: {  	[sflag:s4] =	ssyncset.done $0x0  }
0x6e: {  	[sflag:s4] =	ssyncadd.s32 $0xFFFFC000  }
0x6f: {  	_ =	swait.ge [sflag:s4], $0x4000  }
0x70: {  	[sflag:s4] =	ssyncset.done $0x0  }
0x71: {  	[sflag:s4] =	ssyncadd.s32 $0xFFFFC000  }
0x72: {  	_ =	swait.ge [sflag:s4], $0x4000  }
0x73: {  	[sflag:s4] =	ssyncset.done $0x0  }
0x74: {  	s20 =	sshra.s32 s13, $0x2;
	s8 =	sor.u32 $0x1400, s19;
	[sflag:s4] =	ssyncadd.s32 $0xFFFFC000  }
0x75: {  	[hbm4b:s5+s24] =	stream.indirect.scatter [tilespmem:s8], [sflag:$0x2], $0x80, s20, s24, $0xb8;
	[tilespmem:$0x19E80] =	vst v63  }
0x76: {  	s13 =	smov.u32 s9;
	s21 =	sadd.s32 $0x80, s20;
	s8 =	sadd.s32 $0x5400, s19  }
0x77: {  	[hbm4b:s5+s24] =	stream.indirect.scatter [tilespmem:s8], [sflag:$0x2], $0x80, s21, s24, $0xb8;
	[tilespmem:$0x19E80] =	vst v63  }
0x78: {  	s9 =	sadd.s32 $0x100, s20;
	s8 =	sadd.s32 $0x9400, s19  }
0x79: {  	[hbm4b:s5+s24] =	stream.indirect.scatter [tilespmem:s8], [sflag:$0x2], $0x80, s9, s24, $0xb8;
	[tilespmem:$0x19E80] =	vst v63  }
0x7a: {  	_ =	swait.ge [sflag:s7], $0x4000  }
0x7b: {  	[sflag:s7] =	ssyncset.done $0x0  }
0x7c: {  	[sflag:s7] =	ssyncadd.s32 $0xFFFFC000  }
.Ltmp1:
0x7d: {  	_ =	swait.ge [sflag:s7], $0x4000;
	(pc) =	sbr.rel @p0 .LBB2_4-.Ltmp1, $4  }
0x7e: {  	s15 =	sadd.s32 $0x1, s15;
	s18 =	sadd.s32 $0x1800, s18;
	[sflag:s7] =	ssyncset.done $0x0  }
0x7f: {  	s20 =	simm.s32 $0xC000;
	s8 =	sand.u32 $0x1, s15;
	[sflag:s7] =	ssyncadd.s32 $0xFFFFC000  }
0x80: {  	s19 =	simm.s32 $0x0;
	p1 =	seq.s32 s8, $0x1;
	_ =	swait.ge [sflag:s7], $0x4000  }
0x81: {  	s20 =	simm.s32 @!p1 $0x0;
	s19 =	simm.s32 @!p1 $0xC000;
	[sflag:s7] =	ssyncset.done $0x0  }
0x82: {  	s8 =	sor.u32 $0x1400, s20;
	[sflag:s7] =	ssyncadd.s32 $0xFFFFC000  }
0x83: {  	[tilespmem:s8], [sflag:$0x1] =	stream.linear.gather [hbm4b:s17+s1], $0x4000, $0x38;
	[tilespmem:$0x19E80] =	vst v63  }
0x84: {  	s16 =	sadd.s32 $0x5400, s20;
	s9 =	sadd.s32 $0xFFFFF800, s14  }
0x85: {  	[tilespmem:s16], [sflag:$0x1] =	stream.linear.gather [hbm4b:s9+s1], $0x4000, $0x38;
	[tilespmem:$0x19E80] =	vst v63  }
0x86: {  	s17 =	sadd.s32 $0x9400, s20  }
0x87: {  	[tilespmem:s17], [sflag:$0x1] =	stream.linear.gather [hbm4b:s14+s1], $0x4000, $0x38;
	[tilespmem:$0x19E80] =	vst v63  }
0x88: {  	_ =	swait.ge [sflag:s4], $0x4000  }
0x89: {  	[sflag:s4] =	ssyncset.done $0x0  }
0x8a: {  	[sflag:s4] =	ssyncadd.s32 $0xFFFFC000  }
0x8b: {  	_ =	swait.ge [sflag:s4], $0x4000  }
0x8c: {  	[sflag:s4] =	ssyncset.done $0x0  }
0x8d: {  	[sflag:s4] =	ssyncadd.s32 $0xFFFFC000  }
0x8e: {  	_ =	swait.ge [sflag:s4], $0x4000  }
0x8f: {  	[sflag:s4] =	ssyncset.done $0x0  }
0x90: {  	s18 =	sor.u32 $0x1400, s19;
	s20 =	sshra.s32 s13, $0x2;
	[sflag:s4] =	ssyncadd.s32 $0xFFFFC000  }
0x91: {  	[hbm4b:s5+s24] =	stream.indirect.scatter [tilespmem:s18], [sflag:$0x2], $0x80, s20, s24, $0xb8;
	[tilespmem:$0x19E80] =	vst v63  }
0x92: {  	s21 =	sadd.s32 $0x5400, s19;
	s13 =	sadd.s32 $0x80, s20  }
0x93: {  	[hbm4b:s5+s24] =	stream.indirect.scatter [tilespmem:s21], [sflag:$0x2], $0x80, s13, s24, $0xb8;
	[tilespmem:$0x19E80] =	vst v63  }
0x94: {  	s9 =	sadd.s32 $0x100, s20;
	s14 =	sadd.s32 $0x9400, s19  }
0x95: {  	[hbm4b:s5+s24] =	stream.indirect.scatter [tilespmem:s14], [sflag:$0x2], $0x80, s9, s24, $0xb8;
	[tilespmem:$0x19E80] =	vst v63  }
0x96: {  	_ =	swait.ge [sflag:s7], $0x4000  }
0x97: {  	[sflag:s7] =	ssyncset.done $0x0  }
0x98: {  	[sflag:s7] =	ssyncadd.s32 $0xFFFFC000  }
0x99: {  	_ =	swait.ge [sflag:s7], $0x4000  }
0x9a: {  	[sflag:s7] =	ssyncset.done $0x0  }
0x9b: {  	[sflag:s7] =	ssyncadd.s32 $0xFFFFC000  }
0x9c: {  	_ =	swait.ge [sflag:s7], $0x4000  }
0x9d: {  	[sflag:s7] =	ssyncset.done $0x0  }
0x9e: {  	[sflag:s7] =	ssyncadd.s32 $0xFFFFC000  }
0x9f: {  	_ =	swait.ge [sflag:s4], $0x4000  }
0xa0: {  	[sflag:s4] =	ssyncset.done $0x0  }
0xa1: {  	[sflag:s4] =	ssyncadd.s32 $0xFFFFC000  }
0xa2: {  	_ =	swait.ge [sflag:s4], $0x4000  }
0xa3: {  	[sflag:s4] =	ssyncset.done $0x0  }
0xa4: {  	[sflag:s4] =	ssyncadd.s32 $0xFFFFC000  }
0xa5: {  	_ =	swait.ge [sflag:s4], $0x4000  }
0xa6: {  	[sflag:s4] =	ssyncset.done $0x0  }
0xa7: {  	s15 =	simm.s32 $0x1200;
	s13 =	simm.s32 $0x1400;
	[sflag:s4] =	ssyncadd.s32 $0xFFFFC000  }
0xa8: {  	[hbm4b:s5+s24] =	stream.indirect.scatter [tilespmem:s13], [sflag:$0x2], $0x80, s15, s24, $0xb8;
	[tilespmem:$0x19E80] =	vst v63  }
0xa9: {  	s16 =	simm.s32 $0x1280  }
0xaa: {  	[hbm4b:s5+s24] =	stream.indirect.scatter [tilespmem:s2], [sflag:$0x2], $0x80, s16, s24, $0xb8;
	[tilespmem:$0x19E80] =	vst v63  }
0xab: {  	_ = 	snop  }
0xac: {  	[hbm4b:s5+s24] =	stream.indirect.scatter [tilespmem:s3], [sflag:$0x2], $0x80, s10, s24, $0xb8;
	[tilespmem:$0x19E80] =	vst v63  }
0xad: {  	_ =	swait.ge [sflag:s7], $0x4000  }
0xae: {  	[sflag:s7] =	ssyncset.done $0x0  }
0xaf: {  	[sflag:s7] =	ssyncadd.s32 $0xFFFFC000  }
0xb0: {  	_ =	swait.ge [sflag:s7], $0x4000  }
0xb1: {  	[sflag:s7] =	ssyncset.done $0x0  }
0xb2: {  	[sflag:s7] =	ssyncadd.s32 $0xFFFFC000  }
0xb3: {  	_ =	swait.ge [sflag:s7], $0x4000  }
0xb4: {  	[sflag:s7] =	ssyncset.done $0x0  }
0xb5: {  	s14 =	simm.s32 $0x0;
	s17 =	rddreg [dreg:$0xa];
	[sflag:s7] =	ssyncadd.s32 $0xFFFFC000  }
0xb6: {  	[tilespmem:s13], [sflag:$0x1] =	stream.linear.gather [hbm4b:s17+s14], $0x4000, $0x38;
	[tilespmem:$0x19E80] =	vst v63  }
0xb7: {  	_ =	swait.ge [sflag:s4], $0x4000  }
0xb8: {  	[sflag:s4] =	ssyncset.done $0x0  }
0xb9: {  	[sflag:s4] =	ssyncadd.s32 $0xFFFFC000  }
0xba: {  	[hbm4b:s5+s24] =	stream.indirect.scatter [tilespmem:s13], [sflag:$0x2], $0x80, s11, s24, $0xb8;
	[tilespmem:$0x19E80] =	vst v63  }
0xbb: {  	_ =	swait.ge [sflag:s7], $0x4000  }
0xbc: {  	[sflag:s7] =	ssyncset.done $0x0  }
0xbd: {  	s18 =	rddreg [dreg:$0x9];
	[sflag:s7] =	ssyncadd.s32 $0xFFFFC000  }
0xbe: {  	[tilespmem:s13], [sflag:$0x3] =	stream.strided.gather [hbm4b:s18+s24], $0x2800, s25, s24, $0x38;
	[tilespmem:$0x19E80] =	vst v63  }
0xbf: {  	_ =	swait.ge [sflag:s26], $0x2800  }
0xc0: {  	[sflag:s26] =	ssyncset.done $0x0  }
0xc1: {  	s19 =	rddreg [dreg:$0xb];
	[sflag:s26] =	ssyncadd.s32 $0xFFFFD800  }
0xc2: {  	[tilespmem:s28], [sflag:$0x3] =	stream.strided.gather [hbm4b:s19+s24], $0x13900, s25, s24, $0x38;
	[tilespmem:$0x19E80] =	vst v63  }
0xc3: {  	_ =	swait.ge [sflag:s26], $0x13900  }
0xc4: {  	[sflag:s26] =	ssyncset.done $0x0  }
0xc5: {  	s20 =	rddreg [dreg:$0x10];
	[sflag:s26] =	ssyncadd.s32 $0xFFFEC700  }
0xc6: {  	[tilespmem:s30], [sflag:$0x3] =	stream.strided.gather [hbm4b:s20+s24], $0x2780, s29, s24, $0x38;
	[tilespmem:$0x19E80] =	vst v63  }
0xc7: {  	_ =	swait.ge [sflag:s26], $0x2780  }
0xc8: {  	[sflag:s26] =	ssyncset.done $0x0  }
0xc9: {  	s21 =	rddreg [dreg:$0x11];
	[sflag:s26] =	ssyncadd.s32 $0xFFFFD880  }
0xca: {  	[tilespmem:s31], [sflag:$0x3] =	stream.strided.gather [hbm4b:s21+s24], $0x200, s29, s24, $0x38;
	[tilespmem:$0x19E80] =	vst v63  }
0xcb: {  	_ =	swait.ge [sflag:s26], $0x200  }
0xcc: {  	[sflag:s26] =	ssyncset.done $0x0  }
0xcd: {  	[sflag:s26] =	ssyncadd.s32 $0xFFFFFE00  }
.LBB2_6:
0xce: {  	v3 =	vld [tilespmem:s13+$0x0];
	_ =	sdelay $0x4  }
0xcf: {  	v4 =	vshll.u32 v3, $0x3  }
0xd0: {  	v4 =	vor.u32 v0, v4;
	_ =	sdelay $0x4  }
0xd1: {  	v5 =	vld.idx.msk [tilespmem:v4+s28+$0x0], $0xffff;
	_ =	sdelay $0x4  }
0xd2: {  	vm0 =	vlt.s32 v5, $0x1FF  }
0xd3: {  	v6 =	vnsel vm0, $0x1FF, v5;
	_ =	sdelay $0x3  }
0xd4: {  	v3 =	vld.idx.msk [tilespmem:v3+s30+$0x0], $0xffff  }
0xd5: {  	v6 =	vld.idx.msk [tilespmem:v6+s31+$0x0], $0xffff;
	_ =	sdelay $0x1  }
0xd6: {  	v7 =	vadd.s32 s14, v1;
	p0 =	sne.s32 s14, $0x27F  }
.Ltmp2:
0xd7: {  	v8 =	vmov s14;
	v9 =	vadd.s32 s14, v2;
	(pc) =	sbr.rel @p0 .LBB2_6-.Ltmp2, $4  }
0xd8: {  	vm15 =	vlt.u32 v9, $0x27100;
	v8 =	vand.u32 $0x7F, v8  }
0xd9: {  	v63 =	vor.u32 $0x29000, v8;
	v5 =	vadd.s32 $0x1, v5;
	v3 =	vadd.s32 v6, v3  }
0xda: {  	[tilespmem:v4+s28+$0x0] =	vst.idx.msk $0xff, v5;
	v3 =	vsel vm15, v3, v63  }
0xdb: {  	s13 =	sadd.s32 $0x10, s13;
	s14 =	sadd.s32 $0x1, s14;
	[tilespmem:v7+s1+$0x0] =	vst.idx.msk $0xff, v3  }
0xdc: {  	s8 =	simm.s32 $0x0;
	s9 =	rddreg [dreg:$0xc]  }
0xdd: {  	[tilespmem:s0], [sflag:$0x1] =	stream.linear.gather [hbm4b:s9+s8], $0x4000, $0x38;
	[tilespmem:$0x19E80] =	vst v63  }
0xde: {  	s18 =	rddreg [dreg:$0xd]  }
0xdf: {  	[tilespmem:s2], [sflag:$0x1] =	stream.linear.gather [hbm4b:s18+s8], $0x4000, $0x38;
	[tilespmem:$0x19E80] =	vst v63  }
0xe0: {  	s19 =	rddreg [dreg:$0xe];
	s20 =	simm.s32 $0x1  }
0xe1: {  	[tilespmem:s3], [sflag:$0x1] =	stream.linear.gather [hbm4b:s19+s8], $0x4000, $0x38;
	[tilespmem:$0x19E80] =	vst v63  }
0xe2: {  	s8 =	sand.u32 $0x1, s20  }
0xe3: {  	p0 =	seq.s32 s8, $0x1;
	s8 =	simm.s32 $0xC000  }
0xe4: {  	s8 =	simm.s32 @!p0 $0x0  }
0xe5: {  	s21 =	sadd.s32 $0xFFFFF000, s23;
	s13 =	sor.u32 $0x1400, s8  }
0xe6: {  	[tilespmem:s13], [sflag:$0x1] =	stream.linear.gather [hbm4b:s21+s1], $0x4000, $0x38;
	[tilespmem:$0x19E80] =	vst v63  }
0xe7: {  	s15 =	sadd.s32 $0xFFFFF800, s23;
	s14 =	sadd.s32 $0x5400, s8  }
0xe8: {  	[tilespmem:s14], [sflag:$0x1] =	stream.linear.gather [hbm4b:s15+s1], $0x4000, $0x38;
	[tilespmem:$0x19E80] =	vst v63  }
0xe9: {  	s8 =	sadd.s32 $0x9400, s8  }
0xea: {  	[tilespmem:s8], [sflag:$0x1] =	stream.linear.gather [hbm4b:s23+s1], $0x4000, $0x38;
	[tilespmem:$0x19E80] =	vst v63  }
0xeb: {  	_ =	swait.ge [sflag:s4], $0x4000  }
0xec: {  	[sflag:s4] =	ssyncset.done $0x0  }
0xed: {  	[sflag:s4] =	ssyncadd.s32 $0xFFFFC000  }
0xee: {  	_ =	swait.ge [sflag:s4], $0x4000  }
0xef: {  	[sflag:s4] =	ssyncset.done $0x0  }
0xf0: {  	[sflag:s4] =	ssyncadd.s32 $0xFFFFC000  }
0xf1: {  	s8 =	simm.s32 $0x0;
	_ =	swait.ge [sflag:s4], $0x4000  }
0xf2: {  	s8 =	simm.s32 @!p0 $0xC000;
	[sflag:s4] =	ssyncset.done $0x0  }
0xf3: {  	s17 =	simm.s32 $0x0;
	s16 =	sor.u32 $0x1400, s8;
	[sflag:s4] =	ssyncadd.s32 $0xFFFFC000  }
0xf4: {  	[hbm4b:s6+s24] =	stream.indirect.scatter [tilespmem:s16], [sflag:$0x2], $0x80, s17, s24, $0xb8;
	[tilespmem:$0x19E80] =	vst v63  }
0xf5: {  	s19 =	simm.s32 $0x80;
	s18 =	sadd.s32 $0x5400, s8  }
0xf6: {  	[hbm4b:s6+s24] =	stream.indirect.scatter [tilespmem:s18], [sflag:$0x2], $0x80, s19, s24, $0xb8;
	[tilespmem:$0x19E80] =	vst v63  }
0xf7: {  	s20 =	simm.s32 $0x100;
	s8 =	sadd.s32 $0x9400, s8  }
0xf8: {  	[hbm4b:s6+s24] =	stream.indirect.scatter [tilespmem:s8], [sflag:$0x2], $0x80, s20, s24, $0xb8;
	[tilespmem:$0x19E80] =	vst v63  }
0xf9: {  	_ =	swait.ge [sflag:s7], $0x4000  }
0xfa: {  	[sflag:s7] =	ssyncset.done $0x0  }
0xfb: {  	s13 =	simm.s32 $0x600;
	s15 =	simm.s32 $0x2;
	[sflag:s7] =	ssyncadd.s32 $0xFFFFC000  }
0xfc: {  	s14 =	sadd.s32 $0x1800, s23;
	s21 =	sand.u32 $0x1, s15;
	_ =	swait.ge [sflag:s7], $0x4000  }
0xfd: {  	p0 =	seq.s32 s21, $0x1;
	s17 =	sadd.s32 $0xFFFFF000, s14;
	[sflag:s7] =	ssyncset.done $0x0  }
0xfe: {  	s16 =	simm.s32 $0xC00;
	s18 =	sadd.s32 $0x1800, s14;
	[sflag:s7] =	ssyncadd.s32 $0xFFFFC000  }
0xff: {  	s19 =	simm.s32 $0x0;
	s20 =	simm.s32 $0xC000;
	_ =	swait.ge [sflag:s7], $0x4000  }
0x100: {  	s19 =	simm.s32 @!p0 $0xC000;
	s20 =	simm.s32 @!p0 $0x0;
	[sflag:s7] =	ssyncset.done $0x0  }
.LBB2_8:
0x101: {  	s8 =	sadd.s32 $0xFFFFF000, s18  }
0x102: {  	s9 =	sor.u32 $0x1400, s20;
	[sflag:s7] =	ssyncadd.s32 $0xFFFFC000;
	s21 =	smov.u32 s16  }
0x103: {  	[tilespmem:s9], [sflag:$0x1] =	stream.linear.gather [hbm4b:s17+s1], $0x4000, $0x38;
	[tilespmem:$0x19E80] =	vst v63  }
0x104: {  	p0 =	sne.s32 s16, $0x4200;
	s9 =	sadd.s32 $0x5400, s20;
	s17 =	sadd.s32 $0xFFFFF800, s14  }
0x105: {  	[tilespmem:s9], [sflag:$0x1] =	stream.linear.gather [hbm4b:s17+s1], $0x4000, $0x38;
	[tilespmem:$0x19E80] =	vst v63  }
0x106: {  	s16 =	sadd.s32 $0x600, s16;
	s9 =	sadd.s32 $0x9400, s20;
	s17 =	smov.u32 s8  }
0x107: {  	[tilespmem:s9], [sflag:$0x1] =	stream.linear.gather [hbm4b:s14+s1], $0x4000, $0x38;
	[tilespmem:$0x19E80] =	vst v63  }
0x108: {  	s14 =	smov.u32 s18;
	_ =	swait.ge [sflag:s4], $0x4000  }
0x109: {  	[sflag:s4] =	ssyncset.done $0x0  }
0x10a: {  	[sflag:s4] =	ssyncadd.s32 $0xFFFFC000  }
0x10b: {  	_ =	swait.ge [sflag:s4], $0x4000  }
0x10c: {  	[sflag:s4] =	ssyncset.done $0x0  }
0x10d: {  	[sflag:s4] =	ssyncadd.s32 $0xFFFFC000  }
0x10e: {  	_ =	swait.ge [sflag:s4], $0x4000  }
0x10f: {  	[sflag:s4] =	ssyncset.done $0x0  }
0x110: {  	s8 =	sor.u32 $0x1400, s19;
	s9 =	sshra.s32 s13, $0x2;
	[sflag:s4] =	ssyncadd.s32 $0xFFFFC000  }
0x111: {  	[hbm4b:s6+s24] =	stream.indirect.scatter [tilespmem:s8], [sflag:$0x2], $0x80, s9, s24, $0xb8;
	[tilespmem:$0x19E80] =	vst v63  }
0x112: {  	s13 =	smov.u32 s21;
	s20 =	sadd.s32 $0x80, s9;
	s8 =	sadd.s32 $0x5400, s19  }
0x113: {  	[hbm4b:s6+s24] =	stream.indirect.scatter [tilespmem:s8], [sflag:$0x2], $0x80, s20, s24, $0xb8;
	[tilespmem:$0x19E80] =	vst v63  }
0x114: {  	s9 =	sadd.s32 $0x100, s9;
	s8 =	sadd.s32 $0x9400, s19  }
0x115: {  	[hbm4b:s6+s24] =	stream.indirect.scatter [tilespmem:s8], [sflag:$0x2], $0x80, s9, s24, $0xb8;
	[tilespmem:$0x19E80] =	vst v63  }
0x116: {  	_ =	swait.ge [sflag:s7], $0x4000  }
0x117: {  	[sflag:s7] =	ssyncset.done $0x0  }
0x118: {  	[sflag:s7] =	ssyncadd.s32 $0xFFFFC000  }
.Ltmp3:
0x119: {  	_ =	swait.ge [sflag:s7], $0x4000;
	(pc) =	sbr.rel @p0 .LBB2_8-.Ltmp3, $4  }
0x11a: {  	s15 =	sadd.s32 $0x1, s15;
	s18 =	sadd.s32 $0x1800, s18;
	[sflag:s7] =	ssyncset.done $0x0  }
0x11b: {  	s20 =	simm.s32 $0xC000;
	s8 =	sand.u32 $0x1, s15;
	[sflag:s7] =	ssyncadd.s32 $0xFFFFC000  }
0x11c: {  	s19 =	simm.s32 $0x0;
	p1 =	seq.s32 s8, $0x1;
	_ =	swait.ge [sflag:s7], $0x4000  }
0x11d: {  	s20 =	simm.s32 @!p1 $0x0;
	s19 =	simm.s32 @!p1 $0xC000;
	[sflag:s7] =	ssyncset.done $0x0  }
0x11e: {  	s8 =	sor.u32 $0x1400, s20;
	[sflag:s7] =	ssyncadd.s32 $0xFFFFC000  }
0x11f: {  	[tilespmem:s8], [sflag:$0x1] =	stream.linear.gather [hbm4b:s17+s1], $0x4000, $0x38;
	[tilespmem:$0x19E80] =	vst v63  }
0x120: {  	s21 =	sadd.s32 $0x5400, s20;
	s9 =	sadd.s32 $0xFFFFF800, s14  }
0x121: {  	[tilespmem:s21], [sflag:$0x1] =	stream.linear.gather [hbm4b:s9+s1], $0x4000, $0x38;
	[tilespmem:$0x19E80] =	vst v63  }
0x122: {  	s9 =	sadd.s32 $0x9400, s20  }
0x123: {  	[tilespmem:s9], [sflag:$0x1] =	stream.linear.gather [hbm4b:s14+s1], $0x4000, $0x38;
	[tilespmem:$0x19E80] =	vst v63  }
0x124: {  	_ =	swait.ge [sflag:s4], $0x4000  }
0x125: {  	[sflag:s4] =	ssyncset.done $0x0  }
0x126: {  	[sflag:s4] =	ssyncadd.s32 $0xFFFFC000  }
0x127: {  	_ =	swait.ge [sflag:s4], $0x4000  }
0x128: {  	[sflag:s4] =	ssyncset.done $0x0  }
0x129: {  	[sflag:s4] =	ssyncadd.s32 $0xFFFFC000  }
0x12a: {  	_ =	swait.ge [sflag:s4], $0x4000  }
0x12b: {  	[sflag:s4] =	ssyncset.done $0x0  }
0x12c: {  	s15 =	sshra.s32 s13, $0x2;
	s14 =	sor.u32 $0x1400, s19;
	[sflag:s4] =	ssyncadd.s32 $0xFFFFC000  }
0x12d: {  	[hbm4b:s6+s24] =	stream.indirect.scatter [tilespmem:s14], [sflag:$0x2], $0x80, s15, s24, $0xb8;
	[tilespmem:$0x19E80] =	vst v63  }
0x12e: {  	s16 =	sadd.s32 $0x5400, s19;
	s13 =	sadd.s32 $0x80, s15  }
0x12f: {  	[hbm4b:s6+s24] =	stream.indirect.scatter [tilespmem:s16], [sflag:$0x2], $0x80, s13, s24, $0xb8;
	[tilespmem:$0x19E80] =	vst v63  }
0x130: {  	s17 =	sadd.s32 $0x9400, s19;
	s9 =	sadd.s32 $0x100, s15  }
0x131: {  	[hbm4b:s6+s24] =	stream.indirect.scatter [tilespmem:s17], [sflag:$0x2], $0x80, s9, s24, $0xb8;
	[tilespmem:$0x19E80] =	vst v63  }
0x132: {  	_ =	swait.ge [sflag:s7], $0x4000  }
0x133: {  	[sflag:s7] =	ssyncset.done $0x0  }
0x134: {  	[sflag:s7] =	ssyncadd.s32 $0xFFFFC000  }
0x135: {  	_ =	swait.ge [sflag:s7], $0x4000  }
0x136: {  	[sflag:s7] =	ssyncset.done $0x0  }
0x137: {  	[sflag:s7] =	ssyncadd.s32 $0xFFFFC000  }
0x138: {  	_ =	swait.ge [sflag:s7], $0x4000  }
0x139: {  	[sflag:s7] =	ssyncset.done $0x0  }
0x13a: {  	[sflag:s7] =	ssyncadd.s32 $0xFFFFC000  }
0x13b: {  	_ =	swait.ge [sflag:s4], $0x4000  }
0x13c: {  	[sflag:s4] =	ssyncset.done $0x0  }
0x13d: {  	[sflag:s4] =	ssyncadd.s32 $0xFFFFC000  }
0x13e: {  	_ =	swait.ge [sflag:s4], $0x4000  }
0x13f: {  	[sflag:s4] =	ssyncset.done $0x0  }
0x140: {  	[sflag:s4] =	ssyncadd.s32 $0xFFFFC000  }
0x141: {  	_ =	swait.ge [sflag:s4], $0x4000  }
0x142: {  	[sflag:s4] =	ssyncset.done $0x0  }
0x143: {  	s18 =	simm.s32 $0x1200;
	[sflag:s4] =	ssyncadd.s32 $0xFFFFC000  }
0x144: {  	[hbm4b:s6+s24] =	stream.indirect.scatter [tilespmem:s0], [sflag:$0x2], $0x80, s18, s24, $0xb8;
	[tilespmem:$0x19E80] =	vst v63  }
0x145: {  	s19 =	simm.s32 $0x1280  }
0x146: {  	[hbm4b:s6+s24] =	stream.indirect.scatter [tilespmem:s2], [sflag:$0x2], $0x80, s19, s24, $0xb8;
	[tilespmem:$0x19E80] =	vst v63  }
0x147: {  	_ = 	snop  }
0x148: {  	[hbm4b:s6+s24] =	stream.indirect.scatter [tilespmem:s3], [sflag:$0x2], $0x80, s10, s24, $0xb8;
	[tilespmem:$0x19E80] =	vst v63  }
0x149: {  	_ =	swait.ge [sflag:s7], $0x4000  }
0x14a: {  	[sflag:s7] =	ssyncset.done $0x0  }
0x14b: {  	[sflag:s7] =	ssyncadd.s32 $0xFFFFC000  }
0x14c: {  	_ =	swait.ge [sflag:s7], $0x4000  }
0x14d: {  	[sflag:s7] =	ssyncset.done $0x0  }
0x14e: {  	[sflag:s7] =	ssyncadd.s32 $0xFFFFC000  }
0x14f: {  	_ =	swait.ge [sflag:s7], $0x4000  }
0x150: {  	[sflag:s7] =	ssyncset.done $0x0  }
0x151: {  	s20 =	rddreg [dreg:$0xf];
	[sflag:s7] =	ssyncadd.s32 $0xFFFFC000  }
0x152: {  	[tilespmem:s0], [sflag:$0x1] =	stream.linear.gather [hbm4b:s20+s1], $0x4000, $0x38;
	[tilespmem:$0x19E80] =	vst v63  }
0x153: {  	_ =	swait.ge [sflag:s4], $0x4000  }
0x154: {  	[sflag:s4] =	ssyncset.done $0x0  }
0x155: {  	[sflag:s4] =	ssyncadd.s32 $0xFFFFC000  }
0x156: {  	[hbm4b:s6+s24] =	stream.indirect.scatter [tilespmem:s0], [sflag:$0x2], $0x80, s11, s24, $0xb8;
	[tilespmem:$0x19E80] =	vst v63  }
0x157: {  	_ =	swait.ge [sflag:s7], $0x4000  }
0x158: {  	s12 =	sadd.s32 $0x1, s12;
	s21 =	rddreg [dreg:$0x12]  }
0x159: {  	p0 =	sne.s32 s12, s21  }
.Ltmp4:
0x15a: {  	_ = 	snop;
	(pc) =	sbr.rel @p0 .LBB2_1-.Ltmp4, $3  }
0x15b: {  	_ =	sdelay $0x1  }
0x15c: {  	[sflag:s7] =	ssyncset.done $0x0  }
0x15d: {  	[sflag:s7] =	ssyncadd.s32 $0xFFFFC000  }
0x15e: {  	_ =	sfence.sel $0x180000  }
0x15f: {  	[bflag:$0x0] =	sbarrier.arrive $0xFFFF  }
0x160: {  	_ =	strace $0x9000005C  }
0x161: {  	s0 =	stileid.u32;
	[bflag:$0x2] =	sbarrier.arrive $0xFFFF  }
0x162: {  	p0 =	sne.s32 s0, $0x0;
	s0 =	rddreg [dreg:$0x1]  }
0x163: {  	s0 =	sadd.s32 @!p0 $0x100000, s0  }
0x164: {  	[sflag:s0] =	ssyncadd.tile.s32 @!p0 $0x1;
	_ =	shalt  }
.Lfunc_end2:
_tile_overlayer_lowered:
.L_overlay_start_2:
0x165: {  	(tag) =	ssettag $0x2  }
0x166: {  	s0 =	rddreg [dreg:$0x0];
	s2 =	stileid.u32  }
0x167: {  	s1 =	rddreg [dreg:$0x1];
	p0 =	sne.s32 s2, $0x0  }
0x168: {  	s3 =	rddreg [dreg:$0x2];
	[bflag:$0x3] =	sbarrier.arrive $0xFFFF;
	s2 =	simm.s32 @!p0 $0x1C03  }
0x169: {  	[timem:s3], [sflag:s2] =	dma.local @!p0 [hbm:s0], s1  }
0x16a: {  	s0 =	simm.s32 @!p0 $0x3  }
0x16b: {  	_ =	swait.ge @!p0 [sflag:s0], s1  }
0x16c: {  	s1 =	ssub.s32 @!p0 $0x0, s1;
	[sflag:s0] =	ssyncset.done @!p0 $0x0  }
0x16d: {  	[sflag:s0] =	ssyncadd.s32 @!p0 s1  }
0x16e: {  	[bflag:$0x3] =	sbarrier.arrive $0xFFFF  }
0x16f: {  	_ =	shalt  }

// kernel: kernel.20.cloned.1.call-start
scs
__scs_entry_jumppad:
0x0: {  	(pc) =	sbr.rel $0x88, $3  }
0x1: {  	(tag) =	ssettag $0x0;
	lr =	simm.s32 $0x1  }
0x2: {  	[smem:$0x3F8A] =	sst lr;
	_ =	strace $0xD0000000  }
0x3: {  	_ = 	snop  }
0x4: {  	_ = 	snop  }
0x5: {  	_ = 	snop  }
0x6: {  	_ = 	snop  }
0x7: {  	_ = 	snop  }
__scs_overlays_trampoline_lowered:
0x8: {  	[smem:$0x3F99] =	sst s0  }
0x9: {  	[smem:$0x3F9A] =	sst s1  }
0xa: {  	[smem:$0x3F9B] =	sst s2  }
0xb: {  	[smem:$0x3F9C] =	sst s3  }
0xc: {  	[smem:$0x3F9D] =	sst s4  }
0xd: {  	[smem:$0x3F9E] =	sst s5  }
0xe: {  	[smem:$0x3F9F] =	sst s6  }
0xf: {  	[smem:$0x3FA0] =	sst s7  }
0x10: {  	[smem:$0x3FA1] =	sst s8  }
0x11: {  	[smem:$0x3FA2] =	sst s9;
	s0 =	simm.s32 @!p0 $0x0  }
0x12: {  	s1 =	sld [smem:$0x3F88];
	s0 =	simm.s32 @p0 $0x1  }
0x13: {  	[smem:$0x3FA3] =	sst s0;
	s0 =	simm.s32 @!p1 $0x0  }
0x14: {  	s2 =	sld [smem:$0x3F87];
	s0 =	simm.s32 @p1 $0x1  }
0x15: {  	[smem:$0x3FA4] =	sst s0;
	s0 =	simm.s32 @!p2 $0x0  }
0x16: {  	s3 =	sld [smem:$0x3FDB];
	s0 =	simm.s32 @p2 $0x1  }
0x17: {  	s4 =	simm.s32 $0x1BF5;
	[smem:$0x3FA6] =	sst s0  }
0x18: {  	s0 =	sld [smem:$0x3F89];
	_ =	swait.ge [sflag:s4], $0x0  }
0x19: {  	s7 =	sld [smem:$0x3F8A]  }
0x1a: {  	s8 =	sadd.s32 $0xFFFFE003, lr  }
0x1b: {  	s9 =	sadd.s32 $0xFFFFFEF7, lr;
	s5 =	simm.s32 $0xFFFFFFFF;
	p2 =	slt.u32 s8, $0xFFFFF086  }
0x1c: {  	p1 =	slt.u32 s9, $0xF7A;
	s5 =	simm.s32 @!p2 $0x0  }
0x1d: {  	s5 =	simm.s32 @p1 $0x1;
	p0 =	seq.s32 s7, s2  }
0x1e: {  	s7 =	smul.u32 @!p0 $0xF7A, s2;
	p2 =	seq.s32 @!p0 s5, $0x0  }
0x1f: {  	s9 =	smul.u32 $0xF7A, s1;
	s8 =	simm.s32 @!p0 $0x1BF5;
	p2 =	por !p2, p0  }
0x20: {  	[sflag:s8] =	ssyncset.s32 @!p0 $0xFFFFF086;
	s6 =	sadd.s32 @!p0 s3, s7;
	s7 =	simm.s32 @!p0 $0x108  }
0x21: {  	s3 =	sadd.s32 s3, s9;
	s6 =	sadd.s32 @!p0 $0x88, s6;
	s7 =	simm.s32 @p2 $0x1082  }
0x22: {  	[simem:s7], [sflag:s8] =	dma.local @!p0 [hbm:s6], $0xF7A  }
0x23: {  	s9 =	sor.u32 $0xD0000000, s2;
	s6 =	simm.s32 $0x108;
	_ =	swait.ge @!p0 [sflag:s8], $0x0  }
0x24: {  	s3 =	sadd.s32 $0x88, s3;
	s6 =	simm.s32 @!p1 $0x1082;
	[sflag:s4] =	ssyncset.s32 $0xFFFFF086  }
0x25: {  	[simem:s6], [sflag:s4] =	dma.local [hbm:s3], $0xF7A  }
0x26: {  	[smem:$0x3F8A] =	sst s1;
	(tag) =	ssettag s2;
	_ =	strace s9  }
0x27: {  	s1 =	sld [smem:$0x3F9A]  }
0x28: {  	s2 =	sld [smem:$0x3F9B]  }
0x29: {  	s4 =	sld [smem:$0x3F9D]  }
0x2a: {  	p0 =	seq.s32 s5, $0x0;
	s5 =	sld [smem:$0x3F9E]  }
0x2b: {  	s6 =	sld [smem:$0x3F9F]  }
0x2c: {  	s7 =	sld [smem:$0x3FA0]  }
0x2d: {  	s3 =	simm.s32 $0x108;
	s8 =	sld [smem:$0x3FA1]  }
0x2e: {  	s3 =	simm.s32 @!p0 $0x1082;
	s9 =	sld [smem:$0x3FA2]  }
0x2f: {  	lr =	sadd.s32 s0, s3;
	s0 =	sld [smem:$0x3F99]  }
0x30: {  	s3 =	sld [smem:$0x3F9C]  }
0x31: {  	[smem:$0x3FA5] =	sst s10  }
0x32: {  	s10 =	sld [smem:$0x3FA3];
	_ =	sdelay $0x3  }
0x33: {  	p0 =	seq.s32 s10, $0x1;
	s10 =	sld [smem:$0x3FA5];
	_ =	sdelay $0x3  }
0x34: {  	[smem:$0x3FA5] =	sst s10  }
0x35: {  	s10 =	sld [smem:$0x3FA4];
	_ =	sdelay $0x3  }
0x36: {  	p1 =	seq.s32 s10, $0x1;
	s10 =	sld [smem:$0x3FA5];
	_ =	sdelay $0x3  }
0x37: {  	[smem:$0x3FA5] =	sst s10  }
0x38: {  	s10 =	sld [smem:$0x3FA6]  }
0x39: {  	_ = 	snop;
	(pc) =	sbr.ind lr, $3  }
0x3a: {  	_ = 	snop  }
0x3b: {  	_ = 	snop  }
0x3c: {  	p2 =	seq.s32 s10, $0x1;
	s10 =	sld [smem:$0x3FA5]  }
0x3d: {  	_ =	shalt  }
0x3e: {  	_ =	shalt  }
0x3f: {  	_ =	shalt  }
0x40: {  	_ =	shalt  }
0x41: {  	_ =	shalt  }
0x42: {  	_ =	shalt  }
0x43: {  	_ =	shalt  }
0x44: {  	_ =	shalt  }
0x45: {  	_ =	shalt  }
0x46: {  	_ =	shalt  }
0x47: {  	_ =	shalt  }
0x48: {  	_ =	shalt  }
0x49: {  	_ =	shalt  }
0x4a: {  	_ =	shalt  }
0x4b: {  	_ =	shalt  }
0x4c: {  	_ =	shalt  }
0x4d: {  	_ =	shalt  }
0x4e: {  	_ =	shalt  }
0x4f: {  	_ =	shalt  }
0x50: {  	_ =	shalt  }
0x51: {  	_ =	shalt  }
0x52: {  	_ =	shalt  }
0x53: {  	_ =	shalt  }
0x54: {  	_ =	shalt  }
0x55: {  	_ =	shalt  }
0x56: {  	_ =	shalt  }
0x57: {  	_ =	shalt  }
0x58: {  	_ =	shalt  }
0x59: {  	_ =	shalt  }
0x5a: {  	_ =	shalt  }
0x5b: {  	_ =	shalt  }
0x5c: {  	_ =	shalt  }
0x5d: {  	_ =	shalt  }
0x5e: {  	_ =	shalt  }
0x5f: {  	_ =	shalt  }
0x60: {  	_ =	shalt  }
0x61: {  	_ =	shalt  }
0x62: {  	_ =	shalt  }
0x63: {  	_ =	shalt  }
0x64: {  	_ =	shalt  }
0x65: {  	_ =	shalt  }
0x66: {  	_ =	shalt  }
0x67: {  	_ =	shalt  }
0x68: {  	_ =	shalt  }
0x69: {  	_ =	shalt  }
0x6a: {  	_ =	shalt  }
0x6b: {  	_ =	shalt  }
0x6c: {  	_ =	shalt  }
0x6d: {  	_ =	shalt  }
0x6e: {  	_ =	shalt  }
0x6f: {  	_ =	shalt  }
0x70: {  	_ =	shalt  }
0x71: {  	_ =	shalt  }
0x72: {  	_ =	shalt  }
0x73: {  	_ =	shalt  }
0x74: {  	_ =	shalt  }
0x75: {  	_ =	shalt  }
0x76: {  	_ =	shalt  }
0x77: {  	_ =	shalt  }
0x78: {  	_ =	shalt  }
0x79: {  	_ =	shalt  }
0x7a: {  	_ =	shalt  }
0x7b: {  	_ =	shalt  }
0x7c: {  	_ =	shalt  }
0x7d: {  	_ =	shalt  }
0x7e: {  	_ =	shalt  }
0x7f: {  	_ =	shalt  }
0x80: {  	_ =	shalt  }
0x81: {  	_ =	shalt  }
0x82: {  	_ =	shalt  }
0x83: {  	_ =	shalt  }
0x84: {  	_ =	shalt  }
0x85: {  	_ =	shalt  }
0x86: {  	_ =	shalt  }
0x87: {  	_ =	shalt  }
.Lfunc_end0:
.L_simem_size_0:
called_computation.7_lowered:
.L_overlay_start_0:
0x88: {  	s2 =	sld [smem:$0x3FD9]  }
0x89: {  	s3 =	sld [smem:$0x3FFE];
	_ =	sdelay $0x1  }
0x8a: {  	s1 =	srdreg.scid  }
0x8b: {  	s0 =	sand.u32 $0x1, s1  }
0x8c: {  	s14 =	sshll.u32 s0, $0xA;
	s2 =	sadd.s32 s3, s2  }
0x8d: {  	s2 =	sadd.s32 s2, s14  }
0x8e: {  	[smem:$0x3FB1] =	sst s2  }
0x8f: {  	_ = 	snop  }
0x90: {  	s2 =	sld [smem:$0x3FD0];
	_ =	sdelay $0x2  }
0x91: {  	s15 =	simm.s32 $0xC;
	s4 =	simm.s32 $0x10  }
0x92: {  	[smem:s4], [sflag:s15] =	dma.local [hbm:s2], $0x1  }
0x93: {  	_ =	swait.eq [sflag:s15], $0x1  }
0x94: {  	[sflag:s15] =	ssyncset.done $0x0  }
0x95: {  	[sflag:s15] =	ssyncadd.s32 $0xFFFFFFFF  }
0x96: {  	s16 =	sld [smem:$0x10];
	(tm) =	ssettm $0x1  }
0x97: {  	s17 =	sld [smem:$0x3FFB];
	_ =	sdelay $0x3  }
0x98: {  	_ =	strace s17  }
0x99: {  	s3 =	sld [smem:$0x3FFC];
	_ =	sdelay $0x3  }
0x9a: {  	_ =	strace s3  }
0x9b: {  	s3 =	sld [smem:$0x3FFD];
	_ =	sdelay $0x3  }
0x9c: {  	_ =	strace s3  }
0x9d: {  	_ =	strace $0x8FFFFFFF  }
0x9e: {  	s18 =	sld [smem:$0x3FDB];
	_ =	sdelay $0x1  }
0x9f: {  	s19 =	simm.s32 $_scs_section_size  }
0xa0: {  	s5 =	simm.s32 $_size__tile_overlayer_lowered;
	s6 =	simm.s32 $_tile_overlayer_lowered  }
0xa1: {  	s22 =	simm.s32 $0x1BFF;
	s21 =	sshll.u32 s6, $0x1;
	s3 =	sadd.s32 s19, s18  }
0xa2: {  	s7 =	simm.s32 $0x0;
	s20 =	sshll.u32 s5, $0x1;
	s5 =	sadd.s32 s21, s3  }
0xa3: {  	[timem:s7], [sflag:s22] =	dma.local [hbm:s5], s20  }
0xa4: {  	_ =	swait.ge [sflag:s22], s20  }
0xa5: {  	s4 =	ssub.s32 $0x0, s20;
	[sflag:s22] =	ssyncset.done $0x0  }
0xa6: {  	[sflag:s22] =	ssyncadd.s32 s4;
	_ =	sdelay $0x1  }
0xa7: {  	s23 =	simm.s32 $0x1B8B  }
0xa8: {  	_ =	swait.ge [sflag:s23], $0x1  }
0xa9: {  	[sflag:s23] =	ssyncset.done $0x0  }
0xaa: {  	s25 =	simm.s32 $0x1B8E;
	s24 =	sld [smem:$0x3FFE];
	[sflag:s23] =	ssyncadd.s32 $0xFFFFFFFF  }
0xab: {  	s26 =	simm.s32 $execute0_lowered;
	[smem:$0x3FD2] =	sst s25  }
0xac: {  	s5 =	sshll.u32 s26, $0x1;
	_ =	strace $0x8000005E;
	[dreg:$0x1] =	wrdreg $0xFFFFFFFF  }
0xad: {  	s28 =	simm.s32 $_size_execute0_lowered;
	s3 =	sadd.s32 s3, s5;
	[dreg:$0x0] =	wrdreg $0x0  }
0xae: {  	s5 =	sshll.u32 s28, $0x1;
	[dreg:$0x2] =	wrdreg s3  }
0xaf: {  	[dreg:$0x3] =	wrdreg s5  }
0xb0: {  	[dreg:$0x4] =	wrdreg $0xC0  }
0xb1: {  	_ =	task [dreg:s7], $0x5FFFF  }
0xb2: {  	[dreg:$0x1] =	wrdreg $0xFFFFFFFF  }
0xb3: {  	[dreg:$0x0] =	wrdreg $0x60  }
0xb4: {  	[dreg:$0x2] =	wrdreg s24  }
0xb5: {  	[dreg:$0x3] =	wrdreg s16  }
0xb6: {  	[dreg:$0x4] =	wrdreg $0x9  }
0xb7: {  	_ =	task.clear_ibuf [dreg:s7], $0x5FFFF;
	_ =	strace $0x9000005E  }
0xb8: {  	s29 =	simm.s32 $0x9;
	_ =	strace $0x80000060  }
0xb9: {  	_ =	swait.ge [sflag:s29], $0x1  }
0xba: {  	[sflag:s29] =	ssyncadd.s32 $0xFFFFFFFF  }
0xbb: {  	_ =	strace $0x90000060  }
0xbc: {  	_ =	sfence  }
0xbd: {  	s30 =	sld [smem:$0x0];
	_ =	sdelay $0x2  }
0xbe: {  	s31 =	sshll.u32 s1, $0xD;
	s1 =	sshrl.u32 s1, $0x2  }
0xbf: {  	s3 =	sand.u32 $0x4000, s31;
	s1 =	sadd.s32 s1, s30  }
0xc0: {  	s0 =	sor.u32 s3, s0;
	s1 =	sshll.u32 s1, $0x11  }
0xc1: {  	s0 =	sor.u32 s1, s0  }
0xc2: {  	s0 =	sadd.s32 $0x8F2B, s0  }
0xc3: {  	[sflag:s0] =	ssyncadd.remote.s32 $0x1  }
0xc4: {  	_ =	sfence.sel $0xFFFF  }
0xc5: {  	[dreg:$0x0] =	wrdreg $0xFFFFFFFF;
	(pc) =	sbr.abs _section_cstart, $3  }
0xc6: {  	[dreg:$0x1] =	wrdreg $0xFFFFFFFF  }
0xc7: {  	_ =	task.clear_ibuf [dreg:s7], $0x2FFFF;
	_ =	strace $0x9FFFFFFF  }
0xc8: {  	(tm) =	ssettm $0x7FFFFFFF  }
0xc9: {  	_ =	shalt  }
tec
execute0_lowered:
.L_overlay_start_1:
0x0: {  	(tag) =	ssettag $0x1  }
0x1: {  	s14 =	rddreg [dreg:$0x0]  }
0x2: {  	s1 =	srdreg.scid;
	s0 =	stileid.u32  }
0x3: {  	s3 =	rddreg [dreg:$0x1];
	s28 =	sand.u32 $0x1, s1;
	s4 =	sshll.u32 s0, $0x1  }
0x4: {  	s2 =	simm.s32 $0x0;
	s1 =	rddreg [dreg:$0x2];
	s15 =	sor.u32 s28, s4  }
0x5: {  	[smem:$0x7FF] =	sst s2;
	s4 =	sshll.u32 s15, $0x7  }
0x6: {  	_ =	strace $0x8000005F;
	s3 =	sadd.s32 s3, s4;
	s4 =	simm.s32 $0x3  }
0x7: {  	[tilespmem:s2], [sflag:$0x3] =	stream.linear.gather [hbm4b:s3+s2], $0x400, $0x38;
	[tilespmem:$0x10400] =	vst v63  }
0x8: {  	_ =	swait.ge [sflag:s4], $0x400  }
0x9: {  	s6 =	simm.s32 $0x80;
	[sflag:s4] =	ssyncset.done $0x0  }
0xa: {  	s7 =	simm.s32 $0x400;
	s5 =	sadd.s32 $0x1000, s14;
	[sflag:s4] =	ssyncadd.s32 $0xFFFFFC00  }
0xb: {  	[tilespmem:s7], [sflag:$0x1] =	stream.indirect.gather [hbm4b:s5+s6], $0x80, s2, s6, $0xb8;
	[tilespmem:$0x10400] =	vst v63  }
0xc: {  	s8 =	simm.s32 $0x4400  }
0xd: {  	[tilespmem:s8], [sflag:$0x1] =	stream.indirect.gather [hbm4b:s5+s6], $0x80, s6, s6, $0xb8;
	[tilespmem:$0x10400] =	vst v63  }
0xe: {  	s9 =	simm.s32 $0x100;
	s10 =	simm.s32 $0x8400  }
0xf: {  	[tilespmem:s10], [sflag:$0x1] =	stream.indirect.gather [hbm4b:s5+s6], $0x80, s9, s6, $0xb8;
	[tilespmem:$0x10400] =	vst v63  }
0x10: {  	s11 =	simm.s32 $0x180;
	s12 =	simm.s32 $0xC400;
	s13 =	simm.s32 $0x1  }
0x11: {  	[tilespmem:s12], [sflag:$0x1] =	stream.indirect.gather [hbm4b:s5+s6], $0x80, s11, s6, $0xb8;
	[tilespmem:$0x10400] =	vst v63  }
0x12: {  	_ =	swait.ge [sflag:s13], $0x4000  }
0x13: {  	[sflag:s13] =	ssyncset.done $0x0  }
0x14: {  	[sflag:s13] =	ssyncadd.s32 $0xFFFFC000  }
0x15: {  	_ =	swait.ge [sflag:s13], $0x4000  }
0x16: {  	[sflag:s13] =	ssyncset.done $0x0  }
0x17: {  	[sflag:s13] =	ssyncadd.s32 $0xFFFFC000  }
0x18: {  	_ =	swait.ge [sflag:s13], $0x4000  }
0x19: {  	[sflag:s13] =	ssyncset.done $0x0  }
0x1a: {  	[sflag:s13] =	ssyncadd.s32 $0xFFFFC000  }
0x1b: {  	s15 =	sshll.u32 s15, $0xE;
	_ =	swait.ge [sflag:s13], $0x4000  }
0x1c: {  	s26 =	sadd.s32 s15, s14;
	[sflag:s13] =	ssyncset.done $0x0  }
0x1d: {  	s14 =	sadd.s32 $0x5BB800, s26;
	[sflag:s13] =	ssyncadd.s32 $0xFFFFC000  }
0x1e: {  	[hbm4b:s14+s2] =	stream.linear.scatter [tilespmem:s7], [sflag:$0x2], $0x4000, $0x38;
	[tilespmem:$0x10400] =	vst v63  }
0x1f: {  	s15 =	sadd.s32 $0x5BC000, s26  }
0x20: {  	[hbm4b:s15+s2] =	stream.linear.scatter [tilespmem:s8], [sflag:$0x2], $0x4000, $0x38;
	[tilespmem:$0x10400] =	vst v63  }
0x21: {  	s16 =	sadd.s32 $0x5BC800, s26  }
0x22: {  	[hbm4b:s16+s2] =	stream.linear.scatter [tilespmem:s10], [sflag:$0x2], $0x4000, $0x38;
	[tilespmem:$0x10400] =	vst v63  }
0x23: {  	s17 =	simm.s32 $0x2;
	s18 =	sadd.s32 $0x5BD000, s26  }
0x24: {  	[hbm4b:s18+s2] =	stream.linear.scatter [tilespmem:s12], [sflag:$0x2], $0x4000, $0x38;
	[tilespmem:$0x10400] =	vst v63  }
0x25: {  	_ =	swait.ge [sflag:s17], $0x4000  }
0x26: {  	[sflag:s17] =	ssyncset.done $0x0  }
0x27: {  	[sflag:s17] =	ssyncadd.s32 $0xFFFFC000  }
0x28: {  	_ =	swait.ge [sflag:s17], $0x4000  }
0x29: {  	[sflag:s17] =	ssyncset.done $0x0  }
0x2a: {  	[sflag:s17] =	ssyncadd.s32 $0xFFFFC000  }
0x2b: {  	_ =	swait.ge [sflag:s17], $0x4000  }
0x2c: {  	[sflag:s17] =	ssyncset.done $0x0  }
0x2d: {  	[sflag:s17] =	ssyncadd.s32 $0xFFFFC000  }
0x2e: {  	_ =	swait.ge [sflag:s17], $0x4000  }
0x2f: {  	[sflag:s17] =	ssyncset.done $0x0  }
0x30: {  	s19 =	simm.s32 $0x200;
	[sflag:s17] =	ssyncadd.s32 $0xFFFFC000  }
0x31: {  	[tilespmem:s7], [sflag:$0x1] =	stream.indirect.gather [hbm4b:s5+s6], $0x80, s19, s6, $0xb8;
	[tilespmem:$0x10400] =	vst v63  }
0x32: {  	s20 =	simm.s32 $0x280  }
0x33: {  	[tilespmem:s8], [sflag:$0x1] =	stream.indirect.gather [hbm4b:s5+s6], $0x80, s20, s6, $0xb8;
	[tilespmem:$0x10400] =	vst v63  }
0x34: {  	s21 =	simm.s32 $0x300  }
0x35: {  	[tilespmem:s10], [sflag:$0x1] =	stream.indirect.gather [hbm4b:s5+s6], $0x80, s21, s6, $0xb8;
	[tilespmem:$0x10400] =	vst v63  }
0x36: {  	s22 =	simm.s32 $0x380  }
0x37: {  	[tilespmem:s12], [sflag:$0x1] =	stream.indirect.gather [hbm4b:s5+s6], $0x80, s22, s6, $0xb8;
	[tilespmem:$0x10400] =	vst v63  }
0x38: {  	_ =	swait.ge [sflag:s13], $0x4000  }
0x39: {  	[sflag:s13] =	ssyncset.done $0x0  }
0x3a: {  	[sflag:s13] =	ssyncadd.s32 $0xFFFFC000  }
0x3b: {  	_ =	swait.ge [sflag:s13], $0x4000  }
0x3c: {  	[sflag:s13] =	ssyncset.done $0x0  }
0x3d: {  	[sflag:s13] =	ssyncadd.s32 $0xFFFFC000  }
0x3e: {  	_ =	swait.ge [sflag:s13], $0x4000  }
0x3f: {  	[sflag:s13] =	ssyncset.done $0x0  }
0x40: {  	[sflag:s13] =	ssyncadd.s32 $0xFFFFC000  }
0x41: {  	_ =	swait.ge [sflag:s13], $0x4000  }
0x42: {  	[sflag:s13] =	ssyncset.done $0x0  }
0x43: {  	s23 =	sadd.s32 $0x5BD800, s26;
	[sflag:s13] =	ssyncadd.s32 $0xFFFFC000  }
0x44: {  	[hbm4b:s23+s2] =	stream.linear.scatter [tilespmem:s7], [sflag:$0x2], $0x4000, $0x38;
	[tilespmem:$0x10400] =	vst v63  }
0x45: {  	s24 =	sadd.s32 $0x5BE000, s26  }
0x46: {  	[hbm4b:s24+s2] =	stream.linear.scatter [tilespmem:s8], [sflag:$0x2], $0x4000, $0x38;
	[tilespmem:$0x10400] =	vst v63  }
0x47: {  	s25 =	sadd.s32 $0x5BE800, s26  }
0x48: {  	[hbm4b:s25+s2] =	stream.linear.scatter [tilespmem:s10], [sflag:$0x2], $0x4000, $0x38;
	[tilespmem:$0x10400] =	vst v63  }
0x49: {  	s26 =	sadd.s32 $0x5BF000, s26  }
0x4a: {  	[hbm4b:s26+s2] =	stream.linear.scatter [tilespmem:s12], [sflag:$0x2], $0x4000, $0x38;
	[tilespmem:$0x10400] =	vst v63  }
0x4b: {  	_ =	swait.ge [sflag:s17], $0x4000  }
0x4c: {  	s28 =	ssub.s32 $0x2, s28;
	[sflag:s17] =	ssyncset.done $0x0  }
0x4d: {  	s29 =	sshrl.u32 s28, $0x1;
	[sflag:s17] =	ssyncadd.s32 $0xFFFFC000  }
0x4e: {  	s28 =	ssub.s32 s28, s29;
	_ =	swait.ge [sflag:s17], $0x4000  }
0x4f: {  	s28 =	smax.u32 s28, $0x1;
	[sflag:s17] =	ssyncset.done $0x0  }
0x50: {  	p0 =	sne.s32 s28, $0x1;
	[sflag:s17] =	ssyncadd.s32 $0xFFFFC000  }
.Ltmp0:
0x51: {  	_ =	swait.ge [sflag:s17], $0x4000;
	(pc) =	sbr.rel @!p0 .LBB2_2-.Ltmp0, $4  }
0x52: {  	[sflag:s17] =	ssyncset.done $0x0  }
0x53: {  	[sflag:s17] =	ssyncadd.s32 $0xFFFFC000  }
0x54: {  	_ =	swait.ge [sflag:s17], $0x4000  }
0x55: {  	s28 =	sadd.s32 $0xFFFFFFFF, s28;
	[sflag:s17] =	ssyncset.done $0x0  }
.LBB2_1:
0x56: {  	p0 =	sne.s32 s28, $0x1;
	s28 =	sadd.s32 $0xFFFFFFFF, s28;
	[sflag:s17] =	ssyncadd.s32 $0xFFFFC000  }
0x57: {  	[tilespmem:s2], [sflag:$0x3] =	stream.linear.gather [hbm4b:s3+s2], $0x400, $0x38;
	[tilespmem:$0x10400] =	vst v63  }
0x58: {  	_ =	swait.ge [sflag:s4], $0x400  }
0x59: {  	[sflag:s4] =	ssyncset.done $0x0  }
0x5a: {  	[sflag:s4] =	ssyncadd.s32 $0xFFFFFC00  }
0x5b: {  	[tilespmem:s7], [sflag:$0x1] =	stream.indirect.gather [hbm4b:s5+s6], $0x80, s2, s6, $0xb8;
	[tilespmem:$0x10400] =	vst v63  }
0x5c: {  	_ = 	snop  }
0x5d: {  	[tilespmem:s8], [sflag:$0x1] =	stream.indirect.gather [hbm4b:s5+s6], $0x80, s6, s6, $0xb8;
	[tilespmem:$0x10400] =	vst v63  }
0x5e: {  	_ = 	snop  }
0x5f: {  	[tilespmem:s10], [sflag:$0x1] =	stream.indirect.gather [hbm4b:s5+s6], $0x80, s9, s6, $0xb8;
	[tilespmem:$0x10400] =	vst v63  }
0x60: {  	_ = 	snop  }
0x61: {  	[tilespmem:s12], [sflag:$0x1] =	stream.indirect.gather [hbm4b:s5+s6], $0x80, s11, s6, $0xb8;
	[tilespmem:$0x10400] =	vst v63  }
0x62: {  	_ =	swait.ge [sflag:s13], $0x4000  }
0x63: {  	[sflag:s13] =	ssyncset.done $0x0  }
0x64: {  	[sflag:s13] =	ssyncadd.s32 $0xFFFFC000  }
0x65: {  	_ =	swait.ge [sflag:s13], $0x4000  }
0x66: {  	[sflag:s13] =	ssyncset.done $0x0  }
0x67: {  	[sflag:s13] =	ssyncadd.s32 $0xFFFFC000  }
0x68: {  	_ =	swait.ge [sflag:s13], $0x4000  }
0x69: {  	[sflag:s13] =	ssyncset.done $0x0  }
0x6a: {  	[sflag:s13] =	ssyncadd.s32 $0xFFFFC000  }
0x6b: {  	_ =	swait.ge [sflag:s13], $0x4000  }
0x6c: {  	[sflag:s13] =	ssyncset.done $0x0  }
0x6d: {  	[sflag:s13] =	ssyncadd.s32 $0xFFFFC000  }
0x6e: {  	[hbm4b:s14+s2] =	stream.linear.scatter [tilespmem:s7], [sflag:$0x2], $0x4000, $0x38;
	[tilespmem:$0x10400] =	vst v63  }
0x6f: {  	_ = 	snop  }
0x70: {  	[hbm4b:s15+s2] =	stream.linear.scatter [tilespmem:s8], [sflag:$0x2], $0x4000, $0x38;
	[tilespmem:$0x10400] =	vst v63  }
0x71: {  	_ = 	snop  }
0x72: {  	[hbm4b:s16+s2] =	stream.linear.scatter [tilespmem:s10], [sflag:$0x2], $0x4000, $0x38;
	[tilespmem:$0x10400] =	vst v63  }
0x73: {  	_ = 	snop  }
0x74: {  	[hbm4b:s18+s2] =	stream.linear.scatter [tilespmem:s12], [sflag:$0x2], $0x4000, $0x38;
	[tilespmem:$0x10400] =	vst v63  }
0x75: {  	_ =	swait.ge [sflag:s17], $0x4000  }
0x76: {  	[sflag:s17] =	ssyncset.done $0x0  }
0x77: {  	[sflag:s17] =	ssyncadd.s32 $0xFFFFC000  }
0x78: {  	_ =	swait.ge [sflag:s17], $0x4000  }
0x79: {  	[sflag:s17] =	ssyncset.done $0x0  }
0x7a: {  	[sflag:s17] =	ssyncadd.s32 $0xFFFFC000  }
0x7b: {  	_ =	swait.ge [sflag:s17], $0x4000  }
0x7c: {  	[sflag:s17] =	ssyncset.done $0x0  }
0x7d: {  	[sflag:s17] =	ssyncadd.s32 $0xFFFFC000  }
0x7e: {  	_ =	swait.ge [sflag:s17], $0x4000  }
0x7f: {  	[sflag:s17] =	ssyncset.done $0x0  }
0x80: {  	[sflag:s17] =	ssyncadd.s32 $0xFFFFC000  }
0x81: {  	[tilespmem:s7], [sflag:$0x1] =	stream.indirect.gather [hbm4b:s5+s6], $0x80, s19, s6, $0xb8;
	[tilespmem:$0x10400] =	vst v63  }
0x82: {  	_ = 	snop  }
0x83: {  	[tilespmem:s8], [sflag:$0x1] =	stream.indirect.gather [hbm4b:s5+s6], $0x80, s20, s6, $0xb8;
	[tilespmem:$0x10400] =	vst v63  }
0x84: {  	_ = 	snop  }
0x85: {  	[tilespmem:s10], [sflag:$0x1] =	stream.indirect.gather [hbm4b:s5+s6], $0x80, s21, s6, $0xb8;
	[tilespmem:$0x10400] =	vst v63  }
0x86: {  	_ = 	snop  }
0x87: {  	[tilespmem:s12], [sflag:$0x1] =	stream.indirect.gather [hbm4b:s5+s6], $0x80, s22, s6, $0xb8;
	[tilespmem:$0x10400] =	vst v63  }
0x88: {  	_ =	swait.ge [sflag:s13], $0x4000  }
0x89: {  	[sflag:s13] =	ssyncset.done $0x0  }
0x8a: {  	[sflag:s13] =	ssyncadd.s32 $0xFFFFC000  }
0x8b: {  	_ =	swait.ge [sflag:s13], $0x4000  }
0x8c: {  	[sflag:s13] =	ssyncset.done $0x0  }
0x8d: {  	[sflag:s13] =	ssyncadd.s32 $0xFFFFC000  }
0x8e: {  	_ =	swait.ge [sflag:s13], $0x4000  }
0x8f: {  	[sflag:s13] =	ssyncset.done $0x0  }
0x90: {  	[sflag:s13] =	ssyncadd.s32 $0xFFFFC000  }
0x91: {  	_ =	swait.ge [sflag:s13], $0x4000  }
0x92: {  	[sflag:s13] =	ssyncset.done $0x0  }
0x93: {  	[sflag:s13] =	ssyncadd.s32 $0xFFFFC000  }
0x94: {  	[hbm4b:s23+s2] =	stream.linear.scatter [tilespmem:s7], [sflag:$0x2], $0x4000, $0x38;
	[tilespmem:$0x10400] =	vst v63  }
0x95: {  	_ = 	snop  }
0x96: {  	[hbm4b:s24+s2] =	stream.linear.scatter [tilespmem:s8], [sflag:$0x2], $0x4000, $0x38;
	[tilespmem:$0x10400] =	vst v63  }
0x97: {  	_ = 	snop  }
0x98: {  	[hbm4b:s25+s2] =	stream.linear.scatter [tilespmem:s10], [sflag:$0x2], $0x4000, $0x38;
	[tilespmem:$0x10400] =	vst v63  }
0x99: {  	_ = 	snop  }
0x9a: {  	[hbm4b:s26+s2] =	stream.linear.scatter [tilespmem:s12], [sflag:$0x2], $0x4000, $0x38;
	[tilespmem:$0x10400] =	vst v63  }
0x9b: {  	_ =	swait.ge [sflag:s17], $0x4000  }
0x9c: {  	[sflag:s17] =	ssyncset.done $0x0  }
0x9d: {  	[sflag:s17] =	ssyncadd.s32 $0xFFFFC000  }
0x9e: {  	_ =	swait.ge [sflag:s17], $0x4000  }
0x9f: {  	[sflag:s17] =	ssyncset.done $0x0  }
0xa0: {  	[sflag:s17] =	ssyncadd.s32 $0xFFFFC000  }
.Ltmp1:
0xa1: {  	_ =	swait.ge [sflag:s17], $0x4000;
	(pc) =	sbr.rel @p0 .LBB2_1-.Ltmp1, $4  }
0xa2: {  	[sflag:s17] =	ssyncset.done $0x0  }
0xa3: {  	[sflag:s17] =	ssyncadd.s32 $0xFFFFC000  }
0xa4: {  	_ =	swait.ge [sflag:s17], $0x4000  }
0xa5: {  	[sflag:s17] =	ssyncset.done $0x0  }
.LBB2_2:
0xa6: {  	[sflag:s17] =	ssyncadd.s32 $0xFFFFC000  }
0xa7: {  	_ =	sfence.sel $0x180000  }
0xa8: {  	[bflag:$0x0] =	sbarrier.arrive $0xFFFF  }
0xa9: {  	p0 =	sne.s32 s0, $0x0;
	_ =	strace $0x9000005F  }
0xaa: {  	s0 =	sadd.s32 @!p0 $0x100000, s1;
	[bflag:$0x2] =	sbarrier.arrive $0xFFFF  }
0xab: {  	[sflag:s0] =	ssyncadd.tile.s32 @!p0 $0x1;
	_ =	shalt  }
.Lfunc_end2:
_tile_overlayer_lowered:
.L_overlay_start_2:
0xac: {  	(tag) =	ssettag $0x2  }
0xad: {  	s0 =	rddreg [dreg:$0x0];
	s2 =	stileid.u32  }
0xae: {  	s1 =	rddreg [dreg:$0x1];
	p0 =	sne.s32 s2, $0x0  }
0xaf: {  	s3 =	rddreg [dreg:$0x2];
	[bflag:$0x3] =	sbarrier.arrive $0xFFFF;
	s2 =	simm.s32 @!p0 $0x1C03  }
0xb0: {  	[timem:s3], [sflag:s2] =	dma.local @!p0 [hbm:s0], s1  }
0xb1: {  	s0 =	simm.s32 @!p0 $0x3  }
0xb2: {  	_ =	swait.ge @!p0 [sflag:s0], s1  }
0xb3: {  	s1 =	ssub.s32 @!p0 $0x0, s1;
	[sflag:s0] =	ssyncset.done @!p0 $0x0  }
0xb4: {  	[sflag:s0] =	ssyncadd.s32 @!p0 s1  }
0xb5: {  	[bflag:$0x3] =	sbarrier.arrive $0xFFFF  }
0xb6: {  	_ =	shalt  }

// kernel: scatter_offload_async_start.1
scs
__scs_entry_jumppad:
0x0: {  	(pc) =	sbr.rel $0x88, $3  }
0x1: {  	(tag) =	ssettag $0x0;
	lr =	simm.s32 $0x1  }
0x2: {  	[smem:$0x3F8A] =	sst lr;
	_ =	strace $0xD0000000  }
0x3: {  	_ = 	snop  }
0x4: {  	_ = 	snop  }
0x5: {  	_ = 	snop  }
0x6: {  	_ = 	snop  }
0x7: {  	_ = 	snop  }
__scs_overlays_trampoline_lowered:
0x8: {  	[smem:$0x3F99] =	sst s0  }
0x9: {  	[smem:$0x3F9A] =	sst s1  }
0xa: {  	[smem:$0x3F9B] =	sst s2  }
0xb: {  	[smem:$0x3F9C] =	sst s3  }
0xc: {  	[smem:$0x3F9D] =	sst s4  }
0xd: {  	[smem:$0x3F9E] =	sst s5  }
0xe: {  	[smem:$0x3F9F] =	sst s6  }
0xf: {  	[smem:$0x3FA0] =	sst s7  }
0x10: {  	[smem:$0x3FA1] =	sst s8  }
0x11: {  	[smem:$0x3FA2] =	sst s9;
	s0 =	simm.s32 @!p0 $0x0  }
0x12: {  	s1 =	sld [smem:$0x3F88];
	s0 =	simm.s32 @p0 $0x1  }
0x13: {  	[smem:$0x3FA3] =	sst s0;
	s0 =	simm.s32 @!p1 $0x0  }
0x14: {  	s2 =	sld [smem:$0x3F87];
	s0 =	simm.s32 @p1 $0x1  }
0x15: {  	[smem:$0x3FA4] =	sst s0;
	s0 =	simm.s32 @!p2 $0x0  }
0x16: {  	s3 =	sld [smem:$0x3FDB];
	s0 =	simm.s32 @p2 $0x1  }
0x17: {  	s4 =	simm.s32 $0x1BF5;
	[smem:$0x3FA6] =	sst s0  }
0x18: {  	s0 =	sld [smem:$0x3F89];
	_ =	swait.ge [sflag:s4], $0x0  }
0x19: {  	s7 =	sld [smem:$0x3F8A]  }
0x1a: {  	s8 =	sadd.s32 $0xFFFFE003, lr  }
0x1b: {  	s9 =	sadd.s32 $0xFFFFFEF7, lr;
	s5 =	simm.s32 $0xFFFFFFFF;
	p2 =	slt.u32 s8, $0xFFFFF086  }
0x1c: {  	p1 =	slt.u32 s9, $0xF7A;
	s5 =	simm.s32 @!p2 $0x0  }
0x1d: {  	s5 =	simm.s32 @p1 $0x1;
	p0 =	seq.s32 s7, s2  }
0x1e: {  	s7 =	smul.u32 @!p0 $0xF7A, s2;
	p2 =	seq.s32 @!p0 s5, $0x0  }
0x1f: {  	s9 =	smul.u32 $0xF7A, s1;
	s8 =	simm.s32 @!p0 $0x1BF5;
	p2 =	por !p2, p0  }
0x20: {  	[sflag:s8] =	ssyncset.s32 @!p0 $0xFFFFF086;
	s6 =	sadd.s32 @!p0 s3, s7;
	s7 =	simm.s32 @!p0 $0x108  }
0x21: {  	s3 =	sadd.s32 s3, s9;
	s6 =	sadd.s32 @!p0 $0x88, s6;
	s7 =	simm.s32 @p2 $0x1082  }
0x22: {  	[simem:s7], [sflag:s8] =	dma.local @!p0 [hbm:s6], $0xF7A  }
0x23: {  	s9 =	sor.u32 $0xD0000000, s2;
	s6 =	simm.s32 $0x108;
	_ =	swait.ge @!p0 [sflag:s8], $0x0  }
0x24: {  	s3 =	sadd.s32 $0x88, s3;
	s6 =	simm.s32 @!p1 $0x1082;
	[sflag:s4] =	ssyncset.s32 $0xFFFFF086  }
0x25: {  	[simem:s6], [sflag:s4] =	dma.local [hbm:s3], $0xF7A  }
0x26: {  	[smem:$0x3F8A] =	sst s1;
	(tag) =	ssettag s2;
	_ =	strace s9  }
0x27: {  	s1 =	sld [smem:$0x3F9A]  }
0x28: {  	s2 =	sld [smem:$0x3F9B]  }
0x29: {  	s4 =	sld [smem:$0x3F9D]  }
0x2a: {  	p0 =	seq.s32 s5, $0x0;
	s5 =	sld [smem:$0x3F9E]  }
0x2b: {  	s6 =	sld [smem:$0x3F9F]  }
0x2c: {  	s7 =	sld [smem:$0x3FA0]  }
0x2d: {  	s3 =	simm.s32 $0x108;
	s8 =	sld [smem:$0x3FA1]  }
0x2e: {  	s3 =	simm.s32 @!p0 $0x1082;
	s9 =	sld [smem:$0x3FA2]  }
0x2f: {  	lr =	sadd.s32 s0, s3;
	s0 =	sld [smem:$0x3F99]  }
0x30: {  	s3 =	sld [smem:$0x3F9C]  }
0x31: {  	[smem:$0x3FA5] =	sst s10  }
0x32: {  	s10 =	sld [smem:$0x3FA3];
	_ =	sdelay $0x3  }
0x33: {  	p0 =	seq.s32 s10, $0x1;
	s10 =	sld [smem:$0x3FA5];
	_ =	sdelay $0x3  }
0x34: {  	[smem:$0x3FA5] =	sst s10  }
0x35: {  	s10 =	sld [smem:$0x3FA4];
	_ =	sdelay $0x3  }
0x36: {  	p1 =	seq.s32 s10, $0x1;
	s10 =	sld [smem:$0x3FA5];
	_ =	sdelay $0x3  }
0x37: {  	[smem:$0x3FA5] =	sst s10  }
0x38: {  	s10 =	sld [smem:$0x3FA6]  }
0x39: {  	_ = 	snop;
	(pc) =	sbr.ind lr, $3  }
0x3a: {  	_ = 	snop  }
0x3b: {  	_ = 	snop  }
0x3c: {  	p2 =	seq.s32 s10, $0x1;
	s10 =	sld [smem:$0x3FA5]  }
0x3d: {  	_ =	shalt  }
0x3e: {  	_ =	shalt  }
0x3f: {  	_ =	shalt  }
0x40: {  	_ =	shalt  }
0x41: {  	_ =	shalt  }
0x42: {  	_ =	shalt  }
0x43: {  	_ =	shalt  }
0x44: {  	_ =	shalt  }
0x45: {  	_ =	shalt  }
0x46: {  	_ =	shalt  }
0x47: {  	_ =	shalt  }
0x48: {  	_ =	shalt  }
0x49: {  	_ =	shalt  }
0x4a: {  	_ =	shalt  }
0x4b: {  	_ =	shalt  }
0x4c: {  	_ =	shalt  }
0x4d: {  	_ =	shalt  }
0x4e: {  	_ =	shalt  }
0x4f: {  	_ =	shalt  }
0x50: {  	_ =	shalt  }
0x51: {  	_ =	shalt  }
0x52: {  	_ =	shalt  }
0x53: {  	_ =	shalt  }
0x54: {  	_ =	shalt  }
0x55: {  	_ =	shalt  }
0x56: {  	_ =	shalt  }
0x57: {  	_ =	shalt  }
0x58: {  	_ =	shalt  }
0x59: {  	_ =	shalt  }
0x5a: {  	_ =	shalt  }
0x5b: {  	_ =	shalt  }
0x5c: {  	_ =	shalt  }
0x5d: {  	_ =	shalt  }
0x5e: {  	_ =	shalt  }
0x5f: {  	_ =	shalt  }
0x60: {  	_ =	shalt  }
0x61: {  	_ =	shalt  }
0x62: {  	_ =	shalt  }
0x63: {  	_ =	shalt  }
0x64: {  	_ =	shalt  }
0x65: {  	_ =	shalt  }
0x66: {  	_ =	shalt  }
0x67: {  	_ =	shalt  }
0x68: {  	_ =	shalt  }
0x69: {  	_ =	shalt  }
0x6a: {  	_ =	shalt  }
0x6b: {  	_ =	shalt  }
0x6c: {  	_ =	shalt  }
0x6d: {  	_ =	shalt  }
0x6e: {  	_ =	shalt  }
0x6f: {  	_ =	shalt  }
0x70: {  	_ =	shalt  }
0x71: {  	_ =	shalt  }
0x72: {  	_ =	shalt  }
0x73: {  	_ =	shalt  }
0x74: {  	_ =	shalt  }
0x75: {  	_ =	shalt  }
0x76: {  	_ =	shalt  }
0x77: {  	_ =	shalt  }
0x78: {  	_ =	shalt  }
0x79: {  	_ =	shalt  }
0x7a: {  	_ =	shalt  }
0x7b: {  	_ =	shalt  }
0x7c: {  	_ =	shalt  }
0x7d: {  	_ =	shalt  }
0x7e: {  	_ =	shalt  }
0x7f: {  	_ =	shalt  }
0x80: {  	_ =	shalt  }
0x81: {  	_ =	shalt  }
0x82: {  	_ =	shalt  }
0x83: {  	_ =	shalt  }
0x84: {  	_ =	shalt  }
0x85: {  	_ =	shalt  }
0x86: {  	_ =	shalt  }
0x87: {  	_ =	shalt  }
.Lfunc_end0:
.L_simem_size_0:
called_computation.1_lowered:
.L_overlay_start_0:
0x88: {  	s0 =	sld [smem:$0x3FD9]  }
0x89: {  	s1 =	sld [smem:$0x3FFE];
	_ =	sdelay $0x3  }
0x8a: {  	s0 =	sadd.s32 s1, s0  }
0x8b: {  	[smem:$0x3FB1] =	sst s0  }
0x8c: {  	_ = 	snop  }
0x8d: {  	s0 =	sld [smem:$0x3FD0];
	_ =	sdelay $0x2  }
0x8e: {  	s12 =	simm.s32 $0xC;
	s2 =	simm.s32 $0x10  }
0x8f: {  	[smem:s2], [sflag:s12] =	dma.local [hbm:s0], $0x1  }
0x90: {  	_ =	swait.eq [sflag:s12], $0x1  }
0x91: {  	[sflag:s12] =	ssyncset.done $0x0  }
0x92: {  	[sflag:s12] =	ssyncadd.s32 $0xFFFFFFFF  }
0x93: {  	s13 =	sld [smem:$0x10];
	(tm) =	ssettm $0x1  }
0x94: {  	s14 =	sld [smem:$0x3FFB];
	_ =	sdelay $0x3  }
0x95: {  	_ =	strace s14  }
0x96: {  	s0 =	sld [smem:$0x3FFC];
	_ =	sdelay $0x3  }
0x97: {  	_ =	strace s0  }
0x98: {  	s0 =	sld [smem:$0x3FFD];
	_ =	sdelay $0x3  }
0x99: {  	_ =	strace s0  }
0x9a: {  	_ =	strace $0x8FFFFFFF  }
0x9b: {  	s15 =	sld [smem:$0x3FDB];
	_ =	sdelay $0x1  }
0x9c: {  	s16 =	simm.s32 $_scs_section_size  }
0x9d: {  	s3 =	simm.s32 $_size__tile_overlayer_lowered;
	s4 =	simm.s32 $_tile_overlayer_lowered  }
0x9e: {  	s5 =	simm.s32 $0x1BFF;
	s17 =	sshll.u32 s4, $0x1;
	s2 =	sadd.s32 s16, s15  }
0x9f: {  	s18 =	simm.s32 $0x0;
	s3 =	sshll.u32 s3, $0x1;
	s4 =	sadd.s32 s17, s2  }
0xa0: {  	[timem:s18], [sflag:s5] =	dma.local [hbm:s4], s3  }
0xa1: {  	_ =	swait.ge [sflag:s5], s3  }
0xa2: {  	s3 =	ssub.s32 $0x0, s3;
	[sflag:s5] =	ssyncset.done $0x0  }
0xa3: {  	[sflag:s5] =	ssyncadd.s32 s3;
	_ =	sdelay $0x1  }
0xa4: {  	s19 =	simm.s32 $0x1B8B  }
0xa5: {  	_ =	swait.ge [sflag:s19], $0x1  }
0xa6: {  	[sflag:s19] =	ssyncset.done $0x0  }
0xa7: {  	s21 =	simm.s32 $0x1B8E;
	s20 =	sld [smem:$0x3FFE];
	[sflag:s19] =	ssyncadd.s32 $0xFFFFFFFF  }
0xa8: {  	s22 =	simm.s32 $execute0_lowered;
	[smem:$0x3FD2] =	sst s21  }
0xa9: {  	s4 =	sshll.u32 s22, $0x1;
	_ =	strace $0x8000004C;
	[dreg:$0x1] =	wrdreg $0xFFFFFFFF  }
0xaa: {  	s23 =	simm.s32 $_size_execute0_lowered;
	s4 =	sadd.s32 s2, s4;
	[dreg:$0x0] =	wrdreg $0x0  }
0xab: {  	s5 =	sshll.u32 s23, $0x1;
	[dreg:$0x2] =	wrdreg s4  }
0xac: {  	[dreg:$0x3] =	wrdreg s5  }
0xad: {  	[dreg:$0x4] =	wrdreg $0xC0  }
0xae: {  	s24 =	simm.s32 $execute1_lowered;
	_ =	task [dreg:s18], $0x5FFFF  }
0xaf: {  	s4 =	sshll.u32 s24, $0x1;
	[dreg:$0x1] =	wrdreg $0xFFFFFFFF  }
0xb0: {  	s2 =	sadd.s32 s2, s4;
	[dreg:$0x0] =	wrdreg $0x60  }
0xb1: {  	[dreg:$0x2] =	wrdreg s2  }
0xb2: {  	[dreg:$0x3] =	wrdreg s20  }
0xb3: {  	[dreg:$0x4] =	wrdreg $0x9  }
0xb4: {  	_ =	task.clear_ibuf [dreg:s18], $0x5FFFF;
	_ =	strace $0x9000004C  }
0xb5: {  	s25 =	simm.s32 $0x9;
	_ =	strace $0x8000004E  }
0xb6: {  	_ =	swait.ge [sflag:s25], $0x1  }
0xb7: {  	[sflag:s25] =	ssyncadd.s32 $0xFFFFFFFF  }
0xb8: {  	_ =	strace $0x9000004E  }
0xb9: {  	_ =	strace $0x8000004F;
	[dreg:$0x1] =	wrdreg $0xFFFFFFFF  }
0xba: {  	[dreg:$0x0] =	wrdreg $0x2030  }
0xbb: {  	[dreg:$0x2] =	wrdreg s20  }
0xbc: {  	[dreg:$0x3] =	wrdreg s13  }
0xbd: {  	[dreg:$0x4] =	wrdreg $0xA  }
0xbe: {  	_ =	task.clear_ibuf [dreg:s18], $0x5FFFF;
	_ =	strace $0x9000004F  }
0xbf: {  	s26 =	simm.s32 $0xA;
	_ =	strace $0x80000051  }
0xc0: {  	_ =	swait.ge [sflag:s26], $0x1  }
0xc1: {  	[sflag:s26] =	ssyncadd.s32 $0xFFFFFFFF  }
0xc2: {  	_ =	strace $0x90000051  }
0xc3: {  	_ =	sfence  }
0xc4: {  	s28 =	sld [smem:$0x0];
	_ =	sdelay $0x1  }
0xc5: {  	s29 =	srdreg.scid  }
0xc6: {  	s30 =	sshll.u32 s29, $0xD;
	s31 =	sshrl.u32 s29, $0x2  }
0xc7: {  	s3 =	sand.u32 $0x4000, s30;
	s2 =	sand.u32 $0x1, s29;
	s1 =	sadd.s32 s31, s28  }
0xc8: {  	s2 =	sor.u32 s3, s2;
	s1 =	sshll.u32 s1, $0x11  }
0xc9: {  	s1 =	sor.u32 s1, s2  }
0xca: {  	s1 =	sadd.s32 $0x8F2B, s1  }
0xcb: {  	[sflag:s1] =	ssyncadd.remote.s32 $0x1  }
0xcc: {  	_ =	sfence.sel $0xFFFF  }
0xcd: {  	[dreg:$0x0] =	wrdreg $0xFFFFFFFF;
	(pc) =	sbr.abs _section_cstart, $3  }
0xce: {  	[dreg:$0x1] =	wrdreg $0xFFFFFFFF  }
0xcf: {  	_ =	task.clear_ibuf [dreg:s18], $0x2FFFF;
	_ =	strace $0x9FFFFFFF  }
0xd0: {  	(tm) =	ssettm $0x7FFFFFFF  }
0xd1: {  	_ =	shalt  }
tec
execute0_lowered:
.L_overlay_start_1:
0x0: {  	(tag) =	ssettag $0x1  }
0x1: {  	s2 =	rddreg [dreg:$0x0]  }
0x2: {  	s8 =	rddreg [dreg:$0x1]  }
0x3: {  	s0 =	rddreg [dreg:$0x2];
	s3 =	stileid.u32  }
0x4: {  	[bflag:$0x3] =	sbarrier.arrive $0xFFFF;
	s1 =	simm.s32 $_size_execute1_lowered;
	p0 =	sne.s32 s3, $0x0  }
0x5: {  	s1 =	sshll.u32 s1, $0x1;
	s4 =	simm.s32 @!p0 $0x1C3F;
	s5 =	simm.s32 @!p0 $0x4060  }
0x6: {  	[timem:s5], [sflag:s4] =	dma.local @!p0 [hbm:s2], s1  }
0x7: {  	s4 =	sshll.u32 s3, $0x6  }
0x8: {  	s5 =	ssub.s32 $0x201, s4  }
0x9: {  	s6 =	sshll.u32 s3, $0x3;
	p1 =	sgt.s32 s5, $0x0  }
0xa: {  	s6 =	sadd.s32 s6, s8;
	s5 =	simm.s32 @!p1 $0x0  }
0xb: {  	s2 =	simm.s32 $0x1;
	s3 =	simm.s32 $0x2;
	s5 =	sand.u32 $0x3C1, s5  }
0xc: {  	_ =	strace $0x8000004D;
	p2 =	sne.s32 s5, $0x0;
	s5 =	simm.s32 $0x1  }
0xd: {  	s6 =	sadd.s32 $0x18A00, s6;
	[sflag:s2] =	ssyncpa.u1 $0x0;
	s5 =	simm.s32 @!p2 $0x0  }
0xe: {  	[sflag:s3] =	ssyncpa.u1 $0x0;
	p3 =	sle.u32 s5, $0x0;
	p1 =	sle.u32 s5, $0xFFFFFFFF  }
0xf: {  	s7 =	simm.s32 @!p3 $0x0;
	s9 =	simm.s32 @!p3 $0x40;
	s10 =	simm.s32 @!p1 $0x1  }
0x10: {  	[tilespmem:s9], [sflag:$0x1] =	stream.linear.gather @!p3 [hbm4b:s6+s7], $0x40, $0x38;
	[tilespmem:$0x100] =	vst v63  }
0x11: {  	_ =	swait.ge @!p1 [sflag:s10], $0x40  }
0x12: {  	s7 =	simm.s32 $0x0;
	[sflag:s10] =	ssyncset.done @!p1 $0x0  }
0x13: {  	s12 =	sand.u32 @!p1 $0x40, s7;
	[sflag:s10] =	ssyncadd.s32 @!p1 $0xFFFFFFC0  }
0x14: {  	s9 =	simm.s32 $0x3;
	v0 =	vld @!p1 [tilespmem:s12+$0x30]  }
0x15: {  	s9 =	simm.s32 @!p2 $0x2  }
0x16: {  	p3 =	sne.s32 s9, $0x1;
	v2 =	vld @!p1 [tilespmem:s12+$0x0]  }
.Ltmp0:
0x17: {  	_ = 	snop;
	(pc) =	sbr.rel @!p3 .LBB2_2-.Ltmp0, $4  }
0x18: {  	v1 =	vld @!p1 [tilespmem:s12+$0x20]  }
0x19: {  	p6 =	por $0x1, $0x1;
	s8 =	sadd.s32 $0x18C00, s8;
	[tilespmem:s12+$0xB0] =	vst @!p1 v0;
	v0 =	vld @!p1 [tilespmem:s12+$0x10]  }
0x1a: {  	s11 =	sadd.s32 @!p1 $0x0, s8;
	s13 =	simm.s32 @!p1 $0x0;
	p2 =	por p6, p6  }
0x1b: {  	s14 =	sor.u32 @!p1 $0x80, s12;
	s15 =	simm.s32 @!p2 $0x2;
	s10 =	simm.s32 $0x1;
	[tilespmem:s12+$0x80] =	vst @!p1 v2  }
.LBB2_1:
0x1c: {  	p4 =	slt.u32 s10, $0x2  }
0x1d: {  	[tilespmem:s12+$0xA0] =	vst @!p1 v1;
	s7 =	sadd.s32 $0x40, s7;
	s16 =	smov.u32 s10;
	s10 =	sadd.s32 $0x1, s10  }
0x1e: {  	p5 =	sge.u32 s16, s5;
	s16 =	sadd.s32 $0xFFFFFFFF, s16;
	p3 =	sne.s32 s10, s9;
	[tilespmem:s12+$0x90] =	vst @!p1 v0  }
0x1f: {  	[hbm4b:s11+s13] =	stream.linear.scatter @!p1 [tilespmem:s14], [sflag:$0x2], $0x40, $0x38;
	[tilespmem:$0x100] =	vst v63  }
0x20: {  	s11 =	simm.s32 @!p5 $0x0;
	s12 =	simm.s32 @!p5 $0x40;
	_ =	swait.ge @!p2 [sflag:s15], $0x40  }
0x21: {  	p1 =	sge.u32 s16, s5;
	[sflag:s15] =	ssyncset.done @!p2 $0x0  }
0x22: {  	s14 =	simm.s32 @!p1 $0x1;
	s13 =	sshrl.u32 @!p1 s4, $0x3;
	[sflag:s15] =	ssyncadd.s32 @!p2 $0xFFFFFFC0  }
0x23: {  	[tilespmem:s12], [sflag:$0x1] =	stream.linear.gather @!p5 [hbm4b:s6+s11], $0x40, $0x38;
	[tilespmem:$0x100] =	vst v63  }
0x24: {  	s11 =	sadd.s32 @!p1 s8, s13;
	s13 =	simm.s32 @!p1 $0x0;
	_ =	swait.ge @!p1 [sflag:s14], $0x40  }
0x25: {  	p2 =	por p4, p4;
	[sflag:s14] =	ssyncset.done @!p1 $0x0  }
0x26: {  	s12 =	sand.u32 @!p1 $0x40, s7;
	[sflag:s14] =	ssyncadd.s32 @!p1 $0xFFFFFFC0  }
0x27: {  	s14 =	sor.u32 @!p1 $0x80, s12;
	v2 =	vld @!p1 [tilespmem:s12+$0x30]  }
0x28: {  	v3 =	vld @!p1 [tilespmem:s12+$0x0]  }
.Ltmp1:
0x29: {  	v1 =	vld @!p1 [tilespmem:s12+$0x20];
	(pc) =	sbr.rel @p3 .LBB2_1-.Ltmp1, $3  }
0x2a: {  	v0 =	vld @!p1 [tilespmem:s12+$0x10];
	_ =	sdelay $0x1  }
0x2b: {  	[tilespmem:s12+$0xB0] =	vst @!p1 v2  }
0x2c: {  	s15 =	simm.s32 @!p2 $0x2;
	[tilespmem:s12+$0x80] =	vst @!p1 v3  }
.LBB2_2:
0x2d: {  	_ = 	snop  }
0x2e: {  	[tilespmem:s12+$0xA0] =	vst @!p1 v1  }
0x2f: {  	[tilespmem:s12+$0x90] =	vst @!p1 v0  }
0x30: {  	[hbm4b:s11+s13] =	stream.linear.scatter @!p1 [tilespmem:s14], [sflag:$0x2], $0x40, $0x38;
	[tilespmem:$0x100] =	vst v63  }
0x31: {  	_ =	swait.ge @!p2 [sflag:s15], $0x40  }
0x32: {  	[sflag:s15] =	ssyncset.done @!p2 $0x0  }
0x33: {  	[sflag:s15] =	ssyncadd.s32 @!p2 $0xFFFFFFC0  }
0x34: {  	_ =	sfence.sel $0x180000  }
0x35: {  	[bflag:$0x0] =	sbarrier.arrive $0xFFFF  }
0x36: {  	[sflag:s2] =	ssyncpa.u1 $0x1  }
0x37: {  	[sflag:s3] =	ssyncpa.u1 $0x1  }
0x38: {  	_ =	strace $0x9000004D  }
0x39: {  	s0 =	sadd.s32 @!p0 $0x100000, s0;
	[bflag:$0x2] =	sbarrier.arrive $0xFFFF  }
0x3a: {  	[sflag:s0] =	ssyncadd.tile.s32 @!p0 $0x1;
	s0 =	simm.s32 @!p0 $0x3F  }
0x3b: {  	_ =	swait.ge @!p0 [sflag:s0], s1  }
0x3c: {  	s1 =	ssub.s32 @!p0 $0x0, s1;
	[sflag:s0] =	ssyncset.done @!p0 $0x0  }
0x3d: {  	[sflag:s0] =	ssyncadd.s32 @!p0 s1  }
0x3e: {  	[bflag:$0x3] =	sbarrier.arrive $0xFFFF  }
0x3f: {  	_ =	shalt  }
.Lfunc_end2:
execute1_lowered:
.L_overlay_start_2:
0x40: {  	(tag) =	ssettag $0x2  }
0x41: {  	s7 =	rddreg [dreg:$0x0]  }
0x42: {  	s2 =	rddreg [dreg:$0x1]  }
0x43: {  	s0 =	rddreg [dreg:$0x2]  }
0x44: {  	_ =	strace $0x80000050;
	s4 =	stileid.u32;
	s5 =	simm.s32 $0x3E  }
0x45: {  	s1 =	sadd.s32 $0x18C00, s7;
	p0 =	sne.s32 s4, $0x0;
	[sflag:s5] =	ssyncpa.u1 $0x0  }
0x46: {  	s30 =	smin.u32 s4, $0x9;
	s3 =	simm.s32 @!p0 $0x1C3E;
	s6 =	simm.s32 @!p0 $0x0  }
0x47: {  	[spmem:s6], [sflag:s3] =	dma.local @!p0 [hbm:s1], $0x80  }
0x48: {  	s3 =	sadd.s32 s4, s30  }
0x49: {  	p1 =	slt.u32 s4, $0x9;
	s4 =	simm.s32 $0x320;
	s3 =	smul.u32 $0x190, s3  }
0x4a: {  	s4 =	simm.s32 @!p1 $0x190  }
0x4b: {  	s4 =	sadd.s32 s4, s3  }
0x4c: {  	s4 =	smin.u32 s4, $0x2710  }
0x4d: {  	s8 =	ssub.s32 s4, s3  }
0x4e: {  	p1 =	sgt.s32 s8, $0x0  }
0x4f: {  	s8 =	simm.s32 @!p1 $0x0  }
0x50: {  	s9 =	sand.u32 $0xFFF0, s8  }
0x51: {  	s9 =	sshrl.u32 s9, $0x4  }
0x52: {  	s6 =	simm.s32 @!p0 $0x3E;
	s31 =	smul.u32 $0xA3E, s9  }
0x53: {  	_ =	swait.ge @!p0 [sflag:s6], $0x80  }
0x54: {  	[sflag:s6] =	ssyncset.done @!p0 $0x0;
	s9 =	sshrl.u32 s31, $0x10  }
0x55: {  	s11 =	simm.s32 $0x0;
	[sflag:s6] =	ssyncadd.s32 @!p0 $0xFFFFFF80;
	s10 =	smul.u32 $0x190, s9  }
.Ltmp2:
0x56: {  	s7 =	sadd.s32 $0x16E00, s7;
	[bflag:$0x0] =	sbarrier.arrive $0xFFFF;
	(pc) =	sbr.rel .LBB3_1-.Ltmp2, $4  }
0x57: {  	s6 =	simm.s32 $0x2;
	[sflag:s5] =	ssyncpa.u1 $0x1;
	s5 =	simm.s32 $0x1  }
0x58: {  	[sflag:s5] =	ssyncpa.u1 $0x0;
	p1 =	sne.s32 s8, s10;
	s8 =	simm.s32 $0x1  }
0x59: {  	(ifvalue) =	ssetifvalue $0x400;
	[sflag:s6] =	ssyncpa.u1 $0x0;
	s8 =	simm.s32 @!p1 $0x0  }
0x5a: {  	vm0 =	vmmov $0xffff;
	s10 =	smov.u32 s3;
	s8 =	sadd.s32 s9, s8;
	s9 =	simm.s32 $0x0  }
.LBB3_5:
0x5b: {  	p2 =	sne.s32 s11, s8  }
.Ltmp3:
0x5c: {  	_ = 	snop;
	(pc) =	sbr.rel @!p2 .LBB3_6-.Ltmp3, $4  }
0x5d: {  	_ = 	snop  }
0x5e: {  	s12 =	sadd.s32 $0x190, s10  }
0x5f: {  	s10 =	smov.u32 s3;
	s13 =	sadd.s32 $0x1, s11;
	p1 =	slt.s32 s12, s4  }
0x60: {  	s11 =	smov.u32 s13;
	s10 =	smov.u32 @p1 s12  }
.LBB3_1:
0x61: {  	p1 =	sge.u32 s11, s8  }
0x62: {  	s12 =	sxor.u32 @!p1 $0xFFFFFFFF, s11  }
0x63: {  	s12 =	sand.u32 @!p1 $0x1, s12  }
0x64: {  	s12 =	smul.u32 @!p1 $0x190, s12  }
0x65: {  	s13 =	sshrl.u32 @!p1 s10, $0x3  }
0x66: {  	s16 =	sand.u32 @!p1 $0x7, s10;
	s14 =	sadd.s32 @!p1 s7, s13;
	s15 =	sadd.s32 @!p1 $0x40, s12  }
0x67: {  	[tilespmem:s15], [sflag:$0x2] =	stream.linear.gather @!p1 [hbm4b:s14+s16], $0x190, $0x38;
	[tilespmem:$0x680] =	vst v63  }
0x68: {  	s13 =	sadd.s32 @!p1 s2, s13;
	s12 =	sadd.s32 @!p1 $0x360, s12  }
0x69: {  	[tilespmem:s12], [sflag:$0x2] =	stream.linear.gather @!p1 [hbm4b:s13+s16], $0x190, $0x38;
	[tilespmem:$0x680] =	vst v63  }
0x6a: {  	p1 =	seq.s32 s11, $0x0  }
.Ltmp4:
0x6b: {  	_ = 	snop;
	(pc) =	sbr.rel @p1 .LBB3_5-.Ltmp4, $1  }
0x6c: {  	_ =	sdelay $0x3  }
0x6d: {  	s12 =	sand.u32 $0x1, s11  }
0x6e: {  	_ =	swait.ge [sflag:s6], $0x320;
	p1 =	seq.s32 s12, $0x1;
	s12 =	simm.s32 $0x190  }
0x6f: {  	[sflag:s6] =	ssyncset.done $0x0;
	s12 =	simm.s32 @!p1 $0x0  }
0x70: {  	[sflag:s6] =	ssyncadd.s32 $0xFFFFFCE0;
	s14 =	sor.u32 $0x40, s12  }
0x71: {  	v0 =	vld.msk [tilespmem:s14+$0x0 ss:$0x1], $0xffff;
	_ =	sdelay $0x4  }
0x72: {  	v0 =	vmin.u32 v0, $0x400;
	_ =	sdelay $0x3  }
0x73: {  	s13 =	simm.s32 $0x0;
	s12 =	sadd.s32 $0x360, s12;
	s14 =	sadd.s32 $0x10, s14  }
0x74: {  	[spmem:s9] =	stream.indirect_vreg.scatter.add.s32 [tilespmem:s12], [sflag:$0x1], $0x1, v0, vm0, $0x4038;
	[tilespmem:$0x680] =	vst v63  }
.LBB3_3:
0x75: {  	v0 =	vld.msk [tilespmem:s14+$0x0 ss:$0x1], $0xffff;
	s13 =	sadd.s32 $0x10, s13  }
0x76: {  	p1 =	slt.u32 s13, $0x180;
	_ =	sdelay $0x4  }
0x77: {  	v0 =	vmin.u32 v0, $0x400  }
.Ltmp5:
0x78: {  	(pc) =	sbr.rel @p1 .LBB3_3-.Ltmp5, $3  }
0x79: {  	_ =	sdelay $0x1  }
0x7a: {  	s14 =	sadd.s32 $0x10, s14;
	s12 =	sadd.s32 $0x10, s12  }
0x7b: {  	[spmem:s9] =	stream.indirect_vreg.scatter.add.s32 [tilespmem:s12], [sflag:$0x1], $0x1, v0, vm0, $0x4038;
	[tilespmem:$0x680] =	vst v63  }
.Ltmp6:
0x7c: {  	(pc) =	sbr.rel .LBB3_5-.Ltmp6, $4  }
0x7d: {  	_ = 	snop  }
0x7e: {  	_ =	swait.ge [sflag:s5], $0x190  }
0x7f: {  	[sflag:s5] =	ssyncset.done $0x0  }
0x80: {  	[sflag:s5] =	ssyncadd.s32 $0xFFFFFE70  }
.LBB3_6:
0x81: {  	_ =	sfence.sel $0x180000  }
0x82: {  	s2 =	simm.s32 $0x2;
	[bflag:$0x0] =	sbarrier.arrive $0xFFFF  }
0x83: {  	s30 =	simm.s32 $0x1;
	[sflag:s2] =	ssyncpa.u1 $0x1  }
0x84: {  	[sflag:s30] =	ssyncpa.u1 $0x1  }
0x85: {  	_ =	sfence.stream.spmem  }
0x86: {  	s31 =	simm.s32 $0x3D;
	[bflag:$0x0] =	sbarrier.arrive $0xFFFF  }
0x87: {  	s2 =	simm.s32 @p0 $0x3D;
	[sflag:s31] =	ssyncpa.u1 $0x0  }
0x88: {  	[sflag:s2] =	ssyncpa.u1 @p0 $0x1  }
0x89: {  	[bflag:$0x0] =	sbarrier.arrive @p0 $0xFFFF  }
0x8a: {  	_ =	strace @p0 $0x90000050  }
0x8b: {  	s3 =	simm.s32 @!p0 $0x1C3D;
	s2 =	simm.s32 @!p0 $0x0;
	[bflag:$0x2] =	sbarrier.arrive @p0 $0xFFFF  }
0x8c: {  	[hbm:s1], [sflag:s3] =	dma.local @!p0 [spmem:s2], $0x80  }
0x8d: {  	s1 =	simm.s32 @!p0 $0x3D  }
0x8e: {  	_ =	swait.ge @!p0 [sflag:s1], $0x80  }
0x8f: {  	[sflag:s1] =	ssyncset.done @!p0 $0x0  }
0x90: {  	[sflag:s1] =	ssyncadd.s32 @!p0 $0xFFFFFF80  }
0x91: {  	[sflag:s1] =	ssyncpa.u1 @!p0 $0x1  }
0x92: {  	[bflag:$0x0] =	sbarrier.arrive @!p0 $0xFFFF  }
0x93: {  	_ =	strace @!p0 $0x90000050  }
0x94: {  	s0 =	sadd.s32 @!p0 $0x100000, s0;
	[bflag:$0x2] =	sbarrier.arrive @!p0 $0xFFFF  }
0x95: {  	[sflag:s0] =	ssyncadd.tile.s32 @!p0 $0x1;
	_ =	shalt  }
.Lfunc_end3:
_tile_overlayer_lowered:
.L_overlay_start_3:
0x96: {  	(tag) =	ssettag $0x3  }
0x97: {  	s0 =	rddreg [dreg:$0x0];
	s2 =	stileid.u32  }
0x98: {  	s1 =	rddreg [dreg:$0x1];
	p0 =	sne.s32 s2, $0x0  }
0x99: {  	s3 =	rddreg [dreg:$0x2];
	[bflag:$0x3] =	sbarrier.arrive $0xFFFF;
	s2 =	simm.s32 @!p0 $0x1C01  }
0x9a: {  	[timem:s3], [sflag:s2] =	dma.local @!p0 [hbm:s0], s1  }
0x9b: {  	s0 =	simm.s32 @!p0 $0x1  }
0x9c: {  	_ =	swait.ge @!p0 [sflag:s0], s1  }
0x9d: {  	s1 =	ssub.s32 @!p0 $0x0, s1;
	[sflag:s0] =	ssyncset.done @!p0 $0x0  }
0x9e: {  	[sflag:s0] =	ssyncadd.s32 @!p0 s1  }
0x9f: {  	[bflag:$0x3] =	sbarrier.arrive $0xFFFF  }
0xa0: {  	_ =	shalt  }

// kernel: scatter_offload_async_start
scs
__scs_entry_jumppad:
0x0: {  	(pc) =	sbr.rel $0x88, $3  }
0x1: {  	(tag) =	ssettag $0x0;
	lr =	simm.s32 $0x1  }
0x2: {  	[smem:$0x3F8A] =	sst lr;
	_ =	strace $0xD0000000  }
0x3: {  	_ = 	snop  }
0x4: {  	_ = 	snop  }
0x5: {  	_ = 	snop  }
0x6: {  	_ = 	snop  }
0x7: {  	_ = 	snop  }
__scs_overlays_trampoline_lowered:
0x8: {  	[smem:$0x3F99] =	sst s0  }
0x9: {  	[smem:$0x3F9A] =	sst s1  }
0xa: {  	[smem:$0x3F9B] =	sst s2  }
0xb: {  	[smem:$0x3F9C] =	sst s3  }
0xc: {  	[smem:$0x3F9D] =	sst s4  }
0xd: {  	[smem:$0x3F9E] =	sst s5  }
0xe: {  	[smem:$0x3F9F] =	sst s6  }
0xf: {  	[smem:$0x3FA0] =	sst s7  }
0x10: {  	[smem:$0x3FA1] =	sst s8  }
0x11: {  	[smem:$0x3FA2] =	sst s9;
	s0 =	simm.s32 @!p0 $0x0  }
0x12: {  	s1 =	sld [smem:$0x3F88];
	s0 =	simm.s32 @p0 $0x1  }
0x13: {  	[smem:$0x3FA3] =	sst s0;
	s0 =	simm.s32 @!p1 $0x0  }
0x14: {  	s2 =	sld [smem:$0x3F87];
	s0 =	simm.s32 @p1 $0x1  }
0x15: {  	[smem:$0x3FA4] =	sst s0;
	s0 =	simm.s32 @!p2 $0x0  }
0x16: {  	s3 =	sld [smem:$0x3FDB];
	s0 =	simm.s32 @p2 $0x1  }
0x17: {  	s4 =	simm.s32 $0x1BF5;
	[smem:$0x3FA6] =	sst s0  }
0x18: {  	s0 =	sld [smem:$0x3F89];
	_ =	swait.ge [sflag:s4], $0x0  }
0x19: {  	s7 =	sld [smem:$0x3F8A]  }
0x1a: {  	s8 =	sadd.s32 $0xFFFFE003, lr  }
0x1b: {  	s9 =	sadd.s32 $0xFFFFFEF7, lr;
	s5 =	simm.s32 $0xFFFFFFFF;
	p2 =	slt.u32 s8, $0xFFFFF086  }
0x1c: {  	p1 =	slt.u32 s9, $0xF7A;
	s5 =	simm.s32 @!p2 $0x0  }
0x1d: {  	s5 =	simm.s32 @p1 $0x1;
	p0 =	seq.s32 s7, s2  }
0x1e: {  	s7 =	smul.u32 @!p0 $0xF7A, s2;
	p2 =	seq.s32 @!p0 s5, $0x0  }
0x1f: {  	s9 =	smul.u32 $0xF7A, s1;
	s8 =	simm.s32 @!p0 $0x1BF5;
	p2 =	por !p2, p0  }
0x20: {  	[sflag:s8] =	ssyncset.s32 @!p0 $0xFFFFF086;
	s6 =	sadd.s32 @!p0 s3, s7;
	s7 =	simm.s32 @!p0 $0x108  }
0x21: {  	s3 =	sadd.s32 s3, s9;
	s6 =	sadd.s32 @!p0 $0x88, s6;
	s7 =	simm.s32 @p2 $0x1082  }
0x22: {  	[simem:s7], [sflag:s8] =	dma.local @!p0 [hbm:s6], $0xF7A  }
0x23: {  	s9 =	sor.u32 $0xD0000000, s2;
	s6 =	simm.s32 $0x108;
	_ =	swait.ge @!p0 [sflag:s8], $0x0  }
0x24: {  	s3 =	sadd.s32 $0x88, s3;
	s6 =	simm.s32 @!p1 $0x1082;
	[sflag:s4] =	ssyncset.s32 $0xFFFFF086  }
0x25: {  	[simem:s6], [sflag:s4] =	dma.local [hbm:s3], $0xF7A  }
0x26: {  	[smem:$0x3F8A] =	sst s1;
	(tag) =	ssettag s2;
	_ =	strace s9  }
0x27: {  	s1 =	sld [smem:$0x3F9A]  }
0x28: {  	s2 =	sld [smem:$0x3F9B]  }
0x29: {  	s4 =	sld [smem:$0x3F9D]  }
0x2a: {  	p0 =	seq.s32 s5, $0x0;
	s5 =	sld [smem:$0x3F9E]  }
0x2b: {  	s6 =	sld [smem:$0x3F9F]  }
0x2c: {  	s7 =	sld [smem:$0x3FA0]  }
0x2d: {  	s3 =	simm.s32 $0x108;
	s8 =	sld [smem:$0x3FA1]  }
0x2e: {  	s3 =	simm.s32 @!p0 $0x1082;
	s9 =	sld [smem:$0x3FA2]  }
0x2f: {  	lr =	sadd.s32 s0, s3;
	s0 =	sld [smem:$0x3F99]  }
0x30: {  	s3 =	sld [smem:$0x3F9C]  }
0x31: {  	[smem:$0x3FA5] =	sst s10  }
0x32: {  	s10 =	sld [smem:$0x3FA3];
	_ =	sdelay $0x3  }
0x33: {  	p0 =	seq.s32 s10, $0x1;
	s10 =	sld [smem:$0x3FA5];
	_ =	sdelay $0x3  }
0x34: {  	[smem:$0x3FA5] =	sst s10  }
0x35: {  	s10 =	sld [smem:$0x3FA4];
	_ =	sdelay $0x3  }
0x36: {  	p1 =	seq.s32 s10, $0x1;
	s10 =	sld [smem:$0x3FA5];
	_ =	sdelay $0x3  }
0x37: {  	[smem:$0x3FA5] =	sst s10  }
0x38: {  	s10 =	sld [smem:$0x3FA6]  }
0x39: {  	_ = 	snop;
	(pc) =	sbr.ind lr, $3  }
0x3a: {  	_ = 	snop  }
0x3b: {  	_ = 	snop  }
0x3c: {  	p2 =	seq.s32 s10, $0x1;
	s10 =	sld [smem:$0x3FA5]  }
0x3d: {  	_ =	shalt  }
0x3e: {  	_ =	shalt  }
0x3f: {  	_ =	shalt  }
0x40: {  	_ =	shalt  }
0x41: {  	_ =	shalt  }
0x42: {  	_ =	shalt  }
0x43: {  	_ =	shalt  }
0x44: {  	_ =	shalt  }
0x45: {  	_ =	shalt  }
0x46: {  	_ =	shalt  }
0x47: {  	_ =	shalt  }
0x48: {  	_ =	shalt  }
0x49: {  	_ =	shalt  }
0x4a: {  	_ =	shalt  }
0x4b: {  	_ =	shalt  }
0x4c: {  	_ =	shalt  }
0x4d: {  	_ =	shalt  }
0x4e: {  	_ =	shalt  }
0x4f: {  	_ =	shalt  }
0x50: {  	_ =	shalt  }
0x51: {  	_ =	shalt  }
0x52: {  	_ =	shalt  }
0x53: {  	_ =	shalt  }
0x54: {  	_ =	shalt  }
0x55: {  	_ =	shalt  }
0x56: {  	_ =	shalt  }
0x57: {  	_ =	shalt  }
0x58: {  	_ =	shalt  }
0x59: {  	_ =	shalt  }
0x5a: {  	_ =	shalt  }
0x5b: {  	_ =	shalt  }
0x5c: {  	_ =	shalt  }
0x5d: {  	_ =	shalt  }
0x5e: {  	_ =	shalt  }
0x5f: {  	_ =	shalt  }
0x60: {  	_ =	shalt  }
0x61: {  	_ =	shalt  }
0x62: {  	_ =	shalt  }
0x63: {  	_ =	shalt  }
0x64: {  	_ =	shalt  }
0x65: {  	_ =	shalt  }
0x66: {  	_ =	shalt  }
0x67: {  	_ =	shalt  }
0x68: {  	_ =	shalt  }
0x69: {  	_ =	shalt  }
0x6a: {  	_ =	shalt  }
0x6b: {  	_ =	shalt  }
0x6c: {  	_ =	shalt  }
0x6d: {  	_ =	shalt  }
0x6e: {  	_ =	shalt  }
0x6f: {  	_ =	shalt  }
0x70: {  	_ =	shalt  }
0x71: {  	_ =	shalt  }
0x72: {  	_ =	shalt  }
0x73: {  	_ =	shalt  }
0x74: {  	_ =	shalt  }
0x75: {  	_ =	shalt  }
0x76: {  	_ =	shalt  }
0x77: {  	_ =	shalt  }
0x78: {  	_ =	shalt  }
0x79: {  	_ =	shalt  }
0x7a: {  	_ =	shalt  }
0x7b: {  	_ =	shalt  }
0x7c: {  	_ =	shalt  }
0x7d: {  	_ =	shalt  }
0x7e: {  	_ =	shalt  }
0x7f: {  	_ =	shalt  }
0x80: {  	_ =	shalt  }
0x81: {  	_ =	shalt  }
0x82: {  	_ =	shalt  }
0x83: {  	_ =	shalt  }
0x84: {  	_ =	shalt  }
0x85: {  	_ =	shalt  }
0x86: {  	_ =	shalt  }
0x87: {  	_ =	shalt  }
.Lfunc_end0:
.L_simem_size_0:
called_computation_lowered:
.L_overlay_start_0:
0x88: {  	s0 =	sld [smem:$0x3FD9]  }
0x89: {  	s1 =	sld [smem:$0x3FFE];
	_ =	sdelay $0x3  }
0x8a: {  	s0 =	sadd.s32 s1, s0  }
0x8b: {  	[smem:$0x3FB1] =	sst s0  }
0x8c: {  	_ = 	snop  }
0x8d: {  	s0 =	sld [smem:$0x3FD0];
	_ =	sdelay $0x2  }
0x8e: {  	s13 =	simm.s32 $0xC;
	s2 =	simm.s32 $0x10  }
0x8f: {  	[smem:s2], [sflag:s13] =	dma.local [hbm:s0], $0x1  }
0x90: {  	_ =	swait.eq [sflag:s13], $0x1  }
0x91: {  	[sflag:s13] =	ssyncset.done $0x0  }
0x92: {  	[sflag:s13] =	ssyncadd.s32 $0xFFFFFFFF  }
0x93: {  	s14 =	sld [smem:$0x10];
	(tm) =	ssettm $0x1  }
0x94: {  	s15 =	sld [smem:$0x3FFB];
	_ =	sdelay $0x3  }
0x95: {  	_ =	strace s15  }
0x96: {  	s1 =	sld [smem:$0x3FFC];
	_ =	sdelay $0x3  }
0x97: {  	_ =	strace s1  }
0x98: {  	s1 =	sld [smem:$0x3FFD];
	_ =	sdelay $0x3  }
0x99: {  	_ =	strace s1  }
0x9a: {  	_ =	strace $0x8FFFFFFF  }
0x9b: {  	s16 =	sld [smem:$0x3FDB];
	_ =	sdelay $0x1  }
0x9c: {  	s17 =	simm.s32 $_scs_section_size  }
0x9d: {  	s3 =	simm.s32 $_size__tile_overlayer_lowered;
	s4 =	simm.s32 $_tile_overlayer_lowered  }
0x9e: {  	s20 =	simm.s32 $0x1BFF;
	s19 =	sshll.u32 s4, $0x1;
	s1 =	sadd.s32 s17, s16  }
0x9f: {  	s5 =	simm.s32 $0x0;
	s18 =	sshll.u32 s3, $0x1;
	s3 =	sadd.s32 s19, s1  }
0xa0: {  	[timem:s5], [sflag:s20] =	dma.local [hbm:s3], s18  }
0xa1: {  	_ =	swait.ge [sflag:s20], s18  }
0xa2: {  	s2 =	ssub.s32 $0x0, s18;
	[sflag:s20] =	ssyncset.done $0x0  }
0xa3: {  	[sflag:s20] =	ssyncadd.s32 s2;
	_ =	sdelay $0x1  }
0xa4: {  	s21 =	simm.s32 $0x1B8B  }
0xa5: {  	_ =	swait.ge [sflag:s21], $0x1  }
0xa6: {  	[sflag:s21] =	ssyncset.done $0x0  }
0xa7: {  	s23 =	simm.s32 $0x1B8E;
	s22 =	sld [smem:$0x3FFE];
	[sflag:s21] =	ssyncadd.s32 $0xFFFFFFFF  }
0xa8: {  	s24 =	simm.s32 $execute0_lowered;
	[smem:$0x3FD2] =	sst s23  }
0xa9: {  	s3 =	sshll.u32 s24, $0x1;
	_ =	strace $0x80000058;
	[dreg:$0x1] =	wrdreg $0xFFFFFFFF  }
0xaa: {  	s25 =	simm.s32 $_size_execute0_lowered;
	s1 =	sadd.s32 s1, s3;
	[dreg:$0x0] =	wrdreg $0x0  }
0xab: {  	s3 =	sshll.u32 s25, $0x1;
	[dreg:$0x2] =	wrdreg s1  }
0xac: {  	[dreg:$0x3] =	wrdreg s3  }
0xad: {  	[dreg:$0x4] =	wrdreg $0xC0  }
0xae: {  	_ =	task [dreg:s5], $0x5FFFF  }
0xaf: {  	[dreg:$0x1] =	wrdreg $0xFFFFFFFF  }
0xb0: {  	[dreg:$0x0] =	wrdreg $0x60  }
0xb1: {  	[dreg:$0x2] =	wrdreg s22  }
0xb2: {  	[dreg:$0x3] =	wrdreg s14  }
0xb3: {  	[dreg:$0x4] =	wrdreg $0x9  }
0xb4: {  	_ =	task.clear_ibuf [dreg:s5], $0x5FFFF;
	_ =	strace $0x90000058  }
0xb5: {  	s26 =	simm.s32 $0x9;
	_ =	strace $0x8000005A  }
0xb6: {  	_ =	swait.ge [sflag:s26], $0x1  }
0xb7: {  	[sflag:s26] =	ssyncadd.s32 $0xFFFFFFFF  }
0xb8: {  	_ =	strace $0x9000005A  }
0xb9: {  	_ =	sfence  }
0xba: {  	s28 =	sld [smem:$0x0];
	_ =	sdelay $0x1  }
0xbb: {  	s29 =	srdreg.scid  }
0xbc: {  	s30 =	sshll.u32 s29, $0xD;
	s31 =	sshrl.u32 s29, $0x2  }
0xbd: {  	s2 =	sand.u32 $0x4000, s30;
	s1 =	sand.u32 $0x1, s29;
	s0 =	sadd.s32 s31, s28  }
0xbe: {  	s1 =	sor.u32 s2, s1;
	s0 =	sshll.u32 s0, $0x11  }
0xbf: {  	s0 =	sor.u32 s0, s1  }
0xc0: {  	s0 =	sadd.s32 $0x8F2B, s0  }
0xc1: {  	[sflag:s0] =	ssyncadd.remote.s32 $0x1  }
0xc2: {  	_ =	sfence.sel $0xFFFF  }
0xc3: {  	[dreg:$0x0] =	wrdreg $0xFFFFFFFF;
	(pc) =	sbr.abs _section_cstart, $3  }
0xc4: {  	[dreg:$0x1] =	wrdreg $0xFFFFFFFF  }
0xc5: {  	_ =	task.clear_ibuf [dreg:s5], $0x2FFFF;
	_ =	strace $0x9FFFFFFF  }
0xc6: {  	(tm) =	ssettm $0x7FFFFFFF  }
0xc7: {  	_ =	shalt  }
tec
execute0_lowered:
.L_overlay_start_1:
0x0: {  	(tag) =	ssettag $0x1  }
0x1: {  	s7 =	rddreg [dreg:$0x0]  }
0x2: {  	s2 =	rddreg [dreg:$0x1]  }
0x3: {  	s0 =	rddreg [dreg:$0x2]  }
0x4: {  	_ =	strace $0x80000059;
	s4 =	stileid.u32;
	s5 =	simm.s32 $0x3E  }
0x5: {  	s1 =	sadd.s32 $0x18A00, s7;
	p0 =	sne.s32 s4, $0x0;
	[sflag:s5] =	ssyncpa.u1 $0x0  }
0x6: {  	s30 =	smin.u32 s4, $0x9;
	s3 =	simm.s32 @!p0 $0x1C3E;
	s6 =	simm.s32 @!p0 $0x0  }
0x7: {  	[spmem:s6], [sflag:s3] =	dma.local @!p0 [hbm:s1], $0x80  }
0x8: {  	s3 =	sadd.s32 s4, s30  }
0x9: {  	p1 =	slt.u32 s4, $0x9;
	s4 =	simm.s32 $0x320;
	s3 =	smul.u32 $0x190, s3  }
0xa: {  	s4 =	simm.s32 @!p1 $0x190  }
0xb: {  	s4 =	sadd.s32 s4, s3  }
0xc: {  	s4 =	smin.u32 s4, $0x2710  }
0xd: {  	s8 =	ssub.s32 s4, s3  }
0xe: {  	p1 =	sgt.s32 s8, $0x0  }
0xf: {  	s8 =	simm.s32 @!p1 $0x0  }
0x10: {  	s9 =	sand.u32 $0xFFF0, s8  }
0x11: {  	s9 =	sshrl.u32 s9, $0x4  }
0x12: {  	s6 =	simm.s32 @!p0 $0x3E;
	s31 =	smul.u32 $0xA3E, s9  }
0x13: {  	_ =	swait.ge @!p0 [sflag:s6], $0x80  }
0x14: {  	[sflag:s6] =	ssyncset.done @!p0 $0x0;
	s9 =	sshrl.u32 s31, $0x10  }
0x15: {  	s11 =	simm.s32 $0x0;
	[sflag:s6] =	ssyncadd.s32 @!p0 $0xFFFFFF80;
	s10 =	smul.u32 $0x190, s9  }
.Ltmp0:
0x16: {  	s7 =	sadd.s32 $0x17400, s7;
	[bflag:$0x0] =	sbarrier.arrive $0xFFFF;
	(pc) =	sbr.rel .LBB2_1-.Ltmp0, $4  }
0x17: {  	s6 =	simm.s32 $0x2;
	[sflag:s5] =	ssyncpa.u1 $0x1;
	s5 =	simm.s32 $0x1  }
0x18: {  	[sflag:s5] =	ssyncpa.u1 $0x0;
	p1 =	sne.s32 s8, s10;
	s8 =	simm.s32 $0x1  }
0x19: {  	(ifvalue) =	ssetifvalue $0x400;
	[sflag:s6] =	ssyncpa.u1 $0x0;
	s8 =	simm.s32 @!p1 $0x0  }
0x1a: {  	vm0 =	vmmov $0xffff;
	s10 =	smov.u32 s3;
	s8 =	sadd.s32 s9, s8;
	s9 =	simm.s32 $0x0  }
.LBB2_5:
0x1b: {  	p2 =	sne.s32 s11, s8  }
.Ltmp1:
0x1c: {  	_ = 	snop;
	(pc) =	sbr.rel @!p2 .LBB2_6-.Ltmp1, $4  }
0x1d: {  	_ = 	snop  }
0x1e: {  	s12 =	sadd.s32 $0x190, s10  }
0x1f: {  	s10 =	smov.u32 s3;
	s13 =	sadd.s32 $0x1, s11;
	p1 =	slt.s32 s12, s4  }
0x20: {  	s11 =	smov.u32 s13;
	s10 =	smov.u32 @p1 s12  }
.LBB2_1:
0x21: {  	p1 =	sge.u32 s11, s8  }
0x22: {  	s12 =	sxor.u32 @!p1 $0xFFFFFFFF, s11  }
0x23: {  	s12 =	sand.u32 @!p1 $0x1, s12  }
0x24: {  	s12 =	smul.u32 @!p1 $0x190, s12  }
0x25: {  	s13 =	sshrl.u32 @!p1 s10, $0x3  }
0x26: {  	s16 =	sand.u32 @!p1 $0x7, s10;
	s14 =	sadd.s32 @!p1 s7, s13;
	s15 =	sadd.s32 @!p1 $0x40, s12  }
0x27: {  	[tilespmem:s15], [sflag:$0x2] =	stream.linear.gather @!p1 [hbm4b:s14+s16], $0x190, $0x38;
	[tilespmem:$0x680] =	vst v63  }
0x28: {  	s13 =	sadd.s32 @!p1 s2, s13;
	s12 =	sadd.s32 @!p1 $0x360, s12  }
0x29: {  	[tilespmem:s12], [sflag:$0x2] =	stream.linear.gather @!p1 [hbm4b:s13+s16], $0x190, $0x38;
	[tilespmem:$0x680] =	vst v63  }
0x2a: {  	p1 =	seq.s32 s11, $0x0  }
.Ltmp2:
0x2b: {  	_ = 	snop;
	(pc) =	sbr.rel @p1 .LBB2_5-.Ltmp2, $1  }
0x2c: {  	_ =	sdelay $0x3  }
0x2d: {  	s12 =	sand.u32 $0x1, s11  }
0x2e: {  	_ =	swait.ge [sflag:s6], $0x320;
	p1 =	seq.s32 s12, $0x1;
	s12 =	simm.s32 $0x190  }
0x2f: {  	[sflag:s6] =	ssyncset.done $0x0;
	s12 =	simm.s32 @!p1 $0x0  }
0x30: {  	[sflag:s6] =	ssyncadd.s32 $0xFFFFFCE0;
	s14 =	sor.u32 $0x40, s12  }
0x31: {  	v0 =	vld.msk [tilespmem:s14+$0x0 ss:$0x1], $0xffff;
	_ =	sdelay $0x4  }
0x32: {  	v0 =	vmin.u32 v0, $0x400;
	_ =	sdelay $0x3  }
0x33: {  	s13 =	simm.s32 $0x0;
	s12 =	sadd.s32 $0x360, s12;
	s14 =	sadd.s32 $0x10, s14  }
0x34: {  	[spmem:s9] =	stream.indirect_vreg.scatter.add.s32 [tilespmem:s12], [sflag:$0x1], $0x1, v0, vm0, $0x4038;
	[tilespmem:$0x680] =	vst v63  }
.LBB2_3:
0x35: {  	v0 =	vld.msk [tilespmem:s14+$0x0 ss:$0x1], $0xffff;
	s13 =	sadd.s32 $0x10, s13  }
0x36: {  	p1 =	slt.u32 s13, $0x180;
	_ =	sdelay $0x4  }
0x37: {  	v0 =	vmin.u32 v0, $0x400  }
.Ltmp3:
0x38: {  	(pc) =	sbr.rel @p1 .LBB2_3-.Ltmp3, $3  }
0x39: {  	_ =	sdelay $0x1  }
0x3a: {  	s14 =	sadd.s32 $0x10, s14;
	s12 =	sadd.s32 $0x10, s12  }
0x3b: {  	[spmem:s9] =	stream.indirect_vreg.scatter.add.s32 [tilespmem:s12], [sflag:$0x1], $0x1, v0, vm0, $0x4038;
	[tilespmem:$0x680] =	vst v63  }
.Ltmp4:
0x3c: {  	(pc) =	sbr.rel .LBB2_5-.Ltmp4, $4  }
0x3d: {  	_ = 	snop  }
0x3e: {  	_ =	swait.ge [sflag:s5], $0x190  }
0x3f: {  	[sflag:s5] =	ssyncset.done $0x0  }
0x40: {  	[sflag:s5] =	ssyncadd.s32 $0xFFFFFE70  }
.LBB2_6:
0x41: {  	_ =	sfence.sel $0x180000  }
0x42: {  	s2 =	simm.s32 $0x2;
	[bflag:$0x0] =	sbarrier.arrive $0xFFFF  }
0x43: {  	s30 =	simm.s32 $0x1;
	[sflag:s2] =	ssyncpa.u1 $0x1  }
0x44: {  	[sflag:s30] =	ssyncpa.u1 $0x1  }
0x45: {  	_ =	sfence.stream.spmem  }
0x46: {  	s31 =	simm.s32 $0x3D;
	[bflag:$0x0] =	sbarrier.arrive $0xFFFF  }
0x47: {  	s2 =	simm.s32 @p0 $0x3D;
	[sflag:s31] =	ssyncpa.u1 $0x0  }
0x48: {  	[sflag:s2] =	ssyncpa.u1 @p0 $0x1  }
0x49: {  	[bflag:$0x0] =	sbarrier.arrive @p0 $0xFFFF  }
0x4a: {  	_ =	strace @p0 $0x90000059  }
0x4b: {  	s3 =	simm.s32 @!p0 $0x1C3D;
	s2 =	simm.s32 @!p0 $0x0;
	[bflag:$0x2] =	sbarrier.arrive @p0 $0xFFFF  }
0x4c: {  	[hbm:s1], [sflag:s3] =	dma.local @!p0 [spmem:s2], $0x80  }
0x4d: {  	s1 =	simm.s32 @!p0 $0x3D  }
0x4e: {  	_ =	swait.ge @!p0 [sflag:s1], $0x80  }
0x4f: {  	[sflag:s1] =	ssyncset.done @!p0 $0x0  }
0x50: {  	[sflag:s1] =	ssyncadd.s32 @!p0 $0xFFFFFF80  }
0x51: {  	[sflag:s1] =	ssyncpa.u1 @!p0 $0x1  }
0x52: {  	[bflag:$0x0] =	sbarrier.arrive @!p0 $0xFFFF  }
0x53: {  	_ =	strace @!p0 $0x90000059  }
0x54: {  	s0 =	sadd.s32 @!p0 $0x100000, s0;
	[bflag:$0x2] =	sbarrier.arrive @!p0 $0xFFFF  }
0x55: {  	[sflag:s0] =	ssyncadd.tile.s32 @!p0 $0x1;
	_ =	shalt  }
.Lfunc_end2:
_tile_overlayer_lowered:
.L_overlay_start_2:
0x56: {  	(tag) =	ssettag $0x2  }
0x57: {  	s0 =	rddreg [dreg:$0x0];
	s2 =	stileid.u32  }
0x58: {  	s1 =	rddreg [dreg:$0x1];
	p0 =	sne.s32 s2, $0x0  }
0x59: {  	s3 =	rddreg [dreg:$0x2];
	[bflag:$0x3] =	sbarrier.arrive $0xFFFF;
	s2 =	simm.s32 @!p0 $0x1C01  }
0x5a: {  	[timem:s3], [sflag:s2] =	dma.local @!p0 [hbm:s0], s1  }
0x5b: {  	s0 =	simm.s32 @!p0 $0x1  }
0x5c: {  	_ =	swait.ge @!p0 [sflag:s0], s1  }
0x5d: {  	s1 =	ssub.s32 @!p0 $0x0, s1;
	[sflag:s0] =	ssyncset.done @!p0 $0x0  }
0x5e: {  	[sflag:s0] =	ssyncadd.s32 @!p0 s1  }
0x5f: {  	[bflag:$0x3] =	sbarrier.arrive $0xFFFF  }
0x60: {  	_ =	shalt  }

</sc_bundles>
